<compile_context>
chip_gen: v7x
topology: tpu7x:2x2x1
jax: 0.10.2.dev20260603
libtpu: 0.0.44.dev20260713+nightly
codegen_flags: <defaults>
</compile_context>

<pallas_src>
import functools

import jax
import jax.numpy as jnp
from jax import lax
from jax.experimental import pallas as pl
from jax.experimental.pallas import tpu as pltpu
from jax.experimental.pallas import tpu_sc as plsc

S = 512
D = 512
NC = 2
NS = 16
NW = NC * NS
T = 16
BJ = 128
WROWS = 8 * (T - 1) + BJ
NITEM = 4

_mesh = plsc.VectorSubcoreMesh(core_axis_name="c", subcore_axis_name="s")


@functools.partial(
    pl.kernel,
    mesh=_mesh,
    out_type=jax.ShapeDtypeStruct((S * S, D), jnp.float32),
    scratch_types=[
        pltpu.VMEM((2 * T * 16,), jnp.int32),
        pltpu.VMEM((WROWS, D), jnp.float32),
        pltpu.SemaphoreType.DMA,
        pltpu.SemaphoreType.DMA,
        pltpu.SemaphoreType.DMA,
        pltpu.SemaphoreType.DMA,
    ],
)
def _expand(tab_hbm, out_hbm, idx_v, win_v, sem_r1, sem_r2, sem_r3, sem_w):
    wid = lax.axis_index("s") * NC + lax.axis_index("c")
    lane = lax.broadcasted_iota(jnp.int32, (16,), 0)
    top0 = (tab_hbm.shape[0] + 1) // 2 - 1 + (S - 1)

    for cc in range(NITEM):
        combo = wid * NITEM + cc
        m = combo % 8
        p = (combo // 8) % 4
        jb = combo // 32
        ibase = m + 128 * p
        j0 = jb * BJ
        w0 = (S - 1) - (ibase + 8 * (T - 1)) + j0
        top = top0 - w0
        for u in range(WROWS // 16 + 1):
            idx_v[pl.ds(u * 16, 16)] = (top - u * 16) - lane
        pieces = ((0, 128, sem_r1), (128, 48, sem_r2), (176, 72, sem_r3))
        for off, ln, sem in pieces:
            pltpu.make_async_copy(
                tab_hbm.at[idx_v.at[pl.ds(off, ln)]],
                win_v.at[pl.ds(off, ln)], sem).start()

        def fire(t):
            pltpu.make_async_copy(
                win_v.at[pl.ds(8 * (T - 1 - t), BJ)],
                out_hbm.at[pl.ds((ibase + 8 * t) * S + j0, BJ)],
                sem_w).start()

        unlocked = (range(T - 1, T), range(9, T - 1), range(0, 9))
        for (off, ln, sem), ts in zip(pieces, unlocked):
            pltpu.make_async_copy(
                tab_hbm.at[idx_v.at[pl.ds(off, ln)]],
                win_v.at[pl.ds(off, ln)], sem).wait()
            for t in ts:
                fire(t)
        for _ in range(T):
            pltpu.make_async_copy(
                win_v.at[pl.ds(0, BJ)],
                out_hbm.at[pl.ds(0, BJ)], sem_w).wait()


def kernel(seq_len, rel_pos_emb):
    del seq_len
    out_flat = _expand(rel_pos_emb)
    return out_flat.reshape(S, S, D)

# --- scband reference (transcript-rebuilt; emitter-appended) ---
"""Pipeline reference for scband-relative-positional-encoding-21749714387555 (READ-ONLY COPY).

The authoritative reference and input builder live on the scoring server;
editing this copy changes nothing except your own understanding.
"""

import jax, jax.numpy as jnp
import numpy as np

D_MODEL = 512
MAX_LEN = 4096
SEQ_LEN = 512

def setup_inputs(seed: int = 0) -> dict:
    key = jax.random.key(seed)
    rel_pos_emb = jax.random.normal(key, (2 * MAX_LEN - 1, D_MODEL), dtype=jnp.float32) / np.sqrt(D_MODEL)
    return {"seq_len": SEQ_LEN, "rel_pos_emb": rel_pos_emb}

def reference(seq_len, rel_pos_emb):
    max_len = (rel_pos_emb.shape[0] + 1) // 2
    center = max_len - 1
    start = center - (seq_len - 1)
    rel_pos = jax.lax.dynamic_slice_in_dim(rel_pos_emb, start, 2 * SEQ_LEN - 1, axis=0)  # [2*seq_len-1, d_model]
    positions = jnp.arange(SEQ_LEN)
    rel_indices = positions[:, None] - positions[None, :] + (SEQ_LEN - 1)  # [S, S]
    return jnp.take(rel_pos, rel_indices, axis=0)  # [S, S, d_model]

if __name__ == "__main__":
    import jax
    _d = setup_inputs()
    print(jax.jit(kernel)(*tuple(_d.values())))

</pallas_src>

<mosaic_0001>
#map = affine_map<(d0, d1) -> (0, 0)>
module attributes {stable_mosaic.version = 14 : i64} {
  func.func @_expand(%arg0: i32, %arg1: i32, %arg2: memref<8191x512xf32, #tpu.memory_space<hbm>>, %arg3: memref<262144x512xf32, #tpu.memory_space<hbm>>, %arg4: memref<512xi32, #tpu.memory_space<vmem>>, %arg5: memref<248x512xf32, #tpu.memory_space<vmem>>, %arg6: memref<!tpu.dma_semaphore, #tpu.memory_space<semaphore_mem>>, %arg7: memref<!tpu.dma_semaphore, #tpu.memory_space<semaphore_mem>>, %arg8: memref<!tpu.dma_semaphore, #tpu.memory_space<semaphore_mem>>, %arg9: memref<!tpu.dma_semaphore, #tpu.memory_space<semaphore_mem>>) attributes {dimension_semantics = [#tpu.dimension_semantics<core_parallel>, #tpu.dimension_semantics<subcore_parallel>], iteration_bounds = array<i64: 2, 16>, scalar_prefetch = 0 : i64, scratch_operands = 6 : i64, tpu.core_type = #tpu.core_type<sc_vector_subcore>, window_params = [{transform_indices = #map}, {transform_indices = #map}]} {
    %mul3A = arith.constant 2 : i32
    %mul3A_0 = arith.muli %arg1, %mul3A : i32
    %add3A = arith.addi %mul3A_0, %arg0 : i32
    %iota3A = tpu.iota {dimensions = array<i32: 0>} : vector<16xi32>
    %mul3A_1 = arith.constant 4 : i32
    %mul3A_2 = arith.muli %add3A, %mul3A_1 : i32
    %add3A_3 = arith.constant 0 : i32
    %add3A_4 = arith.addi %mul3A_2, %add3A_3 : i32
    %jit3A = arith.constant 8 : i32
    %eq3A = arith.constant 0 : i32
    %eq3A_5 = arith.cmpi eq, %jit3A, %eq3A : i32
    %jit3A_6 = arith.constant 1 : i32
    %select_n3A = arith.select %eq3A_5, %jit3A_6, %jit3A : i32
    %rem3A = arith.remsi %add3A_4, %select_n3A : i32
    %ne3A = arith.constant 0 : i32
    %ne3A_7 = arith.cmpi ne, %rem3A, %ne3A : i32
    %lt3A = arith.constant 0 : i32
    %lt3A_8 = arith.cmpi slt, %rem3A, %lt3A : i32
    %lt3A_9 = arith.constant 0 : i32
    %lt3A_10 = arith.cmpi slt, %select_n3A, %lt3A_9 : i32
    %ne3A_11 = arith.xori %lt3A_8, %lt3A_10 : i1
    %and3A = arith.andi %ne3A_11, %ne3A_7 : i1
    %add3A_12 = arith.addi %rem3A, %select_n3A : i32
    %select_n3A_13 = arith.select %and3A, %add3A_12, %rem3A : i32
    %jit3A_14 = arith.constant 8 : i32
    %div3A = arith.divsi %add3A_4, %jit3A_14 : i32
    %sign3A = arith.constant 0 : i32
    %sign3A_15 = arith.cmpi sgt, %add3A_4, %sign3A : i32
    %sign3A_16 = arith.extui %sign3A_15 : i1 to i32
    %sign3A_17 = arith.constant 0 : i32
    %sign3A_18 = arith.cmpi slt, %add3A_4, %sign3A_17 : i32
    %sign3A_19 = arith.extui %sign3A_18 : i1 to i32
    %sign3A_20 = arith.subi %sign3A_16, %sign3A_19 : i32
    %sign3A_21 = arith.constant 0 : i32
    %sign3A_22 = arith.cmpi sgt, %jit3A_14, %sign3A_21 : i32
    %sign3A_23 = arith.extui %sign3A_22 : i1 to i32
    %sign3A_24 = arith.constant 0 : i32
    %sign3A_25 = arith.cmpi slt, %jit3A_14, %sign3A_24 : i32
    %sign3A_26 = arith.extui %sign3A_25 : i1 to i32
    %sign3A_27 = arith.subi %sign3A_23, %sign3A_26 : i32
    %ne3A_28 = arith.cmpi ne, %sign3A_20, %sign3A_27 : i32
    %rem3A_29 = arith.remsi %add3A_4, %jit3A_14 : i32
    %ne3A_30 = arith.constant 0 : i32
    %ne3A_31 = arith.cmpi ne, %rem3A_29, %ne3A_30 : i32
    %and3A_32 = arith.andi %ne3A_28, %ne3A_31 : i1
    %sub3A = arith.constant 1 : i32
    %sub3A_33 = arith.subi %div3A, %sub3A : i32
    %select_n3A_34 = arith.select %and3A_32, %sub3A_33, %div3A : i32
    %jit3A_35 = arith.constant 4 : i32
    %eq3A_36 = arith.constant 0 : i32
    %eq3A_37 = arith.cmpi eq, %jit3A_35, %eq3A_36 : i32
    %jit3A_38 = arith.constant 1 : i32
    %select_n3A_39 = arith.select %eq3A_37, %jit3A_38, %jit3A_35 : i32
    %rem3A_40 = arith.remsi %select_n3A_34, %select_n3A_39 : i32
    %ne3A_41 = arith.constant 0 : i32
    %ne3A_42 = arith.cmpi ne, %rem3A_40, %ne3A_41 : i32
    %lt3A_43 = arith.constant 0 : i32
    %lt3A_44 = arith.cmpi slt, %rem3A_40, %lt3A_43 : i32
    %lt3A_45 = arith.constant 0 : i32
    %lt3A_46 = arith.cmpi slt, %select_n3A_39, %lt3A_45 : i32
    %ne3A_47 = arith.xori %lt3A_44, %lt3A_46 : i1
    %and3A_48 = arith.andi %ne3A_47, %ne3A_42 : i1
    %add3A_49 = arith.addi %rem3A_40, %select_n3A_39 : i32
    %select_n3A_50 = arith.select %and3A_48, %add3A_49, %rem3A_40 : i32
    %jit3A_51 = arith.constant 32 : i32
    %div3A_52 = arith.divsi %add3A_4, %jit3A_51 : i32
    %sign3A_53 = arith.constant 0 : i32
    %sign3A_54 = arith.cmpi sgt, %add3A_4, %sign3A_53 : i32
    %sign3A_55 = arith.extui %sign3A_54 : i1 to i32
    %sign3A_56 = arith.constant 0 : i32
    %sign3A_57 = arith.cmpi slt, %add3A_4, %sign3A_56 : i32
    %sign3A_58 = arith.extui %sign3A_57 : i1 to i32
    %sign3A_59 = arith.subi %sign3A_55, %sign3A_58 : i32
    %sign3A_60 = arith.constant 0 : i32
    %sign3A_61 = arith.cmpi sgt, %jit3A_51, %sign3A_60 : i32
    %sign3A_62 = arith.extui %sign3A_61 : i1 to i32
    %sign3A_63 = arith.constant 0 : i32
    %sign3A_64 = arith.cmpi slt, %jit3A_51, %sign3A_63 : i32
    %sign3A_65 = arith.extui %sign3A_64 : i1 to i32
    %sign3A_66 = arith.subi %sign3A_62, %sign3A_65 : i32
    %ne3A_67 = arith.cmpi ne, %sign3A_59, %sign3A_66 : i32
    %rem3A_68 = arith.remsi %add3A_4, %jit3A_51 : i32
    %ne3A_69 = arith.constant 0 : i32
    %ne3A_70 = arith.cmpi ne, %rem3A_68, %ne3A_69 : i32
    %and3A_71 = arith.andi %ne3A_67, %ne3A_70 : i1
    %sub3A_72 = arith.constant 1 : i32
    %sub3A_73 = arith.subi %div3A_52, %sub3A_72 : i32
    %select_n3A_74 = arith.select %and3A_71, %sub3A_73, %div3A_52 : i32
    %mul3A_75 = arith.constant 128 : i32
    %mul3A_76 = arith.muli %mul3A_75, %select_n3A_50 : i32
    %add3A_77 = arith.addi %select_n3A_13, %mul3A_76 : i32
    %mul3A_78 = arith.constant 128 : i32
    %mul3A_79 = arith.muli %select_n3A_74, %mul3A_78 : i32
    %add3A_80 = arith.constant 120 : i32
    %add3A_81 = arith.addi %add3A_77, %add3A_80 : i32
    %sub3A_82 = arith.constant 511 : i32
    %sub3A_83 = arith.subi %sub3A_82, %add3A_81 : i32
    %add3A_84 = arith.addi %sub3A_83, %mul3A_79 : i32
    %sub3A_85 = arith.constant 4606 : i32
    %sub3A_86 = arith.subi %sub3A_85, %add3A_84 : i32
    %sub3A_87 = arith.constant 0 : i32
    %sub3A_88 = arith.subi %sub3A_86, %sub3A_87 : i32
    %sub3A_89 = vector.broadcast %sub3A_88 : i32 to vector<16xi32>
    %sub3A_90 = arith.subi %sub3A_89, %iota3A : vector<16xi32>
    %swap3A = arith.constant 0 : index
    %swap3A_91 = tpu.vector_load %arg4[%swap3A] {strides = array<i32>} : memref<512xi32, #tpu.memory_space<vmem>>, vector<16xi32>,
    %swap3A_92 = vector.shape_cast %swap3A_91 : vector<16xi32> to vector<16xi32>
    %swap3A_93 = vector.shape_cast %sub3A_90 : vector<16xi32> to vector<16xi32>
    tpu.vector_store %arg4[%swap3A], %swap3A_93 {strides = array<i32>} : memref<512xi32, #tpu.memory_space<vmem>>, vector<16xi32>,
    %sub3A_94 = arith.constant 16 : i32
    %sub3A_95 = arith.subi %sub3A_86, %sub3A_94 : i32
    %sub3A_96 = vector.broadcast %sub3A_95 : i32 to vector<16xi32>
    %sub3A_97 = arith.subi %sub3A_96, %iota3A : vector<16xi32>
    %swap3A_98 = arith.constant 16 : index
    %swap3A_99 = tpu.vector_load %arg4[%swap3A_98] {strides = array<i32>} : memref<512xi32, #tpu.memory_space<vmem>>, vector<16xi32>,
    %swap3A_100 = vector.shape_cast %swap3A_99 : vector<16xi32> to vector<16xi32>
    %swap3A_101 = vector.shape_cast %sub3A_97 : vector<16xi32> to vector<16xi32>
    tpu.vector_store %arg4[%swap3A_98], %swap3A_101 {strides = array<i32>} : memref<512xi32, #tpu.memory_space<vmem>>, vector<16xi32>,
    %sub3A_102 = arith.constant 32 : i32
    %sub3A_103 = arith.subi %sub3A_86, %sub3A_102 : i32
    %sub3A_104 = vector.broadcast %sub3A_103 : i32 to vector<16xi32>
    %sub3A_105 = arith.subi %sub3A_104, %iota3A : vector<16xi32>
    %swap3A_106 = arith.constant 32 : index
    %swap3A_107 = tpu.vector_load %arg4[%swap3A_106] {strides = array<i32>} : memref<512xi32, #tpu.memory_space<vmem>>, vector<16xi32>,
    %swap3A_108 = vector.shape_cast %swap3A_107 : vector<16xi32> to vector<16xi32>
    %swap3A_109 = vector.shape_cast %sub3A_105 : vector<16xi32> to vector<16xi32>
    tpu.vector_store %arg4[%swap3A_106], %swap3A_109 {strides = array<i32>} : memref<512xi32, #tpu.memory_space<vmem>>, vector<16xi32>,
    %sub3A_110 = arith.constant 48 : i32
    %sub3A_111 = arith.subi %sub3A_86, %sub3A_110 : i32
    %sub3A_112 = vector.broadcast %sub3A_111 : i32 to vector<16xi32>
    %sub3A_113 = arith.subi %sub3A_112, %iota3A : vector<16xi32>
    %swap3A_114 = arith.constant 48 : index
    %swap3A_115 = tpu.vector_load %arg4[%swap3A_114] {strides = array<i32>} : memref<512xi32, #tpu.memory_space<vmem>>, vector<16xi32>,
    %swap3A_116 = vector.shape_cast %swap3A_115 : vector<16xi32> to vector<16xi32>
    %swap3A_117 = vector.shape_cast %sub3A_113 : vector<16xi32> to vector<16xi32>
    tpu.vector_store %arg4[%swap3A_114], %swap3A_117 {strides = array<i32>} : memref<512xi32, #tpu.memory_space<vmem>>, vector<16xi32>,
    %sub3A_118 = arith.constant 64 : i32
    %sub3A_119 = arith.subi %sub3A_86, %sub3A_118 : i32
    %sub3A_120 = vector.broadcast %sub3A_119 : i32 to vector<16xi32>
    %sub3A_121 = arith.subi %sub3A_120, %iota3A : vector<16xi32>
    %swap3A_122 = arith.constant 64 : index
    %swap3A_123 = tpu.vector_load %arg4[%swap3A_122] {strides = array<i32>} : memref<512xi32, #tpu.memory_space<vmem>>, vector<16xi32>,
    %swap3A_124 = vector.shape_cast %swap3A_123 : vector<16xi32> to vector<16xi32>
    %swap3A_125 = vector.shape_cast %sub3A_121 : vector<16xi32> to vector<16xi32>
    tpu.vector_store %arg4[%swap3A_122], %swap3A_125 {strides = array<i32>} : memref<512xi32, #tpu.memory_space<vmem>>, vector<16xi32>,
    %sub3A_126 = arith.constant 80 : i32
    %sub3A_127 = arith.subi %sub3A_86, %sub3A_126 : i32
    %sub3A_128 = vector.broadcast %sub3A_127 : i32 to vector<16xi32>
    %sub3A_129 = arith.subi %sub3A_128, %iota3A : vector<16xi32>
    %swap3A_130 = arith.constant 80 : index
    %swap3A_131 = tpu.vector_load %arg4[%swap3A_130] {strides = array<i32>} : memref<512xi32, #tpu.memory_space<vmem>>, vector<16xi32>,
    %swap3A_132 = vector.shape_cast %swap3A_131 : vector<16xi32> to vector<16xi32>
    %swap3A_133 = vector.shape_cast %sub3A_129 : vector<16xi32> to vector<16xi32>
    tpu.vector_store %arg4[%swap3A_130], %swap3A_133 {strides = array<i32>} : memref<512xi32, #tpu.memory_space<vmem>>, vector<16xi32>,
    %sub3A_134 = arith.constant 96 : i32
    %sub3A_135 = arith.subi %sub3A_86, %sub3A_134 : i32
    %sub3A_136 = vector.broadcast %sub3A_135 : i32 to vector<16xi32>
    %sub3A_137 = arith.subi %sub3A_136, %iota3A : vector<16xi32>
    %swap3A_138 = arith.constant 96 : index
    %swap3A_139 = tpu.vector_load %arg4[%swap3A_138] {strides = array<i32>} : memref<512xi32, #tpu.memory_space<vmem>>, vector<16xi32>,
    %swap3A_140 = vector.shape_cast %swap3A_139 : vector<16xi32> to vector<16xi32>
    %swap3A_141 = vector.shape_cast %sub3A_137 : vector<16xi32> to vector<16xi32>
    tpu.vector_store %arg4[%swap3A_138], %swap3A_141 {strides = array<i32>} : memref<512xi32, #tpu.memory_space<vmem>>, vector<16xi32>,
    %sub3A_142 = arith.constant 112 : i32
    %sub3A_143 = arith.subi %sub3A_86, %sub3A_142 : i32
    %sub3A_144 = vector.broadcast %sub3A_143 : i32 to vector<16xi32>
    %sub3A_145 = arith.subi %sub3A_144, %iota3A : vector<16xi32>
    %swap3A_146 = arith.constant 112 : index
    %swap3A_147 = tpu.vector_load %arg4[%swap3A_146] {strides = array<i32>} : memref<512xi32, #tpu.memory_space<vmem>>, vector<16xi32>,
    %swap3A_148 = vector.shape_cast %swap3A_147 : vector<16xi32> to vector<16xi32>
    %swap3A_149 = vector.shape_cast %sub3A_145 : vector<16xi32> to vector<16xi32>
    tpu.vector_store %arg4[%swap3A_146], %swap3A_149 {strides = array<i32>} : memref<512xi32, #tpu.memory_space<vmem>>, vector<16xi32>,
    %sub3A_150 = arith.constant 128 : i32
    %sub3A_151 = arith.subi %sub3A_86, %sub3A_150 : i32
    %sub3A_152 = vector.broadcast %sub3A_151 : i32 to vector<16xi32>
    %sub3A_153 = arith.subi %sub3A_152, %iota3A : vector<16xi32>
    %swap3A_154 = arith.constant 128 : index
    %swap3A_155 = tpu.vector_load %arg4[%swap3A_154] {strides = array<i32>} : memref<512xi32, #tpu.memory_space<vmem>>, vector<16xi32>,
    %swap3A_156 = vector.shape_cast %swap3A_155 : vector<16xi32> to vector<16xi32>
    %swap3A_157 = vector.shape_cast %sub3A_153 : vector<16xi32> to vector<16xi32>
    tpu.vector_store %arg4[%swap3A_154], %swap3A_157 {strides = array<i32>} : memref<512xi32, #tpu.memory_space<vmem>>, vector<16xi32>,
    %sub3A_158 = arith.constant 144 : i32
    %sub3A_159 = arith.subi %sub3A_86, %sub3A_158 : i32
    %sub3A_160 = vector.broadcast %sub3A_159 : i32 to vector<16xi32>
    %sub3A_161 = arith.subi %sub3A_160, %iota3A : vector<16xi32>
    %swap3A_162 = arith.constant 144 : index
    %swap3A_163 = tpu.vector_load %arg4[%swap3A_162] {strides = array<i32>} : memref<512xi32, #tpu.memory_space<vmem>>, vector<16xi32>,
    %swap3A_164 = vector.shape_cast %swap3A_163 : vector<16xi32> to vector<16xi32>
    %swap3A_165 = vector.shape_cast %sub3A_161 : vector<16xi32> to vector<16xi32>
    tpu.vector_store %arg4[%swap3A_162], %swap3A_165 {strides = array<i32>} : memref<512xi32, #tpu.memory_space<vmem>>, vector<16xi32>,
    %sub3A_166 = arith.constant 160 : i32
    %sub3A_167 = arith.subi %sub3A_86, %sub3A_166 : i32
    %sub3A_168 = vector.broadcast %sub3A_167 : i32 to vector<16xi32>
    %sub3A_169 = arith.subi %sub3A_168, %iota3A : vector<16xi32>
    %swap3A_170 = arith.constant 160 : index
    %swap3A_171 = tpu.vector_load %arg4[%swap3A_170] {strides = array<i32>} : memref<512xi32, #tpu.memory_space<vmem>>, vector<16xi32>,
    %swap3A_172 = vector.shape_cast %swap3A_171 : vector<16xi32> to vector<16xi32>
    %swap3A_173 = vector.shape_cast %sub3A_169 : vector<16xi32> to vector<16xi32>
    tpu.vector_store %arg4[%swap3A_170], %swap3A_173 {strides = array<i32>} : memref<512xi32, #tpu.memory_space<vmem>>, vector<16xi32>,
    %sub3A_174 = arith.constant 176 : i32
    %sub3A_175 = arith.subi %sub3A_86, %sub3A_174 : i32
    %sub3A_176 = vector.broadcast %sub3A_175 : i32 to vector<16xi32>
    %sub3A_177 = arith.subi %sub3A_176, %iota3A : vector<16xi32>
    %swap3A_178 = arith.constant 176 : index
    %swap3A_179 = tpu.vector_load %arg4[%swap3A_178] {strides = array<i32>} : memref<512xi32, #tpu.memory_space<vmem>>, vector<16xi32>,
    %swap3A_180 = vector.shape_cast %swap3A_179 : vector<16xi32> to vector<16xi32>
    %swap3A_181 = vector.shape_cast %sub3A_177 : vector<16xi32> to vector<16xi32>
    tpu.vector_store %arg4[%swap3A_178], %swap3A_181 {strides = array<i32>} : memref<512xi32, #tpu.memory_space<vmem>>, vector<16xi32>,
    %sub3A_182 = arith.constant 192 : i32
    %sub3A_183 = arith.subi %sub3A_86, %sub3A_182 : i32
    %sub3A_184 = vector.broadcast %sub3A_183 : i32 to vector<16xi32>
    %sub3A_185 = arith.subi %sub3A_184, %iota3A : vector<16xi32>
    %swap3A_186 = arith.constant 192 : index
    %swap3A_187 = tpu.vector_load %arg4[%swap3A_186] {strides = array<i32>} : memref<512xi32, #tpu.memory_space<vmem>>, vector<16xi32>,
    %swap3A_188 = vector.shape_cast %swap3A_187 : vector<16xi32> to vector<16xi32>
    %swap3A_189 = vector.shape_cast %sub3A_185 : vector<16xi32> to vector<16xi32>
    tpu.vector_store %arg4[%swap3A_186], %swap3A_189 {strides = array<i32>} : memref<512xi32, #tpu.memory_space<vmem>>, vector<16xi32>,
    %sub3A_190 = arith.constant 208 : i32
    %sub3A_191 = arith.subi %sub3A_86, %sub3A_190 : i32
    %sub3A_192 = vector.broadcast %sub3A_191 : i32 to vector<16xi32>
    %sub3A_193 = arith.subi %sub3A_192, %iota3A : vector<16xi32>
    %swap3A_194 = arith.constant 208 : index
    %swap3A_195 = tpu.vector_load %arg4[%swap3A_194] {strides = array<i32>} : memref<512xi32, #tpu.memory_space<vmem>>, vector<16xi32>,
    %swap3A_196 = vector.shape_cast %swap3A_195 : vector<16xi32> to vector<16xi32>
    %swap3A_197 = vector.shape_cast %sub3A_193 : vector<16xi32> to vector<16xi32>
    tpu.vector_store %arg4[%swap3A_194], %swap3A_197 {strides = array<i32>} : memref<512xi32, #tpu.memory_space<vmem>>, vector<16xi32>,
    %sub3A_198 = arith.constant 224 : i32
    %sub3A_199 = arith.subi %sub3A_86, %sub3A_198 : i32
    %sub3A_200 = vector.broadcast %sub3A_199 : i32 to vector<16xi32>
    %sub3A_201 = arith.subi %sub3A_200, %iota3A : vector<16xi32>
    %swap3A_202 = arith.constant 224 : index
    %swap3A_203 = tpu.vector_load %arg4[%swap3A_202] {strides = array<i32>} : memref<512xi32, #tpu.memory_space<vmem>>, vector<16xi32>,
    %swap3A_204 = vector.shape_cast %swap3A_203 : vector<16xi32> to vector<16xi32>
    %swap3A_205 = vector.shape_cast %sub3A_201 : vector<16xi32> to vector<16xi32>
    tpu.vector_store %arg4[%swap3A_202], %swap3A_205 {strides = array<i32>} : memref<512xi32, #tpu.memory_space<vmem>>, vector<16xi32>,
    %sub3A_206 = arith.constant 240 : i32
    %sub3A_207 = arith.subi %sub3A_86, %sub3A_206 : i32
    %sub3A_208 = vector.broadcast %sub3A_207 : i32 to vector<16xi32>
    %sub3A_209 = arith.subi %sub3A_208, %iota3A : vector<16xi32>
    %swap3A_210 = arith.constant 240 : index
    %swap3A_211 = tpu.vector_load %arg4[%swap3A_210] {strides = array<i32>} : memref<512xi32, #tpu.memory_space<vmem>>, vector<16xi32>,
    %swap3A_212 = vector.shape_cast %swap3A_211 : vector<16xi32> to vector<16xi32>
    %swap3A_213 = vector.shape_cast %sub3A_209 : vector<16xi32> to vector<16xi32>
    tpu.vector_store %arg4[%swap3A_210], %swap3A_213 {strides = array<i32>} : memref<512xi32, #tpu.memory_space<vmem>>, vector<16xi32>,
    %dma_start3A = arith.constant 0 : i32
    %dma_start3A_214 = arith.constant 0 : i32
    %dma_start3A_215 = tpu.memref_slice %arg5[%dma_start3A, %dma_start3A_214] : memref<248x512xf32, #tpu.memory_space<vmem>> -> memref<128x512xf32, #tpu.memory_space<vmem>>
    %dma_start3A_216 = arith.constant 0 : i32
    %dma_start3A_217 = tpu.memref_slice %arg4[%dma_start3A_216] : memref<512xi32, #tpu.memory_space<vmem>> -> memref<128xi32, #tpu.memory_space<vmem>>
    %dma_start3A_218 = arith.constant 0 : i32
    %dma_start3A_219 = arith.constant 0 : i32
    %dma_start3A_220 = tpu.memref_slice %arg2[%dma_start3A_218, %dma_start3A_219] : memref<8191x512xf32, #tpu.memory_space<hbm>> -> memref<8191x512xf32, #tpu.memory_space<hbm>>
    tpu.enqueue_indirect_dma source(%dma_start3A_220 : memref<8191x512xf32, #tpu.memory_space<hbm>>) target(%dma_start3A_215 : memref<128x512xf32, #tpu.memory_space<vmem>>) offsets(%dma_start3A_217 : memref<128xi32, #tpu.memory_space<vmem>>) semaphore(%arg6 : memref<!tpu.dma_semaphore, #tpu.memory_space<semaphore_mem>>)
    %dma_start3A_221 = arith.constant 128 : i32
    %dma_start3A_222 = arith.constant 0 : i32
    %dma_start3A_223 = tpu.memref_slice %arg5[%dma_start3A_221, %dma_start3A_222] : memref<248x512xf32, #tpu.memory_space<vmem>> -> memref<48x512xf32, #tpu.memory_space<vmem>>
    %dma_start3A_224 = arith.constant 128 : i32
    %dma_start3A_225 = tpu.memref_slice %arg4[%dma_start3A_224] : memref<512xi32, #tpu.memory_space<vmem>> -> memref<48xi32, #tpu.memory_space<vmem>>
    %dma_start3A_226 = arith.constant 0 : i32
    %dma_start3A_227 = arith.constant 0 : i32
    %dma_start3A_228 = tpu.memref_slice %arg2[%dma_start3A_226, %dma_start3A_227] : memref<8191x512xf32, #tpu.memory_space<hbm>> -> memref<8191x512xf32, #tpu.memory_space<hbm>>
    tpu.enqueue_indirect_dma source(%dma_start3A_228 : memref<8191x512xf32, #tpu.memory_space<hbm>>) target(%dma_start3A_223 : memref<48x512xf32, #tpu.memory_space<vmem>>) offsets(%dma_start3A_225 : memref<48xi32, #tpu.memory_space<vmem>>) semaphore(%arg7 : memref<!tpu.dma_semaphore, #tpu.memory_space<semaphore_mem>>)
    %dma_start3A_229 = arith.constant 176 : i32
    %dma_start3A_230 = arith.constant 0 : i32
    %dma_start3A_231 = tpu.memref_slice %arg5[%dma_start3A_229, %dma_start3A_230] : memref<248x512xf32, #tpu.memory_space<vmem>> -> memref<72x512xf32, #tpu.memory_space<vmem>>
    %dma_start3A_232 = arith.constant 176 : i32
    %dma_start3A_233 = tpu.memref_slice %arg4[%dma_start3A_232] : memref<512xi32, #tpu.memory_space<vmem>> -> memref<72xi32, #tpu.memory_space<vmem>>
    %dma_start3A_234 = arith.constant 0 : i32
    %dma_start3A_235 = arith.constant 0 : i32
    %dma_start3A_236 = tpu.memref_slice %arg2[%dma_start3A_234, %dma_start3A_235] : memref<8191x512xf32, #tpu.memory_space<hbm>> -> memref<8191x512xf32, #tpu.memory_space<hbm>>
    tpu.enqueue_indirect_dma source(%dma_start3A_236 : memref<8191x512xf32, #tpu.memory_space<hbm>>) target(%dma_start3A_231 : memref<72x512xf32, #tpu.memory_space<vmem>>) offsets(%dma_start3A_233 : memref<72xi32, #tpu.memory_space<vmem>>) semaphore(%arg8 : memref<!tpu.dma_semaphore, #tpu.memory_space<semaphore_mem>>)
    %dma_wait3A = arith.constant 0 : i32
    %dma_wait3A_237 = arith.constant 0 : i32
    %dma_wait3A_238 = tpu.memref_slice %arg5[%dma_wait3A, %dma_wait3A_237] : memref<248x512xf32, #tpu.memory_space<vmem>> -> memref<128x512xf32, #tpu.memory_space<vmem>>
    %dma_wait3A_239 = arith.constant 0 : i32
    %dma_wait3A_240 = tpu.memref_slice %arg4[%dma_wait3A_239] : memref<512xi32, #tpu.memory_space<vmem>> -> memref<128xi32, #tpu.memory_space<vmem>>
    %dma_wait3A_241 = arith.constant 0 : i32
    %dma_wait3A_242 = arith.constant 0 : i32
    %dma_wait3A_243 = tpu.memref_slice %arg2[%dma_wait3A_241, %dma_wait3A_242] : memref<8191x512xf32, #tpu.memory_space<hbm>> -> memref<8191x512xf32, #tpu.memory_space<hbm>>
    tpu.wait_indirect_dma semaphore(%arg6 : memref<!tpu.dma_semaphore, #tpu.memory_space<semaphore_mem>>) src(%dma_wait3A_243 : memref<8191x512xf32, #tpu.memory_space<hbm>>) dst(%dma_wait3A_238 : memref<128x512xf32, #tpu.memory_space<vmem>>)
    %add3A_244 = arith.constant 120 : i32
    %add3A_245 = arith.addi %add3A_77, %add3A_244 : i32
    %mul3A_246 = arith.constant 512 : i32
    %mul3A_247 = arith.muli %add3A_245, %mul3A_246 : i32
    %add3A_248 = arith.addi %mul3A_247, %mul3A_79 : i32
    %dma_start3A_249 = arith.constant 0 : i32
    %dma_start3A_250 = arith.constant 0 : i32
    %dma_start3A_251 = tpu.memref_slice %arg5[%dma_start3A_249, %dma_start3A_250] : memref<248x512xf32, #tpu.memory_space<vmem>> -> memref<128x512xf32, #tpu.memory_space<vmem>>
    %dma_start3A_252 = arith.constant 0 : i32
    %dma_start3A_253 = tpu.memref_slice %arg3[%add3A_248, %dma_start3A_252] : memref<262144x512xf32, #tpu.memory_space<hbm>> -> memref<128x512xf32, #tpu.memory_space<hbm>>
    %dma_start3A_254 = arith.constant 0 : i32
    %dma_start3A_255 = tpu.memref_slice %arg3[%add3A_248, %dma_start3A_254] : memref<262144x512xf32, #tpu.memory_space<hbm>> -> memref<128x512xf32, #tpu.memory_space<hbm>>
    %dma_start3A_256 = arith.constant 0 : i32
    %dma_start3A_257 = arith.constant 0 : i32
    %dma_start3A_258 = tpu.memref_slice %arg5[%dma_start3A_256, %dma_start3A_257] : memref<248x512xf32, #tpu.memory_space<vmem>> -> memref<128x512xf32, #tpu.memory_space<vmem>>
    tpu.enqueue_dma source(%dma_start3A_258 : memref<128x512xf32, #tpu.memory_space<vmem>>) target(%dma_start3A_255 : memref<128x512xf32, #tpu.memory_space<hbm>>) target_semaphore(%arg9 : memref<!tpu.dma_semaphore, #tpu.memory_space<semaphore_mem>>)
    %dma_wait3A_259 = arith.constant 128 : i32
    %dma_wait3A_260 = arith.constant 0 : i32
    %dma_wait3A_261 = tpu.memref_slice %arg5[%dma_wait3A_259, %dma_wait3A_260] : memref<248x512xf32, #tpu.memory_space<vmem>> -> memref<48x512xf32, #tpu.memory_space<vmem>>
    %dma_wait3A_262 = arith.constant 128 : i32
    %dma_wait3A_263 = tpu.memref_slice %arg4[%dma_wait3A_262] : memref<512xi32, #tpu.memory_space<vmem>> -> memref<48xi32, #tpu.memory_space<vmem>>
    %dma_wait3A_264 = arith.constant 0 : i32
    %dma_wait3A_265 = arith.constant 0 : i32
    %dma_wait3A_266 = tpu.memref_slice %arg2[%dma_wait3A_264, %dma_wait3A_265] : memref<8191x512xf32, #tpu.memory_space<hbm>> -> memref<8191x512xf32, #tpu.memory_space<hbm>>
    tpu.wait_indirect_dma semaphore(%arg7 : memref<!tpu.dma_semaphore, #tpu.memory_space<semaphore_mem>>) src(%dma_wait3A_266 : memref<8191x512xf32, #tpu.memory_space<hbm>>) dst(%dma_wait3A_261 : memref<48x512xf32, #tpu.memory_space<vmem>>)
    %add3A_267 = arith.constant 72 : i32
    %add3A_268 = arith.addi %add3A_77, %add3A_267 : i32
    %mul3A_269 = arith.constant 512 : i32
    %mul3A_270 = arith.muli %add3A_268, %mul3A_269 : i32
    %add3A_271 = arith.addi %mul3A_270, %mul3A_79 : i32
    %dma_start3A_272 = arith.constant 48 : i32
    %dma_start3A_273 = arith.constant 0 : i32
    %dma_start3A_274 = tpu.memref_slice %arg5[%dma_start3A_272, %dma_start3A_273] : memref<248x512xf32, #tpu.memory_space<vmem>> -> memref<128x512xf32, #tpu.memory_space<vmem>>
    %dma_start3A_275 = arith.constant 0 : i32
    %dma_start3A_276 = tpu.memref_slice %arg3[%add3A_271, %dma_start3A_275] : memref<262144x512xf32, #tpu.memory_space<hbm>> -> memref<128x512xf32, #tpu.memory_space<hbm>>
    %dma_start3A_277 = arith.constant 0 : i32
    %dma_start3A_278 = tpu.memref_slice %arg3[%add3A_271, %dma_start3A_277] : memref<262144x512xf32, #tpu.memory_space<hbm>> -> memref<128x512xf32, #tpu.memory_space<hbm>>
    %dma_start3A_279 = arith.constant 48 : i32
    %dma_start3A_280 = arith.constant 0 : i32
    %dma_start3A_281 = tpu.memref_slice %arg5[%dma_start3A_279, %dma_start3A_280] : memref<248x512xf32, #tpu.memory_space<vmem>> -> memref<128x512xf32, #tpu.memory_space<vmem>>
    tpu.enqueue_dma source(%dma_start3A_281 : memref<128x512xf32, #tpu.memory_space<vmem>>) target(%dma_start3A_278 : memref<128x512xf32, #tpu.memory_space<hbm>>) target_semaphore(%arg9 : memref<!tpu.dma_semaphore, #tpu.memory_space<semaphore_mem>>)
    %add3A_282 = arith.constant 80 : i32
    %add3A_283 = arith.addi %add3A_77, %add3A_282 : i32
    %mul3A_284 = arith.constant 512 : i32
    %mul3A_285 = arith.muli %add3A_283, %mul3A_284 : i32
    %add3A_286 = arith.addi %mul3A_285, %mul3A_79 : i32
    %dma_start3A_287 = arith.constant 40 : i32
    %dma_start3A_288 = arith.constant 0 : i32
    %dma_start3A_289 = tpu.memref_slice %arg5[%dma_start3A_287, %dma_start3A_288] : memref<248x512xf32, #tpu.memory_space<vmem>> -> memref<128x512xf32, #tpu.memory_space<vmem>>
    %dma_start3A_290 = arith.constant 0 : i32
    %dma_start3A_291 = tpu.memref_slice %arg3[%add3A_286, %dma_start3A_290] : memref<262144x512xf32, #tpu.memory_space<hbm>> -> memref<128x512xf32, #tpu.memory_space<hbm>>
    %dma_start3A_292 = arith.constant 0 : i32
    %dma_start3A_293 = tpu.memref_slice %arg3[%add3A_286, %dma_start3A_292] : memref<262144x512xf32, #tpu.memory_space<hbm>> -> memref<128x512xf32, #tpu.memory_space<hbm>>
    %dma_start3A_294 = arith.constant 40 : i32
    %dma_start3A_295 = arith.constant 0 : i32
    %dma_start3A_296 = tpu.memref_slice %arg5[%dma_start3A_294, %dma_start3A_295] : memref<248x512xf32, #tpu.memory_space<vmem>> -> memref<128x512xf32, #tpu.memory_space<vmem>>
    tpu.enqueue_dma source(%dma_start3A_296 : memref<128x512xf32, #tpu.memory_space<vmem>>) target(%dma_start3A_293 : memref<128x512xf32, #tpu.memory_space<hbm>>) target_semaphore(%arg9 : memref<!tpu.dma_semaphore, #tpu.memory_space<semaphore_mem>>)
    %add3A_297 = arith.constant 88 : i32
    %add3A_298 = arith.addi %add3A_77, %add3A_297 : i32
    %mul3A_299 = arith.constant 512 : i32
    %mul3A_300 = arith.muli %add3A_298, %mul3A_299 : i32
    %add3A_301 = arith.addi %mul3A_300, %mul3A_79 : i32
    %dma_start3A_302 = arith.constant 32 : i32
    %dma_start3A_303 = arith.constant 0 : i32
    %dma_start3A_304 = tpu.memref_slice %arg5[%dma_start3A_302, %dma_start3A_303] : memref<248x512xf32, #tpu.memory_space<vmem>> -> memref<128x512xf32, #tpu.memory_space<vmem>>
    %dma_start3A_305 = arith.constant 0 : i32
    %dma_start3A_306 = tpu.memref_slice %arg3[%add3A_301, %dma_start3A_305] : memref<262144x512xf32, #tpu.memory_space<hbm>> -> memref<128x512xf32, #tpu.memory_space<hbm>>
    %dma_start3A_307 = arith.constant 0 : i32
    %dma_start3A_308 = tpu.memref_slice %arg3[%add3A_301, %dma_start3A_307] : memref<262144x512xf32, #tpu.memory_space<hbm>> -> memref<128x512xf32, #tpu.memory_space<hbm>>
    %dma_start3A_309 = arith.constant 32 : i32
    %dma_start3A_310 = arith.constant 0 : i32
    %dma_start3A_311 = tpu.memref_slice %arg5[%dma_start3A_309, %dma_start3A_310] : memref<248x512xf32, #tpu.memory_space<vmem>> -> memref<128x512xf32, #tpu.memory_space<vmem>>
    tpu.enqueue_dma source(%dma_start3A_311 : memref<128x512xf32, #tpu.memory_space<vmem>>) target(%dma_start3A_308 : memref<128x512xf32, #tpu.memory_space<hbm>>) target_semaphore(%arg9 : memref<!tpu.dma_semaphore, #tpu.memory_space<semaphore_mem>>)
    %add3A_312 = arith.constant 96 : i32
    %add3A_313 = arith.addi %add3A_77, %add3A_312 : i32
    %mul3A_314 = arith.constant 512 : i32
    %mul3A_315 = arith.muli %add3A_313, %mul3A_314 : i32
    %add3A_316 = arith.addi %mul3A_315, %mul3A_79 : i32
    %dma_start3A_317 = arith.constant 24 : i32
    %dma_start3A_318 = arith.constant 0 : i32
    %dma_start3A_319 = tpu.memref_slice %arg5[%dma_start3A_317, %dma_start3A_318] : memref<248x512xf32, #tpu.memory_space<vmem>> -> memref<128x512xf32, #tpu.memory_space<vmem>>
    %dma_start3A_320 = arith.constant 0 : i32
    %dma_start3A_321 = tpu.memref_slice %arg3[%add3A_316, %dma_start3A_320] : memref<262144x512xf32, #tpu.memory_space<hbm>> -> memref<128x512xf32, #tpu.memory_space<hbm>>
    %dma_start3A_322 = arith.constant 0 : i32
    %dma_start3A_323 = tpu.memref_slice %arg3[%add3A_316, %dma_start3A_322] : memref<262144x512xf32, #tpu.memory_space<hbm>> -> memref<128x512xf32, #tpu.memory_space<hbm>>
    %dma_start3A_324 = arith.constant 24 : i32
    %dma_start3A_325 = arith.constant 0 : i32
    %dma_start3A_326 = tpu.memref_slice %arg5[%dma_start3A_324, %dma_start3A_325] : memref<248x512xf32, #tpu.memory_space<vmem>> -> memref<128x512xf32, #tpu.memory_space<vmem>>
    tpu.enqueue_dma source(%dma_start3A_326 : memref<128x512xf32, #tpu.memory_space<vmem>>) target(%dma_start3A_323 : memref<128x512xf32, #tpu.memory_space<hbm>>) target_semaphore(%arg9 : memref<!tpu.dma_semaphore, #tpu.memory_space<semaphore_mem>>)
    %add3A_327 = arith.constant 104 : i32
    %add3A_328 = arith.addi %add3A_77, %add3A_327 : i32
    %mul3A_329 = arith.constant 512 : i32
    %mul3A_330 = arith.muli %add3A_328, %mul3A_329 : i32
    %add3A_331 = arith.addi %mul3A_330, %mul3A_79 : i32
    %dma_start3A_332 = arith.constant 16 : i32
    %dma_start3A_333 = arith.constant 0 : i32
    %dma_start3A_334 = tpu.memref_slice %arg5[%dma_start3A_332, %dma_start3A_333] : memref<248x512xf32, #tpu.memory_space<vmem>> -> memref<128x512xf32, #tpu.memory_space<vmem>>
    %dma_start3A_335 = arith.constant 0 : i32
    %dma_start3A_336 = tpu.memref_slice %arg3[%add3A_331, %dma_start3A_335] : memref<262144x512xf32, #tpu.memory_space<hbm>> -> memref<128x512xf32, #tpu.memory_space<hbm>>
    %dma_start3A_337 = arith.constant 0 : i32
    %dma_start3A_338 = tpu.memref_slice %arg3[%add3A_331, %dma_start3A_337] : memref<262144x512xf32, #tpu.memory_space<hbm>> -> memref<128x512xf32, #tpu.memory_space<hbm>>
    %dma_start3A_339 = arith.constant 16 : i32
    %dma_start3A_340 = arith.constant 0 : i32
    %dma_start3A_341 = tpu.memref_slice %arg5[%dma_start3A_339, %dma_start3A_340] : memref<248x512xf32, #tpu.memory_space<vmem>> -> memref<128x512xf32, #tpu.memory_space<vmem>>
    tpu.enqueue_dma source(%dma_start3A_341 : memref<128x512xf32, #tpu.memory_space<vmem>>) target(%dma_start3A_338 : memref<128x512xf32, #tpu.memory_space<hbm>>) target_semaphore(%arg9 : memref<!tpu.dma_semaphore, #tpu.memory_space<semaphore_mem>>)
    %add3A_342 = arith.constant 112 : i32
    %add3A_343 = arith.addi %add3A_77, %add3A_342 : i32
    %mul3A_344 = arith.constant 512 : i32
    %mul3A_345 = arith.muli %add3A_343, %mul3A_344 : i32
    %add3A_346 = arith.addi %mul3A_345, %mul3A_79 : i32
    %dma_start3A_347 = arith.constant 8 : i32
    %dma_start3A_348 = arith.constant 0 : i32
    %dma_start3A_349 = tpu.memref_slice %arg5[%dma_start3A_347, %dma_start3A_348] : memref<248x512xf32, #tpu.memory_space<vmem>> -> memref<128x512xf32, #tpu.memory_space<vmem>>
    %dma_start3A_350 = arith.constant 0 : i32
    %dma_start3A_351 = tpu.memref_slice %arg3[%add3A_346, %dma_start3A_350] : memref<262144x512xf32, #tpu.memory_space<hbm>> -> memref<128x512xf32, #tpu.memory_space<hbm>>
    %dma_start3A_352 = arith.constant 0 : i32
    %dma_start3A_353 = tpu.memref_slice %arg3[%add3A_346, %dma_start3A_352] : memref<262144x512xf32, #tpu.memory_space<hbm>> -> memref<128x512xf32, #tpu.memory_space<hbm>>
    %dma_start3A_354 = arith.constant 8 : i32
    %dma_start3A_355 = arith.constant 0 : i32
    %dma_start3A_356 = tpu.memref_slice %arg5[%dma_start3A_354, %dma_start3A_355] : memref<248x512xf32, #tpu.memory_space<vmem>> -> memref<128x512xf32, #tpu.memory_space<vmem>>
    tpu.enqueue_dma source(%dma_start3A_356 : memref<128x512xf32, #tpu.memory_space<vmem>>) target(%dma_start3A_353 : memref<128x512xf32, #tpu.memory_space<hbm>>) target_semaphore(%arg9 : memref<!tpu.dma_semaphore, #tpu.memory_space<semaphore_mem>>)
    %dma_wait3A_357 = arith.constant 176 : i32
    %dma_wait3A_358 = arith.constant 0 : i32
    %dma_wait3A_359 = tpu.memref_slice %arg5[%dma_wait3A_357, %dma_wait3A_358] : memref<248x512xf32, #tpu.memory_space<vmem>> -> memref<72x512xf32, #tpu.memory_space<vmem>>
    %dma_wait3A_360 = arith.constant 176 : i32
    %dma_wait3A_361 = tpu.memref_slice %arg4[%dma_wait3A_360] : memref<512xi32, #tpu.memory_space<vmem>> -> memref<72xi32, #tpu.memory_space<vmem>>
    %dma_wait3A_362 = arith.constant 0 : i32
    %dma_wait3A_363 = arith.constant 0 : i32
    %dma_wait3A_364 = tpu.memref_slice %arg2[%dma_wait3A_362, %dma_wait3A_363] : memref<8191x512xf32, #tpu.memory_space<hbm>> -> memref<8191x512xf32, #tpu.memory_space<hbm>>
    tpu.wait_indirect_dma semaphore(%arg8 : memref<!tpu.dma_semaphore, #tpu.memory_space<semaphore_mem>>) src(%dma_wait3A_364 : memref<8191x512xf32, #tpu.memory_space<hbm>>) dst(%dma_wait3A_359 : memref<72x512xf32, #tpu.memory_space<vmem>>)
    %add3A_365 = arith.constant 0 : i32
    %add3A_366 = arith.addi %add3A_77, %add3A_365 : i32
    %mul3A_367 = arith.constant 512 : i32
    %mul3A_368 = arith.muli %add3A_366, %mul3A_367 : i32
    %add3A_369 = arith.addi %mul3A_368, %mul3A_79 : i32
    %dma_start3A_370 = arith.constant 120 : i32
    %dma_start3A_371 = arith.constant 0 : i32
    %dma_start3A_372 = tpu.memref_slice %arg5[%dma_start3A_370, %dma_start3A_371] : memref<248x512xf32, #tpu.memory_space<vmem>> -> memref<128x512xf32, #tpu.memory_space<vmem>>
    %dma_start3A_373 = arith.constant 0 : i32
    %dma_start3A_374 = tpu.memref_slice %arg3[%add3A_369, %dma_start3A_373] : memref<262144x512xf32, #tpu.memory_space<hbm>> -> memref<128x512xf32, #tpu.memory_space<hbm>>
    %dma_start3A_375 = arith.constant 0 : i32
    %dma_start3A_376 = tpu.memref_slice %arg3[%add3A_369, %dma_start3A_375] : memref<262144x512xf32, #tpu.memory_space<hbm>> -> memref<128x512xf32, #tpu.memory_space<hbm>>
    %dma_start3A_377 = arith.constant 120 : i32
    %dma_start3A_378 = arith.constant 0 : i32
    %dma_start3A_379 = tpu.memref_slice %arg5[%dma_start3A_377, %dma_start3A_378] : memref<248x512xf32, #tpu.memory_space<vmem>> -> memref<128x512xf32, #tpu.memory_space<vmem>>
    tpu.enqueue_dma source(%dma_start3A_379 : memref<128x512xf32, #tpu.memory_space<vmem>>) target(%dma_start3A_376 : memref<128x512xf32, #tpu.memory_space<hbm>>) target_semaphore(%arg9 : memref<!tpu.dma_semaphore, #tpu.memory_space<semaphore_mem>>)
    %add3A_380 = arith.constant 8 : i32
    %add3A_381 = arith.addi %add3A_77, %add3A_380 : i32
    %mul3A_382 = arith.constant 512 : i32
    %mul3A_383 = arith.muli %add3A_381, %mul3A_382 : i32
    %add3A_384 = arith.addi %mul3A_383, %mul3A_79 : i32
    %dma_start3A_385 = arith.constant 112 : i32
    %dma_start3A_386 = arith.constant 0 : i32
    %dma_start3A_387 = tpu.memref_slice %arg5[%dma_start3A_385, %dma_start3A_386] : memref<248x512xf32, #tpu.memory_space<vmem>> -> memref<128x512xf32, #tpu.memory_space<vmem>>
    %dma_start3A_388 = arith.constant 0 : i32
    %dma_start3A_389 = tpu.memref_slice %arg3[%add3A_384, %dma_start3A_388] : memref<262144x512xf32, #tpu.memory_space<hbm>> -> memref<128x512xf32, #tpu.memory_space<hbm>>
    %dma_start3A_390 = arith.constant 0 : i32
    %dma_start3A_391 = tpu.memref_slice %arg3[%add3A_384, %dma_start3A_390] : memref<262144x512xf32, #tpu.memory_space<hbm>> -> memref<128x512xf32, #tpu.memory_space<hbm>>
    %dma_start3A_392 = arith.constant 112 : i32
    %dma_start3A_393 = arith.constant 0 : i32
    %dma_start3A_394 = tpu.memref_slice %arg5[%dma_start3A_392, %dma_start3A_393] : memref<248x512xf32, #tpu.memory_space<vmem>> -> memref<128x512xf32, #tpu.memory_space<vmem>>
    tpu.enqueue_dma source(%dma_start3A_394 : memref<128x512xf32, #tpu.memory_space<vmem>>) target(%dma_start3A_391 : memref<128x512xf32, #tpu.memory_space<hbm>>) target_semaphore(%arg9 : memref<!tpu.dma_semaphore, #tpu.memory_space<semaphore_mem>>)
    %add3A_395 = arith.constant 16 : i32
    %add3A_396 = arith.addi %add3A_77, %add3A_395 : i32
    %mul3A_397 = arith.constant 512 : i32
    %mul3A_398 = arith.muli %add3A_396, %mul3A_397 : i32
    %add3A_399 = arith.addi %mul3A_398, %mul3A_79 : i32
    %dma_start3A_400 = arith.constant 104 : i32
    %dma_start3A_401 = arith.constant 0 : i32
    %dma_start3A_402 = tpu.memref_slice %arg5[%dma_start3A_400, %dma_start3A_401] : memref<248x512xf32, #tpu.memory_space<vmem>> -> memref<128x512xf32, #tpu.memory_space<vmem>>
    %dma_start3A_403 = arith.constant 0 : i32
    %dma_start3A_404 = tpu.memref_slice %arg3[%add3A_399, %dma_start3A_403] : memref<262144x512xf32, #tpu.memory_space<hbm>> -> memref<128x512xf32, #tpu.memory_space<hbm>>
    %dma_start3A_405 = arith.constant 0 : i32
    %dma_start3A_406 = tpu.memref_slice %arg3[%add3A_399, %dma_start3A_405] : memref<262144x512xf32, #tpu.memory_space<hbm>> -> memref<128x512xf32, #tpu.memory_space<hbm>>
    %dma_start3A_407 = arith.constant 104 : i32
    %dma_start3A_408 = arith.constant 0 : i32
    %dma_start3A_409 = tpu.memref_slice %arg5[%dma_start3A_407, %dma_start3A_408] : memref<248x512xf32, #tpu.memory_space<vmem>> -> memref<128x512xf32, #tpu.memory_space<vmem>>
    tpu.enqueue_dma source(%dma_start3A_409 : memref<128x512xf32, #tpu.memory_space<vmem>>) target(%dma_start3A_406 : memref<128x512xf32, #tpu.memory_space<hbm>>) target_semaphore(%arg9 : memref<!tpu.dma_semaphore, #tpu.memory_space<semaphore_mem>>)
    %add3A_410 = arith.constant 24 : i32
    %add3A_411 = arith.addi %add3A_77, %add3A_410 : i32
    %mul3A_412 = arith.constant 512 : i32
    %mul3A_413 = arith.muli %add3A_411, %mul3A_412 : i32
    %add3A_414 = arith.addi %mul3A_413, %mul3A_79 : i32
    %dma_start3A_415 = arith.constant 96 : i32
    %dma_start3A_416 = arith.constant 0 : i32
    %dma_start3A_417 = tpu.memref_slice %arg5[%dma_start3A_415, %dma_start3A_416] : memref<248x512xf32, #tpu.memory_space<vmem>> -> memref<128x512xf32, #tpu.memory_space<vmem>>
    %dma_start3A_418 = arith.constant 0 : i32
    %dma_start3A_419 = tpu.memref_slice %arg3[%add3A_414, %dma_start3A_418] : memref<262144x512xf32, #tpu.memory_space<hbm>> -> memref<128x512xf32, #tpu.memory_space<hbm>>
    %dma_start3A_420 = arith.constant 0 : i32
    %dma_start3A_421 = tpu.memref_slice %arg3[%add3A_414, %dma_start3A_420] : memref<262144x512xf32, #tpu.memory_space<hbm>> -> memref<128x512xf32, #tpu.memory_space<hbm>>
    %dma_start3A_422 = arith.constant 96 : i32
    %dma_start3A_423 = arith.constant 0 : i32
    %dma_start3A_424 = tpu.memref_slice %arg5[%dma_start3A_422, %dma_start3A_423] : memref<248x512xf32, #tpu.memory_space<vmem>> -> memref<128x512xf32, #tpu.memory_space<vmem>>
    tpu.enqueue_dma source(%dma_start3A_424 : memref<128x512xf32, #tpu.memory_space<vmem>>) target(%dma_start3A_421 : memref<128x512xf32, #tpu.memory_space<hbm>>) target_semaphore(%arg9 : memref<!tpu.dma_semaphore, #tpu.memory_space<semaphore_mem>>)
    %add3A_425 = arith.constant 32 : i32
    %add3A_426 = arith.addi %add3A_77, %add3A_425 : i32
    %mul3A_427 = arith.constant 512 : i32
    %mul3A_428 = arith.muli %add3A_426, %mul3A_427 : i32
    %add3A_429 = arith.addi %mul3A_428, %mul3A_79 : i32
    %dma_start3A_430 = arith.constant 88 : i32
    %dma_start3A_431 = arith.constant 0 : i32
    %dma_start3A_432 = tpu.memref_slice %arg5[%dma_start3A_430, %dma_start3A_431] : memref<248x512xf32, #tpu.memory_space<vmem>> -> memref<128x512xf32, #tpu.memory_space<vmem>>
    %dma_start3A_433 = arith.constant 0 : i32
    %dma_start3A_434 = tpu.memref_slice %arg3[%add3A_429, %dma_start3A_433] : memref<262144x512xf32, #tpu.memory_space<hbm>> -> memref<128x512xf32, #tpu.memory_space<hbm>>
    %dma_start3A_435 = arith.constant 0 : i32
    %dma_start3A_436 = tpu.memref_slice %arg3[%add3A_429, %dma_start3A_435] : memref<262144x512xf32, #tpu.memory_space<hbm>> -> memref<128x512xf32, #tpu.memory_space<hbm>>
    %dma_start3A_437 = arith.constant 88 : i32
    %dma_start3A_438 = arith.constant 0 : i32
    %dma_start3A_439 = tpu.memref_slice %arg5[%dma_start3A_437, %dma_start3A_438] : memref<248x512xf32, #tpu.memory_space<vmem>> -> memref<128x512xf32, #tpu.memory_space<vmem>>
    tpu.enqueue_dma source(%dma_start3A_439 : memref<128x512xf32, #tpu.memory_space<vmem>>) target(%dma_start3A_436 : memref<128x512xf32, #tpu.memory_space<hbm>>) target_semaphore(%arg9 : memref<!tpu.dma_semaphore, #tpu.memory_space<semaphore_mem>>)
    %add3A_440 = arith.constant 40 : i32
    %add3A_441 = arith.addi %add3A_77, %add3A_440 : i32
    %mul3A_442 = arith.constant 512 : i32
    %mul3A_443 = arith.muli %add3A_441, %mul3A_442 : i32
    %add3A_444 = arith.addi %mul3A_443, %mul3A_79 : i32
    %dma_start3A_445 = arith.constant 80 : i32
    %dma_start3A_446 = arith.constant 0 : i32
    %dma_start3A_447 = tpu.memref_slice %arg5[%dma_start3A_445, %dma_start3A_446] : memref<248x512xf32, #tpu.memory_space<vmem>> -> memref<128x512xf32, #tpu.memory_space<vmem>>
    %dma_start3A_448 = arith.constant 0 : i32
    %dma_start3A_449 = tpu.memref_slice %arg3[%add3A_444, %dma_start3A_448] : memref<262144x512xf32, #tpu.memory_space<hbm>> -> memref<128x512xf32, #tpu.memory_space<hbm>>
    %dma_start3A_450 = arith.constant 0 : i32
    %dma_start3A_451 = tpu.memref_slice %arg3[%add3A_444, %dma_start3A_450] : memref<262144x512xf32, #tpu.memory_space<hbm>> -> memref<128x512xf32, #tpu.memory_space<hbm>>
    %dma_start3A_452 = arith.constant 80 : i32
    %dma_start3A_453 = arith.constant 0 : i32
    %dma_start3A_454 = tpu.memref_slice %arg5[%dma_start3A_452, %dma_start3A_453] : memref<248x512xf32, #tpu.memory_space<vmem>> -> memref<128x512xf32, #tpu.memory_space<vmem>>
    tpu.enqueue_dma source(%dma_start3A_454 : memref<128x512xf32, #tpu.memory_space<vmem>>) target(%dma_start3A_451 : memref<128x512xf32, #tpu.memory_space<hbm>>) target_semaphore(%arg9 : memref<!tpu.dma_semaphore, #tpu.memory_space<semaphore_mem>>)
    %add3A_455 = arith.constant 48 : i32
    %add3A_456 = arith.addi %add3A_77, %add3A_455 : i32
    %mul3A_457 = arith.constant 512 : i32
    %mul3A_458 = arith.muli %add3A_456, %mul3A_457 : i32
    %add3A_459 = arith.addi %mul3A_458, %mul3A_79 : i32
    %dma_start3A_460 = arith.constant 72 : i32
    %dma_start3A_461 = arith.constant 0 : i32
    %dma_start3A_462 = tpu.memref_slice %arg5[%dma_start3A_460, %dma_start3A_461] : memref<248x512xf32, #tpu.memory_space<vmem>> -> memref<128x512xf32, #tpu.memory_space<vmem>>
    %dma_start3A_463 = arith.constant 0 : i32
    %dma_start3A_464 = tpu.memref_slice %arg3[%add3A_459, %dma_start3A_463] : memref<262144x512xf32, #tpu.memory_space<hbm>> -> memref<128x512xf32, #tpu.memory_space<hbm>>
    %dma_start3A_465 = arith.constant 0 : i32
    %dma_start3A_466 = tpu.memref_slice %arg3[%add3A_459, %dma_start3A_465] : memref<262144x512xf32, #tpu.memory_space<hbm>> -> memref<128x512xf32, #tpu.memory_space<hbm>>
    %dma_start3A_467 = arith.constant 72 : i32
    %dma_start3A_468 = arith.constant 0 : i32
    %dma_start3A_469 = tpu.memref_slice %arg5[%dma_start3A_467, %dma_start3A_468] : memref<248x512xf32, #tpu.memory_space<vmem>> -> memref<128x512xf32, #tpu.memory_space<vmem>>
    tpu.enqueue_dma source(%dma_start3A_469 : memref<128x512xf32, #tpu.memory_space<vmem>>) target(%dma_start3A_466 : memref<128x512xf32, #tpu.memory_space<hbm>>) target_semaphore(%arg9 : memref<!tpu.dma_semaphore, #tpu.memory_space<semaphore_mem>>)
    %add3A_470 = arith.constant 56 : i32
    %add3A_471 = arith.addi %add3A_77, %add3A_470 : i32
    %mul3A_472 = arith.constant 512 : i32
    %mul3A_473 = arith.muli %add3A_471, %mul3A_472 : i32
    %add3A_474 = arith.addi %mul3A_473, %mul3A_79 : i32
    %dma_start3A_475 = arith.constant 64 : i32
    %dma_start3A_476 = arith.constant 0 : i32
    %dma_start3A_477 = tpu.memref_slice %arg5[%dma_start3A_475, %dma_start3A_476] : memref<248x512xf32, #tpu.memory_space<vmem>> -> memref<128x512xf32, #tpu.memory_space<vmem>>
    %dma_start3A_478 = arith.constant 0 : i32
    %dma_start3A_479 = tpu.memref_slice %arg3[%add3A_474, %dma_start3A_478] : memref<262144x512xf32, #tpu.memory_space<hbm>> -> memref<128x512xf32, #tpu.memory_space<hbm>>
    %dma_start3A_480 = arith.constant 0 : i32
    %dma_start3A_481 = tpu.memref_slice %arg3[%add3A_474, %dma_start3A_480] : memref<262144x512xf32, #tpu.memory_space<hbm>> -> memref<128x512xf32, #tpu.memory_space<hbm>>
    %dma_start3A_482 = arith.constant 64 : i32
    %dma_start3A_483 = arith.constant 0 : i32
    %dma_start3A_484 = tpu.memref_slice %arg5[%dma_start3A_482, %dma_start3A_483] : memref<248x512xf32, #tpu.memory_space<vmem>> -> memref<128x512xf32, #tpu.memory_space<vmem>>
    tpu.enqueue_dma source(%dma_start3A_484 : memref<128x512xf32, #tpu.memory_space<vmem>>) target(%dma_start3A_481 : memref<128x512xf32, #tpu.memory_space<hbm>>) target_semaphore(%arg9 : memref<!tpu.dma_semaphore, #tpu.memory_space<semaphore_mem>>)
    %add3A_485 = arith.constant 64 : i32
    %add3A_486 = arith.addi %add3A_77, %add3A_485 : i32
    %mul3A_487 = arith.constant 512 : i32
    %mul3A_488 = arith.muli %add3A_486, %mul3A_487 : i32
    %add3A_489 = arith.addi %mul3A_488, %mul3A_79 : i32
    %dma_start3A_490 = arith.constant 56 : i32
    %dma_start3A_491 = arith.constant 0 : i32
    %dma_start3A_492 = tpu.memref_slice %arg5[%dma_start3A_490, %dma_start3A_491] : memref<248x512xf32, #tpu.memory_space<vmem>> -> memref<128x512xf32, #tpu.memory_space<vmem>>
    %dma_start3A_493 = arith.constant 0 : i32
    %dma_start3A_494 = tpu.memref_slice %arg3[%add3A_489, %dma_start3A_493] : memref<262144x512xf32, #tpu.memory_space<hbm>> -> memref<128x512xf32, #tpu.memory_space<hbm>>
    %dma_start3A_495 = arith.constant 0 : i32
    %dma_start3A_496 = tpu.memref_slice %arg3[%add3A_489, %dma_start3A_495] : memref<262144x512xf32, #tpu.memory_space<hbm>> -> memref<128x512xf32, #tpu.memory_space<hbm>>
    %dma_start3A_497 = arith.constant 56 : i32
    %dma_start3A_498 = arith.constant 0 : i32
    %dma_start3A_499 = tpu.memref_slice %arg5[%dma_start3A_497, %dma_start3A_498] : memref<248x512xf32, #tpu.memory_space<vmem>> -> memref<128x512xf32, #tpu.memory_space<vmem>>
    tpu.enqueue_dma source(%dma_start3A_499 : memref<128x512xf32, #tpu.memory_space<vmem>>) target(%dma_start3A_496 : memref<128x512xf32, #tpu.memory_space<hbm>>) target_semaphore(%arg9 : memref<!tpu.dma_semaphore, #tpu.memory_space<semaphore_mem>>)
    %dma_wait3A_500 = arith.constant 0 : i32
    %dma_wait3A_501 = arith.constant 0 : i32
    %dma_wait3A_502 = tpu.memref_slice %arg5[%dma_wait3A_500, %dma_wait3A_501] : memref<248x512xf32, #tpu.memory_space<vmem>> -> memref<128x512xf32, #tpu.memory_space<vmem>>
    %dma_wait3A_503 = arith.constant 0 : i32
    %dma_wait3A_504 = arith.constant 0 : i32
    %dma_wait3A_505 = tpu.memref_slice %arg3[%dma_wait3A_503, %dma_wait3A_504] : memref<262144x512xf32, #tpu.memory_space<hbm>> -> memref<128x512xf32, #tpu.memory_space<hbm>>
    %dma_wait3A_506 = arith.constant 0 : i32
    %dma_wait3A_507 = arith.constant 0 : i32
    %dma_wait3A_508 = tpu.memref_slice %arg3[%dma_wait3A_506, %dma_wait3A_507] : memref<262144x512xf32, #tpu.memory_space<hbm>> -> memref<128x512xf32, #tpu.memory_space<hbm>>
    %dma_wait3A_509 = arith.constant 0 : i32
    %dma_wait3A_510 = arith.constant 0 : i32
    %dma_wait3A_511 = tpu.memref_slice %arg5[%dma_wait3A_509, %dma_wait3A_510] : memref<248x512xf32, #tpu.memory_space<vmem>> -> memref<128x512xf32, #tpu.memory_space<vmem>>
    tpu.wait_dma2 semaphore(%arg9 : memref<!tpu.dma_semaphore, #tpu.memory_space<semaphore_mem>>) src(%dma_wait3A_511 : memref<128x512xf32, #tpu.memory_space<vmem>>) dst(%dma_wait3A_508 : memref<128x512xf32, #tpu.memory_space<hbm>>)
    %dma_wait3A_512 = arith.constant 0 : i32
    %dma_wait3A_513 = arith.constant 0 : i32
    %dma_wait3A_514 = tpu.memref_slice %arg5[%dma_wait3A_512, %dma_wait3A_513] : memref<248x512xf32, #tpu.memory_space<vmem>> -> memref<128x512xf32, #tpu.memory_space<vmem>>
    %dma_wait3A_515 = arith.constant 0 : i32
    %dma_wait3A_516 = arith.constant 0 : i32
    %dma_wait3A_517 = tpu.memref_slice %arg3[%dma_wait3A_515, %dma_wait3A_516] : memref<262144x512xf32, #tpu.memory_space<hbm>> -> memref<128x512xf32, #tpu.memory_space<hbm>>
    %dma_wait3A_518 = arith.constant 0 : i32
    %dma_wait3A_519 = arith.constant 0 : i32
    %dma_wait3A_520 = tpu.memref_slice %arg3[%dma_wait3A_518, %dma_wait3A_519] : memref<262144x512xf32, #tpu.memory_space<hbm>> -> memref<128x512xf32, #tpu.memory_space<hbm>>
    %dma_wait3A_521 = arith.constant 0 : i32
    %dma_wait3A_522 = arith.constant 0 : i32
    %dma_wait3A_523 = tpu.memref_slice %arg5[%dma_wait3A_521, %dma_wait3A_522] : memref<248x512xf32, #tpu.memory_space<vmem>> -> memref<128x512xf32, #tpu.memory_space<vmem>>
    tpu.wait_dma2 semaphore(%arg9 : memref<!tpu.dma_semaphore, #tpu.memory_space<semaphore_mem>>) src(%dma_wait3A_523 : memref<128x512xf32, #tpu.memory_space<vmem>>) dst(%dma_wait3A_520 : memref<128x512xf32, #tpu.memory_space<hbm>>)
    %dma_wait3A_524 = arith.constant 0 : i32
    %dma_wait3A_525 = arith.constant 0 : i32
    %dma_wait3A_526 = tpu.memref_slice %arg5[%dma_wait3A_524, %dma_wait3A_525] : memref<248x512xf32, #tpu.memory_space<vmem>> -> memref<128x512xf32, #tpu.memory_space<vmem>>
    %dma_wait3A_527 = arith.constant 0 : i32
    %dma_wait3A_528 = arith.constant 0 : i32
    %dma_wait3A_529 = tpu.memref_slice %arg3[%dma_wait3A_527, %dma_wait3A_528] : memref<262144x512xf32, #tpu.memory_space<hbm>> -> memref<128x512xf32, #tpu.memory_space<hbm>>
    %dma_wait3A_530 = arith.constant 0 : i32
    %dma_wait3A_531 = arith.constant 0 : i32
    %dma_wait3A_532 = tpu.memref_slice %arg3[%dma_wait3A_530, %dma_wait3A_531] : memref<262144x512xf32, #tpu.memory_space<hbm>> -> memref<128x512xf32, #tpu.memory_space<hbm>>
    %dma_wait3A_533 = arith.constant 0 : i32
    %dma_wait3A_534 = arith.constant 0 : i32
    %dma_wait3A_535 = tpu.memref_slice %arg5[%dma_wait3A_533, %dma_wait3A_534] : memref<248x512xf32, #tpu.memory_space<vmem>> -> memref<128x512xf32, #tpu.memory_space<vmem>>
    tpu.wait_dma2 semaphore(%arg9 : memref<!tpu.dma_semaphore, #tpu.memory_space<semaphore_mem>>) src(%dma_wait3A_535 : memref<128x512xf32, #tpu.memory_space<vmem>>) dst(%dma_wait3A_532 : memref<128x512xf32, #tpu.memory_space<hbm>>)
    %dma_wait3A_536 = arith.constant 0 : i32
    %dma_wait3A_537 = arith.constant 0 : i32
    %dma_wait3A_538 = tpu.memref_slice %arg5[%dma_wait3A_536, %dma_wait3A_537] : memref<248x512xf32, #tpu.memory_space<vmem>> -> memref<128x512xf32, #tpu.memory_space<vmem>>
    %dma_wait3A_539 = arith.constant 0 : i32
    %dma_wait3A_540 = arith.constant 0 : i32
    %dma_wait3A_541 = tpu.memref_slice %arg3[%dma_wait3A_539, %dma_wait3A_540] : memref<262144x512xf32, #tpu.memory_space<hbm>> -> memref<128x512xf32, #tpu.memory_space<hbm>>
    %dma_wait3A_542 = arith.constant 0 : i32
    %dma_wait3A_543 = arith.constant 0 : i32
    %dma_wait3A_544 = tpu.memref_slice %arg3[%dma_wait3A_542, %dma_wait3A_543] : memref<262144x512xf32, #tpu.memory_space<hbm>> -> memref<128x512xf32, #tpu.memory_space<hbm>>
    %dma_wait3A_545 = arith.constant 0 : i32
    %dma_wait3A_546 = arith.constant 0 : i32
    %dma_wait3A_547 = tpu.memref_slice %arg5[%dma_wait3A_545, %dma_wait3A_546] : memref<248x512xf32, #tpu.memory_space<vmem>> -> memref<128x512xf32, #tpu.memory_space<vmem>>
    tpu.wait_dma2 semaphore(%arg9 : memref<!tpu.dma_semaphore, #tpu.memory_space<semaphore_mem>>) src(%dma_wait3A_547 : memref<128x512xf32, #tpu.memory_space<vmem>>) dst(%dma_wait3A_544 : memref<128x512xf32, #tpu.memory_space<hbm>>)
    %dma_wait3A_548 = arith.constant 0 : i32
    %dma_wait3A_549 = arith.constant 0 : i32
    %dma_wait3A_550 = tpu.memref_slice %arg5[%dma_wait3A_548, %dma_wait3A_549] : memref<248x512xf32, #tpu.memory_space<vmem>> -> memref<128x512xf32, #tpu.memory_space<vmem>>
    %dma_wait3A_551 = arith.constant 0 : i32
    %dma_wait3A_552 = arith.constant 0 : i32
    %dma_wait3A_553 = tpu.memref_slice %arg3[%dma_wait3A_551, %dma_wait3A_552] : memref<262144x512xf32, #tpu.memory_space<hbm>> -> memref<128x512xf32, #tpu.memory_space<hbm>>
    %dma_wait3A_554 = arith.constant 0 : i32
    %dma_wait3A_555 = arith.constant 0 : i32
    %dma_wait3A_556 = tpu.memref_slice %arg3[%dma_wait3A_554, %dma_wait3A_555] : memref<262144x512xf32, #tpu.memory_space<hbm>> -> memref<128x512xf32, #tpu.memory_space<hbm>>
    %dma_wait3A_557 = arith.constant 0 : i32
    %dma_wait3A_558 = arith.constant 0 : i32
    %dma_wait3A_559 = tpu.memref_slice %arg5[%dma_wait3A_557, %dma_wait3A_558] : memref<248x512xf32, #tpu.memory_space<vmem>> -> memref<128x512xf32, #tpu.memory_space<vmem>>
    tpu.wait_dma2 semaphore(%arg9 : memref<!tpu.dma_semaphore, #tpu.memory_space<semaphore_mem>>) src(%dma_wait3A_559 : memref<128x512xf32, #tpu.memory_space<vmem>>) dst(%dma_wait3A_556 : memref<128x512xf32, #tpu.memory_space<hbm>>)
    %dma_wait3A_560 = arith.constant 0 : i32
    %dma_wait3A_561 = arith.constant 0 : i32
    %dma_wait3A_562 = tpu.memref_slice %arg5[%dma_wait3A_560, %dma_wait3A_561] : memref<248x512xf32, #tpu.memory_space<vmem>> -> memref<128x512xf32, #tpu.memory_space<vmem>>
    %dma_wait3A_563 = arith.constant 0 : i32
    %dma_wait3A_564 = arith.constant 0 : i32
    %dma_wait3A_565 = tpu.memref_slice %arg3[%dma_wait3A_563, %dma_wait3A_564] : memref<262144x512xf32, #tpu.memory_space<hbm>> -> memref<128x512xf32, #tpu.memory_space<hbm>>
    %dma_wait3A_566 = arith.constant 0 : i32
    %dma_wait3A_567 = arith.constant 0 : i32
    %dma_wait3A_568 = tpu.memref_slice %arg3[%dma_wait3A_566, %dma_wait3A_567] : memref<262144x512xf32, #tpu.memory_space<hbm>> -> memref<128x512xf32, #tpu.memory_space<hbm>>
    %dma_wait3A_569 = arith.constant 0 : i32
    %dma_wait3A_570 = arith.constant 0 : i32
    %dma_wait3A_571 = tpu.memref_slice %arg5[%dma_wait3A_569, %dma_wait3A_570] : memref<248x512xf32, #tpu.memory_space<vmem>> -> memref<128x512xf32, #tpu.memory_space<vmem>>
    tpu.wait_dma2 semaphore(%arg9 : memref<!tpu.dma_semaphore, #tpu.memory_space<semaphore_mem>>) src(%dma_wait3A_571 : memref<128x512xf32, #tpu.memory_space<vmem>>) dst(%dma_wait3A_568 : memref<128x512xf32, #tpu.memory_space<hbm>>)
    %dma_wait3A_572 = arith.constant 0 : i32
    %dma_wait3A_573 = arith.constant 0 : i32
    %dma_wait3A_574 = tpu.memref_slice %arg5[%dma_wait3A_572, %dma_wait3A_573] : memref<248x512xf32, #tpu.memory_space<vmem>> -> memref<128x512xf32, #tpu.memory_space<vmem>>
    %dma_wait3A_575 = arith.constant 0 : i32
    %dma_wait3A_576 = arith.constant 0 : i32
    %dma_wait3A_577 = tpu.memref_slice %arg3[%dma_wait3A_575, %dma_wait3A_576] : memref<262144x512xf32, #tpu.memory_space<hbm>> -> memref<128x512xf32, #tpu.memory_space<hbm>>
    %dma_wait3A_578 = arith.constant 0 : i32
    %dma_wait3A_579 = arith.constant 0 : i32
    %dma_wait3A_580 = tpu.memref_slice %arg3[%dma_wait3A_578, %dma_wait3A_579] : memref<262144x512xf32, #tpu.memory_space<hbm>> -> memref<128x512xf32, #tpu.memory_space<hbm>>
    %dma_wait3A_581 = arith.constant 0 : i32
    %dma_wait3A_582 = arith.constant 0 : i32
    %dma_wait3A_583 = tpu.memref_slice %arg5[%dma_wait3A_581, %dma_wait3A_582] : memref<248x512xf32, #tpu.memory_space<vmem>> -> memref<128x512xf32, #tpu.memory_space<vmem>>
    tpu.wait_dma2 semaphore(%arg9 : memref<!tpu.dma_semaphore, #tpu.memory_space<semaphore_mem>>) src(%dma_wait3A_583 : memref<128x512xf32, #tpu.memory_space<vmem>>) dst(%dma_wait3A_580 : memref<128x512xf32, #tpu.memory_space<hbm>>)
    %dma_wait3A_584 = arith.constant 0 : i32
    %dma_wait3A_585 = arith.constant 0 : i32
    %dma_wait3A_586 = tpu.memref_slice %arg5[%dma_wait3A_584, %dma_wait3A_585] : memref<248x512xf32, #tpu.memory_space<vmem>> -> memref<128x512xf32, #tpu.memory_space<vmem>>
    %dma_wait3A_587 = arith.constant 0 : i32
    %dma_wait3A_588 = arith.constant 0 : i32
    %dma_wait3A_589 = tpu.memref_slice %arg3[%dma_wait3A_587, %dma_wait3A_588] : memref<262144x512xf32, #tpu.memory_space<hbm>> -> memref<128x512xf32, #tpu.memory_space<hbm>>
    %dma_wait3A_590 = arith.constant 0 : i32
    %dma_wait3A_591 = arith.constant 0 : i32
    %dma_wait3A_592 = tpu.memref_slice %arg3[%dma_wait3A_590, %dma_wait3A_591] : memref<262144x512xf32, #tpu.memory_space<hbm>> -> memref<128x512xf32, #tpu.memory_space<hbm>>
    %dma_wait3A_593 = arith.constant 0 : i32
    %dma_wait3A_594 = arith.constant 0 : i32
    %dma_wait3A_595 = tpu.memref_slice %arg5[%dma_wait3A_593, %dma_wait3A_594] : memref<248x512xf32, #tpu.memory_space<vmem>> -> memref<128x512xf32, #tpu.memory_space<vmem>>
    tpu.wait_dma2 semaphore(%arg9 : memref<!tpu.dma_semaphore, #tpu.memory_space<semaphore_mem>>) src(%dma_wait3A_595 : memref<128x512xf32, #tpu.memory_space<vmem>>) dst(%dma_wait3A_592 : memref<128x512xf32, #tpu.memory_space<hbm>>)
    %dma_wait3A_596 = arith.constant 0 : i32
    %dma_wait3A_597 = arith.constant 0 : i32
    %dma_wait3A_598 = tpu.memref_slice %arg5[%dma_wait3A_596, %dma_wait3A_597] : memref<248x512xf32, #tpu.memory_space<vmem>> -> memref<128x512xf32, #tpu.memory_space<vmem>>
    %dma_wait3A_599 = arith.constant 0 : i32
    %dma_wait3A_600 = arith.constant 0 : i32
    %dma_wait3A_601 = tpu.memref_slice %arg3[%dma_wait3A_599, %dma_wait3A_600] : memref<262144x512xf32, #tpu.memory_space<hbm>> -> memref<128x512xf32, #tpu.memory_space<hbm>>
    %dma_wait3A_602 = arith.constant 0 : i32
    %dma_wait3A_603 = arith.constant 0 : i32
    %dma_wait3A_604 = tpu.memref_slice %arg3[%dma_wait3A_602, %dma_wait3A_603] : memref<262144x512xf32, #tpu.memory_space<hbm>> -> memref<128x512xf32, #tpu.memory_space<hbm>>
    %dma_wait3A_605 = arith.constant 0 : i32
    %dma_wait3A_606 = arith.constant 0 : i32
    %dma_wait3A_607 = tpu.memref_slice %arg5[%dma_wait3A_605, %dma_wait3A_606] : memref<248x512xf32, #tpu.memory_space<vmem>> -> memref<128x512xf32, #tpu.memory_space<vmem>>
    tpu.wait_dma2 semaphore(%arg9 : memref<!tpu.dma_semaphore, #tpu.memory_space<semaphore_mem>>) src(%dma_wait3A_607 : memref<128x512xf32, #tpu.memory_space<vmem>>) dst(%dma_wait3A_604 : memref<128x512xf32, #tpu.memory_space<hbm>>)
    %dma_wait3A_608 = arith.constant 0 : i32
    %dma_wait3A_609 = arith.constant 0 : i32
    %dma_wait3A_610 = tpu.memref_slice %arg5[%dma_wait3A_608, %dma_wait3A_609] : memref<248x512xf32, #tpu.memory_space<vmem>> -> memref<128x512xf32, #tpu.memory_space<vmem>>
    %dma_wait3A_611 = arith.constant 0 : i32
    %dma_wait3A_612 = arith.constant 0 : i32
    %dma_wait3A_613 = tpu.memref_slice %arg3[%dma_wait3A_611, %dma_wait3A_612] : memref<262144x512xf32, #tpu.memory_space<hbm>> -> memref<128x512xf32, #tpu.memory_space<hbm>>
    %dma_wait3A_614 = arith.constant 0 : i32
    %dma_wait3A_615 = arith.constant 0 : i32
    %dma_wait3A_616 = tpu.memref_slice %arg3[%dma_wait3A_614, %dma_wait3A_615] : memref<262144x512xf32, #tpu.memory_space<hbm>> -> memref<128x512xf32, #tpu.memory_space<hbm>>
    %dma_wait3A_617 = arith.constant 0 : i32
    %dma_wait3A_618 = arith.constant 0 : i32
    %dma_wait3A_619 = tpu.memref_slice %arg5[%dma_wait3A_617, %dma_wait3A_618] : memref<248x512xf32, #tpu.memory_space<vmem>> -> memref<128x512xf32, #tpu.memory_space<vmem>>
    tpu.wait_dma2 semaphore(%arg9 : memref<!tpu.dma_semaphore, #tpu.memory_space<semaphore_mem>>) src(%dma_wait3A_619 : memref<128x512xf32, #tpu.memory_space<vmem>>) dst(%dma_wait3A_616 : memref<128x512xf32, #tpu.memory_space<hbm>>)
    %dma_wait3A_620 = arith.constant 0 : i32
    %dma_wait3A_621 = arith.constant 0 : i32
    %dma_wait3A_622 = tpu.memref_slice %arg5[%dma_wait3A_620, %dma_wait3A_621] : memref<248x512xf32, #tpu.memory_space<vmem>> -> memref<128x512xf32, #tpu.memory_space<vmem>>
    %dma_wait3A_623 = arith.constant 0 : i32
    %dma_wait3A_624 = arith.constant 0 : i32
    %dma_wait3A_625 = tpu.memref_slice %arg3[%dma_wait3A_623, %dma_wait3A_624] : memref<262144x512xf32, #tpu.memory_space<hbm>> -> memref<128x512xf32, #tpu.memory_space<hbm>>
    %dma_wait3A_626 = arith.constant 0 : i32
    %dma_wait3A_627 = arith.constant 0 : i32
    %dma_wait3A_628 = tpu.memref_slice %arg3[%dma_wait3A_626, %dma_wait3A_627] : memref<262144x512xf32, #tpu.memory_space<hbm>> -> memref<128x512xf32, #tpu.memory_space<hbm>>
    %dma_wait3A_629 = arith.constant 0 : i32
    %dma_wait3A_630 = arith.constant 0 : i32
    %dma_wait3A_631 = tpu.memref_slice %arg5[%dma_wait3A_629, %dma_wait3A_630] : memref<248x512xf32, #tpu.memory_space<vmem>> -> memref<128x512xf32, #tpu.memory_space<vmem>>
    tpu.wait_dma2 semaphore(%arg9 : memref<!tpu.dma_semaphore, #tpu.memory_space<semaphore_mem>>) src(%dma_wait3A_631 : memref<128x512xf32, #tpu.memory_space<vmem>>) dst(%dma_wait3A_628 : memref<128x512xf32, #tpu.memory_space<hbm>>)
    %dma_wait3A_632 = arith.constant 0 : i32
    %dma_wait3A_633 = arith.constant 0 : i32
    %dma_wait3A_634 = tpu.memref_slice %arg5[%dma_wait3A_632, %dma_wait3A_633] : memref<248x512xf32, #tpu.memory_space<vmem>> -> memref<128x512xf32, #tpu.memory_space<vmem>>
    %dma_wait3A_635 = arith.constant 0 : i32
    %dma_wait3A_636 = arith.constant 0 : i32
    %dma_wait3A_637 = tpu.memref_slice %arg3[%dma_wait3A_635, %dma_wait3A_636] : memref<262144x512xf32, #tpu.memory_space<hbm>> -> memref<128x512xf32, #tpu.memory_space<hbm>>
    %dma_wait3A_638 = arith.constant 0 : i32
    %dma_wait3A_639 = arith.constant 0 : i32
    %dma_wait3A_640 = tpu.memref_slice %arg3[%dma_wait3A_638, %dma_wait3A_639] : memref<262144x512xf32, #tpu.memory_space<hbm>> -> memref<128x512xf32, #tpu.memory_space<hbm>>
    %dma_wait3A_641 = arith.constant 0 : i32
    %dma_wait3A_642 = arith.constant 0 : i32
    %dma_wait3A_643 = tpu.memref_slice %arg5[%dma_wait3A_641, %dma_wait3A_642] : memref<248x512xf32, #tpu.memory_space<vmem>> -> memref<128x512xf32, #tpu.memory_space<vmem>>
    tpu.wait_dma2 semaphore(%arg9 : memref<!tpu.dma_semaphore, #tpu.memory_space<semaphore_mem>>) src(%dma_wait3A_643 : memref<128x512xf32, #tpu.memory_space<vmem>>) dst(%dma_wait3A_640 : memref<128x512xf32, #tpu.memory_space<hbm>>)
    %dma_wait3A_644 = arith.constant 0 : i32
    %dma_wait3A_645 = arith.constant 0 : i32
    %dma_wait3A_646 = tpu.memref_slice %arg5[%dma_wait3A_644, %dma_wait3A_645] : memref<248x512xf32, #tpu.memory_space<vmem>> -> memref<128x512xf32, #tpu.memory_space<vmem>>
    %dma_wait3A_647 = arith.constant 0 : i32
    %dma_wait3A_648 = arith.constant 0 : i32
    %dma_wait3A_649 = tpu.memref_slice %arg3[%dma_wait3A_647, %dma_wait3A_648] : memref<262144x512xf32, #tpu.memory_space<hbm>> -> memref<128x512xf32, #tpu.memory_space<hbm>>
    %dma_wait3A_650 = arith.constant 0 : i32
    %dma_wait3A_651 = arith.constant 0 : i32
    %dma_wait3A_652 = tpu.memref_slice %arg3[%dma_wait3A_650, %dma_wait3A_651] : memref<262144x512xf32, #tpu.memory_space<hbm>> -> memref<128x512xf32, #tpu.memory_space<hbm>>
    %dma_wait3A_653 = arith.constant 0 : i32
    %dma_wait3A_654 = arith.constant 0 : i32
    %dma_wait3A_655 = tpu.memref_slice %arg5[%dma_wait3A_653, %dma_wait3A_654] : memref<248x512xf32, #tpu.memory_space<vmem>> -> memref<128x512xf32, #tpu.memory_space<vmem>>
    tpu.wait_dma2 semaphore(%arg9 : memref<!tpu.dma_semaphore, #tpu.memory_space<semaphore_mem>>) src(%dma_wait3A_655 : memref<128x512xf32, #tpu.memory_space<vmem>>) dst(%dma_wait3A_652 : memref<128x512xf32, #tpu.memory_space<hbm>>)
    %dma_wait3A_656 = arith.constant 0 : i32
    %dma_wait3A_657 = arith.constant 0 : i32
    %dma_wait3A_658 = tpu.memref_slice %arg5[%dma_wait3A_656, %dma_wait3A_657] : memref<248x512xf32, #tpu.memory_space<vmem>> -> memref<128x512xf32, #tpu.memory_space<vmem>>
    %dma_wait3A_659 = arith.constant 0 : i32
    %dma_wait3A_660 = arith.constant 0 : i32
    %dma_wait3A_661 = tpu.memref_slice %arg3[%dma_wait3A_659, %dma_wait3A_660] : memref<262144x512xf32, #tpu.memory_space<hbm>> -> memref<128x512xf32, #tpu.memory_space<hbm>>
    %dma_wait3A_662 = arith.constant 0 : i32
    %dma_wait3A_663 = arith.constant 0 : i32
    %dma_wait3A_664 = tpu.memref_slice %arg3[%dma_wait3A_662, %dma_wait3A_663] : memref<262144x512xf32, #tpu.memory_space<hbm>> -> memref<128x512xf32, #tpu.memory_space<hbm>>
    %dma_wait3A_665 = arith.constant 0 : i32
    %dma_wait3A_666 = arith.constant 0 : i32
    %dma_wait3A_667 = tpu.memref_slice %arg5[%dma_wait3A_665, %dma_wait3A_666] : memref<248x512xf32, #tpu.memory_space<vmem>> -> memref<128x512xf32, #tpu.memory_space<vmem>>
    tpu.wait_dma2 semaphore(%arg9 : memref<!tpu.dma_semaphore, #tpu.memory_space<semaphore_mem>>) src(%dma_wait3A_667 : memref<128x512xf32, #tpu.memory_space<vmem>>) dst(%dma_wait3A_664 : memref<128x512xf32, #tpu.memory_space<hbm>>)
    %dma_wait3A_668 = arith.constant 0 : i32
    %dma_wait3A_669 = arith.constant 0 : i32
    %dma_wait3A_670 = tpu.memref_slice %arg5[%dma_wait3A_668, %dma_wait3A_669] : memref<248x512xf32, #tpu.memory_space<vmem>> -> memref<128x512xf32, #tpu.memory_space<vmem>>
    %dma_wait3A_671 = arith.constant 0 : i32
    %dma_wait3A_672 = arith.constant 0 : i32
    %dma_wait3A_673 = tpu.memref_slice %arg3[%dma_wait3A_671, %dma_wait3A_672] : memref<262144x512xf32, #tpu.memory_space<hbm>> -> memref<128x512xf32, #tpu.memory_space<hbm>>
    %dma_wait3A_674 = arith.constant 0 : i32
    %dma_wait3A_675 = arith.constant 0 : i32
    %dma_wait3A_676 = tpu.memref_slice %arg3[%dma_wait3A_674, %dma_wait3A_675] : memref<262144x512xf32, #tpu.memory_space<hbm>> -> memref<128x512xf32, #tpu.memory_space<hbm>>
    %dma_wait3A_677 = arith.constant 0 : i32
    %dma_wait3A_678 = arith.constant 0 : i32
    %dma_wait3A_679 = tpu.memref_slice %arg5[%dma_wait3A_677, %dma_wait3A_678] : memref<248x512xf32, #tpu.memory_space<vmem>> -> memref<128x512xf32, #tpu.memory_space<vmem>>
    tpu.wait_dma2 semaphore(%arg9 : memref<!tpu.dma_semaphore, #tpu.memory_space<semaphore_mem>>) src(%dma_wait3A_679 : memref<128x512xf32, #tpu.memory_space<vmem>>) dst(%dma_wait3A_676 : memref<128x512xf32, #tpu.memory_space<hbm>>)
    %dma_wait3A_680 = arith.constant 0 : i32
    %dma_wait3A_681 = arith.constant 0 : i32
    %dma_wait3A_682 = tpu.memref_slice %arg5[%dma_wait3A_680, %dma_wait3A_681] : memref<248x512xf32, #tpu.memory_space<vmem>> -> memref<128x512xf32, #tpu.memory_space<vmem>>
    %dma_wait3A_683 = arith.constant 0 : i32
    %dma_wait3A_684 = arith.constant 0 : i32
    %dma_wait3A_685 = tpu.memref_slice %arg3[%dma_wait3A_683, %dma_wait3A_684] : memref<262144x512xf32, #tpu.memory_space<hbm>> -> memref<128x512xf32, #tpu.memory_space<hbm>>
    %dma_wait3A_686 = arith.constant 0 : i32
    %dma_wait3A_687 = arith.constant 0 : i32
    %dma_wait3A_688 = tpu.memref_slice %arg3[%dma_wait3A_686, %dma_wait3A_687] : memref<262144x512xf32, #tpu.memory_space<hbm>> -> memref<128x512xf32, #tpu.memory_space<hbm>>
    %dma_wait3A_689 = arith.constant 0 : i32
    %dma_wait3A_690 = arith.constant 0 : i32
    %dma_wait3A_691 = tpu.memref_slice %arg5[%dma_wait3A_689, %dma_wait3A_690] : memref<248x512xf32, #tpu.memory_space<vmem>> -> memref<128x512xf32, #tpu.memory_space<vmem>>
    tpu.wait_dma2 semaphore(%arg9 : memref<!tpu.dma_semaphore, #tpu.memory_space<semaphore_mem>>) src(%dma_wait3A_691 : memref<128x512xf32, #tpu.memory_space<vmem>>) dst(%dma_wait3A_688 : memref<128x512xf32, #tpu.memory_space<hbm>>)
    %mul3A_692 = arith.constant 4 : i32
    %mul3A_693 = arith.muli %add3A, %mul3A_692 : i32
    %add3A_694 = arith.constant 1 : i32
    %add3A_695 = arith.addi %mul3A_693, %add3A_694 : i32
    %jit3A_696 = arith.constant 8 : i32
    %eq3A_697 = arith.constant 0 : i32
    %eq3A_698 = arith.cmpi eq, %jit3A_696, %eq3A_697 : i32
    %jit3A_699 = arith.constant 1 : i32
    %select_n3A_700 = arith.select %eq3A_698, %jit3A_699, %jit3A_696 : i32
    %rem3A_701 = arith.remsi %add3A_695, %select_n3A_700 : i32
    %ne3A_702 = arith.constant 0 : i32
    %ne3A_703 = arith.cmpi ne, %rem3A_701, %ne3A_702 : i32
    %lt3A_704 = arith.constant 0 : i32
    %lt3A_705 = arith.cmpi slt, %rem3A_701, %lt3A_704 : i32
    %lt3A_706 = arith.constant 0 : i32
    %lt3A_707 = arith.cmpi slt, %select_n3A_700, %lt3A_706 : i32
    %ne3A_708 = arith.xori %lt3A_705, %lt3A_707 : i1
    %and3A_709 = arith.andi %ne3A_708, %ne3A_703 : i1
    %add3A_710 = arith.addi %rem3A_701, %select_n3A_700 : i32
    %select_n3A_711 = arith.select %and3A_709, %add3A_710, %rem3A_701 : i32
    %jit3A_712 = arith.constant 8 : i32
    %div3A_713 = arith.divsi %add3A_695, %jit3A_712 : i32
    %sign3A_714 = arith.constant 0 : i32
    %sign3A_715 = arith.cmpi sgt, %add3A_695, %sign3A_714 : i32
    %sign3A_716 = arith.extui %sign3A_715 : i1 to i32
    %sign3A_717 = arith.constant 0 : i32
    %sign3A_718 = arith.cmpi slt, %add3A_695, %sign3A_717 : i32
    %sign3A_719 = arith.extui %sign3A_718 : i1 to i32
    %sign3A_720 = arith.subi %sign3A_716, %sign3A_719 : i32
    %sign3A_721 = arith.constant 0 : i32
    %sign3A_722 = arith.cmpi sgt, %jit3A_712, %sign3A_721 : i32
    %sign3A_723 = arith.extui %sign3A_722 : i1 to i32
    %sign3A_724 = arith.constant 0 : i32
    %sign3A_725 = arith.cmpi slt, %jit3A_712, %sign3A_724 : i32
    %sign3A_726 = arith.extui %sign3A_725 : i1 to i32
    %sign3A_727 = arith.subi %sign3A_723, %sign3A_726 : i32
    %ne3A_728 = arith.cmpi ne, %sign3A_720, %sign3A_727 : i32
    %rem3A_729 = arith.remsi %add3A_695, %jit3A_712 : i32
    %ne3A_730 = arith.constant 0 : i32
    %ne3A_731 = arith.cmpi ne, %rem3A_729, %ne3A_730 : i32
    %and3A_732 = arith.andi %ne3A_728, %ne3A_731 : i1
    %sub3A_733 = arith.constant 1 : i32
    %sub3A_734 = arith.subi %div3A_713, %sub3A_733 : i32
    %select_n3A_735 = arith.select %and3A_732, %sub3A_734, %div3A_713 : i32
    %jit3A_736 = arith.constant 4 : i32
    %eq3A_737 = arith.constant 0 : i32
    %eq3A_738 = arith.cmpi eq, %jit3A_736, %eq3A_737 : i32
    %jit3A_739 = arith.constant 1 : i32
    %select_n3A_740 = arith.select %eq3A_738, %jit3A_739, %jit3A_736 : i32
    %rem3A_741 = arith.remsi %select_n3A_735, %select_n3A_740 : i32
    %ne3A_742 = arith.constant 0 : i32
    %ne3A_743 = arith.cmpi ne, %rem3A_741, %ne3A_742 : i32
    %lt3A_744 = arith.constant 0 : i32
    %lt3A_745 = arith.cmpi slt, %rem3A_741, %lt3A_744 : i32
    %lt3A_746 = arith.constant 0 : i32
    %lt3A_747 = arith.cmpi slt, %select_n3A_740, %lt3A_746 : i32
    %ne3A_748 = arith.xori %lt3A_745, %lt3A_747 : i1
    %and3A_749 = arith.andi %ne3A_748, %ne3A_743 : i1
    %add3A_750 = arith.addi %rem3A_741, %select_n3A_740 : i32
    %select_n3A_751 = arith.select %and3A_749, %add3A_750, %rem3A_741 : i32
    %jit3A_752 = arith.constant 32 : i32
    %div3A_753 = arith.divsi %add3A_695, %jit3A_752 : i32
    %sign3A_754 = arith.constant 0 : i32
    %sign3A_755 = arith.cmpi sgt, %add3A_695, %sign3A_754 : i32
    %sign3A_756 = arith.extui %sign3A_755 : i1 to i32
    %sign3A_757 = arith.constant 0 : i32
    %sign3A_758 = arith.cmpi slt, %add3A_695, %sign3A_757 : i32
    %sign3A_759 = arith.extui %sign3A_758 : i1 to i32
    %sign3A_760 = arith.subi %sign3A_756, %sign3A_759 : i32
    %sign3A_761 = arith.constant 0 : i32
    %sign3A_762 = arith.cmpi sgt, %jit3A_752, %sign3A_761 : i32
    %sign3A_763 = arith.extui %sign3A_762 : i1 to i32
    %sign3A_764 = arith.constant 0 : i32
    %sign3A_765 = arith.cmpi slt, %jit3A_752, %sign3A_764 : i32
    %sign3A_766 = arith.extui %sign3A_765 : i1 to i32
    %sign3A_767 = arith.subi %sign3A_763, %sign3A_766 : i32
    %ne3A_768 = arith.cmpi ne, %sign3A_760, %sign3A_767 : i32
    %rem3A_769 = arith.remsi %add3A_695, %jit3A_752 : i32
    %ne3A_770 = arith.constant 0 : i32
    %ne3A_771 = arith.cmpi ne, %rem3A_769, %ne3A_770 : i32
    %and3A_772 = arith.andi %ne3A_768, %ne3A_771 : i1
    %sub3A_773 = arith.constant 1 : i32
    %sub3A_774 = arith.subi %div3A_753, %sub3A_773 : i32
    %select_n3A_775 = arith.select %and3A_772, %sub3A_774, %div3A_753 : i32
    %mul3A_776 = arith.constant 128 : i32
    %mul3A_777 = arith.muli %mul3A_776, %select_n3A_751 : i32
    %add3A_778 = arith.addi %select_n3A_711, %mul3A_777 : i32
    %mul3A_779 = arith.constant 128 : i32
    %mul3A_780 = arith.muli %select_n3A_775, %mul3A_779 : i32
    %add3A_781 = arith.constant 120 : i32
    %add3A_782 = arith.addi %add3A_778, %add3A_781 : i32
    %sub3A_783 = arith.constant 511 : i32
    %sub3A_784 = arith.subi %sub3A_783, %add3A_782 : i32
    %add3A_785 = arith.addi %sub3A_784, %mul3A_780 : i32
    %sub3A_786 = arith.constant 4606 : i32
    %sub3A_787 = arith.subi %sub3A_786, %add3A_785 : i32
    %sub3A_788 = arith.constant 0 : i32
    %sub3A_789 = arith.subi %sub3A_787, %sub3A_788 : i32
    %sub3A_790 = vector.broadcast %sub3A_789 : i32 to vector<16xi32>
    %sub3A_791 = arith.subi %sub3A_790, %iota3A : vector<16xi32>
    %swap3A_792 = arith.constant 0 : index
    %swap3A_793 = tpu.vector_load %arg4[%swap3A_792] {strides = array<i32>} : memref<512xi32, #tpu.memory_space<vmem>>, vector<16xi32>,
    %swap3A_794 = vector.shape_cast %swap3A_793 : vector<16xi32> to vector<16xi32>
    %swap3A_795 = vector.shape_cast %sub3A_791 : vector<16xi32> to vector<16xi32>
    tpu.vector_store %arg4[%swap3A_792], %swap3A_795 {strides = array<i32>} : memref<512xi32, #tpu.memory_space<vmem>>, vector<16xi32>,
    %sub3A_796 = arith.constant 16 : i32
    %sub3A_797 = arith.subi %sub3A_787, %sub3A_796 : i32
    %sub3A_798 = vector.broadcast %sub3A_797 : i32 to vector<16xi32>
    %sub3A_799 = arith.subi %sub3A_798, %iota3A : vector<16xi32>
    %swap3A_800 = arith.constant 16 : index
    %swap3A_801 = tpu.vector_load %arg4[%swap3A_800] {strides = array<i32>} : memref<512xi32, #tpu.memory_space<vmem>>, vector<16xi32>,
    %swap3A_802 = vector.shape_cast %swap3A_801 : vector<16xi32> to vector<16xi32>
    %swap3A_803 = vector.shape_cast %sub3A_799 : vector<16xi32> to vector<16xi32>
    tpu.vector_store %arg4[%swap3A_800], %swap3A_803 {strides = array<i32>} : memref<512xi32, #tpu.memory_space<vmem>>, vector<16xi32>,
    %sub3A_804 = arith.constant 32 : i32
    %sub3A_805 = arith.subi %sub3A_787, %sub3A_804 : i32
    %sub3A_806 = vector.broadcast %sub3A_805 : i32 to vector<16xi32>
    %sub3A_807 = arith.subi %sub3A_806, %iota3A : vector<16xi32>
    %swap3A_808 = arith.constant 32 : index
    %swap3A_809 = tpu.vector_load %arg4[%swap3A_808] {strides = array<i32>} : memref<512xi32, #tpu.memory_space<vmem>>, vector<16xi32>,
    %swap3A_810 = vector.shape_cast %swap3A_809 : vector<16xi32> to vector<16xi32>
    %swap3A_811 = vector.shape_cast %sub3A_807 : vector<16xi32> to vector<16xi32>
    tpu.vector_store %arg4[%swap3A_808], %swap3A_811 {strides = array<i32>} : memref<512xi32, #tpu.memory_space<vmem>>, vector<16xi32>,
    %sub3A_812 = arith.constant 48 : i32
    %sub3A_813 = arith.subi %sub3A_787, %sub3A_812 : i32
    %sub3A_814 = vector.broadcast %sub3A_813 : i32 to vector<16xi32>
    %sub3A_815 = arith.subi %sub3A_814, %iota3A : vector<16xi32>
    %swap3A_816 = arith.constant 48 : index
    %swap3A_817 = tpu.vector_load %arg4[%swap3A_816] {strides = array<i32>} : memref<512xi32, #tpu.memory_space<vmem>>, vector<16xi32>,
    %swap3A_818 = vector.shape_cast %swap3A_817 : vector<16xi32> to vector<16xi32>
    %swap3A_819 = vector.shape_cast %sub3A_815 : vector<16xi32> to vector<16xi32>
    tpu.vector_store %arg4[%swap3A_816], %swap3A_819 {strides = array<i32>} : memref<512xi32, #tpu.memory_space<vmem>>, vector<16xi32>,
    %sub3A_820 = arith.constant 64 : i32
    %sub3A_821 = arith.subi %sub3A_787, %sub3A_820 : i32
    %sub3A_822 = vector.broadcast %sub3A_821 : i32 to vector<16xi32>
    %sub3A_823 = arith.subi %sub3A_822, %iota3A : vector<16xi32>
    %swap3A_824 = arith.constant 64 : index
    %swap3A_825 = tpu.vector_load %arg4[%swap3A_824] {strides = array<i32>} : memref<512xi32, #tpu.memory_space<vmem>>, vector<16xi32>,
    %swap3A_826 = vector.shape_cast %swap3A_825 : vector<16xi32> to vector<16xi32>
    %swap3A_827 = vector.shape_cast %sub3A_823 : vector<16xi32> to vector<16xi32>
    tpu.vector_store %arg4[%swap3A_824], %swap3A_827 {strides = array<i32>} : memref<512xi32, #tpu.memory_space<vmem>>, vector<16xi32>,
    %sub3A_828 = arith.constant 80 : i32
    %sub3A_829 = arith.subi %sub3A_787, %sub3A_828 : i32
    %sub3A_830 = vector.broadcast %sub3A_829 : i32 to vector<16xi32>
    %sub3A_831 = arith.subi %sub3A_830, %iota3A : vector<16xi32>
    %swap3A_832 = arith.constant 80 : index
    %swap3A_833 = tpu.vector_load %arg4[%swap3A_832] {strides = array<i32>} : memref<512xi32, #tpu.memory_space<vmem>>, vector<16xi32>,
    %swap3A_834 = vector.shape_cast %swap3A_833 : vector<16xi32> to vector<16xi32>
    %swap3A_835 = vector.shape_cast %sub3A_831 : vector<16xi32> to vector<16xi32>
    tpu.vector_store %arg4[%swap3A_832], %swap3A_835 {strides = array<i32>} : memref<512xi32, #tpu.memory_space<vmem>>, vector<16xi32>,
    %sub3A_836 = arith.constant 96 : i32
    %sub3A_837 = arith.subi %sub3A_787, %sub3A_836 : i32
    %sub3A_838 = vector.broadcast %sub3A_837 : i32 to vector<16xi32>
    %sub3A_839 = arith.subi %sub3A_838, %iota3A : vector<16xi32>
    %swap3A_840 = arith.constant 96 : index
    %swap3A_841 = tpu.vector_load %arg4[%swap3A_840] {strides = array<i32>} : memref<512xi32, #tpu.memory_space<vmem>>, vector<16xi32>,
    %swap3A_842 = vector.shape_cast %swap3A_841 : vector<16xi32> to vector<16xi32>
    %swap3A_843 = vector.shape_cast %sub3A_839 : vector<16xi32> to vector<16xi32>
    tpu.vector_store %arg4[%swap3A_840], %swap3A_843 {strides = array<i32>} : memref<512xi32, #tpu.memory_space<vmem>>, vector<16xi32>,
    %sub3A_844 = arith.constant 112 : i32
    %sub3A_845 = arith.subi %sub3A_787, %sub3A_844 : i32
    %sub3A_846 = vector.broadcast %sub3A_845 : i32 to vector<16xi32>
    %sub3A_847 = arith.subi %sub3A_846, %iota3A : vector<16xi32>
    %swap3A_848 = arith.constant 112 : index
    %swap3A_849 = tpu.vector_load %arg4[%swap3A_848] {strides = array<i32>} : memref<512xi32, #tpu.memory_space<vmem>>, vector<16xi32>,
    %swap3A_850 = vector.shape_cast %swap3A_849 : vector<16xi32> to vector<16xi32>
    %swap3A_851 = vector.shape_cast %sub3A_847 : vector<16xi32> to vector<16xi32>
    tpu.vector_store %arg4[%swap3A_848], %swap3A_851 {strides = array<i32>} : memref<512xi32, #tpu.memory_space<vmem>>, vector<16xi32>,
    %sub3A_852 = arith.constant 128 : i32
    %sub3A_853 = arith.subi %sub3A_787, %sub3A_852 : i32
    %sub3A_854 = vector.broadcast %sub3A_853 : i32 to vector<16xi32>
    %sub3A_855 = arith.subi %sub3A_854, %iota3A : vector<16xi32>
    %swap3A_856 = arith.constant 128 : index
    %swap3A_857 = tpu.vector_load %arg4[%swap3A_856] {strides = array<i32>} : memref<512xi32, #tpu.memory_space<vmem>>, vector<16xi32>,
    %swap3A_858 = vector.shape_cast %swap3A_857 : vector<16xi32> to vector<16xi32>
    %swap3A_859 = vector.shape_cast %sub3A_855 : vector<16xi32> to vector<16xi32>
    tpu.vector_store %arg4[%swap3A_856], %swap3A_859 {strides = array<i32>} : memref<512xi32, #tpu.memory_space<vmem>>, vector<16xi32>,
    %sub3A_860 = arith.constant 144 : i32
    %sub3A_861 = arith.subi %sub3A_787, %sub3A_860 : i32
    %sub3A_862 = vector.broadcast %sub3A_861 : i32 to vector<16xi32>
    %sub3A_863 = arith.subi %sub3A_862, %iota3A : vector<16xi32>
    %swap3A_864 = arith.constant 144 : index
    %swap3A_865 = tpu.vector_load %arg4[%swap3A_864] {strides = array<i32>} : memref<512xi32, #tpu.memory_space<vmem>>, vector<16xi32>,
    %swap3A_866 = vector.shape_cast %swap3A_865 : vector<16xi32> to vector<16xi32>
    %swap3A_867 = vector.shape_cast %sub3A_863 : vector<16xi32> to vector<16xi32>
    tpu.vector_store %arg4[%swap3A_864], %swap3A_867 {strides = array<i32>} : memref<512xi32, #tpu.memory_space<vmem>>, vector<16xi32>,
    %sub3A_868 = arith.constant 160 : i32
    %sub3A_869 = arith.subi %sub3A_787, %sub3A_868 : i32
    %sub3A_870 = vector.broadcast %sub3A_869 : i32 to vector<16xi32>
    %sub3A_871 = arith.subi %sub3A_870, %iota3A : vector<16xi32>
    %swap3A_872 = arith.constant 160 : index
    %swap3A_873 = tpu.vector_load %arg4[%swap3A_872] {strides = array<i32>} : memref<512xi32, #tpu.memory_space<vmem>>, vector<16xi32>,
    %swap3A_874 = vector.shape_cast %swap3A_873 : vector<16xi32> to vector<16xi32>
    %swap3A_875 = vector.shape_cast %sub3A_871 : vector<16xi32> to vector<16xi32>
    tpu.vector_store %arg4[%swap3A_872], %swap3A_875 {strides = array<i32>} : memref<512xi32, #tpu.memory_space<vmem>>, vector<16xi32>,
    %sub3A_876 = arith.constant 176 : i32
    %sub3A_877 = arith.subi %sub3A_787, %sub3A_876 : i32
    %sub3A_878 = vector.broadcast %sub3A_877 : i32 to vector<16xi32>
    %sub3A_879 = arith.subi %sub3A_878, %iota3A : vector<16xi32>
    %swap3A_880 = arith.constant 176 : index
    %swap3A_881 = tpu.vector_load %arg4[%swap3A_880] {strides = array<i32>} : memref<512xi32, #tpu.memory_space<vmem>>, vector<16xi32>,
    %swap3A_882 = vector.shape_cast %swap3A_881 : vector<16xi32> to vector<16xi32>
    %swap3A_883 = vector.shape_cast %sub3A_879 : vector<16xi32> to vector<16xi32>
    tpu.vector_store %arg4[%swap3A_880], %swap3A_883 {strides = array<i32>} : memref<512xi32, #tpu.memory_space<vmem>>, vector<16xi32>,
    %sub3A_884 = arith.constant 192 : i32
    %sub3A_885 = arith.subi %sub3A_787, %sub3A_884 : i32
    %sub3A_886 = vector.broadcast %sub3A_885 : i32 to vector<16xi32>
    %sub3A_887 = arith.subi %sub3A_886, %iota3A : vector<16xi32>
    %swap3A_888 = arith.constant 192 : index
    %swap3A_889 = tpu.vector_load %arg4[%swap3A_888] {strides = array<i32>} : memref<512xi32, #tpu.memory_space<vmem>>, vector<16xi32>,
    %swap3A_890 = vector.shape_cast %swap3A_889 : vector<16xi32> to vector<16xi32>
    %swap3A_891 = vector.shape_cast %sub3A_887 : vector<16xi32> to vector<16xi32>
    tpu.vector_store %arg4[%swap3A_888], %swap3A_891 {strides = array<i32>} : memref<512xi32, #tpu.memory_space<vmem>>, vector<16xi32>,
    %sub3A_892 = arith.constant 208 : i32
    %sub3A_893 = arith.subi %sub3A_787, %sub3A_892 : i32
    %sub3A_894 = vector.broadcast %sub3A_893 : i32 to vector<16xi32>
    %sub3A_895 = arith.subi %sub3A_894, %iota3A : vector<16xi32>
    %swap3A_896 = arith.constant 208 : index
    %swap3A_897 = tpu.vector_load %arg4[%swap3A_896] {strides = array<i32>} : memref<512xi32, #tpu.memory_space<vmem>>, vector<16xi32>,
    %swap3A_898 = vector.shape_cast %swap3A_897 : vector<16xi32> to vector<16xi32>
    %swap3A_899 = vector.shape_cast %sub3A_895 : vector<16xi32> to vector<16xi32>
    tpu.vector_store %arg4[%swap3A_896], %swap3A_899 {strides = array<i32>} : memref<512xi32, #tpu.memory_space<vmem>>, vector<16xi32>,
    %sub3A_900 = arith.constant 224 : i32
    %sub3A_901 = arith.subi %sub3A_787, %sub3A_900 : i32
    %sub3A_902 = vector.broadcast %sub3A_901 : i32 to vector<16xi32>
    %sub3A_903 = arith.subi %sub3A_902, %iota3A : vector<16xi32>
    %swap3A_904 = arith.constant 224 : index
    %swap3A_905 = tpu.vector_load %arg4[%swap3A_904] {strides = array<i32>} : memref<512xi32, #tpu.memory_space<vmem>>, vector<16xi32>,
    %swap3A_906 = vector.shape_cast %swap3A_905 : vector<16xi32> to vector<16xi32>
    %swap3A_907 = vector.shape_cast %sub3A_903 : vector<16xi32> to vector<16xi32>
    tpu.vector_store %arg4[%swap3A_904], %swap3A_907 {strides = array<i32>} : memref<512xi32, #tpu.memory_space<vmem>>, vector<16xi32>,
    %sub3A_908 = arith.constant 240 : i32
    %sub3A_909 = arith.subi %sub3A_787, %sub3A_908 : i32
    %sub3A_910 = vector.broadcast %sub3A_909 : i32 to vector<16xi32>
    %sub3A_911 = arith.subi %sub3A_910, %iota3A : vector<16xi32>
    %swap3A_912 = arith.constant 240 : index
    %swap3A_913 = tpu.vector_load %arg4[%swap3A_912] {strides = array<i32>} : memref<512xi32, #tpu.memory_space<vmem>>, vector<16xi32>,
    %swap3A_914 = vector.shape_cast %swap3A_913 : vector<16xi32> to vector<16xi32>
    %swap3A_915 = vector.shape_cast %sub3A_911 : vector<16xi32> to vector<16xi32>
    tpu.vector_store %arg4[%swap3A_912], %swap3A_915 {strides = array<i32>} : memref<512xi32, #tpu.memory_space<vmem>>, vector<16xi32>,
    %dma_start3A_916 = arith.constant 0 : i32
    %dma_start3A_917 = arith.constant 0 : i32
    %dma_start3A_918 = tpu.memref_slice %arg5[%dma_start3A_916, %dma_start3A_917] : memref<248x512xf32, #tpu.memory_space<vmem>> -> memref<128x512xf32, #tpu.memory_space<vmem>>
    %dma_start3A_919 = arith.constant 0 : i32
    %dma_start3A_920 = tpu.memref_slice %arg4[%dma_start3A_919] : memref<512xi32, #tpu.memory_space<vmem>> -> memref<128xi32, #tpu.memory_space<vmem>>
    %dma_start3A_921 = arith.constant 0 : i32
    %dma_start3A_922 = arith.constant 0 : i32
    %dma_start3A_923 = tpu.memref_slice %arg2[%dma_start3A_921, %dma_start3A_922] : memref<8191x512xf32, #tpu.memory_space<hbm>> -> memref<8191x512xf32, #tpu.memory_space<hbm>>
    tpu.enqueue_indirect_dma source(%dma_start3A_923 : memref<8191x512xf32, #tpu.memory_space<hbm>>) target(%dma_start3A_918 : memref<128x512xf32, #tpu.memory_space<vmem>>) offsets(%dma_start3A_920 : memref<128xi32, #tpu.memory_space<vmem>>) semaphore(%arg6 : memref<!tpu.dma_semaphore, #tpu.memory_space<semaphore_mem>>)
    %dma_start3A_924 = arith.constant 128 : i32
    %dma_start3A_925 = arith.constant 0 : i32
    %dma_start3A_926 = tpu.memref_slice %arg5[%dma_start3A_924, %dma_start3A_925] : memref<248x512xf32, #tpu.memory_space<vmem>> -> memref<48x512xf32, #tpu.memory_space<vmem>>
    %dma_start3A_927 = arith.constant 128 : i32
    %dma_start3A_928 = tpu.memref_slice %arg4[%dma_start3A_927] : memref<512xi32, #tpu.memory_space<vmem>> -> memref<48xi32, #tpu.memory_space<vmem>>
    %dma_start3A_929 = arith.constant 0 : i32
    %dma_start3A_930 = arith.constant 0 : i32
    %dma_start3A_931 = tpu.memref_slice %arg2[%dma_start3A_929, %dma_start3A_930] : memref<8191x512xf32, #tpu.memory_space<hbm>> -> memref<8191x512xf32, #tpu.memory_space<hbm>>
    tpu.enqueue_indirect_dma source(%dma_start3A_931 : memref<8191x512xf32, #tpu.memory_space<hbm>>) target(%dma_start3A_926 : memref<48x512xf32, #tpu.memory_space<vmem>>) offsets(%dma_start3A_928 : memref<48xi32, #tpu.memory_space<vmem>>) semaphore(%arg7 : memref<!tpu.dma_semaphore, #tpu.memory_space<semaphore_mem>>)
    %dma_start3A_932 = arith.constant 176 : i32
    %dma_start3A_933 = arith.constant 0 : i32
    %dma_start3A_934 = tpu.memref_slice %arg5[%dma_start3A_932, %dma_start3A_933] : memref<248x512xf32, #tpu.memory_space<vmem>> -> memref<72x512xf32, #tpu.memory_space<vmem>>
    %dma_start3A_935 = arith.constant 176 : i32
    %dma_start3A_936 = tpu.memref_slice %arg4[%dma_start3A_935] : memref<512xi32, #tpu.memory_space<vmem>> -> memref<72xi32, #tpu.memory_space<vmem>>
    %dma_start3A_937 = arith.constant 0 : i32
    %dma_start3A_938 = arith.constant 0 : i32
    %dma_start3A_939 = tpu.memref_slice %arg2[%dma_start3A_937, %dma_start3A_938] : memref<8191x512xf32, #tpu.memory_space<hbm>> -> memref<8191x512xf32, #tpu.memory_space<hbm>>
    tpu.enqueue_indirect_dma source(%dma_start3A_939 : memref<8191x512xf32, #tpu.memory_space<hbm>>) target(%dma_start3A_934 : memref<72x512xf32, #tpu.memory_space<vmem>>) offsets(%dma_start3A_936 : memref<72xi32, #tpu.memory_space<vmem>>) semaphore(%arg8 : memref<!tpu.dma_semaphore, #tpu.memory_space<semaphore_mem>>)
    %dma_wait3A_940 = arith.constant 0 : i32
    %dma_wait3A_941 = arith.constant 0 : i32
    %dma_wait3A_942 = tpu.memref_slice %arg5[%dma_wait3A_940, %dma_wait3A_941] : memref<248x512xf32, #tpu.memory_space<vmem>> -> memref<128x512xf32, #tpu.memory_space<vmem>>
    %dma_wait3A_943 = arith.constant 0 : i32
    %dma_wait3A_944 = tpu.memref_slice %arg4[%dma_wait3A_943] : memref<512xi32, #tpu.memory_space<vmem>> -> memref<128xi32, #tpu.memory_space<vmem>>
    %dma_wait3A_945 = arith.constant 0 : i32
    %dma_wait3A_946 = arith.constant 0 : i32
    %dma_wait3A_947 = tpu.memref_slice %arg2[%dma_wait3A_945, %dma_wait3A_946] : memref<8191x512xf32, #tpu.memory_space<hbm>> -> memref<8191x512xf32, #tpu.memory_space<hbm>>
    tpu.wait_indirect_dma semaphore(%arg6 : memref<!tpu.dma_semaphore, #tpu.memory_space<semaphore_mem>>) src(%dma_wait3A_947 : memref<8191x512xf32, #tpu.memory_space<hbm>>) dst(%dma_wait3A_942 : memref<128x512xf32, #tpu.memory_space<vmem>>)
    %add3A_948 = arith.constant 120 : i32
    %add3A_949 = arith.addi %add3A_778, %add3A_948 : i32
    %mul3A_950 = arith.constant 512 : i32
    %mul3A_951 = arith.muli %add3A_949, %mul3A_950 : i32
    %add3A_952 = arith.addi %mul3A_951, %mul3A_780 : i32
    %dma_start3A_953 = arith.constant 0 : i32
    %dma_start3A_954 = arith.constant 0 : i32
    %dma_start3A_955 = tpu.memref_slice %arg5[%dma_start3A_953, %dma_start3A_954] : memref<248x512xf32, #tpu.memory_space<vmem>> -> memref<128x512xf32, #tpu.memory_space<vmem>>
    %dma_start3A_956 = arith.constant 0 : i32
    %dma_start3A_957 = tpu.memref_slice %arg3[%add3A_952, %dma_start3A_956] : memref<262144x512xf32, #tpu.memory_space<hbm>> -> memref<128x512xf32, #tpu.memory_space<hbm>>
    %dma_start3A_958 = arith.constant 0 : i32
    %dma_start3A_959 = tpu.memref_slice %arg3[%add3A_952, %dma_start3A_958] : memref<262144x512xf32, #tpu.memory_space<hbm>> -> memref<128x512xf32, #tpu.memory_space<hbm>>
    %dma_start3A_960 = arith.constant 0 : i32
    %dma_start3A_961 = arith.constant 0 : i32
    %dma_start3A_962 = tpu.memref_slice %arg5[%dma_start3A_960, %dma_start3A_961] : memref<248x512xf32, #tpu.memory_space<vmem>> -> memref<128x512xf32, #tpu.memory_space<vmem>>
    tpu.enqueue_dma source(%dma_start3A_962 : memref<128x512xf32, #tpu.memory_space<vmem>>) target(%dma_start3A_959 : memref<128x512xf32, #tpu.memory_space<hbm>>) target_semaphore(%arg9 : memref<!tpu.dma_semaphore, #tpu.memory_space<semaphore_mem>>)
    %dma_wait3A_963 = arith.constant 128 : i32
    %dma_wait3A_964 = arith.constant 0 : i32
    %dma_wait3A_965 = tpu.memref_slice %arg5[%dma_wait3A_963, %dma_wait3A_964] : memref<248x512xf32, #tpu.memory_space<vmem>> -> memref<48x512xf32, #tpu.memory_space<vmem>>
    %dma_wait3A_966 = arith.constant 128 : i32
    %dma_wait3A_967 = tpu.memref_slice %arg4[%dma_wait3A_966] : memref<512xi32, #tpu.memory_space<vmem>> -> memref<48xi32, #tpu.memory_space<vmem>>
    %dma_wait3A_968 = arith.constant 0 : i32
    %dma_wait3A_969 = arith.constant 0 : i32
    %dma_wait3A_970 = tpu.memref_slice %arg2[%dma_wait3A_968, %dma_wait3A_969] : memref<8191x512xf32, #tpu.memory_space<hbm>> -> memref<8191x512xf32, #tpu.memory_space<hbm>>
    tpu.wait_indirect_dma semaphore(%arg7 : memref<!tpu.dma_semaphore, #tpu.memory_space<semaphore_mem>>) src(%dma_wait3A_970 : memref<8191x512xf32, #tpu.memory_space<hbm>>) dst(%dma_wait3A_965 : memref<48x512xf32, #tpu.memory_space<vmem>>)
    %add3A_971 = arith.constant 72 : i32
    %add3A_972 = arith.addi %add3A_778, %add3A_971 : i32
    %mul3A_973 = arith.constant 512 : i32
    %mul3A_974 = arith.muli %add3A_972, %mul3A_973 : i32
    %add3A_975 = arith.addi %mul3A_974, %mul3A_780 : i32
    %dma_start3A_976 = arith.constant 48 : i32
    %dma_start3A_977 = arith.constant 0 : i32
    %dma_start3A_978 = tpu.memref_slice %arg5[%dma_start3A_976, %dma_start3A_977] : memref<248x512xf32, #tpu.memory_space<vmem>> -> memref<128x512xf32, #tpu.memory_space<vmem>>
    %dma_start3A_979 = arith.constant 0 : i32
    %dma_start3A_980 = tpu.memref_slice %arg3[%add3A_975, %dma_start3A_979] : memref<262144x512xf32, #tpu.memory_space<hbm>> -> memref<128x512xf32, #tpu.memory_space<hbm>>
    %dma_start3A_981 = arith.constant 0 : i32
    %dma_start3A_982 = tpu.memref_slice %arg3[%add3A_975, %dma_start3A_981] : memref<262144x512xf32, #tpu.memory_space<hbm>> -> memref<128x512xf32, #tpu.memory_space<hbm>>
    %dma_start3A_983 = arith.constant 48 : i32
    %dma_start3A_984 = arith.constant 0 : i32
    %dma_start3A_985 = tpu.memref_slice %arg5[%dma_start3A_983, %dma_start3A_984] : memref<248x512xf32, #tpu.memory_space<vmem>> -> memref<128x512xf32, #tpu.memory_space<vmem>>
    tpu.enqueue_dma source(%dma_start3A_985 : memref<128x512xf32, #tpu.memory_space<vmem>>) target(%dma_start3A_982 : memref<128x512xf32, #tpu.memory_space<hbm>>) target_semaphore(%arg9 : memref<!tpu.dma_semaphore, #tpu.memory_space<semaphore_mem>>)
    %add3A_986 = arith.constant 80 : i32
    %add3A_987 = arith.addi %add3A_778, %add3A_986 : i32
    %mul3A_988 = arith.constant 512 : i32
    %mul3A_989 = arith.muli %add3A_987, %mul3A_988 : i32
    %add3A_990 = arith.addi %mul3A_989, %mul3A_780 : i32
    %dma_start3A_991 = arith.constant 40 : i32
    %dma_start3A_992 = arith.constant 0 : i32
    %dma_start3A_993 = tpu.memref_slice %arg5[%dma_start3A_991, %dma_start3A_992] : memref<248x512xf32, #tpu.memory_space<vmem>> -> memref<128x512xf32, #tpu.memory_space<vmem>>
    %dma_start3A_994 = arith.constant 0 : i32
    %dma_start3A_995 = tpu.memref_slice %arg3[%add3A_990, %dma_start3A_994] : memref<262144x512xf32, #tpu.memory_space<hbm>> -> memref<128x512xf32, #tpu.memory_space<hbm>>
    %dma_start3A_996 = arith.constant 0 : i32
    %dma_start3A_997 = tpu.memref_slice %arg3[%add3A_990, %dma_start3A_996] : memref<262144x512xf32, #tpu.memory_space<hbm>> -> memref<128x512xf32, #tpu.memory_space<hbm>>
    %dma_start3A_998 = arith.constant 40 : i32
    %dma_start3A_999 = arith.constant 0 : i32
    %dma_start3A_1000 = tpu.memref_slice %arg5[%dma_start3A_998, %dma_start3A_999] : memref<248x512xf32, #tpu.memory_space<vmem>> -> memref<128x512xf32, #tpu.memory_space<vmem>>
    tpu.enqueue_dma source(%dma_start3A_1000 : memref<128x512xf32, #tpu.memory_space<vmem>>) target(%dma_start3A_997 : memref<128x512xf32, #tpu.memory_space<hbm>>) target_semaphore(%arg9 : memref<!tpu.dma_semaphore, #tpu.memory_space<semaphore_mem>>)
    %add3A_1001 = arith.constant 88 : i32
    %add3A_1002 = arith.addi %add3A_778, %add3A_1001 : i32
    %mul3A_1003 = arith.constant 512 : i32
    %mul3A_1004 = arith.muli %add3A_1002, %mul3A_1003 : i32
    %add3A_1005 = arith.addi %mul3A_1004, %mul3A_780 : i32
    %dma_start3A_1006 = arith.constant 32 : i32
    %dma_start3A_1007 = arith.constant 0 : i32
    %dma_start3A_1008 = tpu.memref_slice %arg5[%dma_start3A_1006, %dma_start3A_1007] : memref<248x512xf32, #tpu.memory_space<vmem>> -> memref<128x512xf32, #tpu.memory_space<vmem>>
    %dma_start3A_1009 = arith.constant 0 : i32
    %dma_start3A_1010 = tpu.memref_slice %arg3[%add3A_1005, %dma_start3A_1009] : memref<262144x512xf32, #tpu.memory_space<hbm>> -> memref<128x512xf32, #tpu.memory_space<hbm>>
    %dma_start3A_1011 = arith.constant 0 : i32
    %dma_start3A_1012 = tpu.memref_slice %arg3[%add3A_1005, %dma_start3A_1011] : memref<262144x512xf32, #tpu.memory_space<hbm>> -> memref<128x512xf32, #tpu.memory_space<hbm>>
    %dma_start3A_1013 = arith.constant 32 : i32
    %dma_start3A_1014 = arith.constant 0 : i32
    %dma_start3A_1015 = tpu.memref_slice %arg5[%dma_start3A_1013, %dma_start3A_1014] : memref<248x512xf32, #tpu.memory_space<vmem>> -> memref<128x512xf32, #tpu.memory_space<vmem>>
    tpu.enqueue_dma source(%dma_start3A_1015 : memref<128x512xf32, #tpu.memory_space<vmem>>) target(%dma_start3A_1012 : memref<128x512xf32, #tpu.memory_space<hbm>>) target_semaphore(%arg9 : memref<!tpu.dma_semaphore, #tpu.memory_space<semaphore_mem>>)
    %add3A_1016 = arith.constant 96 : i32
    %add3A_1017 = arith.addi %add3A_778, %add3A_1016 : i32
    %mul3A_1018 = arith.constant 512 : i32
    %mul3A_1019 = arith.muli %add3A_1017, %mul3A_1018 : i32
    %add3A_1020 = arith.addi %mul3A_1019, %mul3A_780 : i32
    %dma_start3A_1021 = arith.constant 24 : i32
    %dma_start3A_1022 = arith.constant 0 : i32
    %dma_start3A_1023 = tpu.memref_slice %arg5[%dma_start3A_1021, %dma_start3A_1022] : memref<248x512xf32, #tpu.memory_space<vmem>> -> memref<128x512xf32, #tpu.memory_space<vmem>>
    %dma_start3A_1024 = arith.constant 0 : i32
    %dma_start3A_1025 = tpu.memref_slice %arg3[%add3A_1020, %dma_start3A_1024] : memref<262144x512xf32, #tpu.memory_space<hbm>> -> memref<128x512xf32, #tpu.memory_space<hbm>>
    %dma_start3A_1026 = arith.constant 0 : i32
    %dma_start3A_1027 = tpu.memref_slice %arg3[%add3A_1020, %dma_start3A_1026] : memref<262144x512xf32, #tpu.memory_space<hbm>> -> memref<128x512xf32, #tpu.memory_space<hbm>>
    %dma_start3A_1028 = arith.constant 24 : i32
    %dma_start3A_1029 = arith.constant 0 : i32
    %dma_start3A_1030 = tpu.memref_slice %arg5[%dma_start3A_1028, %dma_start3A_1029] : memref<248x512xf32, #tpu.memory_space<vmem>> -> memref<128x512xf32, #tpu.memory_space<vmem>>
    tpu.enqueue_dma source(%dma_start3A_1030 : memref<128x512xf32, #tpu.memory_space<vmem>>) target(%dma_start3A_1027 : memref<128x512xf32, #tpu.memory_space<hbm>>) target_semaphore(%arg9 : memref<!tpu.dma_semaphore, #tpu.memory_space<semaphore_mem>>)
    %add3A_1031 = arith.constant 104 : i32
    %add3A_1032 = arith.addi %add3A_778, %add3A_1031 : i32
    %mul3A_1033 = arith.constant 512 : i32
    %mul3A_1034 = arith.muli %add3A_1032, %mul3A_1033 : i32
    %add3A_1035 = arith.addi %mul3A_1034, %mul3A_780 : i32
    %dma_start3A_1036 = arith.constant 16 : i32
    %dma_start3A_1037 = arith.constant 0 : i32
    %dma_start3A_1038 = tpu.memref_slice %arg5[%dma_start3A_1036, %dma_start3A_1037] : memref<248x512xf32, #tpu.memory_space<vmem>> -> memref<128x512xf32, #tpu.memory_space<vmem>>
    %dma_start3A_1039 = arith.constant 0 : i32
    %dma_start3A_1040 = tpu.memref_slice %arg3[%add3A_1035, %dma_start3A_1039] : memref<262144x512xf32, #tpu.memory_space<hbm>> -> memref<128x512xf32, #tpu.memory_space<hbm>>
    %dma_start3A_1041 = arith.constant 0 : i32
    %dma_start3A_1042 = tpu.memref_slice %arg3[%add3A_1035, %dma_start3A_1041] : memref<262144x512xf32, #tpu.memory_space<hbm>> -> memref<128x512xf32, #tpu.memory_space<hbm>>
    %dma_start3A_1043 = arith.constant 16 : i32
    %dma_start3A_1044 = arith.constant 0 : i32
    %dma_start3A_1045 = tpu.memref_slice %arg5[%dma_start3A_1043, %dma_start3A_1044] : memref<248x512xf32, #tpu.memory_space<vmem>> -> memref<128x512xf32, #tpu.memory_space<vmem>>
    tpu.enqueue_dma source(%dma_start3A_1045 : memref<128x512xf32, #tpu.memory_space<vmem>>) target(%dma_start3A_1042 : memref<128x512xf32, #tpu.memory_space<hbm>>) target_semaphore(%arg9 : memref<!tpu.dma_semaphore, #tpu.memory_space<semaphore_mem>>)
    %add3A_1046 = arith.constant 112 : i32
    %add3A_1047 = arith.addi %add3A_778, %add3A_1046 : i32
    %mul3A_1048 = arith.constant 512 : i32
    %mul3A_1049 = arith.muli %add3A_1047, %mul3A_1048 : i32
    %add3A_1050 = arith.addi %mul3A_1049, %mul3A_780 : i32
    %dma_start3A_1051 = arith.constant 8 : i32
    %dma_start3A_1052 = arith.constant 0 : i32
    %dma_start3A_1053 = tpu.memref_slice %arg5[%dma_start3A_1051, %dma_start3A_1052] : memref<248x512xf32, #tpu.memory_space<vmem>> -> memref<128x512xf32, #tpu.memory_space<vmem>>
    %dma_start3A_1054 = arith.constant 0 : i32
    %dma_start3A_1055 = tpu.memref_slice %arg3[%add3A_1050, %dma_start3A_1054] : memref<262144x512xf32, #tpu.memory_space<hbm>> -> memref<128x512xf32, #tpu.memory_space<hbm>>
    %dma_start3A_1056 = arith.constant 0 : i32
    %dma_start3A_1057 = tpu.memref_slice %arg3[%add3A_1050, %dma_start3A_1056] : memref<262144x512xf32, #tpu.memory_space<hbm>> -> memref<128x512xf32, #tpu.memory_space<hbm>>
    %dma_start3A_1058 = arith.constant 8 : i32
    %dma_start3A_1059 = arith.constant 0 : i32
    %dma_start3A_1060 = tpu.memref_slice %arg5[%dma_start3A_1058, %dma_start3A_1059] : memref<248x512xf32, #tpu.memory_space<vmem>> -> memref<128x512xf32, #tpu.memory_space<vmem>>
    tpu.enqueue_dma source(%dma_start3A_1060 : memref<128x512xf32, #tpu.memory_space<vmem>>) target(%dma_start3A_1057 : memref<128x512xf32, #tpu.memory_space<hbm>>) target_semaphore(%arg9 : memref<!tpu.dma_semaphore, #tpu.memory_space<semaphore_mem>>)
    %dma_wait3A_1061 = arith.constant 176 : i32
    %dma_wait3A_1062 = arith.constant 0 : i32
    %dma_wait3A_1063 = tpu.memref_slice %arg5[%dma_wait3A_1061, %dma_wait3A_1062] : memref<248x512xf32, #tpu.memory_space<vmem>> -> memref<72x512xf32, #tpu.memory_space<vmem>>
    %dma_wait3A_1064 = arith.constant 176 : i32
    %dma_wait3A_1065 = tpu.memref_slice %arg4[%dma_wait3A_1064] : memref<512xi32, #tpu.memory_space<vmem>> -> memref<72xi32, #tpu.memory_space<vmem>>
    %dma_wait3A_1066 = arith.constant 0 : i32
    %dma_wait3A_1067 = arith.constant 0 : i32
    %dma_wait3A_1068 = tpu.memref_slice %arg2[%dma_wait3A_1066, %dma_wait3A_1067] : memref<8191x512xf32, #tpu.memory_space<hbm>> -> memref<8191x512xf32, #tpu.memory_space<hbm>>
    tpu.wait_indirect_dma semaphore(%arg8 : memref<!tpu.dma_semaphore, #tpu.memory_space<semaphore_mem>>) src(%dma_wait3A_1068 : memref<8191x512xf32, #tpu.memory_space<hbm>>) dst(%dma_wait3A_1063 : memref<72x512xf32, #tpu.memory_space<vmem>>)
    %add3A_1069 = arith.constant 0 : i32
    %add3A_1070 = arith.addi %add3A_778, %add3A_1069 : i32
    %mul3A_1071 = arith.constant 512 : i32
    %mul3A_1072 = arith.muli %add3A_1070, %mul3A_1071 : i32
    %add3A_1073 = arith.addi %mul3A_1072, %mul3A_780 : i32
    %dma_start3A_1074 = arith.constant 120 : i32
    %dma_start3A_1075 = arith.constant 0 : i32
    %dma_start3A_1076 = tpu.memref_slice %arg5[%dma_start3A_1074, %dma_start3A_1075] : memref<248x512xf32, #tpu.memory_space<vmem>> -> memref<128x512xf32, #tpu.memory_space<vmem>>
    %dma_start3A_1077 = arith.constant 0 : i32
    %dma_start3A_1078 = tpu.memref_slice %arg3[%add3A_1073, %dma_start3A_1077] : memref<262144x512xf32, #tpu.memory_space<hbm>> -> memref<128x512xf32, #tpu.memory_space<hbm>>
    %dma_start3A_1079 = arith.constant 0 : i32
    %dma_start3A_1080 = tpu.memref_slice %arg3[%add3A_1073, %dma_start3A_1079] : memref<262144x512xf32, #tpu.memory_space<hbm>> -> memref<128x512xf32, #tpu.memory_space<hbm>>
    %dma_start3A_1081 = arith.constant 120 : i32
    %dma_start3A_1082 = arith.constant 0 : i32
    %dma_start3A_1083 = tpu.memref_slice %arg5[%dma_start3A_1081, %dma_start3A_1082] : memref<248x512xf32, #tpu.memory_space<vmem>> -> memref<128x512xf32, #tpu.memory_space<vmem>>
    tpu.enqueue_dma source(%dma_start3A_1083 : memref<128x512xf32, #tpu.memory_space<vmem>>) target(%dma_start3A_1080 : memref<128x512xf32, #tpu.memory_space<hbm>>) target_semaphore(%arg9 : memref<!tpu.dma_semaphore, #tpu.memory_space<semaphore_mem>>)
    %add3A_1084 = arith.constant 8 : i32
    %add3A_1085 = arith.addi %add3A_778, %add3A_1084 : i32
    %mul3A_1086 = arith.constant 512 : i32
    %mul3A_1087 = arith.muli %add3A_1085, %mul3A_1086 : i32
    %add3A_1088 = arith.addi %mul3A_1087, %mul3A_780 : i32
    %dma_start3A_1089 = arith.constant 112 : i32
    %dma_start3A_1090 = arith.constant 0 : i32
    %dma_start3A_1091 = tpu.memref_slice %arg5[%dma_start3A_1089, %dma_start3A_1090] : memref<248x512xf32, #tpu.memory_space<vmem>> -> memref<128x512xf32, #tpu.memory_space<vmem>>
    %dma_start3A_1092 = arith.constant 0 : i32
    %dma_start3A_1093 = tpu.memref_slice %arg3[%add3A_1088, %dma_start3A_1092] : memref<262144x512xf32, #tpu.memory_space<hbm>> -> memref<128x512xf32, #tpu.memory_space<hbm>>
    %dma_start3A_1094 = arith.constant 0 : i32
    %dma_start3A_1095 = tpu.memref_slice %arg3[%add3A_1088, %dma_start3A_1094] : memref<262144x512xf32, #tpu.memory_space<hbm>> -> memref<128x512xf32, #tpu.memory_space<hbm>>
    %dma_start3A_1096 = arith.constant 112 : i32
    %dma_start3A_1097 = arith.constant 0 : i32
    %dma_start3A_1098 = tpu.memref_slice %arg5[%dma_start3A_1096, %dma_start3A_1097] : memref<248x512xf32, #tpu.memory_space<vmem>> -> memref<128x512xf32, #tpu.memory_space<vmem>>
    tpu.enqueue_dma source(%dma_start3A_1098 : memref<128x512xf32, #tpu.memory_space<vmem>>) target(%dma_start3A_1095 : memref<128x512xf32, #tpu.memory_space<hbm>>) target_semaphore(%arg9 : memref<!tpu.dma_semaphore, #tpu.memory_space<semaphore_mem>>)
    %add3A_1099 = arith.constant 16 : i32
    %add3A_1100 = arith.addi %add3A_778, %add3A_1099 : i32
    %mul3A_1101 = arith.constant 512 : i32
    %mul3A_1102 = arith.muli %add3A_1100, %mul3A_1101 : i32
    %add3A_1103 = arith.addi %mul3A_1102, %mul3A_780 : i32
    %dma_start3A_1104 = arith.constant 104 : i32
    %dma_start3A_1105 = arith.constant 0 : i32
    %dma_start3A_1106 = tpu.memref_slice %arg5[%dma_start3A_1104, %dma_start3A_1105] : memref<248x512xf32, #tpu.memory_space<vmem>> -> memref<128x512xf32, #tpu.memory_space<vmem>>
    %dma_start3A_1107 = arith.constant 0 : i32
    %dma_start3A_1108 = tpu.memref_slice %arg3[%add3A_1103, %dma_start3A_1107] : memref<262144x512xf32, #tpu.memory_space<hbm>> -> memref<128x512xf32, #tpu.memory_space<hbm>>
    %dma_start3A_1109 = arith.constant 0 : i32
    %dma_start3A_1110 = tpu.memref_slice %arg3[%add3A_1103, %dma_start3A_1109] : memref<262144x512xf32, #tpu.memory_space<hbm>> -> memref<128x512xf32, #tpu.memory_space<hbm>>
    %dma_start3A_1111 = arith.constant 104 : i32
    %dma_start3A_1112 = arith.constant 0 : i32
    %dma_start3A_1113 = tpu.memref_slice %arg5[%dma_start3A_1111, %dma_start3A_1112] : memref<248x512xf32, #tpu.memory_space<vmem>> -> memref<128x512xf32, #tpu.memory_space<vmem>>
    tpu.enqueue_dma source(%dma_start3A_1113 : memref<128x512xf32, #tpu.memory_space<vmem>>) target(%dma_start3A_1110 : memref<128x512xf32, #tpu.memory_space<hbm>>) target_semaphore(%arg9 : memref<!tpu.dma_semaphore, #tpu.memory_space<semaphore_mem>>)
    %add3A_1114 = arith.constant 24 : i32
    %add3A_1115 = arith.addi %add3A_778, %add3A_1114 : i32
    %mul3A_1116 = arith.constant 512 : i32
    %mul3A_1117 = arith.muli %add3A_1115, %mul3A_1116 : i32
    %add3A_1118 = arith.addi %mul3A_1117, %mul3A_780 : i32
    %dma_start3A_1119 = arith.constant 96 : i32
    %dma_start3A_1120 = arith.constant 0 : i32
    %dma_start3A_1121 = tpu.memref_slice %arg5[%dma_start3A_1119, %dma_start3A_1120] : memref<248x512xf32, #tpu.memory_space<vmem>> -> memref<128x512xf32, #tpu.memory_space<vmem>>
    %dma_start3A_1122 = arith.constant 0 : i32
    %dma_start3A_1123 = tpu.memref_slice %arg3[%add3A_1118, %dma_start3A_1122] : memref<262144x512xf32, #tpu.memory_space<hbm>> -> memref<128x512xf32, #tpu.memory_space<hbm>>
    %dma_start3A_1124 = arith.constant 0 : i32
    %dma_start3A_1125 = tpu.memref_slice %arg3[%add3A_1118, %dma_start3A_1124] : memref<262144x512xf32, #tpu.memory_space<hbm>> -> memref<128x512xf32, #tpu.memory_space<hbm>>
    %dma_start3A_1126 = arith.constant 96 : i32
    %dma_start3A_1127 = arith.constant 0 : i32
    %dma_start3A_1128 = tpu.memref_slice %arg5[%dma_start3A_1126, %dma_start3A_1127] : memref<248x512xf32, #tpu.memory_space<vmem>> -> memref<128x512xf32, #tpu.memory_space<vmem>>
    tpu.enqueue_dma source(%dma_start3A_1128 : memref<128x512xf32, #tpu.memory_space<vmem>>) target(%dma_start3A_1125 : memref<128x512xf32, #tpu.memory_space<hbm>>) target_semaphore(%arg9 : memref<!tpu.dma_semaphore, #tpu.memory_space<semaphore_mem>>)
    %add3A_1129 = arith.constant 32 : i32
    %add3A_1130 = arith.addi %add3A_778, %add3A_1129 : i32
    %mul3A_1131 = arith.constant 512 : i32
    %mul3A_1132 = arith.muli %add3A_1130, %mul3A_1131 : i32
    %add3A_1133 = arith.addi %mul3A_1132, %mul3A_780 : i32
    %dma_start3A_1134 = arith.constant 88 : i32
    %dma_start3A_1135 = arith.constant 0 : i32
    %dma_start3A_1136 = tpu.memref_slice %arg5[%dma_start3A_1134, %dma_start3A_1135] : memref<248x512xf32, #tpu.memory_space<vmem>> -> memref<128x512xf32, #tpu.memory_space<vmem>>
    %dma_start3A_1137 = arith.constant 0 : i32
    %dma_start3A_1138 = tpu.memref_slice %arg3[%add3A_1133, %dma_start3A_1137] : memref<262144x512xf32, #tpu.memory_space<hbm>> -> memref<128x512xf32, #tpu.memory_space<hbm>>
    %dma_start3A_1139 = arith.constant 0 : i32
    %dma_start3A_1140 = tpu.memref_slice %arg3[%add3A_1133, %dma_start3A_1139] : memref<262144x512xf32, #tpu.memory_space<hbm>> -> memref<128x512xf32, #tpu.memory_space<hbm>>
    %dma_start3A_1141 = arith.constant 88 : i32
    %dma_start3A_1142 = arith.constant 0 : i32
    %dma_start3A_1143 = tpu.memref_slice %arg5[%dma_start3A_1141, %dma_start3A_1142] : memref<248x512xf32, #tpu.memory_space<vmem>> -> memref<128x512xf32, #tpu.memory_space<vmem>>
    tpu.enqueue_dma source(%dma_start3A_1143 : memref<128x512xf32, #tpu.memory_space<vmem>>) target(%dma_start3A_1140 : memref<128x512xf32, #tpu.memory_space<hbm>>) target_semaphore(%arg9 : memref<!tpu.dma_semaphore, #tpu.memory_space<semaphore_mem>>)
    %add3A_1144 = arith.constant 40 : i32
    %add3A_1145 = arith.addi %add3A_778, %add3A_1144 : i32
    %mul3A_1146 = arith.constant 512 : i32
    %mul3A_1147 = arith.muli %add3A_1145, %mul3A_1146 : i32
    %add3A_1148 = arith.addi %mul3A_1147, %mul3A_780 : i32
    %dma_start3A_1149 = arith.constant 80 : i32
    %dma_start3A_1150 = arith.constant 0 : i32
    %dma_start3A_1151 = tpu.memref_slice %arg5[%dma_start3A_1149, %dma_start3A_1150] : memref<248x512xf32, #tpu.memory_space<vmem>> -> memref<128x512xf32, #tpu.memory_space<vmem>>
    %dma_start3A_1152 = arith.constant 0 : i32
    %dma_start3A_1153 = tpu.memref_slice %arg3[%add3A_1148, %dma_start3A_1152] : memref<262144x512xf32, #tpu.memory_space<hbm>> -> memref<128x512xf32, #tpu.memory_space<hbm>>
    %dma_start3A_1154 = arith.constant 0 : i32
    %dma_start3A_1155 = tpu.memref_slice %arg3[%add3A_1148, %dma_start3A_1154] : memref<262144x512xf32, #tpu.memory_space<hbm>> -> memref<128x512xf32, #tpu.memory_space<hbm>>
    %dma_start3A_1156 = arith.constant 80 : i32
    %dma_start3A_1157 = arith.constant 0 : i32
    %dma_start3A_1158 = tpu.memref_slice %arg5[%dma_start3A_1156, %dma_start3A_1157] : memref<248x512xf32, #tpu.memory_space<vmem>> -> memref<128x512xf32, #tpu.memory_space<vmem>>
    tpu.enqueue_dma source(%dma_start3A_1158 : memref<128x512xf32, #tpu.memory_space<vmem>>) target(%dma_start3A_1155 : memref<128x512xf32, #tpu.memory_space<hbm>>) target_semaphore(%arg9 : memref<!tpu.dma_semaphore, #tpu.memory_space<semaphore_mem>>)
    %add3A_1159 = arith.constant 48 : i32
    %add3A_1160 = arith.addi %add3A_778, %add3A_1159 : i32
    %mul3A_1161 = arith.constant 512 : i32
    %mul3A_1162 = arith.muli %add3A_1160, %mul3A_1161 : i32
    %add3A_1163 = arith.addi %mul3A_1162, %mul3A_780 : i32
    %dma_start3A_1164 = arith.constant 72 : i32
    %dma_start3A_1165 = arith.constant 0 : i32
    %dma_start3A_1166 = tpu.memref_slice %arg5[%dma_start3A_1164, %dma_start3A_1165] : memref<248x512xf32, #tpu.memory_space<vmem>> -> memref<128x512xf32, #tpu.memory_space<vmem>>
    %dma_start3A_1167 = arith.constant 0 : i32
    %dma_start3A_1168 = tpu.memref_slice %arg3[%add3A_1163, %dma_start3A_1167] : memref<262144x512xf32, #tpu.memory_space<hbm>> -> memref<128x512xf32, #tpu.memory_space<hbm>>
    %dma_start3A_1169 = arith.constant 0 : i32
    %dma_start3A_1170 = tpu.memref_slice %arg3[%add3A_1163, %dma_start3A_1169] : memref<262144x512xf32, #tpu.memory_space<hbm>> -> memref<128x512xf32, #tpu.memory_space<hbm>>
    %dma_start3A_1171 = arith.constant 72 : i32
    %dma_start3A_1172 = arith.constant 0 : i32
    %dma_start3A_1173 = tpu.memref_slice %arg5[%dma_start3A_1171, %dma_start3A_1172] : memref<248x512xf32, #tpu.memory_space<vmem>> -> memref<128x512xf32, #tpu.memory_space<vmem>>
    tpu.enqueue_dma source(%dma_start3A_1173 : memref<128x512xf32, #tpu.memory_space<vmem>>) target(%dma_start3A_1170 : memref<128x512xf32, #tpu.memory_space<hbm>>) target_semaphore(%arg9 : memref<!tpu.dma_semaphore, #tpu.memory_space<semaphore_mem>>)
    %add3A_1174 = arith.constant 56 : i32
    %add3A_1175 = arith.addi %add3A_778, %add3A_1174 : i32
    %mul3A_1176 = arith.constant 512 : i32
    %mul3A_1177 = arith.muli %add3A_1175, %mul3A_1176 : i32
    %add3A_1178 = arith.addi %mul3A_1177, %mul3A_780 : i32
    %dma_start3A_1179 = arith.constant 64 : i32
    %dma_start3A_1180 = arith.constant 0 : i32
    %dma_start3A_1181 = tpu.memref_slice %arg5[%dma_start3A_1179, %dma_start3A_1180] : memref<248x512xf32, #tpu.memory_space<vmem>> -> memref<128x512xf32, #tpu.memory_space<vmem>>
    %dma_start3A_1182 = arith.constant 0 : i32
    %dma_start3A_1183 = tpu.memref_slice %arg3[%add3A_1178, %dma_start3A_1182] : memref<262144x512xf32, #tpu.memory_space<hbm>> -> memref<128x512xf32, #tpu.memory_space<hbm>>
    %dma_start3A_1184 = arith.constant 0 : i32
    %dma_start3A_1185 = tpu.memref_slice %arg3[%add3A_1178, %dma_start3A_1184] : memref<262144x512xf32, #tpu.memory_space<hbm>> -> memref<128x512xf32, #tpu.memory_space<hbm>>
    %dma_start3A_1186 = arith.constant 64 : i32
    %dma_start3A_1187 = arith.constant 0 : i32
    %dma_start3A_1188 = tpu.memref_slice %arg5[%dma_start3A_1186, %dma_start3A_1187] : memref<248x512xf32, #tpu.memory_space<vmem>> -> memref<128x512xf32, #tpu.memory_space<vmem>>
    tpu.enqueue_dma source(%dma_start3A_1188 : memref<128x512xf32, #tpu.memory_space<vmem>>) target(%dma_start3A_1185 : memref<128x512xf32, #tpu.memory_space<hbm>>) target_semaphore(%arg9 : memref<!tpu.dma_semaphore, #tpu.memory_space<semaphore_mem>>)
    %add3A_1189 = arith.constant 64 : i32
    %add3A_1190 = arith.addi %add3A_778, %add3A_1189 : i32
    %mul3A_1191 = arith.constant 512 : i32
    %mul3A_1192 = arith.muli %add3A_1190, %mul3A_1191 : i32
    %add3A_1193 = arith.addi %mul3A_1192, %mul3A_780 : i32
    %dma_start3A_1194 = arith.constant 56 : i32
    %dma_start3A_1195 = arith.constant 0 : i32
    %dma_start3A_1196 = tpu.memref_slice %arg5[%dma_start3A_1194, %dma_start3A_1195] : memref<248x512xf32, #tpu.memory_space<vmem>> -> memref<128x512xf32, #tpu.memory_space<vmem>>
    %dma_start3A_1197 = arith.constant 0 : i32
    %dma_start3A_1198 = tpu.memref_slice %arg3[%add3A_1193, %dma_start3A_1197] : memref<262144x512xf32, #tpu.memory_space<hbm>> -> memref<128x512xf32, #tpu.memory_space<hbm>>
    %dma_start3A_1199 = arith.constant 0 : i32
    %dma_start3A_1200 = tpu.memref_slice %arg3[%add3A_1193, %dma_start3A_1199] : memref<262144x512xf32, #tpu.memory_space<hbm>> -> memref<128x512xf32, #tpu.memory_space<hbm>>
    %dma_start3A_1201 = arith.constant 56 : i32
    %dma_start3A_1202 = arith.constant 0 : i32
    %dma_start3A_1203 = tpu.memref_slice %arg5[%dma_start3A_1201, %dma_start3A_1202] : memref<248x512xf32, #tpu.memory_space<vmem>> -> memref<128x512xf32, #tpu.memory_space<vmem>>
    tpu.enqueue_dma source(%dma_start3A_1203 : memref<128x512xf32, #tpu.memory_space<vmem>>) target(%dma_start3A_1200 : memref<128x512xf32, #tpu.memory_space<hbm>>) target_semaphore(%arg9 : memref<!tpu.dma_semaphore, #tpu.memory_space<semaphore_mem>>)
    %dma_wait3A_1204 = arith.constant 0 : i32
    %dma_wait3A_1205 = arith.constant 0 : i32
    %dma_wait3A_1206 = tpu.memref_slice %arg5[%dma_wait3A_1204, %dma_wait3A_1205] : memref<248x512xf32, #tpu.memory_space<vmem>> -> memref<128x512xf32, #tpu.memory_space<vmem>>
    %dma_wait3A_1207 = arith.constant 0 : i32
    %dma_wait3A_1208 = arith.constant 0 : i32
    %dma_wait3A_1209 = tpu.memref_slice %arg3[%dma_wait3A_1207, %dma_wait3A_1208] : memref<262144x512xf32, #tpu.memory_space<hbm>> -> memref<128x512xf32, #tpu.memory_space<hbm>>
    %dma_wait3A_1210 = arith.constant 0 : i32
    %dma_wait3A_1211 = arith.constant 0 : i32
    %dma_wait3A_1212 = tpu.memref_slice %arg3[%dma_wait3A_1210, %dma_wait3A_1211] : memref<262144x512xf32, #tpu.memory_space<hbm>> -> memref<128x512xf32, #tpu.memory_space<hbm>>
    %dma_wait3A_1213 = arith.constant 0 : i32
    %dma_wait3A_1214 = arith.constant 0 : i32
    %dma_wait3A_1215 = tpu.memref_slice %arg5[%dma_wait3A_1213, %dma_wait3A_1214] : memref<248x512xf32, #tpu.memory_space<vmem>> -> memref<128x512xf32, #tpu.memory_space<vmem>>
    tpu.wait_dma2 semaphore(%arg9 : memref<!tpu.dma_semaphore, #tpu.memory_space<semaphore_mem>>) src(%dma_wait3A_1215 : memref<128x512xf32, #tpu.memory_space<vmem>>) dst(%dma_wait3A_1212 : memref<128x512xf32, #tpu.memory_space<hbm>>)
    %dma_wait3A_1216 = arith.constant 0 : i32
    %dma_wait3A_1217 = arith.constant 0 : i32
    %dma_wait3A_1218 = tpu.memref_slice %arg5[%dma_wait3A_1216, %dma_wait3A_1217] : memref<248x512xf32, #tpu.memory_space<vmem>> -> memref<128x512xf32, #tpu.memory_space<vmem>>
    %dma_wait3A_1219 = arith.constant 0 : i32
    %dma_wait3A_1220 = arith.constant 0 : i32
    %dma_wait3A_1221 = tpu.memref_slice %arg3[%dma_wait3A_1219, %dma_wait3A_1220] : memref<262144x512xf32, #tpu.memory_space<hbm>> -> memref<128x512xf32, #tpu.memory_space<hbm>>
    %dma_wait3A_1222 = arith.constant 0 : i32
    %dma_wait3A_1223 = arith.constant 0 : i32
    %dma_wait3A_1224 = tpu.memref_slice %arg3[%dma_wait3A_1222, %dma_wait3A_1223] : memref<262144x512xf32, #tpu.memory_space<hbm>> -> memref<128x512xf32, #tpu.memory_space<hbm>>
    %dma_wait3A_1225 = arith.constant 0 : i32
    %dma_wait3A_1226 = arith.constant 0 : i32
    %dma_wait3A_1227 = tpu.memref_slice %arg5[%dma_wait3A_1225, %dma_wait3A_1226] : memref<248x512xf32, #tpu.memory_space<vmem>> -> memref<128x512xf32, #tpu.memory_space<vmem>>
    tpu.wait_dma2 semaphore(%arg9 : memref<!tpu.dma_semaphore, #tpu.memory_space<semaphore_mem>>) src(%dma_wait3A_1227 : memref<128x512xf32, #tpu.memory_space<vmem>>) dst(%dma_wait3A_1224 : memref<128x512xf32, #tpu.memory_space<hbm>>)
    %dma_wait3A_1228 = arith.constant 0 : i32
    %dma_wait3A_1229 = arith.constant 0 : i32
    %dma_wait3A_1230 = tpu.memref_slice %arg5[%dma_wait3A_1228, %dma_wait3A_1229] : memref<248x512xf32, #tpu.memory_space<vmem>> -> memref<128x512xf32, #tpu.memory_space<vmem>>
    %dma_wait3A_1231 = arith.constant 0 : i32
    %dma_wait3A_1232 = arith.constant 0 : i32
    %dma_wait3A_1233 = tpu.memref_slice %arg3[%dma_wait3A_1231, %dma_wait3A_1232] : memref<262144x512xf32, #tpu.memory_space<hbm>> -> memref<128x512xf32, #tpu.memory_space<hbm>>
    %dma_wait3A_1234 = arith.constant 0 : i32
    %dma_wait3A_1235 = arith.constant 0 : i32
    %dma_wait3A_1236 = tpu.memref_slice %arg3[%dma_wait3A_1234, %dma_wait3A_1235] : memref<262144x512xf32, #tpu.memory_space<hbm>> -> memref<128x512xf32, #tpu.memory_space<hbm>>
    %dma_wait3A_1237 = arith.constant 0 : i32
    %dma_wait3A_1238 = arith.constant 0 : i32
    %dma_wait3A_1239 = tpu.memref_slice %arg5[%dma_wait3A_1237, %dma_wait3A_1238] : memref<248x512xf32, #tpu.memory_space<vmem>> -> memref<128x512xf32, #tpu.memory_space<vmem>>
    tpu.wait_dma2 semaphore(%arg9 : memref<!tpu.dma_semaphore, #tpu.memory_space<semaphore_mem>>) src(%dma_wait3A_1239 : memref<128x512xf32, #tpu.memory_space<vmem>>) dst(%dma_wait3A_1236 : memref<128x512xf32, #tpu.memory_space<hbm>>)
    %dma_wait3A_1240 = arith.constant 0 : i32
    %dma_wait3A_1241 = arith.constant 0 : i32
    %dma_wait3A_1242 = tpu.memref_slice %arg5[%dma_wait3A_1240, %dma_wait3A_1241] : memref<248x512xf32, #tpu.memory_space<vmem>> -> memref<128x512xf32, #tpu.memory_space<vmem>>
    %dma_wait3A_1243 = arith.constant 0 : i32
    %dma_wait3A_1244 = arith.constant 0 : i32
    %dma_wait3A_1245 = tpu.memref_slice %arg3[%dma_wait3A_1243, %dma_wait3A_1244] : memref<262144x512xf32, #tpu.memory_space<hbm>> -> memref<128x512xf32, #tpu.memory_space<hbm>>
    %dma_wait3A_1246 = arith.constant 0 : i32
    %dma_wait3A_1247 = arith.constant 0 : i32
    %dma_wait3A_1248 = tpu.memref_slice %arg3[%dma_wait3A_1246, %dma_wait3A_1247] : memref<262144x512xf32, #tpu.memory_space<hbm>> -> memref<128x512xf32, #tpu.memory_space<hbm>>
    %dma_wait3A_1249 = arith.constant 0 : i32
    %dma_wait3A_1250 = arith.constant 0 : i32
    %dma_wait3A_1251 = tpu.memref_slice %arg5[%dma_wait3A_1249, %dma_wait3A_1250] : memref<248x512xf32, #tpu.memory_space<vmem>> -> memref<128x512xf32, #tpu.memory_space<vmem>>
    tpu.wait_dma2 semaphore(%arg9 : memref<!tpu.dma_semaphore, #tpu.memory_space<semaphore_mem>>) src(%dma_wait3A_1251 : memref<128x512xf32, #tpu.memory_space<vmem>>) dst(%dma_wait3A_1248 : memref<128x512xf32, #tpu.memory_space<hbm>>)
    %dma_wait3A_1252 = arith.constant 0 : i32
    %dma_wait3A_1253 = arith.constant 0 : i32
    %dma_wait3A_1254 = tpu.memref_slice %arg5[%dma_wait3A_1252, %dma_wait3A_1253] : memref<248x512xf32, #tpu.memory_space<vmem>> -> memref<128x512xf32, #tpu.memory_space<vmem>>
    %dma_wait3A_1255 = arith.constant 0 : i32
    %dma_wait3A_1256 = arith.constant 0 : i32
    %dma_wait3A_1257 = tpu.memref_slice %arg3[%dma_wait3A_1255, %dma_wait3A_1256] : memref<262144x512xf32, #tpu.memory_space<hbm>> -> memref<128x512xf32, #tpu.memory_space<hbm>>
    %dma_wait3A_1258 = arith.constant 0 : i32
    %dma_wait3A_1259 = arith.constant 0 : i32
    %dma_wait3A_1260 = tpu.memref_slice %arg3[%dma_wait3A_1258, %dma_wait3A_1259] : memref<262144x512xf32, #tpu.memory_space<hbm>> -> memref<128x512xf32, #tpu.memory_space<hbm>>
    %dma_wait3A_1261 = arith.constant 0 : i32
    %dma_wait3A_1262 = arith.constant 0 : i32
    %dma_wait3A_1263 = tpu.memref_slice %arg5[%dma_wait3A_1261, %dma_wait3A_1262] : memref<248x512xf32, #tpu.memory_space<vmem>> -> memref<128x512xf32, #tpu.memory_space<vmem>>
    tpu.wait_dma2 semaphore(%arg9 : memref<!tpu.dma_semaphore, #tpu.memory_space<semaphore_mem>>) src(%dma_wait3A_1263 : memref<128x512xf32, #tpu.memory_space<vmem>>) dst(%dma_wait3A_1260 : memref<128x512xf32, #tpu.memory_space<hbm>>)
    %dma_wait3A_1264 = arith.constant 0 : i32
    %dma_wait3A_1265 = arith.constant 0 : i32
    %dma_wait3A_1266 = tpu.memref_slice %arg5[%dma_wait3A_1264, %dma_wait3A_1265] : memref<248x512xf32, #tpu.memory_space<vmem>> -> memref<128x512xf32, #tpu.memory_space<vmem>>
    %dma_wait3A_1267 = arith.constant 0 : i32
    %dma_wait3A_1268 = arith.constant 0 : i32
    %dma_wait3A_1269 = tpu.memref_slice %arg3[%dma_wait3A_1267, %dma_wait3A_1268] : memref<262144x512xf32, #tpu.memory_space<hbm>> -> memref<128x512xf32, #tpu.memory_space<hbm>>
    %dma_wait3A_1270 = arith.constant 0 : i32
    %dma_wait3A_1271 = arith.constant 0 : i32
    %dma_wait3A_1272 = tpu.memref_slice %arg3[%dma_wait3A_1270, %dma_wait3A_1271] : memref<262144x512xf32, #tpu.memory_space<hbm>> -> memref<128x512xf32, #tpu.memory_space<hbm>>
    %dma_wait3A_1273 = arith.constant 0 : i32
    %dma_wait3A_1274 = arith.constant 0 : i32
    %dma_wait3A_1275 = tpu.memref_slice %arg5[%dma_wait3A_1273, %dma_wait3A_1274] : memref<248x512xf32, #tpu.memory_space<vmem>> -> memref<128x512xf32, #tpu.memory_space<vmem>>
    tpu.wait_dma2 semaphore(%arg9 : memref<!tpu.dma_semaphore, #tpu.memory_space<semaphore_mem>>) src(%dma_wait3A_1275 : memref<128x512xf32, #tpu.memory_space<vmem>>) dst(%dma_wait3A_1272 : memref<128x512xf32, #tpu.memory_space<hbm>>)
    %dma_wait3A_1276 = arith.constant 0 : i32
    %dma_wait3A_1277 = arith.constant 0 : i32
    %dma_wait3A_1278 = tpu.memref_slice %arg5[%dma_wait3A_1276, %dma_wait3A_1277] : memref<248x512xf32, #tpu.memory_space<vmem>> -> memref<128x512xf32, #tpu.memory_space<vmem>>
    %dma_wait3A_1279 = arith.constant 0 : i32
    %dma_wait3A_1280 = arith.constant 0 : i32
    %dma_wait3A_1281 = tpu.memref_slice %arg3[%dma_wait3A_1279, %dma_wait3A_1280] : memref<262144x512xf32, #tpu.memory_space<hbm>> -> memref<128x512xf32, #tpu.memory_space<hbm>>
    %dma_wait3A_1282 = arith.constant 0 : i32
    %dma_wait3A_1283 = arith.constant 0 : i32
    %dma_wait3A_1284 = tpu.memref_slice %arg3[%dma_wait3A_1282, %dma_wait3A_1283] : memref<262144x512xf32, #tpu.memory_space<hbm>> -> memref<128x512xf32, #tpu.memory_space<hbm>>
    %dma_wait3A_1285 = arith.constant 0 : i32
    %dma_wait3A_1286 = arith.constant 0 : i32
    %dma_wait3A_1287 = tpu.memref_slice %arg5[%dma_wait3A_1285, %dma_wait3A_1286] : memref<248x512xf32, #tpu.memory_space<vmem>> -> memref<128x512xf32, #tpu.memory_space<vmem>>
    tpu.wait_dma2 semaphore(%arg9 : memref<!tpu.dma_semaphore, #tpu.memory_space<semaphore_mem>>) src(%dma_wait3A_1287 : memref<128x512xf32, #tpu.memory_space<vmem>>) dst(%dma_wait3A_1284 : memref<128x512xf32, #tpu.memory_space<hbm>>)
    %dma_wait3A_1288 = arith.constant 0 : i32
    %dma_wait3A_1289 = arith.constant 0 : i32
    %dma_wait3A_1290 = tpu.memref_slice %arg5[%dma_wait3A_1288, %dma_wait3A_1289] : memref<248x512xf32, #tpu.memory_space<vmem>> -> memref<128x512xf32, #tpu.memory_space<vmem>>
    %dma_wait3A_1291 = arith.constant 0 : i32
    %dma_wait3A_1292 = arith.constant 0 : i32
    %dma_wait3A_1293 = tpu.memref_slice %arg3[%dma_wait3A_1291, %dma_wait3A_1292] : memref<262144x512xf32, #tpu.memory_space<hbm>> -> memref<128x512xf32, #tpu.memory_space<hbm>>
    %dma_wait3A_1294 = arith.constant 0 : i32
    %dma_wait3A_1295 = arith.constant 0 : i32
    %dma_wait3A_1296 = tpu.memref_slice %arg3[%dma_wait3A_1294, %dma_wait3A_1295] : memref<262144x512xf32, #tpu.memory_space<hbm>> -> memref<128x512xf32, #tpu.memory_space<hbm>>
    %dma_wait3A_1297 = arith.constant 0 : i32
    %dma_wait3A_1298 = arith.constant 0 : i32
    %dma_wait3A_1299 = tpu.memref_slice %arg5[%dma_wait3A_1297, %dma_wait3A_1298] : memref<248x512xf32, #tpu.memory_space<vmem>> -> memref<128x512xf32, #tpu.memory_space<vmem>>
    tpu.wait_dma2 semaphore(%arg9 : memref<!tpu.dma_semaphore, #tpu.memory_space<semaphore_mem>>) src(%dma_wait3A_1299 : memref<128x512xf32, #tpu.memory_space<vmem>>) dst(%dma_wait3A_1296 : memref<128x512xf32, #tpu.memory_space<hbm>>)
    %dma_wait3A_1300 = arith.constant 0 : i32
    %dma_wait3A_1301 = arith.constant 0 : i32
    %dma_wait3A_1302 = tpu.memref_slice %arg5[%dma_wait3A_1300, %dma_wait3A_1301] : memref<248x512xf32, #tpu.memory_space<vmem>> -> memref<128x512xf32, #tpu.memory_space<vmem>>
    %dma_wait3A_1303 = arith.constant 0 : i32
    %dma_wait3A_1304 = arith.constant 0 : i32
    %dma_wait3A_1305 = tpu.memref_slice %arg3[%dma_wait3A_1303, %dma_wait3A_1304] : memref<262144x512xf32, #tpu.memory_space<hbm>> -> memref<128x512xf32, #tpu.memory_space<hbm>>
    %dma_wait3A_1306 = arith.constant 0 : i32
    %dma_wait3A_1307 = arith.constant 0 : i32
    %dma_wait3A_1308 = tpu.memref_slice %arg3[%dma_wait3A_1306, %dma_wait3A_1307] : memref<262144x512xf32, #tpu.memory_space<hbm>> -> memref<128x512xf32, #tpu.memory_space<hbm>>
    %dma_wait3A_1309 = arith.constant 0 : i32
    %dma_wait3A_1310 = arith.constant 0 : i32
    %dma_wait3A_1311 = tpu.memref_slice %arg5[%dma_wait3A_1309, %dma_wait3A_1310] : memref<248x512xf32, #tpu.memory_space<vmem>> -> memref<128x512xf32, #tpu.memory_space<vmem>>
    tpu.wait_dma2 semaphore(%arg9 : memref<!tpu.dma_semaphore, #tpu.memory_space<semaphore_mem>>) src(%dma_wait3A_1311 : memref<128x512xf32, #tpu.memory_space<vmem>>) dst(%dma_wait3A_1308 : memref<128x512xf32, #tpu.memory_space<hbm>>)
    %dma_wait3A_1312 = arith.constant 0 : i32
    %dma_wait3A_1313 = arith.constant 0 : i32
    %dma_wait3A_1314 = tpu.memref_slice %arg5[%dma_wait3A_1312, %dma_wait3A_1313] : memref<248x512xf32, #tpu.memory_space<vmem>> -> memref<128x512xf32, #tpu.memory_space<vmem>>
    %dma_wait3A_1315 = arith.constant 0 : i32
    %dma_wait3A_1316 = arith.constant 0 : i32
    %dma_wait3A_1317 = tpu.memref_slice %arg3[%dma_wait3A_1315, %dma_wait3A_1316] : memref<262144x512xf32, #tpu.memory_space<hbm>> -> memref<128x512xf32, #tpu.memory_space<hbm>>
    %dma_wait3A_1318 = arith.constant 0 : i32
    %dma_wait3A_1319 = arith.constant 0 : i32
    %dma_wait3A_1320 = tpu.memref_slice %arg3[%dma_wait3A_1318, %dma_wait3A_1319] : memref<262144x512xf32, #tpu.memory_space<hbm>> -> memref<128x512xf32, #tpu.memory_space<hbm>>
    %dma_wait3A_1321 = arith.constant 0 : i32
    %dma_wait3A_1322 = arith.constant 0 : i32
    %dma_wait3A_1323 = tpu.memref_slice %arg5[%dma_wait3A_1321, %dma_wait3A_1322] : memref<248x512xf32, #tpu.memory_space<vmem>> -> memref<128x512xf32, #tpu.memory_space<vmem>>
    tpu.wait_dma2 semaphore(%arg9 : memref<!tpu.dma_semaphore, #tpu.memory_space<semaphore_mem>>) src(%dma_wait3A_1323 : memref<128x512xf32, #tpu.memory_space<vmem>>) dst(%dma_wait3A_1320 : memref<128x512xf32, #tpu.memory_space<hbm>>)
    %dma_wait3A_1324 = arith.constant 0 : i32
    %dma_wait3A_1325 = arith.constant 0 : i32
    %dma_wait3A_1326 = tpu.memref_slice %arg5[%dma_wait3A_1324, %dma_wait3A_1325] : memref<248x512xf32, #tpu.memory_space<vmem>> -> memref<128x512xf32, #tpu.memory_space<vmem>>
    %dma_wait3A_1327 = arith.constant 0 : i32
    %dma_wait3A_1328 = arith.constant 0 : i32
    %dma_wait3A_1329 = tpu.memref_slice %arg3[%dma_wait3A_1327, %dma_wait3A_1328] : memref<262144x512xf32, #tpu.memory_space<hbm>> -> memref<128x512xf32, #tpu.memory_space<hbm>>
    %dma_wait3A_1330 = arith.constant 0 : i32
    %dma_wait3A_1331 = arith.constant 0 : i32
    %dma_wait3A_1332 = tpu.memref_slice %arg3[%dma_wait3A_1330, %dma_wait3A_1331] : memref<262144x512xf32, #tpu.memory_space<hbm>> -> memref<128x512xf32, #tpu.memory_space<hbm>>
    %dma_wait3A_1333 = arith.constant 0 : i32
    %dma_wait3A_1334 = arith.constant 0 : i32
    %dma_wait3A_1335 = tpu.memref_slice %arg5[%dma_wait3A_1333, %dma_wait3A_1334] : memref<248x512xf32, #tpu.memory_space<vmem>> -> memref<128x512xf32, #tpu.memory_space<vmem>>
    tpu.wait_dma2 semaphore(%arg9 : memref<!tpu.dma_semaphore, #tpu.memory_space<semaphore_mem>>) src(%dma_wait3A_1335 : memref<128x512xf32, #tpu.memory_space<vmem>>) dst(%dma_wait3A_1332 : memref<128x512xf32, #tpu.memory_space<hbm>>)
    %dma_wait3A_1336 = arith.constant 0 : i32
    %dma_wait3A_1337 = arith.constant 0 : i32
    %dma_wait3A_1338 = tpu.memref_slice %arg5[%dma_wait3A_1336, %dma_wait3A_1337] : memref<248x512xf32, #tpu.memory_space<vmem>> -> memref<128x512xf32, #tpu.memory_space<vmem>>
    %dma_wait3A_1339 = arith.constant 0 : i32
    %dma_wait3A_1340 = arith.constant 0 : i32
    %dma_wait3A_1341 = tpu.memref_slice %arg3[%dma_wait3A_1339, %dma_wait3A_1340] : memref<262144x512xf32, #tpu.memory_space<hbm>> -> memref<128x512xf32, #tpu.memory_space<hbm>>
    %dma_wait3A_1342 = arith.constant 0 : i32
    %dma_wait3A_1343 = arith.constant 0 : i32
    %dma_wait3A_1344 = tpu.memref_slice %arg3[%dma_wait3A_1342, %dma_wait3A_1343] : memref<262144x512xf32, #tpu.memory_space<hbm>> -> memref<128x512xf32, #tpu.memory_space<hbm>>
    %dma_wait3A_1345 = arith.constant 0 : i32
    %dma_wait3A_1346 = arith.constant 0 : i32
    %dma_wait3A_1347 = tpu.memref_slice %arg5[%dma_wait3A_1345, %dma_wait3A_1346] : memref<248x512xf32, #tpu.memory_space<vmem>> -> memref<128x512xf32, #tpu.memory_space<vmem>>
    tpu.wait_dma2 semaphore(%arg9 : memref<!tpu.dma_semaphore, #tpu.memory_space<semaphore_mem>>) src(%dma_wait3A_1347 : memref<128x512xf32, #tpu.memory_space<vmem>>) dst(%dma_wait3A_1344 : memref<128x512xf32, #tpu.memory_space<hbm>>)
    %dma_wait3A_1348 = arith.constant 0 : i32
    %dma_wait3A_1349 = arith.constant 0 : i32
    %dma_wait3A_1350 = tpu.memref_slice %arg5[%dma_wait3A_1348, %dma_wait3A_1349] : memref<248x512xf32, #tpu.memory_space<vmem>> -> memref<128x512xf32, #tpu.memory_space<vmem>>
    %dma_wait3A_1351 = arith.constant 0 : i32
    %dma_wait3A_1352 = arith.constant 0 : i32
    %dma_wait3A_1353 = tpu.memref_slice %arg3[%dma_wait3A_1351, %dma_wait3A_1352] : memref<262144x512xf32, #tpu.memory_space<hbm>> -> memref<128x512xf32, #tpu.memory_space<hbm>>
    %dma_wait3A_1354 = arith.constant 0 : i32
    %dma_wait3A_1355 = arith.constant 0 : i32
    %dma_wait3A_1356 = tpu.memref_slice %arg3[%dma_wait3A_1354, %dma_wait3A_1355] : memref<262144x512xf32, #tpu.memory_space<hbm>> -> memref<128x512xf32, #tpu.memory_space<hbm>>
    %dma_wait3A_1357 = arith.constant 0 : i32
    %dma_wait3A_1358 = arith.constant 0 : i32
    %dma_wait3A_1359 = tpu.memref_slice %arg5[%dma_wait3A_1357, %dma_wait3A_1358] : memref<248x512xf32, #tpu.memory_space<vmem>> -> memref<128x512xf32, #tpu.memory_space<vmem>>
    tpu.wait_dma2 semaphore(%arg9 : memref<!tpu.dma_semaphore, #tpu.memory_space<semaphore_mem>>) src(%dma_wait3A_1359 : memref<128x512xf32, #tpu.memory_space<vmem>>) dst(%dma_wait3A_1356 : memref<128x512xf32, #tpu.memory_space<hbm>>)
    %dma_wait3A_1360 = arith.constant 0 : i32
    %dma_wait3A_1361 = arith.constant 0 : i32
    %dma_wait3A_1362 = tpu.memref_slice %arg5[%dma_wait3A_1360, %dma_wait3A_1361] : memref<248x512xf32, #tpu.memory_space<vmem>> -> memref<128x512xf32, #tpu.memory_space<vmem>>
    %dma_wait3A_1363 = arith.constant 0 : i32
    %dma_wait3A_1364 = arith.constant 0 : i32
    %dma_wait3A_1365 = tpu.memref_slice %arg3[%dma_wait3A_1363, %dma_wait3A_1364] : memref<262144x512xf32, #tpu.memory_space<hbm>> -> memref<128x512xf32, #tpu.memory_space<hbm>>
    %dma_wait3A_1366 = arith.constant 0 : i32
    %dma_wait3A_1367 = arith.constant 0 : i32
    %dma_wait3A_1368 = tpu.memref_slice %arg3[%dma_wait3A_1366, %dma_wait3A_1367] : memref<262144x512xf32, #tpu.memory_space<hbm>> -> memref<128x512xf32, #tpu.memory_space<hbm>>
    %dma_wait3A_1369 = arith.constant 0 : i32
    %dma_wait3A_1370 = arith.constant 0 : i32
    %dma_wait3A_1371 = tpu.memref_slice %arg5[%dma_wait3A_1369, %dma_wait3A_1370] : memref<248x512xf32, #tpu.memory_space<vmem>> -> memref<128x512xf32, #tpu.memory_space<vmem>>
    tpu.wait_dma2 semaphore(%arg9 : memref<!tpu.dma_semaphore, #tpu.memory_space<semaphore_mem>>) src(%dma_wait3A_1371 : memref<128x512xf32, #tpu.memory_space<vmem>>) dst(%dma_wait3A_1368 : memref<128x512xf32, #tpu.memory_space<hbm>>)
    %dma_wait3A_1372 = arith.constant 0 : i32
    %dma_wait3A_1373 = arith.constant 0 : i32
    %dma_wait3A_1374 = tpu.memref_slice %arg5[%dma_wait3A_1372, %dma_wait3A_1373] : memref<248x512xf32, #tpu.memory_space<vmem>> -> memref<128x512xf32, #tpu.memory_space<vmem>>
    %dma_wait3A_1375 = arith.constant 0 : i32
    %dma_wait3A_1376 = arith.constant 0 : i32
    %dma_wait3A_1377 = tpu.memref_slice %arg3[%dma_wait3A_1375, %dma_wait3A_1376] : memref<262144x512xf32, #tpu.memory_space<hbm>> -> memref<128x512xf32, #tpu.memory_space<hbm>>
    %dma_wait3A_1378 = arith.constant 0 : i32
    %dma_wait3A_1379 = arith.constant 0 : i32
    %dma_wait3A_1380 = tpu.memref_slice %arg3[%dma_wait3A_1378, %dma_wait3A_1379] : memref<262144x512xf32, #tpu.memory_space<hbm>> -> memref<128x512xf32, #tpu.memory_space<hbm>>
    %dma_wait3A_1381 = arith.constant 0 : i32
    %dma_wait3A_1382 = arith.constant 0 : i32
    %dma_wait3A_1383 = tpu.memref_slice %arg5[%dma_wait3A_1381, %dma_wait3A_1382] : memref<248x512xf32, #tpu.memory_space<vmem>> -> memref<128x512xf32, #tpu.memory_space<vmem>>
    tpu.wait_dma2 semaphore(%arg9 : memref<!tpu.dma_semaphore, #tpu.memory_space<semaphore_mem>>) src(%dma_wait3A_1383 : memref<128x512xf32, #tpu.memory_space<vmem>>) dst(%dma_wait3A_1380 : memref<128x512xf32, #tpu.memory_space<hbm>>)
    %dma_wait3A_1384 = arith.constant 0 : i32
    %dma_wait3A_1385 = arith.constant 0 : i32
    %dma_wait3A_1386 = tpu.memref_slice %arg5[%dma_wait3A_1384, %dma_wait3A_1385] : memref<248x512xf32, #tpu.memory_space<vmem>> -> memref<128x512xf32, #tpu.memory_space<vmem>>
    %dma_wait3A_1387 = arith.constant 0 : i32
    %dma_wait3A_1388 = arith.constant 0 : i32
    %dma_wait3A_1389 = tpu.memref_slice %arg3[%dma_wait3A_1387, %dma_wait3A_1388] : memref<262144x512xf32, #tpu.memory_space<hbm>> -> memref<128x512xf32, #tpu.memory_space<hbm>>
    %dma_wait3A_1390 = arith.constant 0 : i32
    %dma_wait3A_1391 = arith.constant 0 : i32
    %dma_wait3A_1392 = tpu.memref_slice %arg3[%dma_wait3A_1390, %dma_wait3A_1391] : memref<262144x512xf32, #tpu.memory_space<hbm>> -> memref<128x512xf32, #tpu.memory_space<hbm>>
    %dma_wait3A_1393 = arith.constant 0 : i32
    %dma_wait3A_1394 = arith.constant 0 : i32
    %dma_wait3A_1395 = tpu.memref_slice %arg5[%dma_wait3A_1393, %dma_wait3A_1394] : memref<248x512xf32, #tpu.memory_space<vmem>> -> memref<128x512xf32, #tpu.memory_space<vmem>>
    tpu.wait_dma2 semaphore(%arg9 : memref<!tpu.dma_semaphore, #tpu.memory_space<semaphore_mem>>) src(%dma_wait3A_1395 : memref<128x512xf32, #tpu.memory_space<vmem>>) dst(%dma_wait3A_1392 : memref<128x512xf32, #tpu.memory_space<hbm>>)
    %mul3A_1396 = arith.constant 4 : i32
    %mul3A_1397 = arith.muli %add3A, %mul3A_1396 : i32
    %add3A_1398 = arith.constant 2 : i32
    %add3A_1399 = arith.addi %mul3A_1397, %add3A_1398 : i32
    %jit3A_1400 = arith.constant 8 : i32
    %eq3A_1401 = arith.constant 0 : i32
    %eq3A_1402 = arith.cmpi eq, %jit3A_1400, %eq3A_1401 : i32
    %jit3A_1403 = arith.constant 1 : i32
    %select_n3A_1404 = arith.select %eq3A_1402, %jit3A_1403, %jit3A_1400 : i32
    %rem3A_1405 = arith.remsi %add3A_1399, %select_n3A_1404 : i32
    %ne3A_1406 = arith.constant 0 : i32
    %ne3A_1407 = arith.cmpi ne, %rem3A_1405, %ne3A_1406 : i32
    %lt3A_1408 = arith.constant 0 : i32
    %lt3A_1409 = arith.cmpi slt, %rem3A_1405, %lt3A_1408 : i32
    %lt3A_1410 = arith.constant 0 : i32
    %lt3A_1411 = arith.cmpi slt, %select_n3A_1404, %lt3A_1410 : i32
    %ne3A_1412 = arith.xori %lt3A_1409, %lt3A_1411 : i1
    %and3A_1413 = arith.andi %ne3A_1412, %ne3A_1407 : i1
    %add3A_1414 = arith.addi %rem3A_1405, %select_n3A_1404 : i32
    %select_n3A_1415 = arith.select %and3A_1413, %add3A_1414, %rem3A_1405 : i32
    %jit3A_1416 = arith.constant 8 : i32
    %div3A_1417 = arith.divsi %add3A_1399, %jit3A_1416 : i32
    %sign3A_1418 = arith.constant 0 : i32
    %sign3A_1419 = arith.cmpi sgt, %add3A_1399, %sign3A_1418 : i32
    %sign3A_1420 = arith.extui %sign3A_1419 : i1 to i32
    %sign3A_1421 = arith.constant 0 : i32
    %sign3A_1422 = arith.cmpi slt, %add3A_1399, %sign3A_1421 : i32
    %sign3A_1423 = arith.extui %sign3A_1422 : i1 to i32
    %sign3A_1424 = arith.subi %sign3A_1420, %sign3A_1423 : i32
    %sign3A_1425 = arith.constant 0 : i32
    %sign3A_1426 = arith.cmpi sgt, %jit3A_1416, %sign3A_1425 : i32
    %sign3A_1427 = arith.extui %sign3A_1426 : i1 to i32
    %sign3A_1428 = arith.constant 0 : i32
    %sign3A_1429 = arith.cmpi slt, %jit3A_1416, %sign3A_1428 : i32
    %sign3A_1430 = arith.extui %sign3A_1429 : i1 to i32
    %sign3A_1431 = arith.subi %sign3A_1427, %sign3A_1430 : i32
    %ne3A_1432 = arith.cmpi ne, %sign3A_1424, %sign3A_1431 : i32
    %rem3A_1433 = arith.remsi %add3A_1399, %jit3A_1416 : i32
    %ne3A_1434 = arith.constant 0 : i32
    %ne3A_1435 = arith.cmpi ne, %rem3A_1433, %ne3A_1434 : i32
    %and3A_1436 = arith.andi %ne3A_1432, %ne3A_1435 : i1
    %sub3A_1437 = arith.constant 1 : i32
    %sub3A_1438 = arith.subi %div3A_1417, %sub3A_1437 : i32
    %select_n3A_1439 = arith.select %and3A_1436, %sub3A_1438, %div3A_1417 : i32
    %jit3A_1440 = arith.constant 4 : i32
    %eq3A_1441 = arith.constant 0 : i32
    %eq3A_1442 = arith.cmpi eq, %jit3A_1440, %eq3A_1441 : i32
    %jit3A_1443 = arith.constant 1 : i32
    %select_n3A_1444 = arith.select %eq3A_1442, %jit3A_1443, %jit3A_1440 : i32
    %rem3A_1445 = arith.remsi %select_n3A_1439, %select_n3A_1444 : i32
    %ne3A_1446 = arith.constant 0 : i32
    %ne3A_1447 = arith.cmpi ne, %rem3A_1445, %ne3A_1446 : i32
    %lt3A_1448 = arith.constant 0 : i32
    %lt3A_1449 = arith.cmpi slt, %rem3A_1445, %lt3A_1448 : i32
    %lt3A_1450 = arith.constant 0 : i32
    %lt3A_1451 = arith.cmpi slt, %select_n3A_1444, %lt3A_1450 : i32
    %ne3A_1452 = arith.xori %lt3A_1449, %lt3A_1451 : i1
    %and3A_1453 = arith.andi %ne3A_1452, %ne3A_1447 : i1
    %add3A_1454 = arith.addi %rem3A_1445, %select_n3A_1444 : i32
    %select_n3A_1455 = arith.select %and3A_1453, %add3A_1454, %rem3A_1445 : i32
    %jit3A_1456 = arith.constant 32 : i32
    %div3A_1457 = arith.divsi %add3A_1399, %jit3A_1456 : i32
    %sign3A_1458 = arith.constant 0 : i32
    %sign3A_1459 = arith.cmpi sgt, %add3A_1399, %sign3A_1458 : i32
    %sign3A_1460 = arith.extui %sign3A_1459 : i1 to i32
    %sign3A_1461 = arith.constant 0 : i32
    %sign3A_1462 = arith.cmpi slt, %add3A_1399, %sign3A_1461 : i32
    %sign3A_1463 = arith.extui %sign3A_1462 : i1 to i32
    %sign3A_1464 = arith.subi %sign3A_1460, %sign3A_1463 : i32
    %sign3A_1465 = arith.constant 0 : i32
    %sign3A_1466 = arith.cmpi sgt, %jit3A_1456, %sign3A_1465 : i32
    %sign3A_1467 = arith.extui %sign3A_1466 : i1 to i32
    %sign3A_1468 = arith.constant 0 : i32
    %sign3A_1469 = arith.cmpi slt, %jit3A_1456, %sign3A_1468 : i32
    %sign3A_1470 = arith.extui %sign3A_1469 : i1 to i32
    %sign3A_1471 = arith.subi %sign3A_1467, %sign3A_1470 : i32
    %ne3A_1472 = arith.cmpi ne, %sign3A_1464, %sign3A_1471 : i32
    %rem3A_1473 = arith.remsi %add3A_1399, %jit3A_1456 : i32
    %ne3A_1474 = arith.constant 0 : i32
    %ne3A_1475 = arith.cmpi ne, %rem3A_1473, %ne3A_1474 : i32
    %and3A_1476 = arith.andi %ne3A_1472, %ne3A_1475 : i1
    %sub3A_1477 = arith.constant 1 : i32
    %sub3A_1478 = arith.subi %div3A_1457, %sub3A_1477 : i32
    %select_n3A_1479 = arith.select %and3A_1476, %sub3A_1478, %div3A_1457 : i32
    %mul3A_1480 = arith.constant 128 : i32
    %mul3A_1481 = arith.muli %mul3A_1480, %select_n3A_1455 : i32
    %add3A_1482 = arith.addi %select_n3A_1415, %mul3A_1481 : i32
    %mul3A_1483 = arith.constant 128 : i32
    %mul3A_1484 = arith.muli %select_n3A_1479, %mul3A_1483 : i32
    %add3A_1485 = arith.constant 120 : i32
    %add3A_1486 = arith.addi %add3A_1482, %add3A_1485 : i32
    %sub3A_1487 = arith.constant 511 : i32
    %sub3A_1488 = arith.subi %sub3A_1487, %add3A_1486 : i32
    %add3A_1489 = arith.addi %sub3A_1488, %mul3A_1484 : i32
    %sub3A_1490 = arith.constant 4606 : i32
    %sub3A_1491 = arith.subi %sub3A_1490, %add3A_1489 : i32
    %sub3A_1492 = arith.constant 0 : i32
    %sub3A_1493 = arith.subi %sub3A_1491, %sub3A_1492 : i32
    %sub3A_1494 = vector.broadcast %sub3A_1493 : i32 to vector<16xi32>
    %sub3A_1495 = arith.subi %sub3A_1494, %iota3A : vector<16xi32>
    %swap3A_1496 = arith.constant 0 : index
    %swap3A_1497 = tpu.vector_load %arg4[%swap3A_1496] {strides = array<i32>} : memref<512xi32, #tpu.memory_space<vmem>>, vector<16xi32>,
    %swap3A_1498 = vector.shape_cast %swap3A_1497 : vector<16xi32> to vector<16xi32>
    %swap3A_1499 = vector.shape_cast %sub3A_1495 : vector<16xi32> to vector<16xi32>
    tpu.vector_store %arg4[%swap3A_1496], %swap3A_1499 {strides = array<i32>} : memref<512xi32, #tpu.memory_space<vmem>>, vector<16xi32>,
    %sub3A_1500 = arith.constant 16 : i32
    %sub3A_1501 = arith.subi %sub3A_1491, %sub3A_1500 : i32
    %sub3A_1502 = vector.broadcast %sub3A_1501 : i32 to vector<16xi32>
    %sub3A_1503 = arith.subi %sub3A_1502, %iota3A : vector<16xi32>
    %swap3A_1504 = arith.constant 16 : index
    %swap3A_1505 = tpu.vector_load %arg4[%swap3A_1504] {strides = array<i32>} : memref<512xi32, #tpu.memory_space<vmem>>, vector<16xi32>,
    %swap3A_1506 = vector.shape_cast %swap3A_1505 : vector<16xi32> to vector<16xi32>
    %swap3A_1507 = vector.shape_cast %sub3A_1503 : vector<16xi32> to vector<16xi32>
    tpu.vector_store %arg4[%swap3A_1504], %swap3A_1507 {strides = array<i32>} : memref<512xi32, #tpu.memory_space<vmem>>, vector<16xi32>,
    %sub3A_1508 = arith.constant 32 : i32
    %sub3A_1509 = arith.subi %sub3A_1491, %sub3A_1508 : i32
    %sub3A_1510 = vector.broadcast %sub3A_1509 : i32 to vector<16xi32>
    %sub3A_1511 = arith.subi %sub3A_1510, %iota3A : vector<16xi32>
    %swap3A_1512 = arith.constant 32 : index
    %swap3A_1513 = tpu.vector_load %arg4[%swap3A_1512] {strides = array<i32>} : memref<512xi32, #tpu.memory_space<vmem>>, vector<16xi32>,
    %swap3A_1514 = vector.shape_cast %swap3A_1513 : vector<16xi32> to vector<16xi32>
    %swap3A_1515 = vector.shape_cast %sub3A_1511 : vector<16xi32> to vector<16xi32>
    tpu.vector_store %arg4[%swap3A_1512], %swap3A_1515 {strides = array<i32>} : memref<512xi32, #tpu.memory_space<vmem>>, vector<16xi32>,
    %sub3A_1516 = arith.constant 48 : i32
    %sub3A_1517 = arith.subi %sub3A_1491, %sub3A_1516 : i32
    %sub3A_1518 = vector.broadcast %sub3A_1517 : i32 to vector<16xi32>
    %sub3A_1519 = arith.subi %sub3A_1518, %iota3A : vector<16xi32>
    %swap3A_1520 = arith.constant 48 : index
    %swap3A_1521 = tpu.vector_load %arg4[%swap3A_1520] {strides = array<i32>} : memref<512xi32, #tpu.memory_space<vmem>>, vector<16xi32>,
    %swap3A_1522 = vector.shape_cast %swap3A_1521 : vector<16xi32> to vector<16xi32>
    %swap3A_1523 = vector.shape_cast %sub3A_1519 : vector<16xi32> to vector<16xi32>
    tpu.vector_store %arg4[%swap3A_1520], %swap3A_1523 {strides = array<i32>} : memref<512xi32, #tpu.memory_space<vmem>>, vector<16xi32>,
    %sub3A_1524 = arith.constant 64 : i32
    %sub3A_1525 = arith.subi %sub3A_1491, %sub3A_1524 : i32
    %sub3A_1526 = vector.broadcast %sub3A_1525 : i32 to vector<16xi32>
    %sub3A_1527 = arith.subi %sub3A_1526, %iota3A : vector<16xi32>
    %swap3A_1528 = arith.constant 64 : index
    %swap3A_1529 = tpu.vector_load %arg4[%swap3A_1528] {strides = array<i32>} : memref<512xi32, #tpu.memory_space<vmem>>, vector<16xi32>,
    %swap3A_1530 = vector.shape_cast %swap3A_1529 : vector<16xi32> to vector<16xi32>
    %swap3A_1531 = vector.shape_cast %sub3A_1527 : vector<16xi32> to vector<16xi32>
    tpu.vector_store %arg4[%swap3A_1528], %swap3A_1531 {strides = array<i32>} : memref<512xi32, #tpu.memory_space<vmem>>, vector<16xi32>,
    %sub3A_1532 = arith.constant 80 : i32
    %sub3A_1533 = arith.subi %sub3A_1491, %sub3A_1532 : i32
    %sub3A_1534 = vector.broadcast %sub3A_1533 : i32 to vector<16xi32>
    %sub3A_1535 = arith.subi %sub3A_1534, %iota3A : vector<16xi32>
    %swap3A_1536 = arith.constant 80 : index
    %swap3A_1537 = tpu.vector_load %arg4[%swap3A_1536] {strides = array<i32>} : memref<512xi32, #tpu.memory_space<vmem>>, vector<16xi32>,
    %swap3A_1538 = vector.shape_cast %swap3A_1537 : vector<16xi32> to vector<16xi32>
    %swap3A_1539 = vector.shape_cast %sub3A_1535 : vector<16xi32> to vector<16xi32>
    tpu.vector_store %arg4[%swap3A_1536], %swap3A_1539 {strides = array<i32>} : memref<512xi32, #tpu.memory_space<vmem>>, vector<16xi32>,
    %sub3A_1540 = arith.constant 96 : i32
    %sub3A_1541 = arith.subi %sub3A_1491, %sub3A_1540 : i32
    %sub3A_1542 = vector.broadcast %sub3A_1541 : i32 to vector<16xi32>
    %sub3A_1543 = arith.subi %sub3A_1542, %iota3A : vector<16xi32>
    %swap3A_1544 = arith.constant 96 : index
    %swap3A_1545 = tpu.vector_load %arg4[%swap3A_1544] {strides = array<i32>} : memref<512xi32, #tpu.memory_space<vmem>>, vector<16xi32>,
    %swap3A_1546 = vector.shape_cast %swap3A_1545 : vector<16xi32> to vector<16xi32>
    %swap3A_1547 = vector.shape_cast %sub3A_1543 : vector<16xi32> to vector<16xi32>
    tpu.vector_store %arg4[%swap3A_1544], %swap3A_1547 {strides = array<i32>} : memref<512xi32, #tpu.memory_space<vmem>>, vector<16xi32>,
    %sub3A_1548 = arith.constant 112 : i32
    %sub3A_1549 = arith.subi %sub3A_1491, %sub3A_1548 : i32
    %sub3A_1550 = vector.broadcast %sub3A_1549 : i32 to vector<16xi32>
    %sub3A_1551 = arith.subi %sub3A_1550, %iota3A : vector<16xi32>
    %swap3A_1552 = arith.constant 112 : index
    %swap3A_1553 = tpu.vector_load %arg4[%swap3A_1552] {strides = array<i32>} : memref<512xi32, #tpu.memory_space<vmem>>, vector<16xi32>,
    %swap3A_1554 = vector.shape_cast %swap3A_1553 : vector<16xi32> to vector<16xi32>
    %swap3A_1555 = vector.shape_cast %sub3A_1551 : vector<16xi32> to vector<16xi32>
    tpu.vector_store %arg4[%swap3A_1552], %swap3A_1555 {strides = array<i32>} : memref<512xi32, #tpu.memory_space<vmem>>, vector<16xi32>,
    %sub3A_1556 = arith.constant 128 : i32
    %sub3A_1557 = arith.subi %sub3A_1491, %sub3A_1556 : i32
    %sub3A_1558 = vector.broadcast %sub3A_1557 : i32 to vector<16xi32>
    %sub3A_1559 = arith.subi %sub3A_1558, %iota3A : vector<16xi32>
    %swap3A_1560 = arith.constant 128 : index
    %swap3A_1561 = tpu.vector_load %arg4[%swap3A_1560] {strides = array<i32>} : memref<512xi32, #tpu.memory_space<vmem>>, vector<16xi32>,
    %swap3A_1562 = vector.shape_cast %swap3A_1561 : vector<16xi32> to vector<16xi32>
    %swap3A_1563 = vector.shape_cast %sub3A_1559 : vector<16xi32> to vector<16xi32>
    tpu.vector_store %arg4[%swap3A_1560], %swap3A_1563 {strides = array<i32>} : memref<512xi32, #tpu.memory_space<vmem>>, vector<16xi32>,
    %sub3A_1564 = arith.constant 144 : i32
    %sub3A_1565 = arith.subi %sub3A_1491, %sub3A_1564 : i32
    %sub3A_1566 = vector.broadcast %sub3A_1565 : i32 to vector<16xi32>
    %sub3A_1567 = arith.subi %sub3A_1566, %iota3A : vector<16xi32>
    %swap3A_1568 = arith.constant 144 : index
    %swap3A_1569 = tpu.vector_load %arg4[%swap3A_1568] {strides = array<i32>} : memref<512xi32, #tpu.memory_space<vmem>>, vector<16xi32>,
    %swap3A_1570 = vector.shape_cast %swap3A_1569 : vector<16xi32> to vector<16xi32>
    %swap3A_1571 = vector.shape_cast %sub3A_1567 : vector<16xi32> to vector<16xi32>
    tpu.vector_store %arg4[%swap3A_1568], %swap3A_1571 {strides = array<i32>} : memref<512xi32, #tpu.memory_space<vmem>>, vector<16xi32>,
    %sub3A_1572 = arith.constant 160 : i32
    %sub3A_1573 = arith.subi %sub3A_1491, %sub3A_1572 : i32
    %sub3A_1574 = vector.broadcast %sub3A_1573 : i32 to vector<16xi32>
    %sub3A_1575 = arith.subi %sub3A_1574, %iota3A : vector<16xi32>
    %swap3A_1576 = arith.constant 160 : index
    %swap3A_1577 = tpu.vector_load %arg4[%swap3A_1576] {strides = array<i32>} : memref<512xi32, #tpu.memory_space<vmem>>, vector<16xi32>,
    %swap3A_1578 = vector.shape_cast %swap3A_1577 : vector<16xi32> to vector<16xi32>
    %swap3A_1579 = vector.shape_cast %sub3A_1575 : vector<16xi32> to vector<16xi32>
    tpu.vector_store %arg4[%swap3A_1576], %swap3A_1579 {strides = array<i32>} : memref<512xi32, #tpu.memory_space<vmem>>, vector<16xi32>,
    %sub3A_1580 = arith.constant 176 : i32
    %sub3A_1581 = arith.subi %sub3A_1491, %sub3A_1580 : i32
    %sub3A_1582 = vector.broadcast %sub3A_1581 : i32 to vector<16xi32>
    %sub3A_1583 = arith.subi %sub3A_1582, %iota3A : vector<16xi32>
    %swap3A_1584 = arith.constant 176 : index
    %swap3A_1585 = tpu.vector_load %arg4[%swap3A_1584] {strides = array<i32>} : memref<512xi32, #tpu.memory_space<vmem>>, vector<16xi32>,
    %swap3A_1586 = vector.shape_cast %swap3A_1585 : vector<16xi32> to vector<16xi32>
    %swap3A_1587 = vector.shape_cast %sub3A_1583 : vector<16xi32> to vector<16xi32>
    tpu.vector_store %arg4[%swap3A_1584], %swap3A_1587 {strides = array<i32>} : memref<512xi32, #tpu.memory_space<vmem>>, vector<16xi32>,
    %sub3A_1588 = arith.constant 192 : i32
    %sub3A_1589 = arith.subi %sub3A_1491, %sub3A_1588 : i32
    %sub3A_1590 = vector.broadcast %sub3A_1589 : i32 to vector<16xi32>
    %sub3A_1591 = arith.subi %sub3A_1590, %iota3A : vector<16xi32>
    %swap3A_1592 = arith.constant 192 : index
    %swap3A_1593 = tpu.vector_load %arg4[%swap3A_1592] {strides = array<i32>} : memref<512xi32, #tpu.memory_space<vmem>>, vector<16xi32>,
    %swap3A_1594 = vector.shape_cast %swap3A_1593 : vector<16xi32> to vector<16xi32>
    %swap3A_1595 = vector.shape_cast %sub3A_1591 : vector<16xi32> to vector<16xi32>
    tpu.vector_store %arg4[%swap3A_1592], %swap3A_1595 {strides = array<i32>} : memref<512xi32, #tpu.memory_space<vmem>>, vector<16xi32>,
    %sub3A_1596 = arith.constant 208 : i32
    %sub3A_1597 = arith.subi %sub3A_1491, %sub3A_1596 : i32
    %sub3A_1598 = vector.broadcast %sub3A_1597 : i32 to vector<16xi32>
    %sub3A_1599 = arith.subi %sub3A_1598, %iota3A : vector<16xi32>
    %swap3A_1600 = arith.constant 208 : index
    %swap3A_1601 = tpu.vector_load %arg4[%swap3A_1600] {strides = array<i32>} : memref<512xi32, #tpu.memory_space<vmem>>, vector<16xi32>,
    %swap3A_1602 = vector.shape_cast %swap3A_1601 : vector<16xi32> to vector<16xi32>
    %swap3A_1603 = vector.shape_cast %sub3A_1599 : vector<16xi32> to vector<16xi32>
    tpu.vector_store %arg4[%swap3A_1600], %swap3A_1603 {strides = array<i32>} : memref<512xi32, #tpu.memory_space<vmem>>, vector<16xi32>,
    %sub3A_1604 = arith.constant 224 : i32
    %sub3A_1605 = arith.subi %sub3A_1491, %sub3A_1604 : i32
    %sub3A_1606 = vector.broadcast %sub3A_1605 : i32 to vector<16xi32>
    %sub3A_1607 = arith.subi %sub3A_1606, %iota3A : vector<16xi32>
    %swap3A_1608 = arith.constant 224 : index
    %swap3A_1609 = tpu.vector_load %arg4[%swap3A_1608] {strides = array<i32>} : memref<512xi32, #tpu.memory_space<vmem>>, vector<16xi32>,
    %swap3A_1610 = vector.shape_cast %swap3A_1609 : vector<16xi32> to vector<16xi32>
    %swap3A_1611 = vector.shape_cast %sub3A_1607 : vector<16xi32> to vector<16xi32>
    tpu.vector_store %arg4[%swap3A_1608], %swap3A_1611 {strides = array<i32>} : memref<512xi32, #tpu.memory_space<vmem>>, vector<16xi32>,
    %sub3A_1612 = arith.constant 240 : i32
    %sub3A_1613 = arith.subi %sub3A_1491, %sub3A_1612 : i32
    %sub3A_1614 = vector.broadcast %sub3A_1613 : i32 to vector<16xi32>
    %sub3A_1615 = arith.subi %sub3A_1614, %iota3A : vector<16xi32>
    %swap3A_1616 = arith.constant 240 : index
    %swap3A_1617 = tpu.vector_load %arg4[%swap3A_1616] {strides = array<i32>} : memref<512xi32, #tpu.memory_space<vmem>>, vector<16xi32>,
    %swap3A_1618 = vector.shape_cast %swap3A_1617 : vector<16xi32> to vector<16xi32>
    %swap3A_1619 = vector.shape_cast %sub3A_1615 : vector<16xi32> to vector<16xi32>
    tpu.vector_store %arg4[%swap3A_1616], %swap3A_1619 {strides = array<i32>} : memref<512xi32, #tpu.memory_space<vmem>>, vector<16xi32>,
    %dma_start3A_1620 = arith.constant 0 : i32
    %dma_start3A_1621 = arith.constant 0 : i32
    %dma_start3A_1622 = tpu.memref_slice %arg5[%dma_start3A_1620, %dma_start3A_1621] : memref<248x512xf32, #tpu.memory_space<vmem>> -> memref<128x512xf32, #tpu.memory_space<vmem>>
    %dma_start3A_1623 = arith.constant 0 : i32
    %dma_start3A_1624 = tpu.memref_slice %arg4[%dma_start3A_1623] : memref<512xi32, #tpu.memory_space<vmem>> -> memref<128xi32, #tpu.memory_space<vmem>>
    %dma_start3A_1625 = arith.constant 0 : i32
    %dma_start3A_1626 = arith.constant 0 : i32
    %dma_start3A_1627 = tpu.memref_slice %arg2[%dma_start3A_1625, %dma_start3A_1626] : memref<8191x512xf32, #tpu.memory_space<hbm>> -> memref<8191x512xf32, #tpu.memory_space<hbm>>
    tpu.enqueue_indirect_dma source(%dma_start3A_1627 : memref<8191x512xf32, #tpu.memory_space<hbm>>) target(%dma_start3A_1622 : memref<128x512xf32, #tpu.memory_space<vmem>>) offsets(%dma_start3A_1624 : memref<128xi32, #tpu.memory_space<vmem>>) semaphore(%arg6 : memref<!tpu.dma_semaphore, #tpu.memory_space<semaphore_mem>>)
    %dma_start3A_1628 = arith.constant 128 : i32
    %dma_start3A_1629 = arith.constant 0 : i32
    %dma_start3A_1630 = tpu.memref_slice %arg5[%dma_start3A_1628, %dma_start3A_1629] : memref<248x512xf32, #tpu.memory_space<vmem>> -> memref<48x512xf32, #tpu.memory_space<vmem>>
    %dma_start3A_1631 = arith.constant 128 : i32
    %dma_start3A_1632 = tpu.memref_slice %arg4[%dma_start3A_1631] : memref<512xi32, #tpu.memory_space<vmem>> -> memref<48xi32, #tpu.memory_space<vmem>>
    %dma_start3A_1633 = arith.constant 0 : i32
    %dma_start3A_1634 = arith.constant 0 : i32
    %dma_start3A_1635 = tpu.memref_slice %arg2[%dma_start3A_1633, %dma_start3A_1634] : memref<8191x512xf32, #tpu.memory_space<hbm>> -> memref<8191x512xf32, #tpu.memory_space<hbm>>
    tpu.enqueue_indirect_dma source(%dma_start3A_1635 : memref<8191x512xf32, #tpu.memory_space<hbm>>) target(%dma_start3A_1630 : memref<48x512xf32, #tpu.memory_space<vmem>>) offsets(%dma_start3A_1632 : memref<48xi32, #tpu.memory_space<vmem>>) semaphore(%arg7 : memref<!tpu.dma_semaphore, #tpu.memory_space<semaphore_mem>>)
    %dma_start3A_1636 = arith.constant 176 : i32
    %dma_start3A_1637 = arith.constant 0 : i32
    %dma_start3A_1638 = tpu.memref_slice %arg5[%dma_start3A_1636, %dma_start3A_1637] : memref<248x512xf32, #tpu.memory_space<vmem>> -> memref<72x512xf32, #tpu.memory_space<vmem>>
    %dma_start3A_1639 = arith.constant 176 : i32
    %dma_start3A_1640 = tpu.memref_slice %arg4[%dma_start3A_1639] : memref<512xi32, #tpu.memory_space<vmem>> -> memref<72xi32, #tpu.memory_space<vmem>>
    %dma_start3A_1641 = arith.constant 0 : i32
    %dma_start3A_1642 = arith.constant 0 : i32
    %dma_start3A_1643 = tpu.memref_slice %arg2[%dma_start3A_1641, %dma_start3A_1642] : memref<8191x512xf32, #tpu.memory_space<hbm>> -> memref<8191x512xf32, #tpu.memory_space<hbm>>
    tpu.enqueue_indirect_dma source(%dma_start3A_1643 : memref<8191x512xf32, #tpu.memory_space<hbm>>) target(%dma_start3A_1638 : memref<72x512xf32, #tpu.memory_space<vmem>>) offsets(%dma_start3A_1640 : memref<72xi32, #tpu.memory_space<vmem>>) semaphore(%arg8 : memref<!tpu.dma_semaphore, #tpu.memory_space<semaphore_mem>>)
    %dma_wait3A_1644 = arith.constant 0 : i32
    %dma_wait3A_1645 = arith.constant 0 : i32
    %dma_wait3A_1646 = tpu.memref_slice %arg5[%dma_wait3A_1644, %dma_wait3A_1645] : memref<248x512xf32, #tpu.memory_space<vmem>> -> memref<128x512xf32, #tpu.memory_space<vmem>>
    %dma_wait3A_1647 = arith.constant 0 : i32
    %dma_wait3A_1648 = tpu.memref_slice %arg4[%dma_wait3A_1647] : memref<512xi32, #tpu.memory_space<vmem>> -> memref<128xi32, #tpu.memory_space<vmem>>
    %dma_wait3A_1649 = arith.constant 0 : i32
    %dma_wait3A_1650 = arith.constant 0 : i32
    %dma_wait3A_1651 = tpu.memref_slice %arg2[%dma_wait3A_1649, %dma_wait3A_1650] : memref<8191x512xf32, #tpu.memory_space<hbm>> -> memref<8191x512xf32, #tpu.memory_space<hbm>>
    tpu.wait_indirect_dma semaphore(%arg6 : memref<!tpu.dma_semaphore, #tpu.memory_space<semaphore_mem>>) src(%dma_wait3A_1651 : memref<8191x512xf32, #tpu.memory_space<hbm>>) dst(%dma_wait3A_1646 : memref<128x512xf32, #tpu.memory_space<vmem>>)
    %add3A_1652 = arith.constant 120 : i32
    %add3A_1653 = arith.addi %add3A_1482, %add3A_1652 : i32
    %mul3A_1654 = arith.constant 512 : i32
    %mul3A_1655 = arith.muli %add3A_1653, %mul3A_1654 : i32
    %add3A_1656 = arith.addi %mul3A_1655, %mul3A_1484 : i32
    %dma_start3A_1657 = arith.constant 0 : i32
    %dma_start3A_1658 = arith.constant 0 : i32
    %dma_start3A_1659 = tpu.memref_slice %arg5[%dma_start3A_1657, %dma_start3A_1658] : memref<248x512xf32, #tpu.memory_space<vmem>> -> memref<128x512xf32, #tpu.memory_space<vmem>>
    %dma_start3A_1660 = arith.constant 0 : i32
    %dma_start3A_1661 = tpu.memref_slice %arg3[%add3A_1656, %dma_start3A_1660] : memref<262144x512xf32, #tpu.memory_space<hbm>> -> memref<128x512xf32, #tpu.memory_space<hbm>>
    %dma_start3A_1662 = arith.constant 0 : i32
    %dma_start3A_1663 = tpu.memref_slice %arg3[%add3A_1656, %dma_start3A_1662] : memref<262144x512xf32, #tpu.memory_space<hbm>> -> memref<128x512xf32, #tpu.memory_space<hbm>>
    %dma_start3A_1664 = arith.constant 0 : i32
    %dma_start3A_1665 = arith.constant 0 : i32
    %dma_start3A_1666 = tpu.memref_slice %arg5[%dma_start3A_1664, %dma_start3A_1665] : memref<248x512xf32, #tpu.memory_space<vmem>> -> memref<128x512xf32, #tpu.memory_space<vmem>>
    tpu.enqueue_dma source(%dma_start3A_1666 : memref<128x512xf32, #tpu.memory_space<vmem>>) target(%dma_start3A_1663 : memref<128x512xf32, #tpu.memory_space<hbm>>) target_semaphore(%arg9 : memref<!tpu.dma_semaphore, #tpu.memory_space<semaphore_mem>>)
    %dma_wait3A_1667 = arith.constant 128 : i32
    %dma_wait3A_1668 = arith.constant 0 : i32
    %dma_wait3A_1669 = tpu.memref_slice %arg5[%dma_wait3A_1667, %dma_wait3A_1668] : memref<248x512xf32, #tpu.memory_space<vmem>> -> memref<48x512xf32, #tpu.memory_space<vmem>>
    %dma_wait3A_1670 = arith.constant 128 : i32
    %dma_wait3A_1671 = tpu.memref_slice %arg4[%dma_wait3A_1670] : memref<512xi32, #tpu.memory_space<vmem>> -> memref<48xi32, #tpu.memory_space<vmem>>
    %dma_wait3A_1672 = arith.constant 0 : i32
    %dma_wait3A_1673 = arith.constant 0 : i32
    %dma_wait3A_1674 = tpu.memref_slice %arg2[%dma_wait3A_1672, %dma_wait3A_1673] : memref<8191x512xf32, #tpu.memory_space<hbm>> -> memref<8191x512xf32, #tpu.memory_space<hbm>>
    tpu.wait_indirect_dma semaphore(%arg7 : memref<!tpu.dma_semaphore, #tpu.memory_space<semaphore_mem>>) src(%dma_wait3A_1674 : memref<8191x512xf32, #tpu.memory_space<hbm>>) dst(%dma_wait3A_1669 : memref<48x512xf32, #tpu.memory_space<vmem>>)
    %add3A_1675 = arith.constant 72 : i32
    %add3A_1676 = arith.addi %add3A_1482, %add3A_1675 : i32
    %mul3A_1677 = arith.constant 512 : i32
    %mul3A_1678 = arith.muli %add3A_1676, %mul3A_1677 : i32
    %add3A_1679 = arith.addi %mul3A_1678, %mul3A_1484 : i32
    %dma_start3A_1680 = arith.constant 48 : i32
    %dma_start3A_1681 = arith.constant 0 : i32
    %dma_start3A_1682 = tpu.memref_slice %arg5[%dma_start3A_1680, %dma_start3A_1681] : memref<248x512xf32, #tpu.memory_space<vmem>> -> memref<128x512xf32, #tpu.memory_space<vmem>>
    %dma_start3A_1683 = arith.constant 0 : i32
    %dma_start3A_1684 = tpu.memref_slice %arg3[%add3A_1679, %dma_start3A_1683] : memref<262144x512xf32, #tpu.memory_space<hbm>> -> memref<128x512xf32, #tpu.memory_space<hbm>>
    %dma_start3A_1685 = arith.constant 0 : i32
    %dma_start3A_1686 = tpu.memref_slice %arg3[%add3A_1679, %dma_start3A_1685] : memref<262144x512xf32, #tpu.memory_space<hbm>> -> memref<128x512xf32, #tpu.memory_space<hbm>>
    %dma_start3A_1687 = arith.constant 48 : i32
    %dma_start3A_1688 = arith.constant 0 : i32
    %dma_start3A_1689 = tpu.memref_slice %arg5[%dma_start3A_1687, %dma_start3A_1688] : memref<248x512xf32, #tpu.memory_space<vmem>> -> memref<128x512xf32, #tpu.memory_space<vmem>>
    tpu.enqueue_dma source(%dma_start3A_1689 : memref<128x512xf32, #tpu.memory_space<vmem>>) target(%dma_start3A_1686 : memref<128x512xf32, #tpu.memory_space<hbm>>) target_semaphore(%arg9 : memref<!tpu.dma_semaphore, #tpu.memory_space<semaphore_mem>>)
    %add3A_1690 = arith.constant 80 : i32
    %add3A_1691 = arith.addi %add3A_1482, %add3A_1690 : i32
    %mul3A_1692 = arith.constant 512 : i32
    %mul3A_1693 = arith.muli %add3A_1691, %mul3A_1692 : i32
    %add3A_1694 = arith.addi %mul3A_1693, %mul3A_1484 : i32
    %dma_start3A_1695 = arith.constant 40 : i32
    %dma_start3A_1696 = arith.constant 0 : i32
    %dma_start3A_1697 = tpu.memref_slice %arg5[%dma_start3A_1695, %dma_start3A_1696] : memref<248x512xf32, #tpu.memory_space<vmem>> -> memref<128x512xf32, #tpu.memory_space<vmem>>
    %dma_start3A_1698 = arith.constant 0 : i32
    %dma_start3A_1699 = tpu.memref_slice %arg3[%add3A_1694, %dma_start3A_1698] : memref<262144x512xf32, #tpu.memory_space<hbm>> -> memref<128x512xf32, #tpu.memory_space<hbm>>
    %dma_start3A_1700 = arith.constant 0 : i32
    %dma_start3A_1701 = tpu.memref_slice %arg3[%add3A_1694, %dma_start3A_1700] : memref<262144x512xf32, #tpu.memory_space<hbm>> -> memref<128x512xf32, #tpu.memory_space<hbm>>
    %dma_start3A_1702 = arith.constant 40 : i32
    %dma_start3A_1703 = arith.constant 0 : i32
    %dma_start3A_1704 = tpu.memref_slice %arg5[%dma_start3A_1702, %dma_start3A_1703] : memref<248x512xf32, #tpu.memory_space<vmem>> -> memref<128x512xf32, #tpu.memory_space<vmem>>
    tpu.enqueue_dma source(%dma_start3A_1704 : memref<128x512xf32, #tpu.memory_space<vmem>>) target(%dma_start3A_1701 : memref<128x512xf32, #tpu.memory_space<hbm>>) target_semaphore(%arg9 : memref<!tpu.dma_semaphore, #tpu.memory_space<semaphore_mem>>)
    %add3A_1705 = arith.constant 88 : i32
    %add3A_1706 = arith.addi %add3A_1482, %add3A_1705 : i32
    %mul3A_1707 = arith.constant 512 : i32
    %mul3A_1708 = arith.muli %add3A_1706, %mul3A_1707 : i32
    %add3A_1709 = arith.addi %mul3A_1708, %mul3A_1484 : i32
    %dma_start3A_1710 = arith.constant 32 : i32
    %dma_start3A_1711 = arith.constant 0 : i32
    %dma_start3A_1712 = tpu.memref_slice %arg5[%dma_start3A_1710, %dma_start3A_1711] : memref<248x512xf32, #tpu.memory_space<vmem>> -> memref<128x512xf32, #tpu.memory_space<vmem>>
    %dma_start3A_1713 = arith.constant 0 : i32
    %dma_start3A_1714 = tpu.memref_slice %arg3[%add3A_1709, %dma_start3A_1713] : memref<262144x512xf32, #tpu.memory_space<hbm>> -> memref<128x512xf32, #tpu.memory_space<hbm>>
    %dma_start3A_1715 = arith.constant 0 : i32
    %dma_start3A_1716 = tpu.memref_slice %arg3[%add3A_1709, %dma_start3A_1715] : memref<262144x512xf32, #tpu.memory_space<hbm>> -> memref<128x512xf32, #tpu.memory_space<hbm>>
    %dma_start3A_1717 = arith.constant 32 : i32
    %dma_start3A_1718 = arith.constant 0 : i32
    %dma_start3A_1719 = tpu.memref_slice %arg5[%dma_start3A_1717, %dma_start3A_1718] : memref<248x512xf32, #tpu.memory_space<vmem>> -> memref<128x512xf32, #tpu.memory_space<vmem>>
    tpu.enqueue_dma source(%dma_start3A_1719 : memref<128x512xf32, #tpu.memory_space<vmem>>) target(%dma_start3A_1716 : memref<128x512xf32, #tpu.memory_space<hbm>>) target_semaphore(%arg9 : memref<!tpu.dma_semaphore, #tpu.memory_space<semaphore_mem>>)
    %add3A_1720 = arith.constant 96 : i32
    %add3A_1721 = arith.addi %add3A_1482, %add3A_1720 : i32
    %mul3A_1722 = arith.constant 512 : i32
    %mul3A_1723 = arith.muli %add3A_1721, %mul3A_1722 : i32
    %add3A_1724 = arith.addi %mul3A_1723, %mul3A_1484 : i32
    %dma_start3A_1725 = arith.constant 24 : i32
    %dma_start3A_1726 = arith.constant 0 : i32
    %dma_start3A_1727 = tpu.memref_slice %arg5[%dma_start3A_1725, %dma_start3A_1726] : memref<248x512xf32, #tpu.memory_space<vmem>> -> memref<128x512xf32, #tpu.memory_space<vmem>>
    %dma_start3A_1728 = arith.constant 0 : i32
    %dma_start3A_1729 = tpu.memref_slice %arg3[%add3A_1724, %dma_start3A_1728] : memref<262144x512xf32, #tpu.memory_space<hbm>> -> memref<128x512xf32, #tpu.memory_space<hbm>>
    %dma_start3A_1730 = arith.constant 0 : i32
    %dma_start3A_1731 = tpu.memref_slice %arg3[%add3A_1724, %dma_start3A_1730] : memref<262144x512xf32, #tpu.memory_space<hbm>> -> memref<128x512xf32, #tpu.memory_space<hbm>>
    %dma_start3A_1732 = arith.constant 24 : i32
    %dma_start3A_1733 = arith.constant 0 : i32
    %dma_start3A_1734 = tpu.memref_slice %arg5[%dma_start3A_1732, %dma_start3A_1733] : memref<248x512xf32, #tpu.memory_space<vmem>> -> memref<128x512xf32, #tpu.memory_space<vmem>>
    tpu.enqueue_dma source(%dma_start3A_1734 : memref<128x512xf32, #tpu.memory_space<vmem>>) target(%dma_start3A_1731 : memref<128x512xf32, #tpu.memory_space<hbm>>) target_semaphore(%arg9 : memref<!tpu.dma_semaphore, #tpu.memory_space<semaphore_mem>>)
    %add3A_1735 = arith.constant 104 : i32
    %add3A_1736 = arith.addi %add3A_1482, %add3A_1735 : i32
    %mul3A_1737 = arith.constant 512 : i32
    %mul3A_1738 = arith.muli %add3A_1736, %mul3A_1737 : i32
    %add3A_1739 = arith.addi %mul3A_1738, %mul3A_1484 : i32
    %dma_start3A_1740 = arith.constant 16 : i32
    %dma_start3A_1741 = arith.constant 0 : i32
    %dma_start3A_1742 = tpu.memref_slice %arg5[%dma_start3A_1740, %dma_start3A_1741] : memref<248x512xf32, #tpu.memory_space<vmem>> -> memref<128x512xf32, #tpu.memory_space<vmem>>
    %dma_start3A_1743 = arith.constant 0 : i32
    %dma_start3A_1744 = tpu.memref_slice %arg3[%add3A_1739, %dma_start3A_1743] : memref<262144x512xf32, #tpu.memory_space<hbm>> -> memref<128x512xf32, #tpu.memory_space<hbm>>
    %dma_start3A_1745 = arith.constant 0 : i32
    %dma_start3A_1746 = tpu.memref_slice %arg3[%add3A_1739, %dma_start3A_1745] : memref<262144x512xf32, #tpu.memory_space<hbm>> -> memref<128x512xf32, #tpu.memory_space<hbm>>
    %dma_start3A_1747 = arith.constant 16 : i32
    %dma_start3A_1748 = arith.constant 0 : i32
    %dma_start3A_1749 = tpu.memref_slice %arg5[%dma_start3A_1747, %dma_start3A_1748] : memref<248x512xf32, #tpu.memory_space<vmem>> -> memref<128x512xf32, #tpu.memory_space<vmem>>
    tpu.enqueue_dma source(%dma_start3A_1749 : memref<128x512xf32, #tpu.memory_space<vmem>>) target(%dma_start3A_1746 : memref<128x512xf32, #tpu.memory_space<hbm>>) target_semaphore(%arg9 : memref<!tpu.dma_semaphore, #tpu.memory_space<semaphore_mem>>)
    %add3A_1750 = arith.constant 112 : i32
    %add3A_1751 = arith.addi %add3A_1482, %add3A_1750 : i32
    %mul3A_1752 = arith.constant 512 : i32
    %mul3A_1753 = arith.muli %add3A_1751, %mul3A_1752 : i32
    %add3A_1754 = arith.addi %mul3A_1753, %mul3A_1484 : i32
    %dma_start3A_1755 = arith.constant 8 : i32
    %dma_start3A_1756 = arith.constant 0 : i32
    %dma_start3A_1757 = tpu.memref_slice %arg5[%dma_start3A_1755, %dma_start3A_1756] : memref<248x512xf32, #tpu.memory_space<vmem>> -> memref<128x512xf32, #tpu.memory_space<vmem>>
    %dma_start3A_1758 = arith.constant 0 : i32
    %dma_start3A_1759 = tpu.memref_slice %arg3[%add3A_1754, %dma_start3A_1758] : memref<262144x512xf32, #tpu.memory_space<hbm>> -> memref<128x512xf32, #tpu.memory_space<hbm>>
    %dma_start3A_1760 = arith.constant 0 : i32
    %dma_start3A_1761 = tpu.memref_slice %arg3[%add3A_1754, %dma_start3A_1760] : memref<262144x512xf32, #tpu.memory_space<hbm>> -> memref<128x512xf32, #tpu.memory_space<hbm>>
    %dma_start3A_1762 = arith.constant 8 : i32
    %dma_start3A_1763 = arith.constant 0 : i32
    %dma_start3A_1764 = tpu.memref_slice %arg5[%dma_start3A_1762, %dma_start3A_1763] : memref<248x512xf32, #tpu.memory_space<vmem>> -> memref<128x512xf32, #tpu.memory_space<vmem>>
    tpu.enqueue_dma source(%dma_start3A_1764 : memref<128x512xf32, #tpu.memory_space<vmem>>) target(%dma_start3A_1761 : memref<128x512xf32, #tpu.memory_space<hbm>>) target_semaphore(%arg9 : memref<!tpu.dma_semaphore, #tpu.memory_space<semaphore_mem>>)
    %dma_wait3A_1765 = arith.constant 176 : i32
    %dma_wait3A_1766 = arith.constant 0 : i32
    %dma_wait3A_1767 = tpu.memref_slice %arg5[%dma_wait3A_1765, %dma_wait3A_1766] : memref<248x512xf32, #tpu.memory_space<vmem>> -> memref<72x512xf32, #tpu.memory_space<vmem>>
    %dma_wait3A_1768 = arith.constant 176 : i32
    %dma_wait3A_1769 = tpu.memref_slice %arg4[%dma_wait3A_1768] : memref<512xi32, #tpu.memory_space<vmem>> -> memref<72xi32, #tpu.memory_space<vmem>>
    %dma_wait3A_1770 = arith.constant 0 : i32
    %dma_wait3A_1771 = arith.constant 0 : i32
    %dma_wait3A_1772 = tpu.memref_slice %arg2[%dma_wait3A_1770, %dma_wait3A_1771] : memref<8191x512xf32, #tpu.memory_space<hbm>> -> memref<8191x512xf32, #tpu.memory_space<hbm>>
    tpu.wait_indirect_dma semaphore(%arg8 : memref<!tpu.dma_semaphore, #tpu.memory_space<semaphore_mem>>) src(%dma_wait3A_1772 : memref<8191x512xf32, #tpu.memory_space<hbm>>) dst(%dma_wait3A_1767 : memref<72x512xf32, #tpu.memory_space<vmem>>)
    %add3A_1773 = arith.constant 0 : i32
    %add3A_1774 = arith.addi %add3A_1482, %add3A_1773 : i32
    %mul3A_1775 = arith.constant 512 : i32
    %mul3A_1776 = arith.muli %add3A_1774, %mul3A_1775 : i32
    %add3A_1777 = arith.addi %mul3A_1776, %mul3A_1484 : i32
    %dma_start3A_1778 = arith.constant 120 : i32
    %dma_start3A_1779 = arith.constant 0 : i32
    %dma_start3A_1780 = tpu.memref_slice %arg5[%dma_start3A_1778, %dma_start3A_1779] : memref<248x512xf32, #tpu.memory_space<vmem>> -> memref<128x512xf32, #tpu.memory_space<vmem>>
    %dma_start3A_1781 = arith.constant 0 : i32
    %dma_start3A_1782 = tpu.memref_slice %arg3[%add3A_1777, %dma_start3A_1781] : memref<262144x512xf32, #tpu.memory_space<hbm>> -> memref<128x512xf32, #tpu.memory_space<hbm>>
    %dma_start3A_1783 = arith.constant 0 : i32
    %dma_start3A_1784 = tpu.memref_slice %arg3[%add3A_1777, %dma_start3A_1783] : memref<262144x512xf32, #tpu.memory_space<hbm>> -> memref<128x512xf32, #tpu.memory_space<hbm>>
    %dma_start3A_1785 = arith.constant 120 : i32
    %dma_start3A_1786 = arith.constant 0 : i32
    %dma_start3A_1787 = tpu.memref_slice %arg5[%dma_start3A_1785, %dma_start3A_1786] : memref<248x512xf32, #tpu.memory_space<vmem>> -> memref<128x512xf32, #tpu.memory_space<vmem>>
    tpu.enqueue_dma source(%dma_start3A_1787 : memref<128x512xf32, #tpu.memory_space<vmem>>) target(%dma_start3A_1784 : memref<128x512xf32, #tpu.memory_space<hbm>>) target_semaphore(%arg9 : memref<!tpu.dma_semaphore, #tpu.memory_space<semaphore_mem>>)
    %add3A_1788 = arith.constant 8 : i32
    %add3A_1789 = arith.addi %add3A_1482, %add3A_1788 : i32
    %mul3A_1790 = arith.constant 512 : i32
    %mul3A_1791 = arith.muli %add3A_1789, %mul3A_1790 : i32
    %add3A_1792 = arith.addi %mul3A_1791, %mul3A_1484 : i32
    %dma_start3A_1793 = arith.constant 112 : i32
    %dma_start3A_1794 = arith.constant 0 : i32
    %dma_start3A_1795 = tpu.memref_slice %arg5[%dma_start3A_1793, %dma_start3A_1794] : memref<248x512xf32, #tpu.memory_space<vmem>> -> memref<128x512xf32, #tpu.memory_space<vmem>>
    %dma_start3A_1796 = arith.constant 0 : i32
    %dma_start3A_1797 = tpu.memref_slice %arg3[%add3A_1792, %dma_start3A_1796] : memref<262144x512xf32, #tpu.memory_space<hbm>> -> memref<128x512xf32, #tpu.memory_space<hbm>>
    %dma_start3A_1798 = arith.constant 0 : i32
    %dma_start3A_1799 = tpu.memref_slice %arg3[%add3A_1792, %dma_start3A_1798] : memref<262144x512xf32, #tpu.memory_space<hbm>> -> memref<128x512xf32, #tpu.memory_space<hbm>>
    %dma_start3A_1800 = arith.constant 112 : i32
    %dma_start3A_1801 = arith.constant 0 : i32
    %dma_start3A_1802 = tpu.memref_slice %arg5[%dma_start3A_1800, %dma_start3A_1801] : memref<248x512xf32, #tpu.memory_space<vmem>> -> memref<128x512xf32, #tpu.memory_space<vmem>>
    tpu.enqueue_dma source(%dma_start3A_1802 : memref<128x512xf32, #tpu.memory_space<vmem>>) target(%dma_start3A_1799 : memref<128x512xf32, #tpu.memory_space<hbm>>) target_semaphore(%arg9 : memref<!tpu.dma_semaphore, #tpu.memory_space<semaphore_mem>>)
    %add3A_1803 = arith.constant 16 : i32
    %add3A_1804 = arith.addi %add3A_1482, %add3A_1803 : i32
    %mul3A_1805 = arith.constant 512 : i32
    %mul3A_1806 = arith.muli %add3A_1804, %mul3A_1805 : i32
    %add3A_1807 = arith.addi %mul3A_1806, %mul3A_1484 : i32
    %dma_start3A_1808 = arith.constant 104 : i32
    %dma_start3A_1809 = arith.constant 0 : i32
    %dma_start3A_1810 = tpu.memref_slice %arg5[%dma_start3A_1808, %dma_start3A_1809] : memref<248x512xf32, #tpu.memory_space<vmem>> -> memref<128x512xf32, #tpu.memory_space<vmem>>
    %dma_start3A_1811 = arith.constant 0 : i32
    %dma_start3A_1812 = tpu.memref_slice %arg3[%add3A_1807, %dma_start3A_1811] : memref<262144x512xf32, #tpu.memory_space<hbm>> -> memref<128x512xf32, #tpu.memory_space<hbm>>
    %dma_start3A_1813 = arith.constant 0 : i32
    %dma_start3A_1814 = tpu.memref_slice %arg3[%add3A_1807, %dma_start3A_1813] : memref<262144x512xf32, #tpu.memory_space<hbm>> -> memref<128x512xf32, #tpu.memory_space<hbm>>
    %dma_start3A_1815 = arith.constant 104 : i32
    %dma_start3A_1816 = arith.constant 0 : i32
    %dma_start3A_1817 = tpu.memref_slice %arg5[%dma_start3A_1815, %dma_start3A_1816] : memref<248x512xf32, #tpu.memory_space<vmem>> -> memref<128x512xf32, #tpu.memory_space<vmem>>
    tpu.enqueue_dma source(%dma_start3A_1817 : memref<128x512xf32, #tpu.memory_space<vmem>>) target(%dma_start3A_1814 : memref<128x512xf32, #tpu.memory_space<hbm>>) target_semaphore(%arg9 : memref<!tpu.dma_semaphore, #tpu.memory_space<semaphore_mem>>)
    %add3A_1818 = arith.constant 24 : i32
    %add3A_1819 = arith.addi %add3A_1482, %add3A_1818 : i32
    %mul3A_1820 = arith.constant 512 : i32
    %mul3A_1821 = arith.muli %add3A_1819, %mul3A_1820 : i32
    %add3A_1822 = arith.addi %mul3A_1821, %mul3A_1484 : i32
    %dma_start3A_1823 = arith.constant 96 : i32
    %dma_start3A_1824 = arith.constant 0 : i32
    %dma_start3A_1825 = tpu.memref_slice %arg5[%dma_start3A_1823, %dma_start3A_1824] : memref<248x512xf32, #tpu.memory_space<vmem>> -> memref<128x512xf32, #tpu.memory_space<vmem>>
    %dma_start3A_1826 = arith.constant 0 : i32
    %dma_start3A_1827 = tpu.memref_slice %arg3[%add3A_1822, %dma_start3A_1826] : memref<262144x512xf32, #tpu.memory_space<hbm>> -> memref<128x512xf32, #tpu.memory_space<hbm>>
    %dma_start3A_1828 = arith.constant 0 : i32
    %dma_start3A_1829 = tpu.memref_slice %arg3[%add3A_1822, %dma_start3A_1828] : memref<262144x512xf32, #tpu.memory_space<hbm>> -> memref<128x512xf32, #tpu.memory_space<hbm>>
    %dma_start3A_1830 = arith.constant 96 : i32
    %dma_start3A_1831 = arith.constant 0 : i32
    %dma_start3A_1832 = tpu.memref_slice %arg5[%dma_start3A_1830, %dma_start3A_1831] : memref<248x512xf32, #tpu.memory_space<vmem>> -> memref<128x512xf32, #tpu.memory_space<vmem>>
    tpu.enqueue_dma source(%dma_start3A_1832 : memref<128x512xf32, #tpu.memory_space<vmem>>) target(%dma_start3A_1829 : memref<128x512xf32, #tpu.memory_space<hbm>>) target_semaphore(%arg9 : memref<!tpu.dma_semaphore, #tpu.memory_space<semaphore_mem>>)
    %add3A_1833 = arith.constant 32 : i32
    %add3A_1834 = arith.addi %add3A_1482, %add3A_1833 : i32
    %mul3A_1835 = arith.constant 512 : i32
    %mul3A_1836 = arith.muli %add3A_1834, %mul3A_1835 : i32
    %add3A_1837 = arith.addi %mul3A_1836, %mul3A_1484 : i32
    %dma_start3A_1838 = arith.constant 88 : i32
    %dma_start3A_1839 = arith.constant 0 : i32
    %dma_start3A_1840 = tpu.memref_slice %arg5[%dma_start3A_1838, %dma_start3A_1839] : memref<248x512xf32, #tpu.memory_space<vmem>> -> memref<128x512xf32, #tpu.memory_space<vmem>>
    %dma_start3A_1841 = arith.constant 0 : i32
    %dma_start3A_1842 = tpu.memref_slice %arg3[%add3A_1837, %dma_start3A_1841] : memref<262144x512xf32, #tpu.memory_space<hbm>> -> memref<128x512xf32, #tpu.memory_space<hbm>>
    %dma_start3A_1843 = arith.constant 0 : i32
    %dma_start3A_1844 = tpu.memref_slice %arg3[%add3A_1837, %dma_start3A_1843] : memref<262144x512xf32, #tpu.memory_space<hbm>> -> memref<128x512xf32, #tpu.memory_space<hbm>>
    %dma_start3A_1845 = arith.constant 88 : i32
    %dma_start3A_1846 = arith.constant 0 : i32
    %dma_start3A_1847 = tpu.memref_slice %arg5[%dma_start3A_1845, %dma_start3A_1846] : memref<248x512xf32, #tpu.memory_space<vmem>> -> memref<128x512xf32, #tpu.memory_space<vmem>>
    tpu.enqueue_dma source(%dma_start3A_1847 : memref<128x512xf32, #tpu.memory_space<vmem>>) target(%dma_start3A_1844 : memref<128x512xf32, #tpu.memory_space<hbm>>) target_semaphore(%arg9 : memref<!tpu.dma_semaphore, #tpu.memory_space<semaphore_mem>>)
    %add3A_1848 = arith.constant 40 : i32
    %add3A_1849 = arith.addi %add3A_1482, %add3A_1848 : i32
    %mul3A_1850 = arith.constant 512 : i32
    %mul3A_1851 = arith.muli %add3A_1849, %mul3A_1850 : i32
    %add3A_1852 = arith.addi %mul3A_1851, %mul3A_1484 : i32
    %dma_start3A_1853 = arith.constant 80 : i32
    %dma_start3A_1854 = arith.constant 0 : i32
    %dma_start3A_1855 = tpu.memref_slice %arg5[%dma_start3A_1853, %dma_start3A_1854] : memref<248x512xf32, #tpu.memory_space<vmem>> -> memref<128x512xf32, #tpu.memory_space<vmem>>
    %dma_start3A_1856 = arith.constant 0 : i32
    %dma_start3A_1857 = tpu.memref_slice %arg3[%add3A_1852, %dma_start3A_1856] : memref<262144x512xf32, #tpu.memory_space<hbm>> -> memref<128x512xf32, #tpu.memory_space<hbm>>
    %dma_start3A_1858 = arith.constant 0 : i32
    %dma_start3A_1859 = tpu.memref_slice %arg3[%add3A_1852, %dma_start3A_1858] : memref<262144x512xf32, #tpu.memory_space<hbm>> -> memref<128x512xf32, #tpu.memory_space<hbm>>
    %dma_start3A_1860 = arith.constant 80 : i32
    %dma_start3A_1861 = arith.constant 0 : i32
    %dma_start3A_1862 = tpu.memref_slice %arg5[%dma_start3A_1860, %dma_start3A_1861] : memref<248x512xf32, #tpu.memory_space<vmem>> -> memref<128x512xf32, #tpu.memory_space<vmem>>
    tpu.enqueue_dma source(%dma_start3A_1862 : memref<128x512xf32, #tpu.memory_space<vmem>>) target(%dma_start3A_1859 : memref<128x512xf32, #tpu.memory_space<hbm>>) target_semaphore(%arg9 : memref<!tpu.dma_semaphore, #tpu.memory_space<semaphore_mem>>)
    %add3A_1863 = arith.constant 48 : i32
    %add3A_1864 = arith.addi %add3A_1482, %add3A_1863 : i32
    %mul3A_1865 = arith.constant 512 : i32
    %mul3A_1866 = arith.muli %add3A_1864, %mul3A_1865 : i32
    %add3A_1867 = arith.addi %mul3A_1866, %mul3A_1484 : i32
    %dma_start3A_1868 = arith.constant 72 : i32
    %dma_start3A_1869 = arith.constant 0 : i32
    %dma_start3A_1870 = tpu.memref_slice %arg5[%dma_start3A_1868, %dma_start3A_1869] : memref<248x512xf32, #tpu.memory_space<vmem>> -> memref<128x512xf32, #tpu.memory_space<vmem>>
    %dma_start3A_1871 = arith.constant 0 : i32
    %dma_start3A_1872 = tpu.memref_slice %arg3[%add3A_1867, %dma_start3A_1871] : memref<262144x512xf32, #tpu.memory_space<hbm>> -> memref<128x512xf32, #tpu.memory_space<hbm>>
    %dma_start3A_1873 = arith.constant 0 : i32
    %dma_start3A_1874 = tpu.memref_slice %arg3[%add3A_1867, %dma_start3A_1873] : memref<262144x512xf32, #tpu.memory_space<hbm>> -> memref<128x512xf32, #tpu.memory_space<hbm>>
    %dma_start3A_1875 = arith.constant 72 : i32
    %dma_start3A_1876 = arith.constant 0 : i32
    %dma_start3A_1877 = tpu.memref_slice %arg5[%dma_start3A_1875, %dma_start3A_1876] : memref<248x512xf32, #tpu.memory_space<vmem>> -> memref<128x512xf32, #tpu.memory_space<vmem>>
    tpu.enqueue_dma source(%dma_start3A_1877 : memref<128x512xf32, #tpu.memory_space<vmem>>) target(%dma_start3A_1874 : memref<128x512xf32, #tpu.memory_space<hbm>>) target_semaphore(%arg9 : memref<!tpu.dma_semaphore, #tpu.memory_space<semaphore_mem>>)
    %add3A_1878 = arith.constant 56 : i32
    %add3A_1879 = arith.addi %add3A_1482, %add3A_1878 : i32
    %mul3A_1880 = arith.constant 512 : i32
    %mul3A_1881 = arith.muli %add3A_1879, %mul3A_1880 : i32
    %add3A_1882 = arith.addi %mul3A_1881, %mul3A_1484 : i32
    %dma_start3A_1883 = arith.constant 64 : i32
    %dma_start3A_1884 = arith.constant 0 : i32
    %dma_start3A_1885 = tpu.memref_slice %arg5[%dma_start3A_1883, %dma_start3A_1884] : memref<248x512xf32, #tpu.memory_space<vmem>> -> memref<128x512xf32, #tpu.memory_space<vmem>>
    %dma_start3A_1886 = arith.constant 0 : i32
    %dma_start3A_1887 = tpu.memref_slice %arg3[%add3A_1882, %dma_start3A_1886] : memref<262144x512xf32, #tpu.memory_space<hbm>> -> memref<128x512xf32, #tpu.memory_space<hbm>>
    %dma_start3A_1888 = arith.constant 0 : i32
    %dma_start3A_1889 = tpu.memref_slice %arg3[%add3A_1882, %dma_start3A_1888] : memref<262144x512xf32, #tpu.memory_space<hbm>> -> memref<128x512xf32, #tpu.memory_space<hbm>>
    %dma_start3A_1890 = arith.constant 64 : i32
    %dma_start3A_1891 = arith.constant 0 : i32
    %dma_start3A_1892 = tpu.memref_slice %arg5[%dma_start3A_1890, %dma_start3A_1891] : memref<248x512xf32, #tpu.memory_space<vmem>> -> memref<128x512xf32, #tpu.memory_space<vmem>>
    tpu.enqueue_dma source(%dma_start3A_1892 : memref<128x512xf32, #tpu.memory_space<vmem>>) target(%dma_start3A_1889 : memref<128x512xf32, #tpu.memory_space<hbm>>) target_semaphore(%arg9 : memref<!tpu.dma_semaphore, #tpu.memory_space<semaphore_mem>>)
    %add3A_1893 = arith.constant 64 : i32
    %add3A_1894 = arith.addi %add3A_1482, %add3A_1893 : i32
    %mul3A_1895 = arith.constant 512 : i32
    %mul3A_1896 = arith.muli %add3A_1894, %mul3A_1895 : i32
    %add3A_1897 = arith.addi %mul3A_1896, %mul3A_1484 : i32
    %dma_start3A_1898 = arith.constant 56 : i32
    %dma_start3A_1899 = arith.constant 0 : i32
    %dma_start3A_1900 = tpu.memref_slice %arg5[%dma_start3A_1898, %dma_start3A_1899] : memref<248x512xf32, #tpu.memory_space<vmem>> -> memref<128x512xf32, #tpu.memory_space<vmem>>
    %dma_start3A_1901 = arith.constant 0 : i32
    %dma_start3A_1902 = tpu.memref_slice %arg3[%add3A_1897, %dma_start3A_1901] : memref<262144x512xf32, #tpu.memory_space<hbm>> -> memref<128x512xf32, #tpu.memory_space<hbm>>
    %dma_start3A_1903 = arith.constant 0 : i32
    %dma_start3A_1904 = tpu.memref_slice %arg3[%add3A_1897, %dma_start3A_1903] : memref<262144x512xf32, #tpu.memory_space<hbm>> -> memref<128x512xf32, #tpu.memory_space<hbm>>
    %dma_start3A_1905 = arith.constant 56 : i32
    %dma_start3A_1906 = arith.constant 0 : i32
    %dma_start3A_1907 = tpu.memref_slice %arg5[%dma_start3A_1905, %dma_start3A_1906] : memref<248x512xf32, #tpu.memory_space<vmem>> -> memref<128x512xf32, #tpu.memory_space<vmem>>
    tpu.enqueue_dma source(%dma_start3A_1907 : memref<128x512xf32, #tpu.memory_space<vmem>>) target(%dma_start3A_1904 : memref<128x512xf32, #tpu.memory_space<hbm>>) target_semaphore(%arg9 : memref<!tpu.dma_semaphore, #tpu.memory_space<semaphore_mem>>)
    %dma_wait3A_1908 = arith.constant 0 : i32
    %dma_wait3A_1909 = arith.constant 0 : i32
    %dma_wait3A_1910 = tpu.memref_slice %arg5[%dma_wait3A_1908, %dma_wait3A_1909] : memref<248x512xf32, #tpu.memory_space<vmem>> -> memref<128x512xf32, #tpu.memory_space<vmem>>
    %dma_wait3A_1911 = arith.constant 0 : i32
    %dma_wait3A_1912 = arith.constant 0 : i32
    %dma_wait3A_1913 = tpu.memref_slice %arg3[%dma_wait3A_1911, %dma_wait3A_1912] : memref<262144x512xf32, #tpu.memory_space<hbm>> -> memref<128x512xf32, #tpu.memory_space<hbm>>
    %dma_wait3A_1914 = arith.constant 0 : i32
    %dma_wait3A_1915 = arith.constant 0 : i32
    %dma_wait3A_1916 = tpu.memref_slice %arg3[%dma_wait3A_1914, %dma_wait3A_1915] : memref<262144x512xf32, #tpu.memory_space<hbm>> -> memref<128x512xf32, #tpu.memory_space<hbm>>
    %dma_wait3A_1917 = arith.constant 0 : i32
    %dma_wait3A_1918 = arith.constant 0 : i32
    %dma_wait3A_1919 = tpu.memref_slice %arg5[%dma_wait3A_1917, %dma_wait3A_1918] : memref<248x512xf32, #tpu.memory_space<vmem>> -> memref<128x512xf32, #tpu.memory_space<vmem>>
    tpu.wait_dma2 semaphore(%arg9 : memref<!tpu.dma_semaphore, #tpu.memory_space<semaphore_mem>>) src(%dma_wait3A_1919 : memref<128x512xf32, #tpu.memory_space<vmem>>) dst(%dma_wait3A_1916 : memref<128x512xf32, #tpu.memory_space<hbm>>)
    %dma_wait3A_1920 = arith.constant 0 : i32
    %dma_wait3A_1921 = arith.constant 0 : i32
    %dma_wait3A_1922 = tpu.memref_slice %arg5[%dma_wait3A_1920, %dma_wait3A_1921] : memref<248x512xf32, #tpu.memory_space<vmem>> -> memref<128x512xf32, #tpu.memory_space<vmem>>
    %dma_wait3A_1923 = arith.constant 0 : i32
    %dma_wait3A_1924 = arith.constant 0 : i32
    %dma_wait3A_1925 = tpu.memref_slice %arg3[%dma_wait3A_1923, %dma_wait3A_1924] : memref<262144x512xf32, #tpu.memory_space<hbm>> -> memref<128x512xf32, #tpu.memory_space<hbm>>
    %dma_wait3A_1926 = arith.constant 0 : i32
    %dma_wait3A_1927 = arith.constant 0 : i32
    %dma_wait3A_1928 = tpu.memref_slice %arg3[%dma_wait3A_1926, %dma_wait3A_1927] : memref<262144x512xf32, #tpu.memory_space<hbm>> -> memref<128x512xf32, #tpu.memory_space<hbm>>
    %dma_wait3A_1929 = arith.constant 0 : i32
    %dma_wait3A_1930 = arith.constant 0 : i32
    %dma_wait3A_1931 = tpu.memref_slice %arg5[%dma_wait3A_1929, %dma_wait3A_1930] : memref<248x512xf32, #tpu.memory_space<vmem>> -> memref<128x512xf32, #tpu.memory_space<vmem>>
    tpu.wait_dma2 semaphore(%arg9 : memref<!tpu.dma_semaphore, #tpu.memory_space<semaphore_mem>>) src(%dma_wait3A_1931 : memref<128x512xf32, #tpu.memory_space<vmem>>) dst(%dma_wait3A_1928 : memref<128x512xf32, #tpu.memory_space<hbm>>)
    %dma_wait3A_1932 = arith.constant 0 : i32
    %dma_wait3A_1933 = arith.constant 0 : i32
    %dma_wait3A_1934 = tpu.memref_slice %arg5[%dma_wait3A_1932, %dma_wait3A_1933] : memref<248x512xf32, #tpu.memory_space<vmem>> -> memref<128x512xf32, #tpu.memory_space<vmem>>
    %dma_wait3A_1935 = arith.constant 0 : i32
    %dma_wait3A_1936 = arith.constant 0 : i32
    %dma_wait3A_1937 = tpu.memref_slice %arg3[%dma_wait3A_1935, %dma_wait3A_1936] : memref<262144x512xf32, #tpu.memory_space<hbm>> -> memref<128x512xf32, #tpu.memory_space<hbm>>
    %dma_wait3A_1938 = arith.constant 0 : i32
    %dma_wait3A_1939 = arith.constant 0 : i32
    %dma_wait3A_1940 = tpu.memref_slice %arg3[%dma_wait3A_1938, %dma_wait3A_1939] : memref<262144x512xf32, #tpu.memory_space<hbm>> -> memref<128x512xf32, #tpu.memory_space<hbm>>
    %dma_wait3A_1941 = arith.constant 0 : i32
    %dma_wait3A_1942 = arith.constant 0 : i32
    %dma_wait3A_1943 = tpu.memref_slice %arg5[%dma_wait3A_1941, %dma_wait3A_1942] : memref<248x512xf32, #tpu.memory_space<vmem>> -> memref<128x512xf32, #tpu.memory_space<vmem>>
    tpu.wait_dma2 semaphore(%arg9 : memref<!tpu.dma_semaphore, #tpu.memory_space<semaphore_mem>>) src(%dma_wait3A_1943 : memref<128x512xf32, #tpu.memory_space<vmem>>) dst(%dma_wait3A_1940 : memref<128x512xf32, #tpu.memory_space<hbm>>)
    %dma_wait3A_1944 = arith.constant 0 : i32
    %dma_wait3A_1945 = arith.constant 0 : i32
    %dma_wait3A_1946 = tpu.memref_slice %arg5[%dma_wait3A_1944, %dma_wait3A_1945] : memref<248x512xf32, #tpu.memory_space<vmem>> -> memref<128x512xf32, #tpu.memory_space<vmem>>
    %dma_wait3A_1947 = arith.constant 0 : i32
    %dma_wait3A_1948 = arith.constant 0 : i32
    %dma_wait3A_1949 = tpu.memref_slice %arg3[%dma_wait3A_1947, %dma_wait3A_1948] : memref<262144x512xf32, #tpu.memory_space<hbm>> -> memref<128x512xf32, #tpu.memory_space<hbm>>
    %dma_wait3A_1950 = arith.constant 0 : i32
    %dma_wait3A_1951 = arith.constant 0 : i32
    %dma_wait3A_1952 = tpu.memref_slice %arg3[%dma_wait3A_1950, %dma_wait3A_1951] : memref<262144x512xf32, #tpu.memory_space<hbm>> -> memref<128x512xf32, #tpu.memory_space<hbm>>
    %dma_wait3A_1953 = arith.constant 0 : i32
    %dma_wait3A_1954 = arith.constant 0 : i32
    %dma_wait3A_1955 = tpu.memref_slice %arg5[%dma_wait3A_1953, %dma_wait3A_1954] : memref<248x512xf32, #tpu.memory_space<vmem>> -> memref<128x512xf32, #tpu.memory_space<vmem>>
    tpu.wait_dma2 semaphore(%arg9 : memref<!tpu.dma_semaphore, #tpu.memory_space<semaphore_mem>>) src(%dma_wait3A_1955 : memref<128x512xf32, #tpu.memory_space<vmem>>) dst(%dma_wait3A_1952 : memref<128x512xf32, #tpu.memory_space<hbm>>)
    %dma_wait3A_1956 = arith.constant 0 : i32
    %dma_wait3A_1957 = arith.constant 0 : i32
    %dma_wait3A_1958 = tpu.memref_slice %arg5[%dma_wait3A_1956, %dma_wait3A_1957] : memref<248x512xf32, #tpu.memory_space<vmem>> -> memref<128x512xf32, #tpu.memory_space<vmem>>
    %dma_wait3A_1959 = arith.constant 0 : i32
    %dma_wait3A_1960 = arith.constant 0 : i32
    %dma_wait3A_1961 = tpu.memref_slice %arg3[%dma_wait3A_1959, %dma_wait3A_1960] : memref<262144x512xf32, #tpu.memory_space<hbm>> -> memref<128x512xf32, #tpu.memory_space<hbm>>
    %dma_wait3A_1962 = arith.constant 0 : i32
    %dma_wait3A_1963 = arith.constant 0 : i32
    %dma_wait3A_1964 = tpu.memref_slice %arg3[%dma_wait3A_1962, %dma_wait3A_1963] : memref<262144x512xf32, #tpu.memory_space<hbm>> -> memref<128x512xf32, #tpu.memory_space<hbm>>
    %dma_wait3A_1965 = arith.constant 0 : i32
    %dma_wait3A_1966 = arith.constant 0 : i32
    %dma_wait3A_1967 = tpu.memref_slice %arg5[%dma_wait3A_1965, %dma_wait3A_1966] : memref<248x512xf32, #tpu.memory_space<vmem>> -> memref<128x512xf32, #tpu.memory_space<vmem>>
    tpu.wait_dma2 semaphore(%arg9 : memref<!tpu.dma_semaphore, #tpu.memory_space<semaphore_mem>>) src(%dma_wait3A_1967 : memref<128x512xf32, #tpu.memory_space<vmem>>) dst(%dma_wait3A_1964 : memref<128x512xf32, #tpu.memory_space<hbm>>)
    %dma_wait3A_1968 = arith.constant 0 : i32
    %dma_wait3A_1969 = arith.constant 0 : i32
    %dma_wait3A_1970 = tpu.memref_slice %arg5[%dma_wait3A_1968, %dma_wait3A_1969] : memref<248x512xf32, #tpu.memory_space<vmem>> -> memref<128x512xf32, #tpu.memory_space<vmem>>
    %dma_wait3A_1971 = arith.constant 0 : i32
    %dma_wait3A_1972 = arith.constant 0 : i32
    %dma_wait3A_1973 = tpu.memref_slice %arg3[%dma_wait3A_1971, %dma_wait3A_1972] : memref<262144x512xf32, #tpu.memory_space<hbm>> -> memref<128x512xf32, #tpu.memory_space<hbm>>
    %dma_wait3A_1974 = arith.constant 0 : i32
    %dma_wait3A_1975 = arith.constant 0 : i32
    %dma_wait3A_1976 = tpu.memref_slice %arg3[%dma_wait3A_1974, %dma_wait3A_1975] : memref<262144x512xf32, #tpu.memory_space<hbm>> -> memref<128x512xf32, #tpu.memory_space<hbm>>
    %dma_wait3A_1977 = arith.constant 0 : i32
    %dma_wait3A_1978 = arith.constant 0 : i32
    %dma_wait3A_1979 = tpu.memref_slice %arg5[%dma_wait3A_1977, %dma_wait3A_1978] : memref<248x512xf32, #tpu.memory_space<vmem>> -> memref<128x512xf32, #tpu.memory_space<vmem>>
    tpu.wait_dma2 semaphore(%arg9 : memref<!tpu.dma_semaphore, #tpu.memory_space<semaphore_mem>>) src(%dma_wait3A_1979 : memref<128x512xf32, #tpu.memory_space<vmem>>) dst(%dma_wait3A_1976 : memref<128x512xf32, #tpu.memory_space<hbm>>)
    %dma_wait3A_1980 = arith.constant 0 : i32
    %dma_wait3A_1981 = arith.constant 0 : i32
    %dma_wait3A_1982 = tpu.memref_slice %arg5[%dma_wait3A_1980, %dma_wait3A_1981] : memref<248x512xf32, #tpu.memory_space<vmem>> -> memref<128x512xf32, #tpu.memory_space<vmem>>
    %dma_wait3A_1983 = arith.constant 0 : i32
    %dma_wait3A_1984 = arith.constant 0 : i32
    %dma_wait3A_1985 = tpu.memref_slice %arg3[%dma_wait3A_1983, %dma_wait3A_1984] : memref<262144x512xf32, #tpu.memory_space<hbm>> -> memref<128x512xf32, #tpu.memory_space<hbm>>
    %dma_wait3A_1986 = arith.constant 0 : i32
    %dma_wait3A_1987 = arith.constant 0 : i32
    %dma_wait3A_1988 = tpu.memref_slice %arg3[%dma_wait3A_1986, %dma_wait3A_1987] : memref<262144x512xf32, #tpu.memory_space<hbm>> -> memref<128x512xf32, #tpu.memory_space<hbm>>
    %dma_wait3A_1989 = arith.constant 0 : i32
    %dma_wait3A_1990 = arith.constant 0 : i32
    %dma_wait3A_1991 = tpu.memref_slice %arg5[%dma_wait3A_1989, %dma_wait3A_1990] : memref<248x512xf32, #tpu.memory_space<vmem>> -> memref<128x512xf32, #tpu.memory_space<vmem>>
    tpu.wait_dma2 semaphore(%arg9 : memref<!tpu.dma_semaphore, #tpu.memory_space<semaphore_mem>>) src(%dma_wait3A_1991 : memref<128x512xf32, #tpu.memory_space<vmem>>) dst(%dma_wait3A_1988 : memref<128x512xf32, #tpu.memory_space<hbm>>)
    %dma_wait3A_1992 = arith.constant 0 : i32
    %dma_wait3A_1993 = arith.constant 0 : i32
    %dma_wait3A_1994 = tpu.memref_slice %arg5[%dma_wait3A_1992, %dma_wait3A_1993] : memref<248x512xf32, #tpu.memory_space<vmem>> -> memref<128x512xf32, #tpu.memory_space<vmem>>
    %dma_wait3A_1995 = arith.constant 0 : i32
    %dma_wait3A_1996 = arith.constant 0 : i32
    %dma_wait3A_1997 = tpu.memref_slice %arg3[%dma_wait3A_1995, %dma_wait3A_1996] : memref<262144x512xf32, #tpu.memory_space<hbm>> -> memref<128x512xf32, #tpu.memory_space<hbm>>
    %dma_wait3A_1998 = arith.constant 0 : i32
    %dma_wait3A_1999 = arith.constant 0 : i32
    %dma_wait3A_2000 = tpu.memref_slice %arg3[%dma_wait3A_1998, %dma_wait3A_1999] : memref<262144x512xf32, #tpu.memory_space<hbm>> -> memref<128x512xf32, #tpu.memory_space<hbm>>
    %dma_wait3A_2001 = arith.constant 0 : i32
    %dma_wait3A_2002 = arith.constant 0 : i32
    %dma_wait3A_2003 = tpu.memref_slice %arg5[%dma_wait3A_2001, %dma_wait3A_2002] : memref<248x512xf32, #tpu.memory_space<vmem>> -> memref<128x512xf32, #tpu.memory_space<vmem>>
    tpu.wait_dma2 semaphore(%arg9 : memref<!tpu.dma_semaphore, #tpu.memory_space<semaphore_mem>>) src(%dma_wait3A_2003 : memref<128x512xf32, #tpu.memory_space<vmem>>) dst(%dma_wait3A_2000 : memref<128x512xf32, #tpu.memory_space<hbm>>)
    %dma_wait3A_2004 = arith.constant 0 : i32
    %dma_wait3A_2005 = arith.constant 0 : i32
    %dma_wait3A_2006 = tpu.memref_slice %arg5[%dma_wait3A_2004, %dma_wait3A_2005] : memref<248x512xf32, #tpu.memory_space<vmem>> -> memref<128x512xf32, #tpu.memory_space<vmem>>
    %dma_wait3A_2007 = arith.constant 0 : i32
    %dma_wait3A_2008 = arith.constant 0 : i32
    %dma_wait3A_2009 = tpu.memref_slice %arg3[%dma_wait3A_2007, %dma_wait3A_2008] : memref<262144x512xf32, #tpu.memory_space<hbm>> -> memref<128x512xf32, #tpu.memory_space<hbm>>
    %dma_wait3A_2010 = arith.constant 0 : i32
    %dma_wait3A_2011 = arith.constant 0 : i32
    %dma_wait3A_2012 = tpu.memref_slice %arg3[%dma_wait3A_2010, %dma_wait3A_2011] : memref<262144x512xf32, #tpu.memory_space<hbm>> -> memref<128x512xf32, #tpu.memory_space<hbm>>
    %dma_wait3A_2013 = arith.constant 0 : i32
    %dma_wait3A_2014 = arith.constant 0 : i32
    %dma_wait3A_2015 = tpu.memref_slice %arg5[%dma_wait3A_2013, %dma_wait3A_2014] : memref<248x512xf32, #tpu.memory_space<vmem>> -> memref<128x512xf32, #tpu.memory_space<vmem>>
    tpu.wait_dma2 semaphore(%arg9 : memref<!tpu.dma_semaphore, #tpu.memory_space<semaphore_mem>>) src(%dma_wait3A_2015 : memref<128x512xf32, #tpu.memory_space<vmem>>) dst(%dma_wait3A_2012 : memref<128x512xf32, #tpu.memory_space<hbm>>)
    %dma_wait3A_2016 = arith.constant 0 : i32
    %dma_wait3A_2017 = arith.constant 0 : i32
    %dma_wait3A_2018 = tpu.memref_slice %arg5[%dma_wait3A_2016, %dma_wait3A_2017] : memref<248x512xf32, #tpu.memory_space<vmem>> -> memref<128x512xf32, #tpu.memory_space<vmem>>
    %dma_wait3A_2019 = arith.constant 0 : i32
    %dma_wait3A_2020 = arith.constant 0 : i32
    %dma_wait3A_2021 = tpu.memref_slice %arg3[%dma_wait3A_2019, %dma_wait3A_2020] : memref<262144x512xf32, #tpu.memory_space<hbm>> -> memref<128x512xf32, #tpu.memory_space<hbm>>
    %dma_wait3A_2022 = arith.constant 0 : i32
    %dma_wait3A_2023 = arith.constant 0 : i32
    %dma_wait3A_2024 = tpu.memref_slice %arg3[%dma_wait3A_2022, %dma_wait3A_2023] : memref<262144x512xf32, #tpu.memory_space<hbm>> -> memref<128x512xf32, #tpu.memory_space<hbm>>
    %dma_wait3A_2025 = arith.constant 0 : i32
    %dma_wait3A_2026 = arith.constant 0 : i32
    %dma_wait3A_2027 = tpu.memref_slice %arg5[%dma_wait3A_2025, %dma_wait3A_2026] : memref<248x512xf32, #tpu.memory_space<vmem>> -> memref<128x512xf32, #tpu.memory_space<vmem>>
    tpu.wait_dma2 semaphore(%arg9 : memref<!tpu.dma_semaphore, #tpu.memory_space<semaphore_mem>>) src(%dma_wait3A_2027 : memref<128x512xf32, #tpu.memory_space<vmem>>) dst(%dma_wait3A_2024 : memref<128x512xf32, #tpu.memory_space<hbm>>)
    %dma_wait3A_2028 = arith.constant 0 : i32
    %dma_wait3A_2029 = arith.constant 0 : i32
    %dma_wait3A_2030 = tpu.memref_slice %arg5[%dma_wait3A_2028, %dma_wait3A_2029] : memref<248x512xf32, #tpu.memory_space<vmem>> -> memref<128x512xf32, #tpu.memory_space<vmem>>
    %dma_wait3A_2031 = arith.constant 0 : i32
    %dma_wait3A_2032 = arith.constant 0 : i32
    %dma_wait3A_2033 = tpu.memref_slice %arg3[%dma_wait3A_2031, %dma_wait3A_2032] : memref<262144x512xf32, #tpu.memory_space<hbm>> -> memref<128x512xf32, #tpu.memory_space<hbm>>
    %dma_wait3A_2034 = arith.constant 0 : i32
    %dma_wait3A_2035 = arith.constant 0 : i32
    %dma_wait3A_2036 = tpu.memref_slice %arg3[%dma_wait3A_2034, %dma_wait3A_2035] : memref<262144x512xf32, #tpu.memory_space<hbm>> -> memref<128x512xf32, #tpu.memory_space<hbm>>
    %dma_wait3A_2037 = arith.constant 0 : i32
    %dma_wait3A_2038 = arith.constant 0 : i32
    %dma_wait3A_2039 = tpu.memref_slice %arg5[%dma_wait3A_2037, %dma_wait3A_2038] : memref<248x512xf32, #tpu.memory_space<vmem>> -> memref<128x512xf32, #tpu.memory_space<vmem>>
    tpu.wait_dma2 semaphore(%arg9 : memref<!tpu.dma_semaphore, #tpu.memory_space<semaphore_mem>>) src(%dma_wait3A_2039 : memref<128x512xf32, #tpu.memory_space<vmem>>) dst(%dma_wait3A_2036 : memref<128x512xf32, #tpu.memory_space<hbm>>)
    %dma_wait3A_2040 = arith.constant 0 : i32
    %dma_wait3A_2041 = arith.constant 0 : i32
    %dma_wait3A_2042 = tpu.memref_slice %arg5[%dma_wait3A_2040, %dma_wait3A_2041] : memref<248x512xf32, #tpu.memory_space<vmem>> -> memref<128x512xf32, #tpu.memory_space<vmem>>
    %dma_wait3A_2043 = arith.constant 0 : i32
    %dma_wait3A_2044 = arith.constant 0 : i32
    %dma_wait3A_2045 = tpu.memref_slice %arg3[%dma_wait3A_2043, %dma_wait3A_2044] : memref<262144x512xf32, #tpu.memory_space<hbm>> -> memref<128x512xf32, #tpu.memory_space<hbm>>
    %dma_wait3A_2046 = arith.constant 0 : i32
    %dma_wait3A_2047 = arith.constant 0 : i32
    %dma_wait3A_2048 = tpu.memref_slice %arg3[%dma_wait3A_2046, %dma_wait3A_2047] : memref<262144x512xf32, #tpu.memory_space<hbm>> -> memref<128x512xf32, #tpu.memory_space<hbm>>
    %dma_wait3A_2049 = arith.constant 0 : i32
    %dma_wait3A_2050 = arith.constant 0 : i32
    %dma_wait3A_2051 = tpu.memref_slice %arg5[%dma_wait3A_2049, %dma_wait3A_2050] : memref<248x512xf32, #tpu.memory_space<vmem>> -> memref<128x512xf32, #tpu.memory_space<vmem>>
    tpu.wait_dma2 semaphore(%arg9 : memref<!tpu.dma_semaphore, #tpu.memory_space<semaphore_mem>>) src(%dma_wait3A_2051 : memref<128x512xf32, #tpu.memory_space<vmem>>) dst(%dma_wait3A_2048 : memref<128x512xf32, #tpu.memory_space<hbm>>)
    %dma_wait3A_2052 = arith.constant 0 : i32
    %dma_wait3A_2053 = arith.constant 0 : i32
    %dma_wait3A_2054 = tpu.memref_slice %arg5[%dma_wait3A_2052, %dma_wait3A_2053] : memref<248x512xf32, #tpu.memory_space<vmem>> -> memref<128x512xf32, #tpu.memory_space<vmem>>
    %dma_wait3A_2055 = arith.constant 0 : i32
    %dma_wait3A_2056 = arith.constant 0 : i32
    %dma_wait3A_2057 = tpu.memref_slice %arg3[%dma_wait3A_2055, %dma_wait3A_2056] : memref<262144x512xf32, #tpu.memory_space<hbm>> -> memref<128x512xf32, #tpu.memory_space<hbm>>
    %dma_wait3A_2058 = arith.constant 0 : i32
    %dma_wait3A_2059 = arith.constant 0 : i32
    %dma_wait3A_2060 = tpu.memref_slice %arg3[%dma_wait3A_2058, %dma_wait3A_2059] : memref<262144x512xf32, #tpu.memory_space<hbm>> -> memref<128x512xf32, #tpu.memory_space<hbm>>
    %dma_wait3A_2061 = arith.constant 0 : i32
    %dma_wait3A_2062 = arith.constant 0 : i32
    %dma_wait3A_2063 = tpu.memref_slice %arg5[%dma_wait3A_2061, %dma_wait3A_2062] : memref<248x512xf32, #tpu.memory_space<vmem>> -> memref<128x512xf32, #tpu.memory_space<vmem>>
    tpu.wait_dma2 semaphore(%arg9 : memref<!tpu.dma_semaphore, #tpu.memory_space<semaphore_mem>>) src(%dma_wait3A_2063 : memref<128x512xf32, #tpu.memory_space<vmem>>) dst(%dma_wait3A_2060 : memref<128x512xf32, #tpu.memory_space<hbm>>)
    %dma_wait3A_2064 = arith.constant 0 : i32
    %dma_wait3A_2065 = arith.constant 0 : i32
    %dma_wait3A_2066 = tpu.memref_slice %arg5[%dma_wait3A_2064, %dma_wait3A_2065] : memref<248x512xf32, #tpu.memory_space<vmem>> -> memref<128x512xf32, #tpu.memory_space<vmem>>
    %dma_wait3A_2067 = arith.constant 0 : i32
    %dma_wait3A_2068 = arith.constant 0 : i32
    %dma_wait3A_2069 = tpu.memref_slice %arg3[%dma_wait3A_2067, %dma_wait3A_2068] : memref<262144x512xf32, #tpu.memory_space<hbm>> -> memref<128x512xf32, #tpu.memory_space<hbm>>
    %dma_wait3A_2070 = arith.constant 0 : i32
    %dma_wait3A_2071 = arith.constant 0 : i32
    %dma_wait3A_2072 = tpu.memref_slice %arg3[%dma_wait3A_2070, %dma_wait3A_2071] : memref<262144x512xf32, #tpu.memory_space<hbm>> -> memref<128x512xf32, #tpu.memory_space<hbm>>
    %dma_wait3A_2073 = arith.constant 0 : i32
    %dma_wait3A_2074 = arith.constant 0 : i32
    %dma_wait3A_2075 = tpu.memref_slice %arg5[%dma_wait3A_2073, %dma_wait3A_2074] : memref<248x512xf32, #tpu.memory_space<vmem>> -> memref<128x512xf32, #tpu.memory_space<vmem>>
    tpu.wait_dma2 semaphore(%arg9 : memref<!tpu.dma_semaphore, #tpu.memory_space<semaphore_mem>>) src(%dma_wait3A_2075 : memref<128x512xf32, #tpu.memory_space<vmem>>) dst(%dma_wait3A_2072 : memref<128x512xf32, #tpu.memory_space<hbm>>)
    %dma_wait3A_2076 = arith.constant 0 : i32
    %dma_wait3A_2077 = arith.constant 0 : i32
    %dma_wait3A_2078 = tpu.memref_slice %arg5[%dma_wait3A_2076, %dma_wait3A_2077] : memref<248x512xf32, #tpu.memory_space<vmem>> -> memref<128x512xf32, #tpu.memory_space<vmem>>
    %dma_wait3A_2079 = arith.constant 0 : i32
    %dma_wait3A_2080 = arith.constant 0 : i32
    %dma_wait3A_2081 = tpu.memref_slice %arg3[%dma_wait3A_2079, %dma_wait3A_2080] : memref<262144x512xf32, #tpu.memory_space<hbm>> -> memref<128x512xf32, #tpu.memory_space<hbm>>
    %dma_wait3A_2082 = arith.constant 0 : i32
    %dma_wait3A_2083 = arith.constant 0 : i32
    %dma_wait3A_2084 = tpu.memref_slice %arg3[%dma_wait3A_2082, %dma_wait3A_2083] : memref<262144x512xf32, #tpu.memory_space<hbm>> -> memref<128x512xf32, #tpu.memory_space<hbm>>
    %dma_wait3A_2085 = arith.constant 0 : i32
    %dma_wait3A_2086 = arith.constant 0 : i32
    %dma_wait3A_2087 = tpu.memref_slice %arg5[%dma_wait3A_2085, %dma_wait3A_2086] : memref<248x512xf32, #tpu.memory_space<vmem>> -> memref<128x512xf32, #tpu.memory_space<vmem>>
    tpu.wait_dma2 semaphore(%arg9 : memref<!tpu.dma_semaphore, #tpu.memory_space<semaphore_mem>>) src(%dma_wait3A_2087 : memref<128x512xf32, #tpu.memory_space<vmem>>) dst(%dma_wait3A_2084 : memref<128x512xf32, #tpu.memory_space<hbm>>)
    %dma_wait3A_2088 = arith.constant 0 : i32
    %dma_wait3A_2089 = arith.constant 0 : i32
    %dma_wait3A_2090 = tpu.memref_slice %arg5[%dma_wait3A_2088, %dma_wait3A_2089] : memref<248x512xf32, #tpu.memory_space<vmem>> -> memref<128x512xf32, #tpu.memory_space<vmem>>
    %dma_wait3A_2091 = arith.constant 0 : i32
    %dma_wait3A_2092 = arith.constant 0 : i32
    %dma_wait3A_2093 = tpu.memref_slice %arg3[%dma_wait3A_2091, %dma_wait3A_2092] : memref<262144x512xf32, #tpu.memory_space<hbm>> -> memref<128x512xf32, #tpu.memory_space<hbm>>
    %dma_wait3A_2094 = arith.constant 0 : i32
    %dma_wait3A_2095 = arith.constant 0 : i32
    %dma_wait3A_2096 = tpu.memref_slice %arg3[%dma_wait3A_2094, %dma_wait3A_2095] : memref<262144x512xf32, #tpu.memory_space<hbm>> -> memref<128x512xf32, #tpu.memory_space<hbm>>
    %dma_wait3A_2097 = arith.constant 0 : i32
    %dma_wait3A_2098 = arith.constant 0 : i32
    %dma_wait3A_2099 = tpu.memref_slice %arg5[%dma_wait3A_2097, %dma_wait3A_2098] : memref<248x512xf32, #tpu.memory_space<vmem>> -> memref<128x512xf32, #tpu.memory_space<vmem>>
    tpu.wait_dma2 semaphore(%arg9 : memref<!tpu.dma_semaphore, #tpu.memory_space<semaphore_mem>>) src(%dma_wait3A_2099 : memref<128x512xf32, #tpu.memory_space<vmem>>) dst(%dma_wait3A_2096 : memref<128x512xf32, #tpu.memory_space<hbm>>)
    %mul3A_2100 = arith.constant 4 : i32
    %mul3A_2101 = arith.muli %add3A, %mul3A_2100 : i32
    %add3A_2102 = arith.constant 3 : i32
    %add3A_2103 = arith.addi %mul3A_2101, %add3A_2102 : i32
    %jit3A_2104 = arith.constant 8 : i32
    %eq3A_2105 = arith.constant 0 : i32
    %eq3A_2106 = arith.cmpi eq, %jit3A_2104, %eq3A_2105 : i32
    %jit3A_2107 = arith.constant 1 : i32
    %select_n3A_2108 = arith.select %eq3A_2106, %jit3A_2107, %jit3A_2104 : i32
    %rem3A_2109 = arith.remsi %add3A_2103, %select_n3A_2108 : i32
    %ne3A_2110 = arith.constant 0 : i32
    %ne3A_2111 = arith.cmpi ne, %rem3A_2109, %ne3A_2110 : i32
    %lt3A_2112 = arith.constant 0 : i32
    %lt3A_2113 = arith.cmpi slt, %rem3A_2109, %lt3A_2112 : i32
    %lt3A_2114 = arith.constant 0 : i32
    %lt3A_2115 = arith.cmpi slt, %select_n3A_2108, %lt3A_2114 : i32
    %ne3A_2116 = arith.xori %lt3A_2113, %lt3A_2115 : i1
    %and3A_2117 = arith.andi %ne3A_2116, %ne3A_2111 : i1
    %add3A_2118 = arith.addi %rem3A_2109, %select_n3A_2108 : i32
    %select_n3A_2119 = arith.select %and3A_2117, %add3A_2118, %rem3A_2109 : i32
    %jit3A_2120 = arith.constant 8 : i32
    %div3A_2121 = arith.divsi %add3A_2103, %jit3A_2120 : i32
    %sign3A_2122 = arith.constant 0 : i32
    %sign3A_2123 = arith.cmpi sgt, %add3A_2103, %sign3A_2122 : i32
    %sign3A_2124 = arith.extui %sign3A_2123 : i1 to i32
    %sign3A_2125 = arith.constant 0 : i32
    %sign3A_2126 = arith.cmpi slt, %add3A_2103, %sign3A_2125 : i32
    %sign3A_2127 = arith.extui %sign3A_2126 : i1 to i32
    %sign3A_2128 = arith.subi %sign3A_2124, %sign3A_2127 : i32
    %sign3A_2129 = arith.constant 0 : i32
    %sign3A_2130 = arith.cmpi sgt, %jit3A_2120, %sign3A_2129 : i32
    %sign3A_2131 = arith.extui %sign3A_2130 : i1 to i32
    %sign3A_2132 = arith.constant 0 : i32
    %sign3A_2133 = arith.cmpi slt, %jit3A_2120, %sign3A_2132 : i32
    %sign3A_2134 = arith.extui %sign3A_2133 : i1 to i32
    %sign3A_2135 = arith.subi %sign3A_2131, %sign3A_2134 : i32
    %ne3A_2136 = arith.cmpi ne, %sign3A_2128, %sign3A_2135 : i32
    %rem3A_2137 = arith.remsi %add3A_2103, %jit3A_2120 : i32
    %ne3A_2138 = arith.constant 0 : i32
    %ne3A_2139 = arith.cmpi ne, %rem3A_2137, %ne3A_2138 : i32
    %and3A_2140 = arith.andi %ne3A_2136, %ne3A_2139 : i1
    %sub3A_2141 = arith.constant 1 : i32
    %sub3A_2142 = arith.subi %div3A_2121, %sub3A_2141 : i32
    %select_n3A_2143 = arith.select %and3A_2140, %sub3A_2142, %div3A_2121 : i32
    %jit3A_2144 = arith.constant 4 : i32
    %eq3A_2145 = arith.constant 0 : i32
    %eq3A_2146 = arith.cmpi eq, %jit3A_2144, %eq3A_2145 : i32
    %jit3A_2147 = arith.constant 1 : i32
    %select_n3A_2148 = arith.select %eq3A_2146, %jit3A_2147, %jit3A_2144 : i32
    %rem3A_2149 = arith.remsi %select_n3A_2143, %select_n3A_2148 : i32
    %ne3A_2150 = arith.constant 0 : i32
    %ne3A_2151 = arith.cmpi ne, %rem3A_2149, %ne3A_2150 : i32
    %lt3A_2152 = arith.constant 0 : i32
    %lt3A_2153 = arith.cmpi slt, %rem3A_2149, %lt3A_2152 : i32
    %lt3A_2154 = arith.constant 0 : i32
    %lt3A_2155 = arith.cmpi slt, %select_n3A_2148, %lt3A_2154 : i32
    %ne3A_2156 = arith.xori %lt3A_2153, %lt3A_2155 : i1
    %and3A_2157 = arith.andi %ne3A_2156, %ne3A_2151 : i1
    %add3A_2158 = arith.addi %rem3A_2149, %select_n3A_2148 : i32
    %select_n3A_2159 = arith.select %and3A_2157, %add3A_2158, %rem3A_2149 : i32
    %jit3A_2160 = arith.constant 32 : i32
    %div3A_2161 = arith.divsi %add3A_2103, %jit3A_2160 : i32
    %sign3A_2162 = arith.constant 0 : i32
    %sign3A_2163 = arith.cmpi sgt, %add3A_2103, %sign3A_2162 : i32
    %sign3A_2164 = arith.extui %sign3A_2163 : i1 to i32
    %sign3A_2165 = arith.constant 0 : i32
    %sign3A_2166 = arith.cmpi slt, %add3A_2103, %sign3A_2165 : i32
    %sign3A_2167 = arith.extui %sign3A_2166 : i1 to i32
    %sign3A_2168 = arith.subi %sign3A_2164, %sign3A_2167 : i32
    %sign3A_2169 = arith.constant 0 : i32
    %sign3A_2170 = arith.cmpi sgt, %jit3A_2160, %sign3A_2169 : i32
    %sign3A_2171 = arith.extui %sign3A_2170 : i1 to i32
    %sign3A_2172 = arith.constant 0 : i32
    %sign3A_2173 = arith.cmpi slt, %jit3A_2160, %sign3A_2172 : i32
    %sign3A_2174 = arith.extui %sign3A_2173 : i1 to i32
    %sign3A_2175 = arith.subi %sign3A_2171, %sign3A_2174 : i32
    %ne3A_2176 = arith.cmpi ne, %sign3A_2168, %sign3A_2175 : i32
    %rem3A_2177 = arith.remsi %add3A_2103, %jit3A_2160 : i32
    %ne3A_2178 = arith.constant 0 : i32
    %ne3A_2179 = arith.cmpi ne, %rem3A_2177, %ne3A_2178 : i32
    %and3A_2180 = arith.andi %ne3A_2176, %ne3A_2179 : i1
    %sub3A_2181 = arith.constant 1 : i32
    %sub3A_2182 = arith.subi %div3A_2161, %sub3A_2181 : i32
    %select_n3A_2183 = arith.select %and3A_2180, %sub3A_2182, %div3A_2161 : i32
    %mul3A_2184 = arith.constant 128 : i32
    %mul3A_2185 = arith.muli %mul3A_2184, %select_n3A_2159 : i32
    %add3A_2186 = arith.addi %select_n3A_2119, %mul3A_2185 : i32
    %mul3A_2187 = arith.constant 128 : i32
    %mul3A_2188 = arith.muli %select_n3A_2183, %mul3A_2187 : i32
    %add3A_2189 = arith.constant 120 : i32
    %add3A_2190 = arith.addi %add3A_2186, %add3A_2189 : i32
    %sub3A_2191 = arith.constant 511 : i32
    %sub3A_2192 = arith.subi %sub3A_2191, %add3A_2190 : i32
    %add3A_2193 = arith.addi %sub3A_2192, %mul3A_2188 : i32
    %sub3A_2194 = arith.constant 4606 : i32
    %sub3A_2195 = arith.subi %sub3A_2194, %add3A_2193 : i32
    %sub3A_2196 = arith.constant 0 : i32
    %sub3A_2197 = arith.subi %sub3A_2195, %sub3A_2196 : i32
    %sub3A_2198 = vector.broadcast %sub3A_2197 : i32 to vector<16xi32>
    %sub3A_2199 = arith.subi %sub3A_2198, %iota3A : vector<16xi32>
    %swap3A_2200 = arith.constant 0 : index
    %swap3A_2201 = tpu.vector_load %arg4[%swap3A_2200] {strides = array<i32>} : memref<512xi32, #tpu.memory_space<vmem>>, vector<16xi32>,
    %swap3A_2202 = vector.shape_cast %swap3A_2201 : vector<16xi32> to vector<16xi32>
    %swap3A_2203 = vector.shape_cast %sub3A_2199 : vector<16xi32> to vector<16xi32>
    tpu.vector_store %arg4[%swap3A_2200], %swap3A_2203 {strides = array<i32>} : memref<512xi32, #tpu.memory_space<vmem>>, vector<16xi32>,
    %sub3A_2204 = arith.constant 16 : i32
    %sub3A_2205 = arith.subi %sub3A_2195, %sub3A_2204 : i32
    %sub3A_2206 = vector.broadcast %sub3A_2205 : i32 to vector<16xi32>
    %sub3A_2207 = arith.subi %sub3A_2206, %iota3A : vector<16xi32>
    %swap3A_2208 = arith.constant 16 : index
    %swap3A_2209 = tpu.vector_load %arg4[%swap3A_2208] {strides = array<i32>} : memref<512xi32, #tpu.memory_space<vmem>>, vector<16xi32>,
    %swap3A_2210 = vector.shape_cast %swap3A_2209 : vector<16xi32> to vector<16xi32>
    %swap3A_2211 = vector.shape_cast %sub3A_2207 : vector<16xi32> to vector<16xi32>
    tpu.vector_store %arg4[%swap3A_2208], %swap3A_2211 {strides = array<i32>} : memref<512xi32, #tpu.memory_space<vmem>>, vector<16xi32>,
    %sub3A_2212 = arith.constant 32 : i32
    %sub3A_2213 = arith.subi %sub3A_2195, %sub3A_2212 : i32
    %sub3A_2214 = vector.broadcast %sub3A_2213 : i32 to vector<16xi32>
    %sub3A_2215 = arith.subi %sub3A_2214, %iota3A : vector<16xi32>
    %swap3A_2216 = arith.constant 32 : index
    %swap3A_2217 = tpu.vector_load %arg4[%swap3A_2216] {strides = array<i32>} : memref<512xi32, #tpu.memory_space<vmem>>, vector<16xi32>,
    %swap3A_2218 = vector.shape_cast %swap3A_2217 : vector<16xi32> to vector<16xi32>
    %swap3A_2219 = vector.shape_cast %sub3A_2215 : vector<16xi32> to vector<16xi32>
    tpu.vector_store %arg4[%swap3A_2216], %swap3A_2219 {strides = array<i32>} : memref<512xi32, #tpu.memory_space<vmem>>, vector<16xi32>,
    %sub3A_2220 = arith.constant 48 : i32
    %sub3A_2221 = arith.subi %sub3A_2195, %sub3A_2220 : i32
    %sub3A_2222 = vector.broadcast %sub3A_2221 : i32 to vector<16xi32>
    %sub3A_2223 = arith.subi %sub3A_2222, %iota3A : vector<16xi32>
    %swap3A_2224 = arith.constant 48 : index
    %swap3A_2225 = tpu.vector_load %arg4[%swap3A_2224] {strides = array<i32>} : memref<512xi32, #tpu.memory_space<vmem>>, vector<16xi32>,
    %swap3A_2226 = vector.shape_cast %swap3A_2225 : vector<16xi32> to vector<16xi32>
    %swap3A_2227 = vector.shape_cast %sub3A_2223 : vector<16xi32> to vector<16xi32>
    tpu.vector_store %arg4[%swap3A_2224], %swap3A_2227 {strides = array<i32>} : memref<512xi32, #tpu.memory_space<vmem>>, vector<16xi32>,
    %sub3A_2228 = arith.constant 64 : i32
    %sub3A_2229 = arith.subi %sub3A_2195, %sub3A_2228 : i32
    %sub3A_2230 = vector.broadcast %sub3A_2229 : i32 to vector<16xi32>
    %sub3A_2231 = arith.subi %sub3A_2230, %iota3A : vector<16xi32>
    %swap3A_2232 = arith.constant 64 : index
    %swap3A_2233 = tpu.vector_load %arg4[%swap3A_2232] {strides = array<i32>} : memref<512xi32, #tpu.memory_space<vmem>>, vector<16xi32>,
    %swap3A_2234 = vector.shape_cast %swap3A_2233 : vector<16xi32> to vector<16xi32>
    %swap3A_2235 = vector.shape_cast %sub3A_2231 : vector<16xi32> to vector<16xi32>
    tpu.vector_store %arg4[%swap3A_2232], %swap3A_2235 {strides = array<i32>} : memref<512xi32, #tpu.memory_space<vmem>>, vector<16xi32>,
    %sub3A_2236 = arith.constant 80 : i32
    %sub3A_2237 = arith.subi %sub3A_2195, %sub3A_2236 : i32
    %sub3A_2238 = vector.broadcast %sub3A_2237 : i32 to vector<16xi32>
    %sub3A_2239 = arith.subi %sub3A_2238, %iota3A : vector<16xi32>
    %swap3A_2240 = arith.constant 80 : index
    %swap3A_2241 = tpu.vector_load %arg4[%swap3A_2240] {strides = array<i32>} : memref<512xi32, #tpu.memory_space<vmem>>, vector<16xi32>,
    %swap3A_2242 = vector.shape_cast %swap3A_2241 : vector<16xi32> to vector<16xi32>
    %swap3A_2243 = vector.shape_cast %sub3A_2239 : vector<16xi32> to vector<16xi32>
    tpu.vector_store %arg4[%swap3A_2240], %swap3A_2243 {strides = array<i32>} : memref<512xi32, #tpu.memory_space<vmem>>, vector<16xi32>,
    %sub3A_2244 = arith.constant 96 : i32
    %sub3A_2245 = arith.subi %sub3A_2195, %sub3A_2244 : i32
    %sub3A_2246 = vector.broadcast %sub3A_2245 : i32 to vector<16xi32>
    %sub3A_2247 = arith.subi %sub3A_2246, %iota3A : vector<16xi32>
    %swap3A_2248 = arith.constant 96 : index
    %swap3A_2249 = tpu.vector_load %arg4[%swap3A_2248] {strides = array<i32>} : memref<512xi32, #tpu.memory_space<vmem>>, vector<16xi32>,
    %swap3A_2250 = vector.shape_cast %swap3A_2249 : vector<16xi32> to vector<16xi32>
    %swap3A_2251 = vector.shape_cast %sub3A_2247 : vector<16xi32> to vector<16xi32>
    tpu.vector_store %arg4[%swap3A_2248], %swap3A_2251 {strides = array<i32>} : memref<512xi32, #tpu.memory_space<vmem>>, vector<16xi32>,
    %sub3A_2252 = arith.constant 112 : i32
    %sub3A_2253 = arith.subi %sub3A_2195, %sub3A_2252 : i32
    %sub3A_2254 = vector.broadcast %sub3A_2253 : i32 to vector<16xi32>
    %sub3A_2255 = arith.subi %sub3A_2254, %iota3A : vector<16xi32>
    %swap3A_2256 = arith.constant 112 : index
    %swap3A_2257 = tpu.vector_load %arg4[%swap3A_2256] {strides = array<i32>} : memref<512xi32, #tpu.memory_space<vmem>>, vector<16xi32>,
    %swap3A_2258 = vector.shape_cast %swap3A_2257 : vector<16xi32> to vector<16xi32>
    %swap3A_2259 = vector.shape_cast %sub3A_2255 : vector<16xi32> to vector<16xi32>
    tpu.vector_store %arg4[%swap3A_2256], %swap3A_2259 {strides = array<i32>} : memref<512xi32, #tpu.memory_space<vmem>>, vector<16xi32>,
    %sub3A_2260 = arith.constant 128 : i32
    %sub3A_2261 = arith.subi %sub3A_2195, %sub3A_2260 : i32
    %sub3A_2262 = vector.broadcast %sub3A_2261 : i32 to vector<16xi32>
    %sub3A_2263 = arith.subi %sub3A_2262, %iota3A : vector<16xi32>
    %swap3A_2264 = arith.constant 128 : index
    %swap3A_2265 = tpu.vector_load %arg4[%swap3A_2264] {strides = array<i32>} : memref<512xi32, #tpu.memory_space<vmem>>, vector<16xi32>,
    %swap3A_2266 = vector.shape_cast %swap3A_2265 : vector<16xi32> to vector<16xi32>
    %swap3A_2267 = vector.shape_cast %sub3A_2263 : vector<16xi32> to vector<16xi32>
    tpu.vector_store %arg4[%swap3A_2264], %swap3A_2267 {strides = array<i32>} : memref<512xi32, #tpu.memory_space<vmem>>, vector<16xi32>,
    %sub3A_2268 = arith.constant 144 : i32
    %sub3A_2269 = arith.subi %sub3A_2195, %sub3A_2268 : i32
    %sub3A_2270 = vector.broadcast %sub3A_2269 : i32 to vector<16xi32>
    %sub3A_2271 = arith.subi %sub3A_2270, %iota3A : vector<16xi32>
    %swap3A_2272 = arith.constant 144 : index
    %swap3A_2273 = tpu.vector_load %arg4[%swap3A_2272] {strides = array<i32>} : memref<512xi32, #tpu.memory_space<vmem>>, vector<16xi32>,
    %swap3A_2274 = vector.shape_cast %swap3A_2273 : vector<16xi32> to vector<16xi32>
    %swap3A_2275 = vector.shape_cast %sub3A_2271 : vector<16xi32> to vector<16xi32>
    tpu.vector_store %arg4[%swap3A_2272], %swap3A_2275 {strides = array<i32>} : memref<512xi32, #tpu.memory_space<vmem>>, vector<16xi32>,
    %sub3A_2276 = arith.constant 160 : i32
    %sub3A_2277 = arith.subi %sub3A_2195, %sub3A_2276 : i32
    %sub3A_2278 = vector.broadcast %sub3A_2277 : i32 to vector<16xi32>
    %sub3A_2279 = arith.subi %sub3A_2278, %iota3A : vector<16xi32>
    %swap3A_2280 = arith.constant 160 : index
    %swap3A_2281 = tpu.vector_load %arg4[%swap3A_2280] {strides = array<i32>} : memref<512xi32, #tpu.memory_space<vmem>>, vector<16xi32>,
    %swap3A_2282 = vector.shape_cast %swap3A_2281 : vector<16xi32> to vector<16xi32>
    %swap3A_2283 = vector.shape_cast %sub3A_2279 : vector<16xi32> to vector<16xi32>
    tpu.vector_store %arg4[%swap3A_2280], %swap3A_2283 {strides = array<i32>} : memref<512xi32, #tpu.memory_space<vmem>>, vector<16xi32>,
    %sub3A_2284 = arith.constant 176 : i32
    %sub3A_2285 = arith.subi %sub3A_2195, %sub3A_2284 : i32
    %sub3A_2286 = vector.broadcast %sub3A_2285 : i32 to vector<16xi32>
    %sub3A_2287 = arith.subi %sub3A_2286, %iota3A : vector<16xi32>
    %swap3A_2288 = arith.constant 176 : index
    %swap3A_2289 = tpu.vector_load %arg4[%swap3A_2288] {strides = array<i32>} : memref<512xi32, #tpu.memory_space<vmem>>, vector<16xi32>,
    %swap3A_2290 = vector.shape_cast %swap3A_2289 : vector<16xi32> to vector<16xi32>
    %swap3A_2291 = vector.shape_cast %sub3A_2287 : vector<16xi32> to vector<16xi32>
    tpu.vector_store %arg4[%swap3A_2288], %swap3A_2291 {strides = array<i32>} : memref<512xi32, #tpu.memory_space<vmem>>, vector<16xi32>,
    %sub3A_2292 = arith.constant 192 : i32
    %sub3A_2293 = arith.subi %sub3A_2195, %sub3A_2292 : i32
    %sub3A_2294 = vector.broadcast %sub3A_2293 : i32 to vector<16xi32>
    %sub3A_2295 = arith.subi %sub3A_2294, %iota3A : vector<16xi32>
    %swap3A_2296 = arith.constant 192 : index
    %swap3A_2297 = tpu.vector_load %arg4[%swap3A_2296] {strides = array<i32>} : memref<512xi32, #tpu.memory_space<vmem>>, vector<16xi32>,
    %swap3A_2298 = vector.shape_cast %swap3A_2297 : vector<16xi32> to vector<16xi32>
    %swap3A_2299 = vector.shape_cast %sub3A_2295 : vector<16xi32> to vector<16xi32>
    tpu.vector_store %arg4[%swap3A_2296], %swap3A_2299 {strides = array<i32>} : memref<512xi32, #tpu.memory_space<vmem>>, vector<16xi32>,
    %sub3A_2300 = arith.constant 208 : i32
    %sub3A_2301 = arith.subi %sub3A_2195, %sub3A_2300 : i32
    %sub3A_2302 = vector.broadcast %sub3A_2301 : i32 to vector<16xi32>
    %sub3A_2303 = arith.subi %sub3A_2302, %iota3A : vector<16xi32>
    %swap3A_2304 = arith.constant 208 : index
    %swap3A_2305 = tpu.vector_load %arg4[%swap3A_2304] {strides = array<i32>} : memref<512xi32, #tpu.memory_space<vmem>>, vector<16xi32>,
    %swap3A_2306 = vector.shape_cast %swap3A_2305 : vector<16xi32> to vector<16xi32>
    %swap3A_2307 = vector.shape_cast %sub3A_2303 : vector<16xi32> to vector<16xi32>
    tpu.vector_store %arg4[%swap3A_2304], %swap3A_2307 {strides = array<i32>} : memref<512xi32, #tpu.memory_space<vmem>>, vector<16xi32>,
    %sub3A_2308 = arith.constant 224 : i32
    %sub3A_2309 = arith.subi %sub3A_2195, %sub3A_2308 : i32
    %sub3A_2310 = vector.broadcast %sub3A_2309 : i32 to vector<16xi32>
    %sub3A_2311 = arith.subi %sub3A_2310, %iota3A : vector<16xi32>
    %swap3A_2312 = arith.constant 224 : index
    %swap3A_2313 = tpu.vector_load %arg4[%swap3A_2312] {strides = array<i32>} : memref<512xi32, #tpu.memory_space<vmem>>, vector<16xi32>,
    %swap3A_2314 = vector.shape_cast %swap3A_2313 : vector<16xi32> to vector<16xi32>
    %swap3A_2315 = vector.shape_cast %sub3A_2311 : vector<16xi32> to vector<16xi32>
    tpu.vector_store %arg4[%swap3A_2312], %swap3A_2315 {strides = array<i32>} : memref<512xi32, #tpu.memory_space<vmem>>, vector<16xi32>,
    %sub3A_2316 = arith.constant 240 : i32
    %sub3A_2317 = arith.subi %sub3A_2195, %sub3A_2316 : i32
    %sub3A_2318 = vector.broadcast %sub3A_2317 : i32 to vector<16xi32>
    %sub3A_2319 = arith.subi %sub3A_2318, %iota3A : vector<16xi32>
    %swap3A_2320 = arith.constant 240 : index
    %swap3A_2321 = tpu.vector_load %arg4[%swap3A_2320] {strides = array<i32>} : memref<512xi32, #tpu.memory_space<vmem>>, vector<16xi32>,
    %swap3A_2322 = vector.shape_cast %swap3A_2321 : vector<16xi32> to vector<16xi32>
    %swap3A_2323 = vector.shape_cast %sub3A_2319 : vector<16xi32> to vector<16xi32>
    tpu.vector_store %arg4[%swap3A_2320], %swap3A_2323 {strides = array<i32>} : memref<512xi32, #tpu.memory_space<vmem>>, vector<16xi32>,
    %dma_start3A_2324 = arith.constant 0 : i32
    %dma_start3A_2325 = arith.constant 0 : i32
    %dma_start3A_2326 = tpu.memref_slice %arg5[%dma_start3A_2324, %dma_start3A_2325] : memref<248x512xf32, #tpu.memory_space<vmem>> -> memref<128x512xf32, #tpu.memory_space<vmem>>
    %dma_start3A_2327 = arith.constant 0 : i32
    %dma_start3A_2328 = tpu.memref_slice %arg4[%dma_start3A_2327] : memref<512xi32, #tpu.memory_space<vmem>> -> memref<128xi32, #tpu.memory_space<vmem>>
    %dma_start3A_2329 = arith.constant 0 : i32
    %dma_start3A_2330 = arith.constant 0 : i32
    %dma_start3A_2331 = tpu.memref_slice %arg2[%dma_start3A_2329, %dma_start3A_2330] : memref<8191x512xf32, #tpu.memory_space<hbm>> -> memref<8191x512xf32, #tpu.memory_space<hbm>>
    tpu.enqueue_indirect_dma source(%dma_start3A_2331 : memref<8191x512xf32, #tpu.memory_space<hbm>>) target(%dma_start3A_2326 : memref<128x512xf32, #tpu.memory_space<vmem>>) offsets(%dma_start3A_2328 : memref<128xi32, #tpu.memory_space<vmem>>) semaphore(%arg6 : memref<!tpu.dma_semaphore, #tpu.memory_space<semaphore_mem>>)
    %dma_start3A_2332 = arith.constant 128 : i32
    %dma_start3A_2333 = arith.constant 0 : i32
    %dma_start3A_2334 = tpu.memref_slice %arg5[%dma_start3A_2332, %dma_start3A_2333] : memref<248x512xf32, #tpu.memory_space<vmem>> -> memref<48x512xf32, #tpu.memory_space<vmem>>
    %dma_start3A_2335 = arith.constant 128 : i32
    %dma_start3A_2336 = tpu.memref_slice %arg4[%dma_start3A_2335] : memref<512xi32, #tpu.memory_space<vmem>> -> memref<48xi32, #tpu.memory_space<vmem>>
    %dma_start3A_2337 = arith.constant 0 : i32
    %dma_start3A_2338 = arith.constant 0 : i32
    %dma_start3A_2339 = tpu.memref_slice %arg2[%dma_start3A_2337, %dma_start3A_2338] : memref<8191x512xf32, #tpu.memory_space<hbm>> -> memref<8191x512xf32, #tpu.memory_space<hbm>>
    tpu.enqueue_indirect_dma source(%dma_start3A_2339 : memref<8191x512xf32, #tpu.memory_space<hbm>>) target(%dma_start3A_2334 : memref<48x512xf32, #tpu.memory_space<vmem>>) offsets(%dma_start3A_2336 : memref<48xi32, #tpu.memory_space<vmem>>) semaphore(%arg7 : memref<!tpu.dma_semaphore, #tpu.memory_space<semaphore_mem>>)
    %dma_start3A_2340 = arith.constant 176 : i32
    %dma_start3A_2341 = arith.constant 0 : i32
    %dma_start3A_2342 = tpu.memref_slice %arg5[%dma_start3A_2340, %dma_start3A_2341] : memref<248x512xf32, #tpu.memory_space<vmem>> -> memref<72x512xf32, #tpu.memory_space<vmem>>
    %dma_start3A_2343 = arith.constant 176 : i32
    %dma_start3A_2344 = tpu.memref_slice %arg4[%dma_start3A_2343] : memref<512xi32, #tpu.memory_space<vmem>> -> memref<72xi32, #tpu.memory_space<vmem>>
    %dma_start3A_2345 = arith.constant 0 : i32
    %dma_start3A_2346 = arith.constant 0 : i32
    %dma_start3A_2347 = tpu.memref_slice %arg2[%dma_start3A_2345, %dma_start3A_2346] : memref<8191x512xf32, #tpu.memory_space<hbm>> -> memref<8191x512xf32, #tpu.memory_space<hbm>>
    tpu.enqueue_indirect_dma source(%dma_start3A_2347 : memref<8191x512xf32, #tpu.memory_space<hbm>>) target(%dma_start3A_2342 : memref<72x512xf32, #tpu.memory_space<vmem>>) offsets(%dma_start3A_2344 : memref<72xi32, #tpu.memory_space<vmem>>) semaphore(%arg8 : memref<!tpu.dma_semaphore, #tpu.memory_space<semaphore_mem>>)
    %dma_wait3A_2348 = arith.constant 0 : i32
    %dma_wait3A_2349 = arith.constant 0 : i32
    %dma_wait3A_2350 = tpu.memref_slice %arg5[%dma_wait3A_2348, %dma_wait3A_2349] : memref<248x512xf32, #tpu.memory_space<vmem>> -> memref<128x512xf32, #tpu.memory_space<vmem>>
    %dma_wait3A_2351 = arith.constant 0 : i32
    %dma_wait3A_2352 = tpu.memref_slice %arg4[%dma_wait3A_2351] : memref<512xi32, #tpu.memory_space<vmem>> -> memref<128xi32, #tpu.memory_space<vmem>>
    %dma_wait3A_2353 = arith.constant 0 : i32
    %dma_wait3A_2354 = arith.constant 0 : i32
    %dma_wait3A_2355 = tpu.memref_slice %arg2[%dma_wait3A_2353, %dma_wait3A_2354] : memref<8191x512xf32, #tpu.memory_space<hbm>> -> memref<8191x512xf32, #tpu.memory_space<hbm>>
    tpu.wait_indirect_dma semaphore(%arg6 : memref<!tpu.dma_semaphore, #tpu.memory_space<semaphore_mem>>) src(%dma_wait3A_2355 : memref<8191x512xf32, #tpu.memory_space<hbm>>) dst(%dma_wait3A_2350 : memref<128x512xf32, #tpu.memory_space<vmem>>)
    %add3A_2356 = arith.constant 120 : i32
    %add3A_2357 = arith.addi %add3A_2186, %add3A_2356 : i32
    %mul3A_2358 = arith.constant 512 : i32
    %mul3A_2359 = arith.muli %add3A_2357, %mul3A_2358 : i32
    %add3A_2360 = arith.addi %mul3A_2359, %mul3A_2188 : i32
    %dma_start3A_2361 = arith.constant 0 : i32
    %dma_start3A_2362 = arith.constant 0 : i32
    %dma_start3A_2363 = tpu.memref_slice %arg5[%dma_start3A_2361, %dma_start3A_2362] : memref<248x512xf32, #tpu.memory_space<vmem>> -> memref<128x512xf32, #tpu.memory_space<vmem>>
    %dma_start3A_2364 = arith.constant 0 : i32
    %dma_start3A_2365 = tpu.memref_slice %arg3[%add3A_2360, %dma_start3A_2364] : memref<262144x512xf32, #tpu.memory_space<hbm>> -> memref<128x512xf32, #tpu.memory_space<hbm>>
    %dma_start3A_2366 = arith.constant 0 : i32
    %dma_start3A_2367 = tpu.memref_slice %arg3[%add3A_2360, %dma_start3A_2366] : memref<262144x512xf32, #tpu.memory_space<hbm>> -> memref<128x512xf32, #tpu.memory_space<hbm>>
    %dma_start3A_2368 = arith.constant 0 : i32
    %dma_start3A_2369 = arith.constant 0 : i32
    %dma_start3A_2370 = tpu.memref_slice %arg5[%dma_start3A_2368, %dma_start3A_2369] : memref<248x512xf32, #tpu.memory_space<vmem>> -> memref<128x512xf32, #tpu.memory_space<vmem>>
    tpu.enqueue_dma source(%dma_start3A_2370 : memref<128x512xf32, #tpu.memory_space<vmem>>) target(%dma_start3A_2367 : memref<128x512xf32, #tpu.memory_space<hbm>>) target_semaphore(%arg9 : memref<!tpu.dma_semaphore, #tpu.memory_space<semaphore_mem>>)
    %dma_wait3A_2371 = arith.constant 128 : i32
    %dma_wait3A_2372 = arith.constant 0 : i32
    %dma_wait3A_2373 = tpu.memref_slice %arg5[%dma_wait3A_2371, %dma_wait3A_2372] : memref<248x512xf32, #tpu.memory_space<vmem>> -> memref<48x512xf32, #tpu.memory_space<vmem>>
    %dma_wait3A_2374 = arith.constant 128 : i32
    %dma_wait3A_2375 = tpu.memref_slice %arg4[%dma_wait3A_2374] : memref<512xi32, #tpu.memory_space<vmem>> -> memref<48xi32, #tpu.memory_space<vmem>>
    %dma_wait3A_2376 = arith.constant 0 : i32
    %dma_wait3A_2377 = arith.constant 0 : i32
    %dma_wait3A_2378 = tpu.memref_slice %arg2[%dma_wait3A_2376, %dma_wait3A_2377] : memref<8191x512xf32, #tpu.memory_space<hbm>> -> memref<8191x512xf32, #tpu.memory_space<hbm>>
    tpu.wait_indirect_dma semaphore(%arg7 : memref<!tpu.dma_semaphore, #tpu.memory_space<semaphore_mem>>) src(%dma_wait3A_2378 : memref<8191x512xf32, #tpu.memory_space<hbm>>) dst(%dma_wait3A_2373 : memref<48x512xf32, #tpu.memory_space<vmem>>)
    %add3A_2379 = arith.constant 72 : i32
    %add3A_2380 = arith.addi %add3A_2186, %add3A_2379 : i32
    %mul3A_2381 = arith.constant 512 : i32
    %mul3A_2382 = arith.muli %add3A_2380, %mul3A_2381 : i32
    %add3A_2383 = arith.addi %mul3A_2382, %mul3A_2188 : i32
    %dma_start3A_2384 = arith.constant 48 : i32
    %dma_start3A_2385 = arith.constant 0 : i32
    %dma_start3A_2386 = tpu.memref_slice %arg5[%dma_start3A_2384, %dma_start3A_2385] : memref<248x512xf32, #tpu.memory_space<vmem>> -> memref<128x512xf32, #tpu.memory_space<vmem>>
    %dma_start3A_2387 = arith.constant 0 : i32
    %dma_start3A_2388 = tpu.memref_slice %arg3[%add3A_2383, %dma_start3A_2387] : memref<262144x512xf32, #tpu.memory_space<hbm>> -> memref<128x512xf32, #tpu.memory_space<hbm>>
    %dma_start3A_2389 = arith.constant 0 : i32
    %dma_start3A_2390 = tpu.memref_slice %arg3[%add3A_2383, %dma_start3A_2389] : memref<262144x512xf32, #tpu.memory_space<hbm>> -> memref<128x512xf32, #tpu.memory_space<hbm>>
    %dma_start3A_2391 = arith.constant 48 : i32
    %dma_start3A_2392 = arith.constant 0 : i32
    %dma_start3A_2393 = tpu.memref_slice %arg5[%dma_start3A_2391, %dma_start3A_2392] : memref<248x512xf32, #tpu.memory_space<vmem>> -> memref<128x512xf32, #tpu.memory_space<vmem>>
    tpu.enqueue_dma source(%dma_start3A_2393 : memref<128x512xf32, #tpu.memory_space<vmem>>) target(%dma_start3A_2390 : memref<128x512xf32, #tpu.memory_space<hbm>>) target_semaphore(%arg9 : memref<!tpu.dma_semaphore, #tpu.memory_space<semaphore_mem>>)
    %add3A_2394 = arith.constant 80 : i32
    %add3A_2395 = arith.addi %add3A_2186, %add3A_2394 : i32
    %mul3A_2396 = arith.constant 512 : i32
    %mul3A_2397 = arith.muli %add3A_2395, %mul3A_2396 : i32
    %add3A_2398 = arith.addi %mul3A_2397, %mul3A_2188 : i32
    %dma_start3A_2399 = arith.constant 40 : i32
    %dma_start3A_2400 = arith.constant 0 : i32
    %dma_start3A_2401 = tpu.memref_slice %arg5[%dma_start3A_2399, %dma_start3A_2400] : memref<248x512xf32, #tpu.memory_space<vmem>> -> memref<128x512xf32, #tpu.memory_space<vmem>>
    %dma_start3A_2402 = arith.constant 0 : i32
    %dma_start3A_2403 = tpu.memref_slice %arg3[%add3A_2398, %dma_start3A_2402] : memref<262144x512xf32, #tpu.memory_space<hbm>> -> memref<128x512xf32, #tpu.memory_space<hbm>>
    %dma_start3A_2404 = arith.constant 0 : i32
    %dma_start3A_2405 = tpu.memref_slice %arg3[%add3A_2398, %dma_start3A_2404] : memref<262144x512xf32, #tpu.memory_space<hbm>> -> memref<128x512xf32, #tpu.memory_space<hbm>>
    %dma_start3A_2406 = arith.constant 40 : i32
    %dma_start3A_2407 = arith.constant 0 : i32
    %dma_start3A_2408 = tpu.memref_slice %arg5[%dma_start3A_2406, %dma_start3A_2407] : memref<248x512xf32, #tpu.memory_space<vmem>> -> memref<128x512xf32, #tpu.memory_space<vmem>>
    tpu.enqueue_dma source(%dma_start3A_2408 : memref<128x512xf32, #tpu.memory_space<vmem>>) target(%dma_start3A_2405 : memref<128x512xf32, #tpu.memory_space<hbm>>) target_semaphore(%arg9 : memref<!tpu.dma_semaphore, #tpu.memory_space<semaphore_mem>>)
    %add3A_2409 = arith.constant 88 : i32
    %add3A_2410 = arith.addi %add3A_2186, %add3A_2409 : i32
    %mul3A_2411 = arith.constant 512 : i32
    %mul3A_2412 = arith.muli %add3A_2410, %mul3A_2411 : i32
    %add3A_2413 = arith.addi %mul3A_2412, %mul3A_2188 : i32
    %dma_start3A_2414 = arith.constant 32 : i32
    %dma_start3A_2415 = arith.constant 0 : i32
    %dma_start3A_2416 = tpu.memref_slice %arg5[%dma_start3A_2414, %dma_start3A_2415] : memref<248x512xf32, #tpu.memory_space<vmem>> -> memref<128x512xf32, #tpu.memory_space<vmem>>
    %dma_start3A_2417 = arith.constant 0 : i32
    %dma_start3A_2418 = tpu.memref_slice %arg3[%add3A_2413, %dma_start3A_2417] : memref<262144x512xf32, #tpu.memory_space<hbm>> -> memref<128x512xf32, #tpu.memory_space<hbm>>
    %dma_start3A_2419 = arith.constant 0 : i32
    %dma_start3A_2420 = tpu.memref_slice %arg3[%add3A_2413, %dma_start3A_2419] : memref<262144x512xf32, #tpu.memory_space<hbm>> -> memref<128x512xf32, #tpu.memory_space<hbm>>
    %dma_start3A_2421 = arith.constant 32 : i32
    %dma_start3A_2422 = arith.constant 0 : i32
    %dma_start3A_2423 = tpu.memref_slice %arg5[%dma_start3A_2421, %dma_start3A_2422] : memref<248x512xf32, #tpu.memory_space<vmem>> -> memref<128x512xf32, #tpu.memory_space<vmem>>
    tpu.enqueue_dma source(%dma_start3A_2423 : memref<128x512xf32, #tpu.memory_space<vmem>>) target(%dma_start3A_2420 : memref<128x512xf32, #tpu.memory_space<hbm>>) target_semaphore(%arg9 : memref<!tpu.dma_semaphore, #tpu.memory_space<semaphore_mem>>)
    %add3A_2424 = arith.constant 96 : i32
    %add3A_2425 = arith.addi %add3A_2186, %add3A_2424 : i32
    %mul3A_2426 = arith.constant 512 : i32
    %mul3A_2427 = arith.muli %add3A_2425, %mul3A_2426 : i32
    %add3A_2428 = arith.addi %mul3A_2427, %mul3A_2188 : i32
    %dma_start3A_2429 = arith.constant 24 : i32
    %dma_start3A_2430 = arith.constant 0 : i32
    %dma_start3A_2431 = tpu.memref_slice %arg5[%dma_start3A_2429, %dma_start3A_2430] : memref<248x512xf32, #tpu.memory_space<vmem>> -> memref<128x512xf32, #tpu.memory_space<vmem>>
    %dma_start3A_2432 = arith.constant 0 : i32
    %dma_start3A_2433 = tpu.memref_slice %arg3[%add3A_2428, %dma_start3A_2432] : memref<262144x512xf32, #tpu.memory_space<hbm>> -> memref<128x512xf32, #tpu.memory_space<hbm>>
    %dma_start3A_2434 = arith.constant 0 : i32
    %dma_start3A_2435 = tpu.memref_slice %arg3[%add3A_2428, %dma_start3A_2434] : memref<262144x512xf32, #tpu.memory_space<hbm>> -> memref<128x512xf32, #tpu.memory_space<hbm>>
    %dma_start3A_2436 = arith.constant 24 : i32
    %dma_start3A_2437 = arith.constant 0 : i32
    %dma_start3A_2438 = tpu.memref_slice %arg5[%dma_start3A_2436, %dma_start3A_2437] : memref<248x512xf32, #tpu.memory_space<vmem>> -> memref<128x512xf32, #tpu.memory_space<vmem>>
    tpu.enqueue_dma source(%dma_start3A_2438 : memref<128x512xf32, #tpu.memory_space<vmem>>) target(%dma_start3A_2435 : memref<128x512xf32, #tpu.memory_space<hbm>>) target_semaphore(%arg9 : memref<!tpu.dma_semaphore, #tpu.memory_space<semaphore_mem>>)
    %add3A_2439 = arith.constant 104 : i32
    %add3A_2440 = arith.addi %add3A_2186, %add3A_2439 : i32
    %mul3A_2441 = arith.constant 512 : i32
    %mul3A_2442 = arith.muli %add3A_2440, %mul3A_2441 : i32
    %add3A_2443 = arith.addi %mul3A_2442, %mul3A_2188 : i32
    %dma_start3A_2444 = arith.constant 16 : i32
    %dma_start3A_2445 = arith.constant 0 : i32
    %dma_start3A_2446 = tpu.memref_slice %arg5[%dma_start3A_2444, %dma_start3A_2445] : memref<248x512xf32, #tpu.memory_space<vmem>> -> memref<128x512xf32, #tpu.memory_space<vmem>>
    %dma_start3A_2447 = arith.constant 0 : i32
    %dma_start3A_2448 = tpu.memref_slice %arg3[%add3A_2443, %dma_start3A_2447] : memref<262144x512xf32, #tpu.memory_space<hbm>> -> memref<128x512xf32, #tpu.memory_space<hbm>>
    %dma_start3A_2449 = arith.constant 0 : i32
    %dma_start3A_2450 = tpu.memref_slice %arg3[%add3A_2443, %dma_start3A_2449] : memref<262144x512xf32, #tpu.memory_space<hbm>> -> memref<128x512xf32, #tpu.memory_space<hbm>>
    %dma_start3A_2451 = arith.constant 16 : i32
    %dma_start3A_2452 = arith.constant 0 : i32
    %dma_start3A_2453 = tpu.memref_slice %arg5[%dma_start3A_2451, %dma_start3A_2452] : memref<248x512xf32, #tpu.memory_space<vmem>> -> memref<128x512xf32, #tpu.memory_space<vmem>>
    tpu.enqueue_dma source(%dma_start3A_2453 : memref<128x512xf32, #tpu.memory_space<vmem>>) target(%dma_start3A_2450 : memref<128x512xf32, #tpu.memory_space<hbm>>) target_semaphore(%arg9 : memref<!tpu.dma_semaphore, #tpu.memory_space<semaphore_mem>>)
    %add3A_2454 = arith.constant 112 : i32
    %add3A_2455 = arith.addi %add3A_2186, %add3A_2454 : i32
    %mul3A_2456 = arith.constant 512 : i32
    %mul3A_2457 = arith.muli %add3A_2455, %mul3A_2456 : i32
    %add3A_2458 = arith.addi %mul3A_2457, %mul3A_2188 : i32
    %dma_start3A_2459 = arith.constant 8 : i32
    %dma_start3A_2460 = arith.constant 0 : i32
    %dma_start3A_2461 = tpu.memref_slice %arg5[%dma_start3A_2459, %dma_start3A_2460] : memref<248x512xf32, #tpu.memory_space<vmem>> -> memref<128x512xf32, #tpu.memory_space<vmem>>
    %dma_start3A_2462 = arith.constant 0 : i32
    %dma_start3A_2463 = tpu.memref_slice %arg3[%add3A_2458, %dma_start3A_2462] : memref<262144x512xf32, #tpu.memory_space<hbm>> -> memref<128x512xf32, #tpu.memory_space<hbm>>
    %dma_start3A_2464 = arith.constant 0 : i32
    %dma_start3A_2465 = tpu.memref_slice %arg3[%add3A_2458, %dma_start3A_2464] : memref<262144x512xf32, #tpu.memory_space<hbm>> -> memref<128x512xf32, #tpu.memory_space<hbm>>
    %dma_start3A_2466 = arith.constant 8 : i32
    %dma_start3A_2467 = arith.constant 0 : i32
    %dma_start3A_2468 = tpu.memref_slice %arg5[%dma_start3A_2466, %dma_start3A_2467] : memref<248x512xf32, #tpu.memory_space<vmem>> -> memref<128x512xf32, #tpu.memory_space<vmem>>
    tpu.enqueue_dma source(%dma_start3A_2468 : memref<128x512xf32, #tpu.memory_space<vmem>>) target(%dma_start3A_2465 : memref<128x512xf32, #tpu.memory_space<hbm>>) target_semaphore(%arg9 : memref<!tpu.dma_semaphore, #tpu.memory_space<semaphore_mem>>)
    %dma_wait3A_2469 = arith.constant 176 : i32
    %dma_wait3A_2470 = arith.constant 0 : i32
    %dma_wait3A_2471 = tpu.memref_slice %arg5[%dma_wait3A_2469, %dma_wait3A_2470] : memref<248x512xf32, #tpu.memory_space<vmem>> -> memref<72x512xf32, #tpu.memory_space<vmem>>
    %dma_wait3A_2472 = arith.constant 176 : i32
    %dma_wait3A_2473 = tpu.memref_slice %arg4[%dma_wait3A_2472] : memref<512xi32, #tpu.memory_space<vmem>> -> memref<72xi32, #tpu.memory_space<vmem>>
    %dma_wait3A_2474 = arith.constant 0 : i32
    %dma_wait3A_2475 = arith.constant 0 : i32
    %dma_wait3A_2476 = tpu.memref_slice %arg2[%dma_wait3A_2474, %dma_wait3A_2475] : memref<8191x512xf32, #tpu.memory_space<hbm>> -> memref<8191x512xf32, #tpu.memory_space<hbm>>
    tpu.wait_indirect_dma semaphore(%arg8 : memref<!tpu.dma_semaphore, #tpu.memory_space<semaphore_mem>>) src(%dma_wait3A_2476 : memref<8191x512xf32, #tpu.memory_space<hbm>>) dst(%dma_wait3A_2471 : memref<72x512xf32, #tpu.memory_space<vmem>>)
    %add3A_2477 = arith.constant 0 : i32
    %add3A_2478 = arith.addi %add3A_2186, %add3A_2477 : i32
    %mul3A_2479 = arith.constant 512 : i32
    %mul3A_2480 = arith.muli %add3A_2478, %mul3A_2479 : i32
    %add3A_2481 = arith.addi %mul3A_2480, %mul3A_2188 : i32
    %dma_start3A_2482 = arith.constant 120 : i32
    %dma_start3A_2483 = arith.constant 0 : i32
    %dma_start3A_2484 = tpu.memref_slice %arg5[%dma_start3A_2482, %dma_start3A_2483] : memref<248x512xf32, #tpu.memory_space<vmem>> -> memref<128x512xf32, #tpu.memory_space<vmem>>
    %dma_start3A_2485 = arith.constant 0 : i32
    %dma_start3A_2486 = tpu.memref_slice %arg3[%add3A_2481, %dma_start3A_2485] : memref<262144x512xf32, #tpu.memory_space<hbm>> -> memref<128x512xf32, #tpu.memory_space<hbm>>
    %dma_start3A_2487 = arith.constant 0 : i32
    %dma_start3A_2488 = tpu.memref_slice %arg3[%add3A_2481, %dma_start3A_2487] : memref<262144x512xf32, #tpu.memory_space<hbm>> -> memref<128x512xf32, #tpu.memory_space<hbm>>
    %dma_start3A_2489 = arith.constant 120 : i32
    %dma_start3A_2490 = arith.constant 0 : i32
    %dma_start3A_2491 = tpu.memref_slice %arg5[%dma_start3A_2489, %dma_start3A_2490] : memref<248x512xf32, #tpu.memory_space<vmem>> -> memref<128x512xf32, #tpu.memory_space<vmem>>
    tpu.enqueue_dma source(%dma_start3A_2491 : memref<128x512xf32, #tpu.memory_space<vmem>>) target(%dma_start3A_2488 : memref<128x512xf32, #tpu.memory_space<hbm>>) target_semaphore(%arg9 : memref<!tpu.dma_semaphore, #tpu.memory_space<semaphore_mem>>)
    %add3A_2492 = arith.constant 8 : i32
    %add3A_2493 = arith.addi %add3A_2186, %add3A_2492 : i32
    %mul3A_2494 = arith.constant 512 : i32
    %mul3A_2495 = arith.muli %add3A_2493, %mul3A_2494 : i32
    %add3A_2496 = arith.addi %mul3A_2495, %mul3A_2188 : i32
    %dma_start3A_2497 = arith.constant 112 : i32
    %dma_start3A_2498 = arith.constant 0 : i32
    %dma_start3A_2499 = tpu.memref_slice %arg5[%dma_start3A_2497, %dma_start3A_2498] : memref<248x512xf32, #tpu.memory_space<vmem>> -> memref<128x512xf32, #tpu.memory_space<vmem>>
    %dma_start3A_2500 = arith.constant 0 : i32
    %dma_start3A_2501 = tpu.memref_slice %arg3[%add3A_2496, %dma_start3A_2500] : memref<262144x512xf32, #tpu.memory_space<hbm>> -> memref<128x512xf32, #tpu.memory_space<hbm>>
    %dma_start3A_2502 = arith.constant 0 : i32
    %dma_start3A_2503 = tpu.memref_slice %arg3[%add3A_2496, %dma_start3A_2502] : memref<262144x512xf32, #tpu.memory_space<hbm>> -> memref<128x512xf32, #tpu.memory_space<hbm>>
    %dma_start3A_2504 = arith.constant 112 : i32
    %dma_start3A_2505 = arith.constant 0 : i32
    %dma_start3A_2506 = tpu.memref_slice %arg5[%dma_start3A_2504, %dma_start3A_2505] : memref<248x512xf32, #tpu.memory_space<vmem>> -> memref<128x512xf32, #tpu.memory_space<vmem>>
    tpu.enqueue_dma source(%dma_start3A_2506 : memref<128x512xf32, #tpu.memory_space<vmem>>) target(%dma_start3A_2503 : memref<128x512xf32, #tpu.memory_space<hbm>>) target_semaphore(%arg9 : memref<!tpu.dma_semaphore, #tpu.memory_space<semaphore_mem>>)
    %add3A_2507 = arith.constant 16 : i32
    %add3A_2508 = arith.addi %add3A_2186, %add3A_2507 : i32
    %mul3A_2509 = arith.constant 512 : i32
    %mul3A_2510 = arith.muli %add3A_2508, %mul3A_2509 : i32
    %add3A_2511 = arith.addi %mul3A_2510, %mul3A_2188 : i32
    %dma_start3A_2512 = arith.constant 104 : i32
    %dma_start3A_2513 = arith.constant 0 : i32
    %dma_start3A_2514 = tpu.memref_slice %arg5[%dma_start3A_2512, %dma_start3A_2513] : memref<248x512xf32, #tpu.memory_space<vmem>> -> memref<128x512xf32, #tpu.memory_space<vmem>>
    %dma_start3A_2515 = arith.constant 0 : i32
    %dma_start3A_2516 = tpu.memref_slice %arg3[%add3A_2511, %dma_start3A_2515] : memref<262144x512xf32, #tpu.memory_space<hbm>> -> memref<128x512xf32, #tpu.memory_space<hbm>>
    %dma_start3A_2517 = arith.constant 0 : i32
    %dma_start3A_2518 = tpu.memref_slice %arg3[%add3A_2511, %dma_start3A_2517] : memref<262144x512xf32, #tpu.memory_space<hbm>> -> memref<128x512xf32, #tpu.memory_space<hbm>>
    %dma_start3A_2519 = arith.constant 104 : i32
    %dma_start3A_2520 = arith.constant 0 : i32
    %dma_start3A_2521 = tpu.memref_slice %arg5[%dma_start3A_2519, %dma_start3A_2520] : memref<248x512xf32, #tpu.memory_space<vmem>> -> memref<128x512xf32, #tpu.memory_space<vmem>>
    tpu.enqueue_dma source(%dma_start3A_2521 : memref<128x512xf32, #tpu.memory_space<vmem>>) target(%dma_start3A_2518 : memref<128x512xf32, #tpu.memory_space<hbm>>) target_semaphore(%arg9 : memref<!tpu.dma_semaphore, #tpu.memory_space<semaphore_mem>>)
    %add3A_2522 = arith.constant 24 : i32
    %add3A_2523 = arith.addi %add3A_2186, %add3A_2522 : i32
    %mul3A_2524 = arith.constant 512 : i32
    %mul3A_2525 = arith.muli %add3A_2523, %mul3A_2524 : i32
    %add3A_2526 = arith.addi %mul3A_2525, %mul3A_2188 : i32
    %dma_start3A_2527 = arith.constant 96 : i32
    %dma_start3A_2528 = arith.constant 0 : i32
    %dma_start3A_2529 = tpu.memref_slice %arg5[%dma_start3A_2527, %dma_start3A_2528] : memref<248x512xf32, #tpu.memory_space<vmem>> -> memref<128x512xf32, #tpu.memory_space<vmem>>
    %dma_start3A_2530 = arith.constant 0 : i32
    %dma_start3A_2531 = tpu.memref_slice %arg3[%add3A_2526, %dma_start3A_2530] : memref<262144x512xf32, #tpu.memory_space<hbm>> -> memref<128x512xf32, #tpu.memory_space<hbm>>
    %dma_start3A_2532 = arith.constant 0 : i32
    %dma_start3A_2533 = tpu.memref_slice %arg3[%add3A_2526, %dma_start3A_2532] : memref<262144x512xf32, #tpu.memory_space<hbm>> -> memref<128x512xf32, #tpu.memory_space<hbm>>
    %dma_start3A_2534 = arith.constant 96 : i32
    %dma_start3A_2535 = arith.constant 0 : i32
    %dma_start3A_2536 = tpu.memref_slice %arg5[%dma_start3A_2534, %dma_start3A_2535] : memref<248x512xf32, #tpu.memory_space<vmem>> -> memref<128x512xf32, #tpu.memory_space<vmem>>
    tpu.enqueue_dma source(%dma_start3A_2536 : memref<128x512xf32, #tpu.memory_space<vmem>>) target(%dma_start3A_2533 : memref<128x512xf32, #tpu.memory_space<hbm>>) target_semaphore(%arg9 : memref<!tpu.dma_semaphore, #tpu.memory_space<semaphore_mem>>)
    %add3A_2537 = arith.constant 32 : i32
    %add3A_2538 = arith.addi %add3A_2186, %add3A_2537 : i32
    %mul3A_2539 = arith.constant 512 : i32
    %mul3A_2540 = arith.muli %add3A_2538, %mul3A_2539 : i32
    %add3A_2541 = arith.addi %mul3A_2540, %mul3A_2188 : i32
    %dma_start3A_2542 = arith.constant 88 : i32
    %dma_start3A_2543 = arith.constant 0 : i32
    %dma_start3A_2544 = tpu.memref_slice %arg5[%dma_start3A_2542, %dma_start3A_2543] : memref<248x512xf32, #tpu.memory_space<vmem>> -> memref<128x512xf32, #tpu.memory_space<vmem>>
    %dma_start3A_2545 = arith.constant 0 : i32
    %dma_start3A_2546 = tpu.memref_slice %arg3[%add3A_2541, %dma_start3A_2545] : memref<262144x512xf32, #tpu.memory_space<hbm>> -> memref<128x512xf32, #tpu.memory_space<hbm>>
    %dma_start3A_2547 = arith.constant 0 : i32
    %dma_start3A_2548 = tpu.memref_slice %arg3[%add3A_2541, %dma_start3A_2547] : memref<262144x512xf32, #tpu.memory_space<hbm>> -> memref<128x512xf32, #tpu.memory_space<hbm>>
    %dma_start3A_2549 = arith.constant 88 : i32
    %dma_start3A_2550 = arith.constant 0 : i32
    %dma_start3A_2551 = tpu.memref_slice %arg5[%dma_start3A_2549, %dma_start3A_2550] : memref<248x512xf32, #tpu.memory_space<vmem>> -> memref<128x512xf32, #tpu.memory_space<vmem>>
    tpu.enqueue_dma source(%dma_start3A_2551 : memref<128x512xf32, #tpu.memory_space<vmem>>) target(%dma_start3A_2548 : memref<128x512xf32, #tpu.memory_space<hbm>>) target_semaphore(%arg9 : memref<!tpu.dma_semaphore, #tpu.memory_space<semaphore_mem>>)
    %add3A_2552 = arith.constant 40 : i32
    %add3A_2553 = arith.addi %add3A_2186, %add3A_2552 : i32
    %mul3A_2554 = arith.constant 512 : i32
    %mul3A_2555 = arith.muli %add3A_2553, %mul3A_2554 : i32
    %add3A_2556 = arith.addi %mul3A_2555, %mul3A_2188 : i32
    %dma_start3A_2557 = arith.constant 80 : i32
    %dma_start3A_2558 = arith.constant 0 : i32
    %dma_start3A_2559 = tpu.memref_slice %arg5[%dma_start3A_2557, %dma_start3A_2558] : memref<248x512xf32, #tpu.memory_space<vmem>> -> memref<128x512xf32, #tpu.memory_space<vmem>>
    %dma_start3A_2560 = arith.constant 0 : i32
    %dma_start3A_2561 = tpu.memref_slice %arg3[%add3A_2556, %dma_start3A_2560] : memref<262144x512xf32, #tpu.memory_space<hbm>> -> memref<128x512xf32, #tpu.memory_space<hbm>>
    %dma_start3A_2562 = arith.constant 0 : i32
    %dma_start3A_2563 = tpu.memref_slice %arg3[%add3A_2556, %dma_start3A_2562] : memref<262144x512xf32, #tpu.memory_space<hbm>> -> memref<128x512xf32, #tpu.memory_space<hbm>>
    %dma_start3A_2564 = arith.constant 80 : i32
    %dma_start3A_2565 = arith.constant 0 : i32
    %dma_start3A_2566 = tpu.memref_slice %arg5[%dma_start3A_2564, %dma_start3A_2565] : memref<248x512xf32, #tpu.memory_space<vmem>> -> memref<128x512xf32, #tpu.memory_space<vmem>>
    tpu.enqueue_dma source(%dma_start3A_2566 : memref<128x512xf32, #tpu.memory_space<vmem>>) target(%dma_start3A_2563 : memref<128x512xf32, #tpu.memory_space<hbm>>) target_semaphore(%arg9 : memref<!tpu.dma_semaphore, #tpu.memory_space<semaphore_mem>>)
    %add3A_2567 = arith.constant 48 : i32
    %add3A_2568 = arith.addi %add3A_2186, %add3A_2567 : i32
    %mul3A_2569 = arith.constant 512 : i32
    %mul3A_2570 = arith.muli %add3A_2568, %mul3A_2569 : i32
    %add3A_2571 = arith.addi %mul3A_2570, %mul3A_2188 : i32
    %dma_start3A_2572 = arith.constant 72 : i32
    %dma_start3A_2573 = arith.constant 0 : i32
    %dma_start3A_2574 = tpu.memref_slice %arg5[%dma_start3A_2572, %dma_start3A_2573] : memref<248x512xf32, #tpu.memory_space<vmem>> -> memref<128x512xf32, #tpu.memory_space<vmem>>
    %dma_start3A_2575 = arith.constant 0 : i32
    %dma_start3A_2576 = tpu.memref_slice %arg3[%add3A_2571, %dma_start3A_2575] : memref<262144x512xf32, #tpu.memory_space<hbm>> -> memref<128x512xf32, #tpu.memory_space<hbm>>
    %dma_start3A_2577 = arith.constant 0 : i32
    %dma_start3A_2578 = tpu.memref_slice %arg3[%add3A_2571, %dma_start3A_2577] : memref<262144x512xf32, #tpu.memory_space<hbm>> -> memref<128x512xf32, #tpu.memory_space<hbm>>
    %dma_start3A_2579 = arith.constant 72 : i32
    %dma_start3A_2580 = arith.constant 0 : i32
    %dma_start3A_2581 = tpu.memref_slice %arg5[%dma_start3A_2579, %dma_start3A_2580] : memref<248x512xf32, #tpu.memory_space<vmem>> -> memref<128x512xf32, #tpu.memory_space<vmem>>
    tpu.enqueue_dma source(%dma_start3A_2581 : memref<128x512xf32, #tpu.memory_space<vmem>>) target(%dma_start3A_2578 : memref<128x512xf32, #tpu.memory_space<hbm>>) target_semaphore(%arg9 : memref<!tpu.dma_semaphore, #tpu.memory_space<semaphore_mem>>)
    %add3A_2582 = arith.constant 56 : i32
    %add3A_2583 = arith.addi %add3A_2186, %add3A_2582 : i32
    %mul3A_2584 = arith.constant 512 : i32
    %mul3A_2585 = arith.muli %add3A_2583, %mul3A_2584 : i32
    %add3A_2586 = arith.addi %mul3A_2585, %mul3A_2188 : i32
    %dma_start3A_2587 = arith.constant 64 : i32
    %dma_start3A_2588 = arith.constant 0 : i32
    %dma_start3A_2589 = tpu.memref_slice %arg5[%dma_start3A_2587, %dma_start3A_2588] : memref<248x512xf32, #tpu.memory_space<vmem>> -> memref<128x512xf32, #tpu.memory_space<vmem>>
    %dma_start3A_2590 = arith.constant 0 : i32
    %dma_start3A_2591 = tpu.memref_slice %arg3[%add3A_2586, %dma_start3A_2590] : memref<262144x512xf32, #tpu.memory_space<hbm>> -> memref<128x512xf32, #tpu.memory_space<hbm>>
    %dma_start3A_2592 = arith.constant 0 : i32
    %dma_start3A_2593 = tpu.memref_slice %arg3[%add3A_2586, %dma_start3A_2592] : memref<262144x512xf32, #tpu.memory_space<hbm>> -> memref<128x512xf32, #tpu.memory_space<hbm>>
    %dma_start3A_2594 = arith.constant 64 : i32
    %dma_start3A_2595 = arith.constant 0 : i32
    %dma_start3A_2596 = tpu.memref_slice %arg5[%dma_start3A_2594, %dma_start3A_2595] : memref<248x512xf32, #tpu.memory_space<vmem>> -> memref<128x512xf32, #tpu.memory_space<vmem>>
    tpu.enqueue_dma source(%dma_start3A_2596 : memref<128x512xf32, #tpu.memory_space<vmem>>) target(%dma_start3A_2593 : memref<128x512xf32, #tpu.memory_space<hbm>>) target_semaphore(%arg9 : memref<!tpu.dma_semaphore, #tpu.memory_space<semaphore_mem>>)
    %add3A_2597 = arith.constant 64 : i32
    %add3A_2598 = arith.addi %add3A_2186, %add3A_2597 : i32
    %mul3A_2599 = arith.constant 512 : i32
    %mul3A_2600 = arith.muli %add3A_2598, %mul3A_2599 : i32
    %add3A_2601 = arith.addi %mul3A_2600, %mul3A_2188 : i32
    %dma_start3A_2602 = arith.constant 56 : i32
    %dma_start3A_2603 = arith.constant 0 : i32
    %dma_start3A_2604 = tpu.memref_slice %arg5[%dma_start3A_2602, %dma_start3A_2603] : memref<248x512xf32, #tpu.memory_space<vmem>> -> memref<128x512xf32, #tpu.memory_space<vmem>>
    %dma_start3A_2605 = arith.constant 0 : i32
    %dma_start3A_2606 = tpu.memref_slice %arg3[%add3A_2601, %dma_start3A_2605] : memref<262144x512xf32, #tpu.memory_space<hbm>> -> memref<128x512xf32, #tpu.memory_space<hbm>>
    %dma_start3A_2607 = arith.constant 0 : i32
    %dma_start3A_2608 = tpu.memref_slice %arg3[%add3A_2601, %dma_start3A_2607] : memref<262144x512xf32, #tpu.memory_space<hbm>> -> memref<128x512xf32, #tpu.memory_space<hbm>>
    %dma_start3A_2609 = arith.constant 56 : i32
    %dma_start3A_2610 = arith.constant 0 : i32
    %dma_start3A_2611 = tpu.memref_slice %arg5[%dma_start3A_2609, %dma_start3A_2610] : memref<248x512xf32, #tpu.memory_space<vmem>> -> memref<128x512xf32, #tpu.memory_space<vmem>>
    tpu.enqueue_dma source(%dma_start3A_2611 : memref<128x512xf32, #tpu.memory_space<vmem>>) target(%dma_start3A_2608 : memref<128x512xf32, #tpu.memory_space<hbm>>) target_semaphore(%arg9 : memref<!tpu.dma_semaphore, #tpu.memory_space<semaphore_mem>>)
    %dma_wait3A_2612 = arith.constant 0 : i32
    %dma_wait3A_2613 = arith.constant 0 : i32
    %dma_wait3A_2614 = tpu.memref_slice %arg5[%dma_wait3A_2612, %dma_wait3A_2613] : memref<248x512xf32, #tpu.memory_space<vmem>> -> memref<128x512xf32, #tpu.memory_space<vmem>>
    %dma_wait3A_2615 = arith.constant 0 : i32
    %dma_wait3A_2616 = arith.constant 0 : i32
    %dma_wait3A_2617 = tpu.memref_slice %arg3[%dma_wait3A_2615, %dma_wait3A_2616] : memref<262144x512xf32, #tpu.memory_space<hbm>> -> memref<128x512xf32, #tpu.memory_space<hbm>>
    %dma_wait3A_2618 = arith.constant 0 : i32
    %dma_wait3A_2619 = arith.constant 0 : i32
    %dma_wait3A_2620 = tpu.memref_slice %arg3[%dma_wait3A_2618, %dma_wait3A_2619] : memref<262144x512xf32, #tpu.memory_space<hbm>> -> memref<128x512xf32, #tpu.memory_space<hbm>>
    %dma_wait3A_2621 = arith.constant 0 : i32
    %dma_wait3A_2622 = arith.constant 0 : i32
    %dma_wait3A_2623 = tpu.memref_slice %arg5[%dma_wait3A_2621, %dma_wait3A_2622] : memref<248x512xf32, #tpu.memory_space<vmem>> -> memref<128x512xf32, #tpu.memory_space<vmem>>
    tpu.wait_dma2 semaphore(%arg9 : memref<!tpu.dma_semaphore, #tpu.memory_space<semaphore_mem>>) src(%dma_wait3A_2623 : memref<128x512xf32, #tpu.memory_space<vmem>>) dst(%dma_wait3A_2620 : memref<128x512xf32, #tpu.memory_space<hbm>>)
    %dma_wait3A_2624 = arith.constant 0 : i32
    %dma_wait3A_2625 = arith.constant 0 : i32
    %dma_wait3A_2626 = tpu.memref_slice %arg5[%dma_wait3A_2624, %dma_wait3A_2625] : memref<248x512xf32, #tpu.memory_space<vmem>> -> memref<128x512xf32, #tpu.memory_space<vmem>>
    %dma_wait3A_2627 = arith.constant 0 : i32
    %dma_wait3A_2628 = arith.constant 0 : i32
    %dma_wait3A_2629 = tpu.memref_slice %arg3[%dma_wait3A_2627, %dma_wait3A_2628] : memref<262144x512xf32, #tpu.memory_space<hbm>> -> memref<128x512xf32, #tpu.memory_space<hbm>>
    %dma_wait3A_2630 = arith.constant 0 : i32
    %dma_wait3A_2631 = arith.constant 0 : i32
    %dma_wait3A_2632 = tpu.memref_slice %arg3[%dma_wait3A_2630, %dma_wait3A_2631] : memref<262144x512xf32, #tpu.memory_space<hbm>> -> memref<128x512xf32, #tpu.memory_space<hbm>>
    %dma_wait3A_2633 = arith.constant 0 : i32
    %dma_wait3A_2634 = arith.constant 0 : i32
    %dma_wait3A_2635 = tpu.memref_slice %arg5[%dma_wait3A_2633, %dma_wait3A_2634] : memref<248x512xf32, #tpu.memory_space<vmem>> -> memref<128x512xf32, #tpu.memory_space<vmem>>
    tpu.wait_dma2 semaphore(%arg9 : memref<!tpu.dma_semaphore, #tpu.memory_space<semaphore_mem>>) src(%dma_wait3A_2635 : memref<128x512xf32, #tpu.memory_space<vmem>>) dst(%dma_wait3A_2632 : memref<128x512xf32, #tpu.memory_space<hbm>>)
    %dma_wait3A_2636 = arith.constant 0 : i32
    %dma_wait3A_2637 = arith.constant 0 : i32
    %dma_wait3A_2638 = tpu.memref_slice %arg5[%dma_wait3A_2636, %dma_wait3A_2637] : memref<248x512xf32, #tpu.memory_space<vmem>> -> memref<128x512xf32, #tpu.memory_space<vmem>>
    %dma_wait3A_2639 = arith.constant 0 : i32
    %dma_wait3A_2640 = arith.constant 0 : i32
    %dma_wait3A_2641 = tpu.memref_slice %arg3[%dma_wait3A_2639, %dma_wait3A_2640] : memref<262144x512xf32, #tpu.memory_space<hbm>> -> memref<128x512xf32, #tpu.memory_space<hbm>>
    %dma_wait3A_2642 = arith.constant 0 : i32
    %dma_wait3A_2643 = arith.constant 0 : i32
    %dma_wait3A_2644 = tpu.memref_slice %arg3[%dma_wait3A_2642, %dma_wait3A_2643] : memref<262144x512xf32, #tpu.memory_space<hbm>> -> memref<128x512xf32, #tpu.memory_space<hbm>>
    %dma_wait3A_2645 = arith.constant 0 : i32
    %dma_wait3A_2646 = arith.constant 0 : i32
    %dma_wait3A_2647 = tpu.memref_slice %arg5[%dma_wait3A_2645, %dma_wait3A_2646] : memref<248x512xf32, #tpu.memory_space<vmem>> -> memref<128x512xf32, #tpu.memory_space<vmem>>
    tpu.wait_dma2 semaphore(%arg9 : memref<!tpu.dma_semaphore, #tpu.memory_space<semaphore_mem>>) src(%dma_wait3A_2647 : memref<128x512xf32, #tpu.memory_space<vmem>>) dst(%dma_wait3A_2644 : memref<128x512xf32, #tpu.memory_space<hbm>>)
    %dma_wait3A_2648 = arith.constant 0 : i32
    %dma_wait3A_2649 = arith.constant 0 : i32
    %dma_wait3A_2650 = tpu.memref_slice %arg5[%dma_wait3A_2648, %dma_wait3A_2649] : memref<248x512xf32, #tpu.memory_space<vmem>> -> memref<128x512xf32, #tpu.memory_space<vmem>>
    %dma_wait3A_2651 = arith.constant 0 : i32
    %dma_wait3A_2652 = arith.constant 0 : i32
    %dma_wait3A_2653 = tpu.memref_slice %arg3[%dma_wait3A_2651, %dma_wait3A_2652] : memref<262144x512xf32, #tpu.memory_space<hbm>> -> memref<128x512xf32, #tpu.memory_space<hbm>>
    %dma_wait3A_2654 = arith.constant 0 : i32
    %dma_wait3A_2655 = arith.constant 0 : i32
    %dma_wait3A_2656 = tpu.memref_slice %arg3[%dma_wait3A_2654, %dma_wait3A_2655] : memref<262144x512xf32, #tpu.memory_space<hbm>> -> memref<128x512xf32, #tpu.memory_space<hbm>>
    %dma_wait3A_2657 = arith.constant 0 : i32
    %dma_wait3A_2658 = arith.constant 0 : i32
    %dma_wait3A_2659 = tpu.memref_slice %arg5[%dma_wait3A_2657, %dma_wait3A_2658] : memref<248x512xf32, #tpu.memory_space<vmem>> -> memref<128x512xf32, #tpu.memory_space<vmem>>
    tpu.wait_dma2 semaphore(%arg9 : memref<!tpu.dma_semaphore, #tpu.memory_space<semaphore_mem>>) src(%dma_wait3A_2659 : memref<128x512xf32, #tpu.memory_space<vmem>>) dst(%dma_wait3A_2656 : memref<128x512xf32, #tpu.memory_space<hbm>>)
    %dma_wait3A_2660 = arith.constant 0 : i32
    %dma_wait3A_2661 = arith.constant 0 : i32
    %dma_wait3A_2662 = tpu.memref_slice %arg5[%dma_wait3A_2660, %dma_wait3A_2661] : memref<248x512xf32, #tpu.memory_space<vmem>> -> memref<128x512xf32, #tpu.memory_space<vmem>>
    %dma_wait3A_2663 = arith.constant 0 : i32
    %dma_wait3A_2664 = arith.constant 0 : i32
    %dma_wait3A_2665 = tpu.memref_slice %arg3[%dma_wait3A_2663, %dma_wait3A_2664] : memref<262144x512xf32, #tpu.memory_space<hbm>> -> memref<128x512xf32, #tpu.memory_space<hbm>>
    %dma_wait3A_2666 = arith.constant 0 : i32
    %dma_wait3A_2667 = arith.constant 0 : i32
    %dma_wait3A_2668 = tpu.memref_slice %arg3[%dma_wait3A_2666, %dma_wait3A_2667] : memref<262144x512xf32, #tpu.memory_space<hbm>> -> memref<128x512xf32, #tpu.memory_space<hbm>>
    %dma_wait3A_2669 = arith.constant 0 : i32
    %dma_wait3A_2670 = arith.constant 0 : i32
    %dma_wait3A_2671 = tpu.memref_slice %arg5[%dma_wait3A_2669, %dma_wait3A_2670] : memref<248x512xf32, #tpu.memory_space<vmem>> -> memref<128x512xf32, #tpu.memory_space<vmem>>
    tpu.wait_dma2 semaphore(%arg9 : memref<!tpu.dma_semaphore, #tpu.memory_space<semaphore_mem>>) src(%dma_wait3A_2671 : memref<128x512xf32, #tpu.memory_space<vmem>>) dst(%dma_wait3A_2668 : memref<128x512xf32, #tpu.memory_space<hbm>>)
    %dma_wait3A_2672 = arith.constant 0 : i32
    %dma_wait3A_2673 = arith.constant 0 : i32
    %dma_wait3A_2674 = tpu.memref_slice %arg5[%dma_wait3A_2672, %dma_wait3A_2673] : memref<248x512xf32, #tpu.memory_space<vmem>> -> memref<128x512xf32, #tpu.memory_space<vmem>>
    %dma_wait3A_2675 = arith.constant 0 : i32
    %dma_wait3A_2676 = arith.constant 0 : i32
    %dma_wait3A_2677 = tpu.memref_slice %arg3[%dma_wait3A_2675, %dma_wait3A_2676] : memref<262144x512xf32, #tpu.memory_space<hbm>> -> memref<128x512xf32, #tpu.memory_space<hbm>>
    %dma_wait3A_2678 = arith.constant 0 : i32
    %dma_wait3A_2679 = arith.constant 0 : i32
    %dma_wait3A_2680 = tpu.memref_slice %arg3[%dma_wait3A_2678, %dma_wait3A_2679] : memref<262144x512xf32, #tpu.memory_space<hbm>> -> memref<128x512xf32, #tpu.memory_space<hbm>>
    %dma_wait3A_2681 = arith.constant 0 : i32
    %dma_wait3A_2682 = arith.constant 0 : i32
    %dma_wait3A_2683 = tpu.memref_slice %arg5[%dma_wait3A_2681, %dma_wait3A_2682] : memref<248x512xf32, #tpu.memory_space<vmem>> -> memref<128x512xf32, #tpu.memory_space<vmem>>
    tpu.wait_dma2 semaphore(%arg9 : memref<!tpu.dma_semaphore, #tpu.memory_space<semaphore_mem>>) src(%dma_wait3A_2683 : memref<128x512xf32, #tpu.memory_space<vmem>>) dst(%dma_wait3A_2680 : memref<128x512xf32, #tpu.memory_space<hbm>>)
    %dma_wait3A_2684 = arith.constant 0 : i32
    %dma_wait3A_2685 = arith.constant 0 : i32
    %dma_wait3A_2686 = tpu.memref_slice %arg5[%dma_wait3A_2684, %dma_wait3A_2685] : memref<248x512xf32, #tpu.memory_space<vmem>> -> memref<128x512xf32, #tpu.memory_space<vmem>>
    %dma_wait3A_2687 = arith.constant 0 : i32
    %dma_wait3A_2688 = arith.constant 0 : i32
    %dma_wait3A_2689 = tpu.memref_slice %arg3[%dma_wait3A_2687, %dma_wait3A_2688] : memref<262144x512xf32, #tpu.memory_space<hbm>> -> memref<128x512xf32, #tpu.memory_space<hbm>>
    %dma_wait3A_2690 = arith.constant 0 : i32
    %dma_wait3A_2691 = arith.constant 0 : i32
    %dma_wait3A_2692 = tpu.memref_slice %arg3[%dma_wait3A_2690, %dma_wait3A_2691] : memref<262144x512xf32, #tpu.memory_space<hbm>> -> memref<128x512xf32, #tpu.memory_space<hbm>>
    %dma_wait3A_2693 = arith.constant 0 : i32
    %dma_wait3A_2694 = arith.constant 0 : i32
    %dma_wait3A_2695 = tpu.memref_slice %arg5[%dma_wait3A_2693, %dma_wait3A_2694] : memref<248x512xf32, #tpu.memory_space<vmem>> -> memref<128x512xf32, #tpu.memory_space<vmem>>
    tpu.wait_dma2 semaphore(%arg9 : memref<!tpu.dma_semaphore, #tpu.memory_space<semaphore_mem>>) src(%dma_wait3A_2695 : memref<128x512xf32, #tpu.memory_space<vmem>>) dst(%dma_wait3A_2692 : memref<128x512xf32, #tpu.memory_space<hbm>>)
    %dma_wait3A_2696 = arith.constant 0 : i32
    %dma_wait3A_2697 = arith.constant 0 : i32
    %dma_wait3A_2698 = tpu.memref_slice %arg5[%dma_wait3A_2696, %dma_wait3A_2697] : memref<248x512xf32, #tpu.memory_space<vmem>> -> memref<128x512xf32, #tpu.memory_space<vmem>>
    %dma_wait3A_2699 = arith.constant 0 : i32
    %dma_wait3A_2700 = arith.constant 0 : i32
    %dma_wait3A_2701 = tpu.memref_slice %arg3[%dma_wait3A_2699, %dma_wait3A_2700] : memref<262144x512xf32, #tpu.memory_space<hbm>> -> memref<128x512xf32, #tpu.memory_space<hbm>>
    %dma_wait3A_2702 = arith.constant 0 : i32
    %dma_wait3A_2703 = arith.constant 0 : i32
    %dma_wait3A_2704 = tpu.memref_slice %arg3[%dma_wait3A_2702, %dma_wait3A_2703] : memref<262144x512xf32, #tpu.memory_space<hbm>> -> memref<128x512xf32, #tpu.memory_space<hbm>>
    %dma_wait3A_2705 = arith.constant 0 : i32
    %dma_wait3A_2706 = arith.constant 0 : i32
    %dma_wait3A_2707 = tpu.memref_slice %arg5[%dma_wait3A_2705, %dma_wait3A_2706] : memref<248x512xf32, #tpu.memory_space<vmem>> -> memref<128x512xf32, #tpu.memory_space<vmem>>
    tpu.wait_dma2 semaphore(%arg9 : memref<!tpu.dma_semaphore, #tpu.memory_space<semaphore_mem>>) src(%dma_wait3A_2707 : memref<128x512xf32, #tpu.memory_space<vmem>>) dst(%dma_wait3A_2704 : memref<128x512xf32, #tpu.memory_space<hbm>>)
    %dma_wait3A_2708 = arith.constant 0 : i32
    %dma_wait3A_2709 = arith.constant 0 : i32
    %dma_wait3A_2710 = tpu.memref_slice %arg5[%dma_wait3A_2708, %dma_wait3A_2709] : memref<248x512xf32, #tpu.memory_space<vmem>> -> memref<128x512xf32, #tpu.memory_space<vmem>>
    %dma_wait3A_2711 = arith.constant 0 : i32
    %dma_wait3A_2712 = arith.constant 0 : i32
    %dma_wait3A_2713 = tpu.memref_slice %arg3[%dma_wait3A_2711, %dma_wait3A_2712] : memref<262144x512xf32, #tpu.memory_space<hbm>> -> memref<128x512xf32, #tpu.memory_space<hbm>>
    %dma_wait3A_2714 = arith.constant 0 : i32
    %dma_wait3A_2715 = arith.constant 0 : i32
    %dma_wait3A_2716 = tpu.memref_slice %arg3[%dma_wait3A_2714, %dma_wait3A_2715] : memref<262144x512xf32, #tpu.memory_space<hbm>> -> memref<128x512xf32, #tpu.memory_space<hbm>>
    %dma_wait3A_2717 = arith.constant 0 : i32
    %dma_wait3A_2718 = arith.constant 0 : i32
    %dma_wait3A_2719 = tpu.memref_slice %arg5[%dma_wait3A_2717, %dma_wait3A_2718] : memref<248x512xf32, #tpu.memory_space<vmem>> -> memref<128x512xf32, #tpu.memory_space<vmem>>
    tpu.wait_dma2 semaphore(%arg9 : memref<!tpu.dma_semaphore, #tpu.memory_space<semaphore_mem>>) src(%dma_wait3A_2719 : memref<128x512xf32, #tpu.memory_space<vmem>>) dst(%dma_wait3A_2716 : memref<128x512xf32, #tpu.memory_space<hbm>>)
    %dma_wait3A_2720 = arith.constant 0 : i32
    %dma_wait3A_2721 = arith.constant 0 : i32
    %dma_wait3A_2722 = tpu.memref_slice %arg5[%dma_wait3A_2720, %dma_wait3A_2721] : memref<248x512xf32, #tpu.memory_space<vmem>> -> memref<128x512xf32, #tpu.memory_space<vmem>>
    %dma_wait3A_2723 = arith.constant 0 : i32
    %dma_wait3A_2724 = arith.constant 0 : i32
    %dma_wait3A_2725 = tpu.memref_slice %arg3[%dma_wait3A_2723, %dma_wait3A_2724] : memref<262144x512xf32, #tpu.memory_space<hbm>> -> memref<128x512xf32, #tpu.memory_space<hbm>>
    %dma_wait3A_2726 = arith.constant 0 : i32
    %dma_wait3A_2727 = arith.constant 0 : i32
    %dma_wait3A_2728 = tpu.memref_slice %arg3[%dma_wait3A_2726, %dma_wait3A_2727] : memref<262144x512xf32, #tpu.memory_space<hbm>> -> memref<128x512xf32, #tpu.memory_space<hbm>>
    %dma_wait3A_2729 = arith.constant 0 : i32
    %dma_wait3A_2730 = arith.constant 0 : i32
    %dma_wait3A_2731 = tpu.memref_slice %arg5[%dma_wait3A_2729, %dma_wait3A_2730] : memref<248x512xf32, #tpu.memory_space<vmem>> -> memref<128x512xf32, #tpu.memory_space<vmem>>
    tpu.wait_dma2 semaphore(%arg9 : memref<!tpu.dma_semaphore, #tpu.memory_space<semaphore_mem>>) src(%dma_wait3A_2731 : memref<128x512xf32, #tpu.memory_space<vmem>>) dst(%dma_wait3A_2728 : memref<128x512xf32, #tpu.memory_space<hbm>>)
    %dma_wait3A_2732 = arith.constant 0 : i32
    %dma_wait3A_2733 = arith.constant 0 : i32
    %dma_wait3A_2734 = tpu.memref_slice %arg5[%dma_wait3A_2732, %dma_wait3A_2733] : memref<248x512xf32, #tpu.memory_space<vmem>> -> memref<128x512xf32, #tpu.memory_space<vmem>>
    %dma_wait3A_2735 = arith.constant 0 : i32
    %dma_wait3A_2736 = arith.constant 0 : i32
    %dma_wait3A_2737 = tpu.memref_slice %arg3[%dma_wait3A_2735, %dma_wait3A_2736] : memref<262144x512xf32, #tpu.memory_space<hbm>> -> memref<128x512xf32, #tpu.memory_space<hbm>>
    %dma_wait3A_2738 = arith.constant 0 : i32
    %dma_wait3A_2739 = arith.constant 0 : i32
    %dma_wait3A_2740 = tpu.memref_slice %arg3[%dma_wait3A_2738, %dma_wait3A_2739] : memref<262144x512xf32, #tpu.memory_space<hbm>> -> memref<128x512xf32, #tpu.memory_space<hbm>>
    %dma_wait3A_2741 = arith.constant 0 : i32
    %dma_wait3A_2742 = arith.constant 0 : i32
    %dma_wait3A_2743 = tpu.memref_slice %arg5[%dma_wait3A_2741, %dma_wait3A_2742] : memref<248x512xf32, #tpu.memory_space<vmem>> -> memref<128x512xf32, #tpu.memory_space<vmem>>
    tpu.wait_dma2 semaphore(%arg9 : memref<!tpu.dma_semaphore, #tpu.memory_space<semaphore_mem>>) src(%dma_wait3A_2743 : memref<128x512xf32, #tpu.memory_space<vmem>>) dst(%dma_wait3A_2740 : memref<128x512xf32, #tpu.memory_space<hbm>>)
    %dma_wait3A_2744 = arith.constant 0 : i32
    %dma_wait3A_2745 = arith.constant 0 : i32
    %dma_wait3A_2746 = tpu.memref_slice %arg5[%dma_wait3A_2744, %dma_wait3A_2745] : memref<248x512xf32, #tpu.memory_space<vmem>> -> memref<128x512xf32, #tpu.memory_space<vmem>>
    %dma_wait3A_2747 = arith.constant 0 : i32
    %dma_wait3A_2748 = arith.constant 0 : i32
    %dma_wait3A_2749 = tpu.memref_slice %arg3[%dma_wait3A_2747, %dma_wait3A_2748] : memref<262144x512xf32, #tpu.memory_space<hbm>> -> memref<128x512xf32, #tpu.memory_space<hbm>>
    %dma_wait3A_2750 = arith.constant 0 : i32
    %dma_wait3A_2751 = arith.constant 0 : i32
    %dma_wait3A_2752 = tpu.memref_slice %arg3[%dma_wait3A_2750, %dma_wait3A_2751] : memref<262144x512xf32, #tpu.memory_space<hbm>> -> memref<128x512xf32, #tpu.memory_space<hbm>>
    %dma_wait3A_2753 = arith.constant 0 : i32
    %dma_wait3A_2754 = arith.constant 0 : i32
    %dma_wait3A_2755 = tpu.memref_slice %arg5[%dma_wait3A_2753, %dma_wait3A_2754] : memref<248x512xf32, #tpu.memory_space<vmem>> -> memref<128x512xf32, #tpu.memory_space<vmem>>
    tpu.wait_dma2 semaphore(%arg9 : memref<!tpu.dma_semaphore, #tpu.memory_space<semaphore_mem>>) src(%dma_wait3A_2755 : memref<128x512xf32, #tpu.memory_space<vmem>>) dst(%dma_wait3A_2752 : memref<128x512xf32, #tpu.memory_space<hbm>>)
    %dma_wait3A_2756 = arith.constant 0 : i32
    %dma_wait3A_2757 = arith.constant 0 : i32
    %dma_wait3A_2758 = tpu.memref_slice %arg5[%dma_wait3A_2756, %dma_wait3A_2757] : memref<248x512xf32, #tpu.memory_space<vmem>> -> memref<128x512xf32, #tpu.memory_space<vmem>>
    %dma_wait3A_2759 = arith.constant 0 : i32
    %dma_wait3A_2760 = arith.constant 0 : i32
    %dma_wait3A_2761 = tpu.memref_slice %arg3[%dma_wait3A_2759, %dma_wait3A_2760] : memref<262144x512xf32, #tpu.memory_space<hbm>> -> memref<128x512xf32, #tpu.memory_space<hbm>>
    %dma_wait3A_2762 = arith.constant 0 : i32
    %dma_wait3A_2763 = arith.constant 0 : i32
    %dma_wait3A_2764 = tpu.memref_slice %arg3[%dma_wait3A_2762, %dma_wait3A_2763] : memref<262144x512xf32, #tpu.memory_space<hbm>> -> memref<128x512xf32, #tpu.memory_space<hbm>>
    %dma_wait3A_2765 = arith.constant 0 : i32
    %dma_wait3A_2766 = arith.constant 0 : i32
    %dma_wait3A_2767 = tpu.memref_slice %arg5[%dma_wait3A_2765, %dma_wait3A_2766] : memref<248x512xf32, #tpu.memory_space<vmem>> -> memref<128x512xf32, #tpu.memory_space<vmem>>
    tpu.wait_dma2 semaphore(%arg9 : memref<!tpu.dma_semaphore, #tpu.memory_space<semaphore_mem>>) src(%dma_wait3A_2767 : memref<128x512xf32, #tpu.memory_space<vmem>>) dst(%dma_wait3A_2764 : memref<128x512xf32, #tpu.memory_space<hbm>>)
    %dma_wait3A_2768 = arith.constant 0 : i32
    %dma_wait3A_2769 = arith.constant 0 : i32
    %dma_wait3A_2770 = tpu.memref_slice %arg5[%dma_wait3A_2768, %dma_wait3A_2769] : memref<248x512xf32, #tpu.memory_space<vmem>> -> memref<128x512xf32, #tpu.memory_space<vmem>>
    %dma_wait3A_2771 = arith.constant 0 : i32
    %dma_wait3A_2772 = arith.constant 0 : i32
    %dma_wait3A_2773 = tpu.memref_slice %arg3[%dma_wait3A_2771, %dma_wait3A_2772] : memref<262144x512xf32, #tpu.memory_space<hbm>> -> memref<128x512xf32, #tpu.memory_space<hbm>>
    %dma_wait3A_2774 = arith.constant 0 : i32
    %dma_wait3A_2775 = arith.constant 0 : i32
    %dma_wait3A_2776 = tpu.memref_slice %arg3[%dma_wait3A_2774, %dma_wait3A_2775] : memref<262144x512xf32, #tpu.memory_space<hbm>> -> memref<128x512xf32, #tpu.memory_space<hbm>>
    %dma_wait3A_2777 = arith.constant 0 : i32
    %dma_wait3A_2778 = arith.constant 0 : i32
    %dma_wait3A_2779 = tpu.memref_slice %arg5[%dma_wait3A_2777, %dma_wait3A_2778] : memref<248x512xf32, #tpu.memory_space<vmem>> -> memref<128x512xf32, #tpu.memory_space<vmem>>
    tpu.wait_dma2 semaphore(%arg9 : memref<!tpu.dma_semaphore, #tpu.memory_space<semaphore_mem>>) src(%dma_wait3A_2779 : memref<128x512xf32, #tpu.memory_space<vmem>>) dst(%dma_wait3A_2776 : memref<128x512xf32, #tpu.memory_space<hbm>>)
    %dma_wait3A_2780 = arith.constant 0 : i32
    %dma_wait3A_2781 = arith.constant 0 : i32
    %dma_wait3A_2782 = tpu.memref_slice %arg5[%dma_wait3A_2780, %dma_wait3A_2781] : memref<248x512xf32, #tpu.memory_space<vmem>> -> memref<128x512xf32, #tpu.memory_space<vmem>>
    %dma_wait3A_2783 = arith.constant 0 : i32
    %dma_wait3A_2784 = arith.constant 0 : i32
    %dma_wait3A_2785 = tpu.memref_slice %arg3[%dma_wait3A_2783, %dma_wait3A_2784] : memref<262144x512xf32, #tpu.memory_space<hbm>> -> memref<128x512xf32, #tpu.memory_space<hbm>>
    %dma_wait3A_2786 = arith.constant 0 : i32
    %dma_wait3A_2787 = arith.constant 0 : i32
    %dma_wait3A_2788 = tpu.memref_slice %arg3[%dma_wait3A_2786, %dma_wait3A_2787] : memref<262144x512xf32, #tpu.memory_space<hbm>> -> memref<128x512xf32, #tpu.memory_space<hbm>>
    %dma_wait3A_2789 = arith.constant 0 : i32
    %dma_wait3A_2790 = arith.constant 0 : i32
    %dma_wait3A_2791 = tpu.memref_slice %arg5[%dma_wait3A_2789, %dma_wait3A_2790] : memref<248x512xf32, #tpu.memory_space<vmem>> -> memref<128x512xf32, #tpu.memory_space<vmem>>
    tpu.wait_dma2 semaphore(%arg9 : memref<!tpu.dma_semaphore, #tpu.memory_space<semaphore_mem>>) src(%dma_wait3A_2791 : memref<128x512xf32, #tpu.memory_space<vmem>>) dst(%dma_wait3A_2788 : memref<128x512xf32, #tpu.memory_space<hbm>>)
    %dma_wait3A_2792 = arith.constant 0 : i32
    %dma_wait3A_2793 = arith.constant 0 : i32
    %dma_wait3A_2794 = tpu.memref_slice %arg5[%dma_wait3A_2792, %dma_wait3A_2793] : memref<248x512xf32, #tpu.memory_space<vmem>> -> memref<128x512xf32, #tpu.memory_space<vmem>>
    %dma_wait3A_2795 = arith.constant 0 : i32
    %dma_wait3A_2796 = arith.constant 0 : i32
    %dma_wait3A_2797 = tpu.memref_slice %arg3[%dma_wait3A_2795, %dma_wait3A_2796] : memref<262144x512xf32, #tpu.memory_space<hbm>> -> memref<128x512xf32, #tpu.memory_space<hbm>>
    %dma_wait3A_2798 = arith.constant 0 : i32
    %dma_wait3A_2799 = arith.constant 0 : i32
    %dma_wait3A_2800 = tpu.memref_slice %arg3[%dma_wait3A_2798, %dma_wait3A_2799] : memref<262144x512xf32, #tpu.memory_space<hbm>> -> memref<128x512xf32, #tpu.memory_space<hbm>>
    %dma_wait3A_2801 = arith.constant 0 : i32
    %dma_wait3A_2802 = arith.constant 0 : i32
    %dma_wait3A_2803 = tpu.memref_slice %arg5[%dma_wait3A_2801, %dma_wait3A_2802] : memref<248x512xf32, #tpu.memory_space<vmem>> -> memref<128x512xf32, #tpu.memory_space<vmem>>
    tpu.wait_dma2 semaphore(%arg9 : memref<!tpu.dma_semaphore, #tpu.memory_space<semaphore_mem>>) src(%dma_wait3A_2803 : memref<128x512xf32, #tpu.memory_space<vmem>>) dst(%dma_wait3A_2800 : memref<128x512xf32, #tpu.memory_space<hbm>>)
    return
  }
}

</mosaic_0001>

<sc_bundles>
// kernel: kernel.3.cloned.1.call-start
scs
__scs_entry_jumppad:
0x0: {  	(pc) =	sbr.rel $0x88, $3  }
0x1: {  	(tag) =	ssettag $0x0;
	lr =	simm.s32 $0x1  }
0x2: {  	[smem:$0x3FA0] =	sst lr;
	_ =	strace $0xD0000000  }
0x3: {  	_ = 	snop  }
0x4: {  	_ = 	snop  }
0x5: {  	_ = 	snop  }
0x6: {  	_ = 	snop  }
0x7: {  	_ = 	snop  }
__scs_overlays_trampoline_lowered:
0x8: {  	[smem:$0x3FAF] =	sst s0  }
0x9: {  	[smem:$0x3FB0] =	sst s1  }
0xa: {  	[smem:$0x3FB1] =	sst s2  }
0xb: {  	[smem:$0x3FB2] =	sst s3  }
0xc: {  	[smem:$0x3FB3] =	sst s4  }
0xd: {  	[smem:$0x3FB4] =	sst s5  }
0xe: {  	[smem:$0x3FB5] =	sst s6  }
0xf: {  	[smem:$0x3FB6] =	sst s7  }
0x10: {  	[smem:$0x3FB7] =	sst s8  }
0x11: {  	[smem:$0x3FB8] =	sst s9;
	s0 =	simm.s32 @!p0 $0x0  }
0x12: {  	s1 =	sld [smem:$0x3F9E];
	s0 =	simm.s32 @p0 $0x1  }
0x13: {  	[smem:$0x3FB9] =	sst s0;
	s0 =	simm.s32 @!p1 $0x0  }
0x14: {  	s2 =	sld [smem:$0x3F9D];
	s0 =	simm.s32 @p1 $0x1  }
0x15: {  	[smem:$0x3FBA] =	sst s0;
	s0 =	simm.s32 @!p2 $0x0  }
0x16: {  	s3 =	sld [smem:$0x3FDB];
	s0 =	simm.s32 @p2 $0x1  }
0x17: {  	s4 =	simm.s32 $0x1BF5;
	[smem:$0x3FBC] =	sst s0  }
0x18: {  	s0 =	sld [smem:$0x3F9F];
	_ =	swait.ge [sflag:s4], $0x0  }
0x19: {  	s7 =	sld [smem:$0x3FA0]  }
0x1a: {  	s8 =	sadd.s32 $0xFFFFE003, lr  }
0x1b: {  	s9 =	sadd.s32 $0xFFFFFEF7, lr;
	s5 =	simm.s32 $0xFFFFFFFF;
	p2 =	slt.u32 s8, $0xFFFFF086  }
0x1c: {  	p1 =	slt.u32 s9, $0xF7A;
	s5 =	simm.s32 @!p2 $0x0  }
0x1d: {  	s5 =	simm.s32 @p1 $0x1;
	p0 =	seq.s32 s7, s2  }
0x1e: {  	s7 =	smul.u32 @!p0 $0xF7A, s2;
	p2 =	seq.s32 @!p0 s5, $0x0  }
0x1f: {  	s9 =	smul.u32 $0xF7A, s1;
	s8 =	simm.s32 @!p0 $0x1BF5;
	p2 =	por !p2, p0  }
0x20: {  	[sflag:s8] =	ssyncset.s32 @!p0 $0xFFFFF086;
	s6 =	sadd.s32 @!p0 s3, s7;
	s7 =	simm.s32 @!p0 $0x108  }
0x21: {  	s3 =	sadd.s32 s3, s9;
	s6 =	sadd.s32 @!p0 $0x88, s6;
	s7 =	simm.s32 @p2 $0x1082  }
0x22: {  	[simem:s7], [sflag:s8] =	dma.local @!p0 [hbm:s6], $0xF7A  }
0x23: {  	s9 =	sor.u32 $0xD0000000, s2;
	s6 =	simm.s32 $0x108;
	_ =	swait.ge @!p0 [sflag:s8], $0x0  }
0x24: {  	s3 =	sadd.s32 $0x88, s3;
	s6 =	simm.s32 @!p1 $0x1082;
	[sflag:s4] =	ssyncset.s32 $0xFFFFF086  }
0x25: {  	[simem:s6], [sflag:s4] =	dma.local [hbm:s3], $0xF7A  }
0x26: {  	[smem:$0x3FA0] =	sst s1;
	(tag) =	ssettag s2;
	_ =	strace s9  }
0x27: {  	s1 =	sld [smem:$0x3FB0]  }
0x28: {  	s2 =	sld [smem:$0x3FB1]  }
0x29: {  	s4 =	sld [smem:$0x3FB3]  }
0x2a: {  	p0 =	seq.s32 s5, $0x0;
	s5 =	sld [smem:$0x3FB4]  }
0x2b: {  	s6 =	sld [smem:$0x3FB5]  }
0x2c: {  	s7 =	sld [smem:$0x3FB6]  }
0x2d: {  	s3 =	simm.s32 $0x108;
	s8 =	sld [smem:$0x3FB7]  }
0x2e: {  	s3 =	simm.s32 @!p0 $0x1082;
	s9 =	sld [smem:$0x3FB8]  }
0x2f: {  	lr =	sadd.s32 s0, s3;
	s0 =	sld [smem:$0x3FAF]  }
0x30: {  	s3 =	sld [smem:$0x3FB2]  }
0x31: {  	[smem:$0x3FBB] =	sst s10  }
0x32: {  	s10 =	sld [smem:$0x3FB9];
	_ =	sdelay $0x3  }
0x33: {  	p0 =	seq.s32 s10, $0x1;
	s10 =	sld [smem:$0x3FBB];
	_ =	sdelay $0x3  }
0x34: {  	[smem:$0x3FBB] =	sst s10  }
0x35: {  	s10 =	sld [smem:$0x3FBA];
	_ =	sdelay $0x3  }
0x36: {  	p1 =	seq.s32 s10, $0x1;
	s10 =	sld [smem:$0x3FBB];
	_ =	sdelay $0x3  }
0x37: {  	[smem:$0x3FBB] =	sst s10  }
0x38: {  	s10 =	sld [smem:$0x3FBC]  }
0x39: {  	_ = 	snop;
	(pc) =	sbr.ind lr, $3  }
0x3a: {  	_ = 	snop  }
0x3b: {  	_ = 	snop  }
0x3c: {  	p2 =	seq.s32 s10, $0x1;
	s10 =	sld [smem:$0x3FBB]  }
0x3d: {  	_ =	shalt  }
0x3e: {  	_ =	shalt  }
0x3f: {  	_ =	shalt  }
0x40: {  	_ =	shalt  }
0x41: {  	_ =	shalt  }
0x42: {  	_ =	shalt  }
0x43: {  	_ =	shalt  }
0x44: {  	_ =	shalt  }
0x45: {  	_ =	shalt  }
0x46: {  	_ =	shalt  }
0x47: {  	_ =	shalt  }
0x48: {  	_ =	shalt  }
0x49: {  	_ =	shalt  }
0x4a: {  	_ =	shalt  }
0x4b: {  	_ =	shalt  }
0x4c: {  	_ =	shalt  }
0x4d: {  	_ =	shalt  }
0x4e: {  	_ =	shalt  }
0x4f: {  	_ =	shalt  }
0x50: {  	_ =	shalt  }
0x51: {  	_ =	shalt  }
0x52: {  	_ =	shalt  }
0x53: {  	_ =	shalt  }
0x54: {  	_ =	shalt  }
0x55: {  	_ =	shalt  }
0x56: {  	_ =	shalt  }
0x57: {  	_ =	shalt  }
0x58: {  	_ =	shalt  }
0x59: {  	_ =	shalt  }
0x5a: {  	_ =	shalt  }
0x5b: {  	_ =	shalt  }
0x5c: {  	_ =	shalt  }
0x5d: {  	_ =	shalt  }
0x5e: {  	_ =	shalt  }
0x5f: {  	_ =	shalt  }
0x60: {  	_ =	shalt  }
0x61: {  	_ =	shalt  }
0x62: {  	_ =	shalt  }
0x63: {  	_ =	shalt  }
0x64: {  	_ =	shalt  }
0x65: {  	_ =	shalt  }
0x66: {  	_ =	shalt  }
0x67: {  	_ =	shalt  }
0x68: {  	_ =	shalt  }
0x69: {  	_ =	shalt  }
0x6a: {  	_ =	shalt  }
0x6b: {  	_ =	shalt  }
0x6c: {  	_ =	shalt  }
0x6d: {  	_ =	shalt  }
0x6e: {  	_ =	shalt  }
0x6f: {  	_ =	shalt  }
0x70: {  	_ =	shalt  }
0x71: {  	_ =	shalt  }
0x72: {  	_ =	shalt  }
0x73: {  	_ =	shalt  }
0x74: {  	_ =	shalt  }
0x75: {  	_ =	shalt  }
0x76: {  	_ =	shalt  }
0x77: {  	_ =	shalt  }
0x78: {  	_ =	shalt  }
0x79: {  	_ =	shalt  }
0x7a: {  	_ =	shalt  }
0x7b: {  	_ =	shalt  }
0x7c: {  	_ =	shalt  }
0x7d: {  	_ =	shalt  }
0x7e: {  	_ =	shalt  }
0x7f: {  	_ =	shalt  }
0x80: {  	_ =	shalt  }
0x81: {  	_ =	shalt  }
0x82: {  	_ =	shalt  }
0x83: {  	_ =	shalt  }
0x84: {  	_ =	shalt  }
0x85: {  	_ =	shalt  }
0x86: {  	_ =	shalt  }
0x87: {  	_ =	shalt  }
.Lfunc_end0:
.L_simem_size_0:
called_computation_lowered:
.L_overlay_start_0:
0x88: {  	s2 =	sld [smem:$0x3FD9]  }
0x89: {  	s3 =	sld [smem:$0x3FFE];
	_ =	sdelay $0x1  }
0x8a: {  	s1 =	srdreg.scid  }
0x8b: {  	s0 =	sand.u32 $0x1, s1  }
0x8c: {  	s18 =	sshll.u32 s0, $0xA;
	s2 =	sadd.s32 s3, s2  }
0x8d: {  	s2 =	sadd.s32 s2, s18  }
0x8e: {  	[smem:$0x3FC7] =	sst s2  }
0x8f: {  	_ = 	snop  }
0x90: {  	s2 =	sld [smem:$0x3FC9]  }
0x91: {  	s19 =	sld [smem:$0x3FD0];
	(tm) =	ssettm $0x1  }
0x92: {  	s4 =	sld [smem:$0x3FFB];
	_ =	sdelay $0x3  }
0x93: {  	_ =	strace s4  }
0x94: {  	s4 =	sld [smem:$0x3FFC];
	_ =	sdelay $0x3  }
0x95: {  	_ =	strace s4  }
0x96: {  	s4 =	sld [smem:$0x3FFD];
	_ =	sdelay $0x3  }
0x97: {  	_ =	strace s4  }
0x98: {  	_ =	strace $0x8FFFFFFF  }
0x99: {  	s20 =	sld [smem:$0x3FDB];
	_ =	sdelay $0x1  }
0x9a: {  	s5 =	simm.s32 $_scs_section_size  }
0x9b: {  	s6 =	simm.s32 $_size__tile_overlayer_lowered;
	s7 =	simm.s32 $_tile_overlayer_lowered  }
0x9c: {  	s23 =	simm.s32 $0x1BFF;
	s22 =	sshll.u32 s7, $0x1;
	s4 =	sadd.s32 s5, s20  }
0x9d: {  	s8 =	simm.s32 $0x0;
	s21 =	sshll.u32 s6, $0x1;
	s6 =	sadd.s32 s22, s4  }
0x9e: {  	[timem:s8], [sflag:s23] =	dma.local [hbm:s6], s21  }
0x9f: {  	_ =	swait.ge [sflag:s23], s21  }
0xa0: {  	s5 =	ssub.s32 $0x0, s21;
	[sflag:s23] =	ssyncset.done $0x0  }
0xa1: {  	[sflag:s23] =	ssyncadd.s32 s5;
	_ =	sdelay $0x1  }
0xa2: {  	s24 =	simm.s32 $0x1B8B  }
0xa3: {  	_ =	swait.ge [sflag:s24], $0x1  }
0xa4: {  	[sflag:s24] =	ssyncset.done $0x0  }
0xa5: {  	s25 =	simm.s32 $0x1B8E;
	[sflag:s24] =	ssyncadd.s32 $0xFFFFFFFF  }
0xa6: {  	s26 =	simm.s32 $execute0_lowered;
	[smem:$0x3FD2] =	sst s25  }
0xa7: {  	s5 =	sshll.u32 s26, $0x1;
	_ =	strace $0x80000046;
	[dreg:$0x1] =	wrdreg $0xFFFFFFFF  }
0xa8: {  	s28 =	simm.s32 $_size_execute0_lowered;
	s4 =	sadd.s32 s4, s5;
	[dreg:$0x0] =	wrdreg $0x0  }
0xa9: {  	s5 =	sshll.u32 s28, $0x1;
	[dreg:$0x2] =	wrdreg s4  }
0xaa: {  	[dreg:$0x3] =	wrdreg s5  }
0xab: {  	[dreg:$0x4] =	wrdreg $0xC0  }
0xac: {  	_ =	task [dreg:s8], $0x5FFFF  }
0xad: {  	[dreg:$0x1] =	wrdreg $0xFFFFFFFF  }
0xae: {  	[dreg:$0x0] =	wrdreg $0x60  }
0xaf: {  	[dreg:$0x2] =	wrdreg s2  }
0xb0: {  	[dreg:$0x3] =	wrdreg s19  }
0xb1: {  	[dreg:$0x4] =	wrdreg $0x9  }
0xb2: {  	_ =	task.clear_ibuf [dreg:s8], $0x5FFFF;
	_ =	strace $0x90000046  }
0xb3: {  	s29 =	simm.s32 $0x9;
	_ =	strace $0x80000048  }
0xb4: {  	_ =	swait.ge [sflag:s29], $0x1  }
0xb5: {  	[sflag:s29] =	ssyncadd.s32 $0xFFFFFFFF  }
0xb6: {  	_ =	strace $0x90000048  }
0xb7: {  	_ =	sfence  }
0xb8: {  	s30 =	sld [smem:$0x0];
	_ =	sdelay $0x2  }
0xb9: {  	s31 =	sshll.u32 s1, $0xD;
	s1 =	sshrl.u32 s1, $0x2  }
0xba: {  	s3 =	sand.u32 $0x4000, s31;
	s1 =	sadd.s32 s1, s30  }
0xbb: {  	s0 =	sor.u32 s3, s0;
	s1 =	sshll.u32 s1, $0x11  }
0xbc: {  	s0 =	sor.u32 s1, s0  }
0xbd: {  	s0 =	sadd.s32 $0x8F2B, s0  }
0xbe: {  	[sflag:s0] =	ssyncadd.remote.s32 $0x1  }
0xbf: {  	_ =	sfence.sel $0xFFFF  }
0xc0: {  	[dreg:$0x0] =	wrdreg $0xFFFFFFFF;
	(pc) =	sbr.abs _section_cstart, $3  }
0xc1: {  	[dreg:$0x1] =	wrdreg $0xFFFFFFFF  }
0xc2: {  	_ =	task.clear_ibuf [dreg:s8], $0x2FFFF;
	_ =	strace $0x9FFFFFFF  }
0xc3: {  	(tm) =	ssettm $0x7FFFFFFF  }
tec
execute0_lowered:
.L_overlay_start_1:
0x0: {  	(tag) =	ssettag $0x1  }
0x1: {  	s0 =	srdreg.scid  }
0x2: {  	s5 =	stileid.u32;
	s1 =	sand.u32 $0x1, s0  }
0x3: {  	s0 =	sor.u32 s1, s5  }
0x4: {  	p0 =	seq.s32 s1, $0x1;
	p1 =	seq.s32 s0, $0x0  }
0x5: {  	p0 =	por !p1, !p0  }
0x6: {  	s0 =	simm.s32 $0x1;
	p0 =	por !p0, !p0  }
0x7: {  	s2 =	rddreg [dreg:$0x0];
	s4 =	sshrl.u32 s5, $0x2;
	s0 =	simm.s32 @!p0 $0x0  }
0x8: {  	s19 =	sshll.u32 s5, $0x7;
	s6 =	sshll.u32 s1, $0x2;
	s0 =	ssub.s32 s5, s0  }
0x9: {  	s20 =	sshll.u32 s4, $0xD;
	s13 =	sshll.u32 s4, $0x10;
	s3 =	sshll.u32 s0, $0x7  }
0xa: {  	s19 =	sand.u32 $0x180, s19;
	s0 =	rddreg [dreg:$0x1];
	s3 =	sand.u32 $0x180, s3  }
0xb: {  	s31 =	sadd.s32 $0x240000, s0;
	s21 =	sadd.s32 $0x340000, s0;
	s8 =	sor.u32 s6, s3  }
0xc: {  	s22 =	sadd.s32 $0x180000, s0;
	s3 =	simm.s32 $0x0;
	s7 =	sshll.u32 s8, $0xF  }
0xd: {  	[smem:$0x7D6] =	sst s8;
	s24 =	sor.u32 s20, s7;
	s7 =	sadd.s32 $0x3C0000, s0  }
0xe: {  	[smem:$0x7FF] =	sst s3;
	s14 =	sshll.u32 s8, $0x12;
	s9 =	sadd.s32 s24, s7  }
0xf: {  	_ =	strace $0x80000047;
	s10 =	sadd.s32 s24, s31;
	[dreg:$0x3] =	wrdreg s9  }
0x10: {  	s14 =	sor.u32 s13, s14;
	s15 =	sadd.s32 s24, s21;
	[dreg:$0x4] =	wrdreg s10  }
0x11: {  	s14 =	sshrl.u32 s14, $0x3;
	s5 =	sadd.s32 s24, s22;
	[dreg:$0x8] =	wrdreg s15  }
0x12: {  	s9 =	sadd.s32 $0x280000, s0;
	s26 =	sadd.s32 s0, s14;
	[dreg:$0x10] =	wrdreg s5  }
0x13: {  	s10 =	sadd.s32 $0x2C0000, s0;
	s11 =	sadd.s32 s24, s9;
	[dreg:$0xa] =	wrdreg s26  }
0x14: {  	s14 =	sadd.s32 $0x40000, s0;
	s12 =	sadd.s32 s24, s10;
	[dreg:$0x5] =	wrdreg s11  }
0x15: {  	s15 =	sadd.s32 $0x80000, s0;
	s16 =	sadd.s32 s24, s14;
	[dreg:$0x6] =	wrdreg s12  }
0x16: {  	s17 =	sadd.s32 s24, s15;
	s11 =	sadd.s32 $0x300000, s0;
	[dreg:$0xb] =	wrdreg s16  }
0x17: {  	s12 =	sadd.s32 $0x380000, s0;
	[dreg:$0xc] =	wrdreg s17;
	s23 =	sadd.s32 s24, s11  }
0x18: {  	s16 =	sadd.s32 $0xC0000, s0;
	s25 =	sadd.s32 s24, s12;
	[dreg:$0x7] =	wrdreg s23  }
0x19: {  	s17 =	sadd.s32 $0x100000, s0;
	s18 =	sadd.s32 s24, s16;
	[dreg:$0x9] =	wrdreg s25  }
0x1a: {  	s29 =	sadd.s32 s24, s17;
	[dreg:$0xd] =	wrdreg s18;
	s18 =	sadd.s32 $0x140000, s0  }
0x1b: {  	[dreg:$0xe] =	wrdreg s29;
	s25 =	sor.u32 s6, s19;
	s23 =	sadd.s32 s24, s18  }
0x1c: {  	s19 =	sadd.s32 $0x1C0000, s0;
	[dreg:$0xf] =	wrdreg s23;
	s23 =	sor.u32 $0x1, s25  }
0x1d: {  	s6 =	sadd.s32 $0x200000, s0;
	s26 =	sadd.s32 s24, s19;
	s28 =	sshll.u32 s23, $0xF  }
0x1e: {  	s24 =	sadd.s32 s24, s6;
	[dreg:$0x11] =	wrdreg s26;
	s26 =	sor.u32 s20, s28  }
0x1f: {  	[dreg:$0x12] =	wrdreg s24;
	s8 =	sadd.s32 s26, s7  }
0x20: {  	s29 =	sadd.s32 s26, s31;
	[dreg:$0x13] =	wrdreg s8  }
0x21: {  	s5 =	sadd.s32 s26, s9;
	[dreg:$0x14] =	wrdreg s29  }
0x22: {  	[dreg:$0x15] =	wrdreg s5;
	s8 =	sadd.s32 s26, s10  }
0x23: {  	s28 =	sshll.u32 s23, $0x12;
	s29 =	sadd.s32 s26, s11;
	[dreg:$0x16] =	wrdreg s8  }
0x24: {  	s5 =	sor.u32 s13, s28;
	s28 =	sadd.s32 s26, s21;
	[dreg:$0x17] =	wrdreg s29  }
0x25: {  	[dreg:$0x18] =	wrdreg s28;
	s28 =	sadd.s32 s26, s12  }
0x26: {  	s8 =	sadd.s32 s26, s14;
	[dreg:$0x19] =	wrdreg s28  }
0x27: {  	s29 =	sadd.s32 s26, s15;
	[dreg:$0x1b] =	wrdreg s8  }
0x28: {  	s24 =	sshrl.u32 s5, $0x3;
	s5 =	sadd.s32 s26, s16;
	[dreg:$0x1c] =	wrdreg s29  }
0x29: {  	s24 =	sadd.s32 s0, s24;
	[dreg:$0x1d] =	wrdreg s5  }
0x2a: {  	s8 =	sadd.s32 s26, s17;
	[dreg:$0x1a] =	wrdreg s24  }
0x2b: {  	s29 =	sadd.s32 s26, s18;
	[dreg:$0x1e] =	wrdreg s8  }
0x2c: {  	s28 =	sadd.s32 s26, s22;
	[dreg:$0x1f] =	wrdreg s29;
	s24 =	sor.u32 $0x2, s25  }
0x2d: {  	[smem:$0x7C1] =	sst s28;
	s28 =	sadd.s32 s26, s19;
	s29 =	sshll.u32 s24, $0xF  }
0x2e: {  	s26 =	sadd.s32 s26, s6;
	[smem:$0x7C2] =	sst s28;
	s28 =	sor.u32 s20, s29  }
0x2f: {  	[smem:$0x7C3] =	sst s26;
	s5 =	sadd.s32 s28, s7  }
0x30: {  	s8 =	sadd.s32 s28, s31;
	[smem:$0x7C4] =	sst s5  }
0x31: {  	s29 =	sadd.s32 s28, s9;
	[smem:$0x7C5] =	sst s8  }
0x32: {  	[smem:$0x7C6] =	sst s29;
	s5 =	sadd.s32 s28, s10  }
0x33: {  	s8 =	sadd.s32 s28, s11;
	[smem:$0x7C7] =	sst s5  }
0x34: {  	s29 =	sadd.s32 s28, s14;
	[smem:$0x7C8] =	sst s8  }
0x35: {  	s5 =	sshll.u32 s24, $0x12;
	[smem:$0x7CC] =	sst s29;
	s29 =	sadd.s32 s28, s17  }
0x36: {  	s8 =	sor.u32 s13, s5;
	s5 =	sadd.s32 s28, s21;
	[smem:$0x7CF] =	sst s29  }
0x37: {  	[smem:$0x7C9] =	sst s5;
	s26 =	sshrl.u32 s8, $0x3;
	s8 =	sadd.s32 s28, s12  }
0x38: {  	s5 =	sadd.s32 s28, s15;
	[smem:$0x7CA] =	sst s8  }
0x39: {  	s26 =	sadd.s32 s0, s26;
	[smem:$0x7CD] =	sst s5  }
0x3a: {  	s8 =	sadd.s32 s28, s16;
	[smem:$0x7CB] =	sst s26  }
0x3b: {  	s5 =	sadd.s32 s28, s18;
	[smem:$0x7CE] =	sst s8  }
0x3c: {  	s1 =	ssub.s32 $0x2, s1;
	[smem:$0x7D0] =	sst s5;
	s8 =	sadd.s32 s28, s22  }
0x3d: {  	s30 =	sor.u32 $0x3, s25;
	s26 =	sadd.s32 s28, s19;
	[smem:$0x7D1] =	sst s8  }
0x3e: {  	s29 =	sshll.u32 s30, $0xF;
	s5 =	sadd.s32 s28, s6;
	[smem:$0x7D2] =	sst s26  }
0x3f: {  	s8 =	sor.u32 s20, s29;
	s26 =	sshrl.u32 s1, $0x1;
	[smem:$0x7D3] =	sst s5  }
0x40: {  	s1 =	ssub.s32 s1, s26;
	s29 =	sadd.s32 s8, s7;
	s7 =	sld [smem:$0x7D6]  }
0x41: {  	[smem:$0x7E8] =	sst s1  }
0x42: {  	s5 =	sshll.u32 s4, $0x7;
	s4 =	sadd.s32 s8, s31;
	[smem:$0x7D4] =	sst s29  }
0x43: {  	s20 =	sadd.s32 s8, s9;
	[smem:$0x7D5] =	sst s4  }
0x44: {  	s26 =	sadd.s32 s8, s10;
	[smem:$0x7D7] =	sst s20  }
0x45: {  	s31 =	sadd.s32 s8, s11;
	[smem:$0x7D8] =	sst s26  }
0x46: {  	s9 =	sshll.u32 s30, $0x12;
	s6 =	sadd.s32 s8, s6;
	[smem:$0x7D9] =	sst s31  }
0x47: {  	s11 =	sor.u32 s13, s9;
	s13 =	sadd.s32 s8, s12;
	[smem:$0x7E4] =	sst s6  }
0x48: {  	s20 =	sadd.s32 s8, s14;
	[smem:$0x7DB] =	sst s13  }
0x49: {  	s26 =	sadd.s32 s8, s16;
	[smem:$0x7DD] =	sst s20  }
0x4a: {  	s9 =	sadd.s32 s8, s22;
	s1 =	sshrl.u32 s11, $0x3;
	[smem:$0x7DF] =	sst s26  }
0x4b: {  	[smem:$0x7E2] =	sst s9;
	s4 =	ssub.s32 s5, s7;
	s7 =	sadd.s32 s8, s21  }
0x4c: {  	s9 =	ssub.s32 s5, s30;
	s1 =	sadd.s32 s0, s1;
	[smem:$0x7DA] =	sst s7  }
0x4d: {  	s21 =	sadd.s32 s8, s15;
	s0 =	sadd.s32 s8, s17;
	[smem:$0x7DC] =	sst s1  }
0x4e: {  	s17 =	ssub.s32 s5, s23;
	s25 =	ssub.s32 $0x1077, s4;
	[smem:$0x7DE] =	sst s21  }
0x4f: {  	s29 =	ssub.s32 $0x1067, s4;
	s10 =	ssub.s32 $0x1057, s4;
	[smem:$0x7E0] =	sst s0  }
0x50: {  	s7 =	sadd.s32 s8, s18;
	s12 =	ssub.s32 $0xFB7, s4;
	s0 =	ssub.s32 s5, s24  }
0x51: {  	s5 =	ssub.s32 $0xFA7, s4;
	s1 =	ssub.s32 $0x1077, s17;
	[smem:$0x7E5] =	sst s25  }
0x52: {  	s6 =	ssub.s32 $0x1067, s17;
	s16 =	ssub.s32 $0x1037, s17;
	[smem:$0x7E6] =	sst s29  }
0x53: {  	v2 =	vlaneseq.u32;
	s18 =	ssub.s32 $0x1027, s17;
	s14 =	ssub.s32 $0x1017, s17;
	[smem:$0x7E7] =	sst s10  }
0x54: {  	v1 =	vmul.u32 $0xFFFFFFFF, v2;
	s23 =	ssub.s32 $0x1007, s17;
	s24 =	ssub.s32 $0xFB7, s17;
	[smem:$0x7E1] =	sst s7  }
0x55: {  	s22 =	ssub.s32 $0xFF7, s17;
	s26 =	ssub.s32 $0xFD7, s17;
	[smem:$0x7E9] =	sst s24  }
0x56: {  	s30 =	ssub.s32 $0xFC7, s17;
	s10 =	sadd.s32 s8, s19;
	v12 =	vadd.s32 s12, v1;
	s12 =	sld [smem:$0x7E8]  }
0x57: {  	s7 =	ssub.s32 $0xF97, s4;
	s24 =	ssub.s32 $0xFA7, s17;
	[smem:$0x7E3] =	sst s10  }
0x58: {  	s8 =	ssub.s32 $0x1057, s17;
	v13 =	vadd.s32 s5, v1;
	s5 =	ssub.s32 $0xFE7, s9;
	[smem:$0x7EA] =	sst s24  }
0x59: {  	s19 =	ssub.s32 $0xFE7, s17;
	s10 =	ssub.s32 $0x1047, s17;
	[smem:$0x7FC] =	sst s5  }
0x5a: {  	v22 =	vadd.s32 s14, v1;
	s24 =	ssub.s32 $0xF97, s17;
	s17 =	ssub.s32 $0xF87, s17;
	s14 =	sld [smem:$0x7E9]  }
0x5b: {  	v14 =	vadd.s32 s7, v1;
	s7 =	ssub.s32 $0xFD7, s9;
	[smem:$0x7EB] =	sst s17  }
0x5c: {  	[smem:$0x7FD] =	sst s7  }
0x5d: {  	v20 =	vadd.s32 s16, v1;
	s17 =	ssub.s32 $0x1077, s0;
	s16 =	sld [smem:$0x7EA]  }
0x5e: {  	[smem:$0x7EC] =	sst s17;
	s17 =	ssub.s32 $0x1067, s0  }
0x5f: {  	[smem:$0x7ED] =	sst s17;
	s17 =	ssub.s32 $0x1057, s0  }
0x60: {  	[smem:$0x7EE] =	sst s17;
	s17 =	ssub.s32 $0x1047, s0  }
0x61: {  	[smem:$0x7EF] =	sst s17;
	s17 =	ssub.s32 $0x1037, s0  }
0x62: {  	[smem:$0x7F0] =	sst s17;
	s17 =	ssub.s32 $0x1027, s0  }
0x63: {  	[smem:$0x7F1] =	sst s17;
	s17 =	ssub.s32 $0x1017, s0  }
0x64: {  	[smem:$0x7F2] =	sst s17;
	s17 =	ssub.s32 $0x1007, s0  }
0x65: {  	[smem:$0x7F3] =	sst s17;
	s17 =	ssub.s32 $0xFF7, s0  }
0x66: {  	[smem:$0x7F4] =	sst s17;
	s17 =	ssub.s32 $0xFE7, s0  }
0x67: {  	[smem:$0x7F5] =	sst s17  }
0x68: {  	s17 =	sld [smem:$0x7E5]  }
0x69: {  	v21 =	vadd.s32 s18, v1;
	s18 =	sld [smem:$0x7EB]  }
0x6a: {  	v25 =	vadd.s32 s19, v1;
	s19 =	sld [smem:$0x7EC]  }
0x6b: {  	s28 =	ssub.s32 $0x1037, s4;
	v0 =	vadd.s32 s17, v1;
	s17 =	sld [smem:$0x7E6]  }
0x6c: {  	s31 =	ssub.s32 $0x1027, s4;
	s20 =	ssub.s32 $0x1007, s4;
	v24 =	vadd.s32 s22, v1;
	s22 =	sld [smem:$0x7ED]  }
0x6d: {  	s21 =	ssub.s32 $0xFF7, s4;
	s15 =	ssub.s32 $0xFE7, s4;
	v23 =	vadd.s32 s23, v1;
	s23 =	sld [smem:$0x7EE]  }
0x6e: {  	s11 =	ssub.s32 $0xFD7, s4;
	v30 =	vadd.s32 s24, v1;
	s24 =	sld [smem:$0x7EF];
	v3 =	vadd.s32 s17, v1;
	s17 =	ssub.s32 $0xFD7, s0  }
0x6f: {  	s13 =	ssub.s32 $0xFC7, s4;
	[smem:$0x7F6] =	sst s17;
	s17 =	ssub.s32 $0xFC7, s0  }
0x70: {  	vm0 =	vmmov $0xffff;
	s29 =	ssub.s32 $0x1047, s4;
	v16 =	vadd.s32 s1, v1;
	[smem:$0x7F7] =	sst s17;
	s17 =	ssub.s32 $0xFB7, s0  }
0x71: {  	s25 =	ssub.s32 $0x1017, s4;
	s4 =	ssub.s32 $0xF87, s4;
	v17 =	vadd.s32 s6, v1;
	v26 =	vadd.s32 s26, v1;
	v27 =	vadd.s32 s30, v1;
	[smem:$0x7F8] =	sst s17  }
0x72: {  	v15 =	vadd.s32 s4, v1;
	v18 =	vadd.s32 s8, v1;
	s8 =	ssub.s32 $0xF87, s9;
	v19 =	vadd.s32 s10, v1;
	s10 =	ssub.s32 $0xFA7, s9;
	s17 =	sld [smem:$0x7E7]  }
0x73: {  	v9 =	vand.u32 $0x7, v16;
	s7 =	ssub.s32 $0xF97, s9;
	v63 =	vadd.s32 s8, v1;
	v61 =	vadd.s32 s10, v1;
	s26 =	sld [smem:$0x7F0]  }
0x74: {  	s4 =	smax.u32 s12, $0x1;
	v62 =	vadd.s32 s7, v1;
	v28 =	vadd.s32 s14, v1;
	v29 =	vadd.s32 s16, v1;
	s12 =	sld [smem:$0x7F2]  }
0x75: {  	v31 =	vadd.s32 s18, v1;
	v32 =	vadd.s32 s19, v1;
	s14 =	sld [smem:$0x7F3];
	[tilespmem:$0x1FFF0] =	vst v3;
	v3 =	vadd.s32 s17, v1  }
0x76: {  	v33 =	vadd.s32 s22, v1;
	v5 =	vshll.u32 v32, $0x2;
	s16 =	sld [smem:$0x7F4];
	[tilespmem:$0x1FF50] =	vst v3;
	v3 =	vadd.s32 s29, v1  }
0x77: {  	v10 =	vand.u32 $0x7, v32;
	v34 =	vadd.s32 s23, v1;
	s18 =	sld [smem:$0x7F5];
	[tilespmem:$0x1FF60] =	vst v3;
	v3 =	vadd.s32 s28, v1  }
0x78: {  	v5 =	vand.u32 $0xFFFFFFE0, v5;
	v35 =	vadd.s32 s24, v1;
	s19 =	sld [smem:$0x7F6];
	[tilespmem:$0x1FF70] =	vst v3;
	v3 =	vadd.s32 s31, v1  }
0x79: {  	v36 =	vadd.s32 s26, v1;
	v38 =	vadd.s32 s12, v1;
	s22 =	sld [smem:$0x7F7];
	[tilespmem:$0x1FF80] =	vst v3;
	v3 =	vadd.s32 s25, v1  }
0x7a: {  	v39 =	vadd.s32 s14, v1;
	v40 =	vadd.s32 s16, v1;
	s23 =	sld [smem:$0x7F8];
	s29 =	ssub.s32 $0xF97, s0;
	[tilespmem:$0x1FF90] =	vst v3;
	v3 =	vadd.s32 s20, v1  }
0x7b: {  	v41 =	vadd.s32 s18, v1;
	s17 =	ssub.s32 $0xF87, s0;
	v46 =	vadd.s32 s29, v1;
	s29 =	sld [smem:$0x7FC];
	s31 =	ssub.s32 $0x1067, s9;
	[tilespmem:$0x1FFA0] =	vst v3;
	v3 =	vadd.s32 s21, v1  }
0x7c: {  	v4 =	vand.u32 $0x7, v0;
	s28 =	ssub.s32 $0xFA7, s0;
	v49 =	vadd.s32 s31, v1;
	s31 =	sld [smem:$0x7FD];
	[tilespmem:$0x1FFB0] =	vst v3;
	v3 =	vadd.s32 s15, v1;
	s15 =	ssub.s32 $0x1007, s9  }
0x7d: {  	v42 =	vadd.s32 s19, v1;
	v43 =	vadd.s32 s22, v1;
	s0 =	ssub.s32 $0xFB7, s9;
	[tilespmem:$0x1FFC0] =	vst v3;
	v3 =	vadd.s32 s11, v1;
	s11 =	ssub.s32 $0x1037, s9;
	[smem:$0x7FB] =	sst s15  }
0x7e: {  	v44 =	vadd.s32 s23, v1;
	v47 =	vadd.s32 s17, v1;
	v45 =	vadd.s32 s28, v1;
	s25 =	ssub.s32 $0x1057, s9;
	s20 =	ssub.s32 $0x1077, s9;
	[smem:$0x7F9] =	sst s11  }
0x7f: {  	v60 =	vadd.s32 s0, v1;
	v50 =	vadd.s32 s25, v1;
	s21 =	ssub.s32 $0x1047, s9;
	[tilespmem:$0x1FFD0] =	vst v3;
	v3 =	vadd.s32 s13, v1;
	s13 =	ssub.s32 $0x1017, s9;
	s26 =	sld [smem:$0x7FB]  }
0x80: {  	v57 =	vadd.s32 s29, v1;
	v48 =	vadd.s32 s20, v1;
	v51 =	vadd.s32 s21, v1;
	s15 =	ssub.s32 $0xFC7, s9;
	[smem:$0x7FA] =	sst s13  }
0x81: {  	v58 =	vadd.s32 s31, v1;
	v6 =	vshll.u32 v48, $0x2;
	v11 =	vand.u32 $0x7, v48;
	s11 =	ssub.s32 $0x1027, s9;
	s13 =	ssub.s32 $0xFF7, s9;
	s9 =	sld [smem:$0x7F1]  }
0x82: {  	v6 =	vand.u32 $0xFFFFFFE0, v6;
	v59 =	vadd.s32 s15, v1;
	[tilespmem:$0x1FFE0] =	vst v3;
	s24 =	sld [smem:$0x7F9];
	v3 =	vshll.u32 v0, $0x2  }
0x83: {  	s6 =	sadd.s32 $0x100, s2;
	s30 =	simm.s32 $0xA200;
	v53 =	vadd.s32 s11, v1;
	s25 =	sld [smem:$0x7FA];
	v56 =	vadd.s32 s13, v1;
	v3 =	vand.u32 $0xFFFFFFE0, v3  }
0x84: {  	s1 =	simm.s32 $0xB200;
	s5 =	simm.s32 $0x1;
	s12 =	simm.s32 $0xE200;
	v55 =	vadd.s32 s26, v1;
	v4 =	vor.u32 v4, v3;
	v3 =	vshrl.u32 v2, $0x3  }
0x85: {  	s14 =	simm.s32 $0xD200;
	s16 =	simm.s32 $0xF200;
	s19 =	simm.s32 $0x5200;
	v37 =	vadd.s32 s9, v1;
	v52 =	vadd.s32 s24, v1;
	v3 =	vmul.u32 $0x8, v3  }
0x86: {  	s22 =	simm.s32 $0x3;
	s17 =	simm.s32 $0x4200;
	s23 =	simm.s32 $0x7200;
	v54 =	vadd.s32 s25, v1;
	v1 =	vand.u32 $0x7, v2;
	v2 =	vor.u32 $0x8, v2  }
0x87: {  	s28 =	simm.s32 $0x9200;
	s20 =	simm.s32 $0x2;
	s21 =	simm.s32 $0x6200;
	v7 =	vperm.xlane v4, v1;
	v8 =	vperm.xlane v4, v2;
	v4 =	vshll.u32 v16, $0x2  }
0x88: {  	v5 =	vor.u32 v10, v5;
	v6 =	vor.u32 v11, v6;
	s15 =	simm.s32 $0x3200;
	s11 =	simm.s32 $0x1200;
	s13 =	simm.s32 $0x2200;
	v4 =	vand.u32 $0xFFFFFFE0, v4  }
0x89: {  	v11 =	vld [tilespmem:$0x1FFF0];
	s24 =	simm.s32 $0x4;
	s9 =	simm.s32 $0x200;
	s25 =	simm.s32 $0x8200;
	v4 =	vor.u32 v9, v4;
	v7 =	vadd.s32 v3, v7;
	v8 =	vadd.s32 v3, v8  }
.LBB2_1:
0x8a: {  	v9 =	vld [tilespmem:$0x1FF50];
	_ =	sdelay $0x4  }
0x8b: {  	[tilespmem:$0x20] =	vst v9;
	v9 =	vld [tilespmem:$0x1FF60];
	_ =	sdelay $0x4  }
0x8c: {  	[tilespmem:$0x30] =	vst v9;
	v9 =	vld [tilespmem:$0x1FF70];
	_ =	sdelay $0x4  }
0x8d: {  	[tilespmem:$0x40] =	vst v9;
	v9 =	vld [tilespmem:$0x1FF80];
	_ =	sdelay $0x4  }
0x8e: {  	[tilespmem:$0x50] =	vst v9;
	v9 =	vld [tilespmem:$0x1FF90];
	_ =	sdelay $0x4  }
0x8f: {  	[tilespmem:$0x60] =	vst v9;
	v9 =	vld [tilespmem:$0x1FFA0];
	_ =	sdelay $0x4  }
0x90: {  	[tilespmem:$0x70] =	vst v9;
	v9 =	vld [tilespmem:$0x1FFB0];
	_ =	sdelay $0x4  }
0x91: {  	[tilespmem:$0x80] =	vst v9;
	v9 =	vld [tilespmem:$0x1FFC0];
	_ =	sdelay $0x4  }
0x92: {  	[tilespmem:$0x90] =	vst v9;
	v9 =	vld [tilespmem:$0x1FFD0];
	_ =	sdelay $0x2  }
0x93: {  	[tilespmem:$0x0] =	vst v0  }
0x94: {  	[tilespmem:$0x10] =	vst v11  }
0x95: {  	[tilespmem:$0xA0] =	vst v9;
	v9 =	vld [tilespmem:$0x1FFE0]  }
0x96: {  	[tilespmem:$0xC0] =	vst v12  }
0x97: {  	[tilespmem:$0xD0] =	vst v13  }
0x98: {  	[tilespmem:$0xE0] =	vst v14  }
0x99: {  	[tilespmem:$0xF0] =	vst v15  }
0x9a: {  	[tilespmem:$0xB0] =	vst v9  }
0x9b: {  	[tilespmem:s9], [sflag:$0x1] =	stream.indirect_vreg.gather [hbm4b:s2+s3], $0x80, v7, vm0, $0xb8;
	[tilespmem:$0x1F200] =	vst v63  }
0x9c: {  	s0 =	simm.s32 $0xA00  }
0x9d: {  	[tilespmem:s0], [sflag:$0x1] =	stream.indirect_vreg.gather [hbm4b:s6+s3], $0x80, v7, vm0, $0xb8;
	[tilespmem:$0x1F200] =	vst v63  }
0x9e: {  	_ = 	snop  }
0x9f: {  	[tilespmem:s11], [sflag:$0x1] =	stream.indirect_vreg.gather [hbm4b:s2+s3], $0x80, v8, vm0, $0xb8;
	[tilespmem:$0x1F200] =	vst v63  }
0xa0: {  	s26 =	simm.s32 $0x1A00  }
0xa1: {  	[tilespmem:s26], [sflag:$0x1] =	stream.indirect_vreg.gather [hbm4b:s6+s3], $0x80, v8, vm0, $0xb8;
	[tilespmem:$0x1F200] =	vst v63  }
0xa2: {  	v9 =	vld [tilespmem:$0x10];
	_ =	sdelay $0x4  }
0xa3: {  	v10 =	vshll.u32 v9, $0x2  }
0xa4: {  	v9 =	vand.u32 $0x7, v9;
	v10 =	vand.u32 $0xFFFFFFE0, v10  }
0xa5: {  	v9 =	vor.u32 v9, v10  }
0xa6: {  	v10 =	vperm.xlane v9, v1;
	_ =	sdelay $0x1  }
0xa7: {  	v10 =	vadd.s32 v3, v10;
	_ =	sdelay $0x1  }
0xa8: {  	v9 =	vperm.xlane v9, v2;
	_ =	sdelay $0x1  }
0xa9: {  	v9 =	vadd.s32 v3, v9  }
0xaa: {  	[tilespmem:s13], [sflag:$0x1] =	stream.indirect_vreg.gather [hbm4b:s2+s3], $0x80, v10, vm0, $0xb8;
	[tilespmem:$0x1F200] =	vst v63  }
0xab: {  	s29 =	simm.s32 $0x2A00  }
0xac: {  	[tilespmem:s29], [sflag:$0x1] =	stream.indirect_vreg.gather [hbm4b:s6+s3], $0x80, v10, vm0, $0xb8;
	[tilespmem:$0x1F200] =	vst v63  }
0xad: {  	_ = 	snop  }
0xae: {  	[tilespmem:s15], [sflag:$0x1] =	stream.indirect_vreg.gather [hbm4b:s2+s3], $0x80, v9, vm0, $0xb8;
	[tilespmem:$0x1F200] =	vst v63  }
0xaf: {  	s31 =	simm.s32 $0x3A00  }
0xb0: {  	[tilespmem:s31], [sflag:$0x1] =	stream.indirect_vreg.gather [hbm4b:s6+s3], $0x80, v9, vm0, $0xb8;
	[tilespmem:$0x1F200] =	vst v63  }
0xb1: {  	v9 =	vld [tilespmem:$0x20];
	_ =	sdelay $0x4  }
0xb2: {  	v10 =	vshll.u32 v9, $0x2  }
0xb3: {  	v9 =	vand.u32 $0x7, v9;
	v10 =	vand.u32 $0xFFFFFFE0, v10  }
0xb4: {  	v9 =	vor.u32 v9, v10  }
0xb5: {  	v10 =	vperm.xlane v9, v1;
	_ =	sdelay $0x1  }
0xb6: {  	v10 =	vadd.s32 v3, v10;
	_ =	sdelay $0x1  }
0xb7: {  	v9 =	vperm.xlane v9, v2;
	_ =	sdelay $0x1  }
0xb8: {  	v9 =	vadd.s32 v3, v9  }
0xb9: {  	[tilespmem:s17], [sflag:$0x1] =	stream.indirect_vreg.gather [hbm4b:s2+s3], $0x80, v10, vm0, $0xb8;
	[tilespmem:$0x1F200] =	vst v63  }
0xba: {  	s8 =	simm.s32 $0x4A00  }
0xbb: {  	[tilespmem:s8], [sflag:$0x1] =	stream.indirect_vreg.gather [hbm4b:s6+s3], $0x80, v10, vm0, $0xb8;
	[tilespmem:$0x1F200] =	vst v63  }
0xbc: {  	_ = 	snop  }
0xbd: {  	[tilespmem:s19], [sflag:$0x1] =	stream.indirect_vreg.gather [hbm4b:s2+s3], $0x80, v9, vm0, $0xb8;
	[tilespmem:$0x1F200] =	vst v63  }
0xbe: {  	s26 =	simm.s32 $0x5A00  }
0xbf: {  	[tilespmem:s26], [sflag:$0x1] =	stream.indirect_vreg.gather [hbm4b:s6+s3], $0x80, v9, vm0, $0xb8;
	[tilespmem:$0x1F200] =	vst v63  }
0xc0: {  	v9 =	vld [tilespmem:$0x30];
	_ =	sdelay $0x4  }
0xc1: {  	v10 =	vshll.u32 v9, $0x2  }
0xc2: {  	v9 =	vand.u32 $0x7, v9;
	v10 =	vand.u32 $0xFFFFFFE0, v10  }
0xc3: {  	v9 =	vor.u32 v9, v10  }
0xc4: {  	v10 =	vperm.xlane v9, v1;
	_ =	sdelay $0x1  }
0xc5: {  	v10 =	vadd.s32 v3, v10;
	_ =	sdelay $0x1  }
0xc6: {  	v9 =	vperm.xlane v9, v2;
	_ =	sdelay $0x1  }
0xc7: {  	v9 =	vadd.s32 v3, v9  }
0xc8: {  	[tilespmem:s21], [sflag:$0x1] =	stream.indirect_vreg.gather [hbm4b:s2+s3], $0x80, v10, vm0, $0xb8;
	[tilespmem:$0x1F200] =	vst v63  }
0xc9: {  	s10 =	simm.s32 $0x6A00  }
0xca: {  	[tilespmem:s10], [sflag:$0x1] =	stream.indirect_vreg.gather [hbm4b:s6+s3], $0x80, v10, vm0, $0xb8;
	[tilespmem:$0x1F200] =	vst v63  }
0xcb: {  	_ = 	snop  }
0xcc: {  	[tilespmem:s23], [sflag:$0x1] =	stream.indirect_vreg.gather [hbm4b:s2+s3], $0x80, v9, vm0, $0xb8;
	[tilespmem:$0x1F200] =	vst v63  }
0xcd: {  	s18 =	simm.s32 $0x7A00  }
0xce: {  	[tilespmem:s18], [sflag:$0x1] =	stream.indirect_vreg.gather [hbm4b:s6+s3], $0x80, v9, vm0, $0xb8;
	[tilespmem:$0x1F200] =	vst v63  }
0xcf: {  	v9 =	vld [tilespmem:$0x40];
	_ =	sdelay $0x4  }
0xd0: {  	v10 =	vshll.u32 v9, $0x2  }
0xd1: {  	v9 =	vand.u32 $0x7, v9;
	v10 =	vand.u32 $0xFFFFFFE0, v10  }
0xd2: {  	v9 =	vor.u32 v9, v10  }
0xd3: {  	v10 =	vperm.xlane v9, v1;
	_ =	sdelay $0x1  }
0xd4: {  	v10 =	vadd.s32 v3, v10;
	_ =	sdelay $0x1  }
0xd5: {  	v9 =	vperm.xlane v9, v2;
	_ =	sdelay $0x1  }
0xd6: {  	v9 =	vadd.s32 v3, v9  }
0xd7: {  	[tilespmem:s25], [sflag:$0x1] =	stream.indirect_vreg.gather [hbm4b:s2+s3], $0x80, v10, vm0, $0xb8;
	[tilespmem:$0x1F200] =	vst v63  }
0xd8: {  	s29 =	simm.s32 $0x8A00  }
0xd9: {  	[tilespmem:s29], [sflag:$0x1] =	stream.indirect_vreg.gather [hbm4b:s6+s3], $0x80, v10, vm0, $0xb8;
	[tilespmem:$0x1F200] =	vst v63  }
0xda: {  	_ = 	snop  }
0xdb: {  	[tilespmem:s28], [sflag:$0x1] =	stream.indirect_vreg.gather [hbm4b:s2+s3], $0x80, v9, vm0, $0xb8;
	[tilespmem:$0x1F200] =	vst v63  }
0xdc: {  	s31 =	simm.s32 $0x9A00  }
0xdd: {  	[tilespmem:s31], [sflag:$0x1] =	stream.indirect_vreg.gather [hbm4b:s6+s3], $0x80, v9, vm0, $0xb8;
	[tilespmem:$0x1F200] =	vst v63  }
0xde: {  	v9 =	vld [tilespmem:$0x50];
	_ =	sdelay $0x4  }
0xdf: {  	v10 =	vshll.u32 v9, $0x2  }
0xe0: {  	v9 =	vand.u32 $0x7, v9;
	v10 =	vand.u32 $0xFFFFFFE0, v10  }
0xe1: {  	v9 =	vor.u32 v9, v10  }
0xe2: {  	v10 =	vperm.xlane v9, v1;
	_ =	sdelay $0x1  }
0xe3: {  	v10 =	vadd.s32 v3, v10;
	_ =	sdelay $0x1  }
0xe4: {  	v9 =	vperm.xlane v9, v2;
	_ =	sdelay $0x1  }
0xe5: {  	v9 =	vadd.s32 v3, v9  }
0xe6: {  	[tilespmem:s30], [sflag:$0x1] =	stream.indirect_vreg.gather [hbm4b:s2+s3], $0x80, v10, vm0, $0xb8;
	[tilespmem:$0x1F200] =	vst v63  }
0xe7: {  	s0 =	simm.s32 $0xAA00  }
0xe8: {  	[tilespmem:s0], [sflag:$0x1] =	stream.indirect_vreg.gather [hbm4b:s6+s3], $0x80, v10, vm0, $0xb8;
	[tilespmem:$0x1F200] =	vst v63  }
0xe9: {  	_ = 	snop  }
0xea: {  	[tilespmem:s1], [sflag:$0x1] =	stream.indirect_vreg.gather [hbm4b:s2+s3], $0x80, v9, vm0, $0xb8;
	[tilespmem:$0x1F200] =	vst v63  }
0xeb: {  	s8 =	simm.s32 $0xBA00  }
0xec: {  	[tilespmem:s8], [sflag:$0x1] =	stream.indirect_vreg.gather [hbm4b:s6+s3], $0x80, v9, vm0, $0xb8;
	[tilespmem:$0x1F200] =	vst v63  }
0xed: {  	v9 =	vld [tilespmem:$0x60];
	_ =	sdelay $0x4  }
0xee: {  	v10 =	vshll.u32 v9, $0x2  }
0xef: {  	v9 =	vand.u32 $0x7, v9;
	v10 =	vand.u32 $0xFFFFFFE0, v10  }
0xf0: {  	v9 =	vor.u32 v9, v10  }
0xf1: {  	v10 =	vperm.xlane v9, v1;
	_ =	sdelay $0x1  }
0xf2: {  	v10 =	vadd.s32 v3, v10;
	_ =	sdelay $0x1  }
0xf3: {  	v9 =	vperm.xlane v9, v2;
	_ =	sdelay $0x1  }
0xf4: {  	s0 =	simm.s32 $0xC200;
	v9 =	vadd.s32 v3, v9  }
0xf5: {  	[tilespmem:s0], [sflag:$0x1] =	stream.indirect_vreg.gather [hbm4b:s2+s3], $0x80, v10, vm0, $0xb8;
	[tilespmem:$0x1F200] =	vst v63  }
0xf6: {  	s10 =	simm.s32 $0xCA00  }
0xf7: {  	[tilespmem:s10], [sflag:$0x1] =	stream.indirect_vreg.gather [hbm4b:s6+s3], $0x80, v10, vm0, $0xb8;
	[tilespmem:$0x1F200] =	vst v63  }
0xf8: {  	_ = 	snop  }
0xf9: {  	[tilespmem:s14], [sflag:$0x1] =	stream.indirect_vreg.gather [hbm4b:s2+s3], $0x80, v9, vm0, $0xb8;
	[tilespmem:$0x1F200] =	vst v63  }
0xfa: {  	s29 =	simm.s32 $0xDA00  }
0xfb: {  	[tilespmem:s29], [sflag:$0x1] =	stream.indirect_vreg.gather [hbm4b:s6+s3], $0x80, v9, vm0, $0xb8;
	[tilespmem:$0x1F200] =	vst v63  }
0xfc: {  	v9 =	vld [tilespmem:$0x70];
	_ =	sdelay $0x4  }
0xfd: {  	v10 =	vshll.u32 v9, $0x2  }
0xfe: {  	v9 =	vand.u32 $0x7, v9;
	v10 =	vand.u32 $0xFFFFFFE0, v10  }
0xff: {  	v9 =	vor.u32 v9, v10  }
0x100: {  	v10 =	vperm.xlane v9, v1;
	_ =	sdelay $0x1  }
0x101: {  	v10 =	vadd.s32 v3, v10;
	_ =	sdelay $0x1  }
0x102: {  	v9 =	vperm.xlane v9, v2;
	_ =	sdelay $0x1  }
0x103: {  	v9 =	vadd.s32 v3, v9  }
0x104: {  	[tilespmem:s12], [sflag:$0x1] =	stream.indirect_vreg.gather [hbm4b:s2+s3], $0x80, v10, vm0, $0xb8;
	[tilespmem:$0x1F200] =	vst v63  }
0x105: {  	s8 =	simm.s32 $0xEA00  }
0x106: {  	[tilespmem:s8], [sflag:$0x1] =	stream.indirect_vreg.gather [hbm4b:s6+s3], $0x80, v10, vm0, $0xb8;
	[tilespmem:$0x1F200] =	vst v63  }
0x107: {  	_ = 	snop  }
0x108: {  	[tilespmem:s16], [sflag:$0x1] =	stream.indirect_vreg.gather [hbm4b:s2+s3], $0x80, v9, vm0, $0xb8;
	[tilespmem:$0x1F200] =	vst v63  }
0x109: {  	s10 =	simm.s32 $0xFA00  }
0x10a: {  	[tilespmem:s10], [sflag:$0x1] =	stream.indirect_vreg.gather [hbm4b:s6+s3], $0x80, v9, vm0, $0xb8;
	[tilespmem:$0x1F200] =	vst v63  }
0x10b: {  	v9 =	vld [tilespmem:$0x80];
	_ =	sdelay $0x4  }
0x10c: {  	v10 =	vshll.u32 v9, $0x2  }
0x10d: {  	v9 =	vand.u32 $0x7, v9;
	v10 =	vand.u32 $0xFFFFFFE0, v10  }
0x10e: {  	v9 =	vor.u32 v9, v10  }
0x10f: {  	v10 =	vperm.xlane v9, v1;
	_ =	sdelay $0x1  }
0x110: {  	v10 =	vadd.s32 v3, v10;
	_ =	sdelay $0x1  }
0x111: {  	v9 =	vperm.xlane v9, v2;
	_ =	sdelay $0x1  }
0x112: {  	s29 =	simm.s32 $0x10200;
	v9 =	vadd.s32 v3, v9  }
0x113: {  	[tilespmem:s29], [sflag:$0x2] =	stream.indirect_vreg.gather [hbm4b:s2+s3], $0x80, v10, vm0, $0xb8;
	[tilespmem:$0x1F200] =	vst v63  }
0x114: {  	s8 =	simm.s32 $0x10A00  }
0x115: {  	[tilespmem:s8], [sflag:$0x2] =	stream.indirect_vreg.gather [hbm4b:s6+s3], $0x80, v10, vm0, $0xb8;
	[tilespmem:$0x1F200] =	vst v63  }
0x116: {  	s10 =	simm.s32 $0x11200  }
0x117: {  	[tilespmem:s10], [sflag:$0x2] =	stream.indirect_vreg.gather [hbm4b:s2+s3], $0x80, v9, vm0, $0xb8;
	[tilespmem:$0x1F200] =	vst v63  }
0x118: {  	s29 =	simm.s32 $0x11A00  }
0x119: {  	[tilespmem:s29], [sflag:$0x2] =	stream.indirect_vreg.gather [hbm4b:s6+s3], $0x80, v9, vm0, $0xb8;
	[tilespmem:$0x1F200] =	vst v63  }
0x11a: {  	v9 =	vld [tilespmem:$0x90];
	_ =	sdelay $0x4  }
0x11b: {  	v10 =	vshll.u32 v9, $0x2  }
0x11c: {  	v9 =	vand.u32 $0x7, v9;
	v10 =	vand.u32 $0xFFFFFFE0, v10  }
0x11d: {  	v9 =	vor.u32 v9, v10  }
0x11e: {  	v10 =	vperm.xlane v9, v1;
	_ =	sdelay $0x1  }
0x11f: {  	v10 =	vadd.s32 v3, v10;
	_ =	sdelay $0x1  }
0x120: {  	v9 =	vperm.xlane v9, v2;
	_ =	sdelay $0x1  }
0x121: {  	s8 =	simm.s32 $0x12200;
	v9 =	vadd.s32 v3, v9  }
0x122: {  	[tilespmem:s8], [sflag:$0x2] =	stream.indirect_vreg.gather [hbm4b:s2+s3], $0x80, v10, vm0, $0xb8;
	[tilespmem:$0x1F200] =	vst v63  }
0x123: {  	s10 =	simm.s32 $0x12A00  }
0x124: {  	[tilespmem:s10], [sflag:$0x2] =	stream.indirect_vreg.gather [hbm4b:s6+s3], $0x80, v10, vm0, $0xb8;
	[tilespmem:$0x1F200] =	vst v63  }
0x125: {  	s29 =	simm.s32 $0x13200  }
0x126: {  	[tilespmem:s29], [sflag:$0x2] =	stream.indirect_vreg.gather [hbm4b:s2+s3], $0x80, v9, vm0, $0xb8;
	[tilespmem:$0x1F200] =	vst v63  }
0x127: {  	s8 =	simm.s32 $0x13A00  }
0x128: {  	[tilespmem:s8], [sflag:$0x2] =	stream.indirect_vreg.gather [hbm4b:s6+s3], $0x80, v9, vm0, $0xb8;
	[tilespmem:$0x1F200] =	vst v63  }
0x129: {  	v9 =	vld [tilespmem:$0xA0];
	_ =	sdelay $0x4  }
0x12a: {  	v10 =	vshll.u32 v9, $0x2  }
0x12b: {  	v9 =	vand.u32 $0x7, v9;
	v10 =	vand.u32 $0xFFFFFFE0, v10  }
0x12c: {  	v9 =	vor.u32 v9, v10  }
0x12d: {  	v10 =	vperm.xlane v9, v1;
	_ =	sdelay $0x1  }
0x12e: {  	v10 =	vadd.s32 v3, v10;
	_ =	sdelay $0x1  }
0x12f: {  	v9 =	vperm.xlane v9, v2;
	_ =	sdelay $0x1  }
0x130: {  	s10 =	simm.s32 $0x14200;
	v9 =	vadd.s32 v3, v9  }
0x131: {  	[tilespmem:s10], [sflag:$0x2] =	stream.indirect_vreg.gather [hbm4b:s2+s3], $0x80, v10, vm0, $0xb8;
	[tilespmem:$0x1F200] =	vst v63  }
0x132: {  	s29 =	simm.s32 $0x14A00  }
0x133: {  	[tilespmem:s29], [sflag:$0x2] =	stream.indirect_vreg.gather [hbm4b:s6+s3], $0x80, v10, vm0, $0xb8;
	[tilespmem:$0x1F200] =	vst v63  }
0x134: {  	s8 =	simm.s32 $0x15200  }
0x135: {  	[tilespmem:s8], [sflag:$0x2] =	stream.indirect_vreg.gather [hbm4b:s2+s3], $0x80, v9, vm0, $0xb8;
	[tilespmem:$0x1F200] =	vst v63  }
0x136: {  	s10 =	simm.s32 $0x15A00  }
0x137: {  	[tilespmem:s10], [sflag:$0x2] =	stream.indirect_vreg.gather [hbm4b:s6+s3], $0x80, v9, vm0, $0xb8;
	[tilespmem:$0x1F200] =	vst v63  }
0x138: {  	v9 =	vld [tilespmem:$0xB0];
	_ =	sdelay $0x4  }
0x139: {  	v10 =	vshll.u32 v9, $0x2  }
0x13a: {  	v9 =	vand.u32 $0x7, v9;
	v10 =	vand.u32 $0xFFFFFFE0, v10  }
0x13b: {  	v9 =	vor.u32 v9, v10  }
0x13c: {  	v10 =	vperm.xlane v9, v1;
	_ =	sdelay $0x1  }
0x13d: {  	v10 =	vadd.s32 v3, v10;
	_ =	sdelay $0x1  }
0x13e: {  	v9 =	vperm.xlane v9, v2;
	_ =	sdelay $0x1  }
0x13f: {  	s29 =	simm.s32 $0x16200;
	v9 =	vadd.s32 v3, v9  }
0x140: {  	[tilespmem:s29], [sflag:$0x3] =	stream.indirect_vreg.gather [hbm4b:s2+s3], $0x80, v10, vm0, $0xb8;
	[tilespmem:$0x1F200] =	vst v63  }
0x141: {  	s8 =	simm.s32 $0x16A00  }
0x142: {  	[tilespmem:s8], [sflag:$0x3] =	stream.indirect_vreg.gather [hbm4b:s6+s3], $0x80, v10, vm0, $0xb8;
	[tilespmem:$0x1F200] =	vst v63  }
0x143: {  	s10 =	simm.s32 $0x17200  }
0x144: {  	[tilespmem:s10], [sflag:$0x3] =	stream.indirect_vreg.gather [hbm4b:s2+s3], $0x80, v9, vm0, $0xb8;
	[tilespmem:$0x1F200] =	vst v63  }
0x145: {  	s29 =	simm.s32 $0x17A00  }
0x146: {  	[tilespmem:s29], [sflag:$0x3] =	stream.indirect_vreg.gather [hbm4b:s6+s3], $0x80, v9, vm0, $0xb8;
	[tilespmem:$0x1F200] =	vst v63  }
0x147: {  	v9 =	vld [tilespmem:$0xC0];
	_ =	sdelay $0x4  }
0x148: {  	v10 =	vshll.u32 v9, $0x2  }
0x149: {  	v9 =	vand.u32 $0x7, v9;
	v10 =	vand.u32 $0xFFFFFFE0, v10  }
0x14a: {  	v9 =	vor.u32 v9, v10  }
0x14b: {  	v10 =	vperm.xlane v9, v1;
	_ =	sdelay $0x1  }
0x14c: {  	v10 =	vadd.s32 v3, v10;
	_ =	sdelay $0x1  }
0x14d: {  	v9 =	vperm.xlane v9, v2;
	_ =	sdelay $0x1  }
0x14e: {  	s8 =	simm.s32 $0x18200;
	v9 =	vadd.s32 v3, v9  }
0x14f: {  	[tilespmem:s8], [sflag:$0x3] =	stream.indirect_vreg.gather [hbm4b:s2+s3], $0x80, v10, vm0, $0xb8;
	[tilespmem:$0x1F200] =	vst v63  }
0x150: {  	s10 =	simm.s32 $0x18A00  }
0x151: {  	[tilespmem:s10], [sflag:$0x3] =	stream.indirect_vreg.gather [hbm4b:s6+s3], $0x80, v10, vm0, $0xb8;
	[tilespmem:$0x1F200] =	vst v63  }
0x152: {  	s29 =	simm.s32 $0x19200  }
0x153: {  	[tilespmem:s29], [sflag:$0x3] =	stream.indirect_vreg.gather [hbm4b:s2+s3], $0x80, v9, vm0, $0xb8;
	[tilespmem:$0x1F200] =	vst v63  }
0x154: {  	s8 =	simm.s32 $0x19A00  }
0x155: {  	[tilespmem:s8], [sflag:$0x3] =	stream.indirect_vreg.gather [hbm4b:s6+s3], $0x80, v9, vm0, $0xb8;
	[tilespmem:$0x1F200] =	vst v63  }
0x156: {  	v9 =	vld [tilespmem:$0xD0];
	_ =	sdelay $0x4  }
0x157: {  	v10 =	vshll.u32 v9, $0x2  }
0x158: {  	v9 =	vand.u32 $0x7, v9;
	v10 =	vand.u32 $0xFFFFFFE0, v10  }
0x159: {  	v9 =	vor.u32 v9, v10  }
0x15a: {  	v10 =	vperm.xlane v9, v1;
	_ =	sdelay $0x1  }
0x15b: {  	v10 =	vadd.s32 v3, v10;
	_ =	sdelay $0x1  }
0x15c: {  	v9 =	vperm.xlane v9, v2;
	_ =	sdelay $0x1  }
0x15d: {  	s10 =	simm.s32 $0x1A200;
	v9 =	vadd.s32 v3, v9  }
0x15e: {  	[tilespmem:s10], [sflag:$0x3] =	stream.indirect_vreg.gather [hbm4b:s2+s3], $0x80, v10, vm0, $0xb8;
	[tilespmem:$0x1F200] =	vst v63  }
0x15f: {  	s29 =	simm.s32 $0x1AA00  }
0x160: {  	[tilespmem:s29], [sflag:$0x3] =	stream.indirect_vreg.gather [hbm4b:s6+s3], $0x80, v10, vm0, $0xb8;
	[tilespmem:$0x1F200] =	vst v63  }
0x161: {  	s8 =	simm.s32 $0x1B200  }
0x162: {  	[tilespmem:s8], [sflag:$0x3] =	stream.indirect_vreg.gather [hbm4b:s2+s3], $0x80, v9, vm0, $0xb8;
	[tilespmem:$0x1F200] =	vst v63  }
0x163: {  	s10 =	simm.s32 $0x1BA00  }
0x164: {  	[tilespmem:s10], [sflag:$0x3] =	stream.indirect_vreg.gather [hbm4b:s6+s3], $0x80, v9, vm0, $0xb8;
	[tilespmem:$0x1F200] =	vst v63  }
0x165: {  	v9 =	vld [tilespmem:$0xE0];
	_ =	sdelay $0x4  }
0x166: {  	v10 =	vshll.u32 v9, $0x2  }
0x167: {  	v9 =	vand.u32 $0x7, v9;
	v10 =	vand.u32 $0xFFFFFFE0, v10  }
0x168: {  	v9 =	vor.u32 v9, v10  }
0x169: {  	v10 =	vperm.xlane v9, v1;
	_ =	sdelay $0x1  }
0x16a: {  	v10 =	vadd.s32 v3, v10;
	_ =	sdelay $0x1  }
0x16b: {  	v9 =	vperm.xlane v9, v2;
	_ =	sdelay $0x1  }
0x16c: {  	s29 =	simm.s32 $0x1C200;
	v9 =	vadd.s32 v3, v9  }
0x16d: {  	[tilespmem:s29], [sflag:$0x3] =	stream.indirect_vreg.gather [hbm4b:s2+s3], $0x80, v10, vm0, $0xb8;
	[tilespmem:$0x1F200] =	vst v63  }
0x16e: {  	s8 =	simm.s32 $0x1CA00  }
0x16f: {  	[tilespmem:s8], [sflag:$0x3] =	stream.indirect_vreg.gather [hbm4b:s6+s3], $0x80, v10, vm0, $0xb8;
	[tilespmem:$0x1F200] =	vst v63  }
0x170: {  	s10 =	simm.s32 $0x1D200  }
0x171: {  	[tilespmem:s10], [sflag:$0x3] =	stream.indirect_vreg.gather [hbm4b:s2+s3], $0x80, v9, vm0, $0xb8;
	[tilespmem:$0x1F200] =	vst v63  }
0x172: {  	s29 =	simm.s32 $0x1DA00  }
0x173: {  	[tilespmem:s29], [sflag:$0x3] =	stream.indirect_vreg.gather [hbm4b:s6+s3], $0x80, v9, vm0, $0xb8;
	[tilespmem:$0x1F200] =	vst v63  }
0x174: {  	v9 =	vld.msk [tilespmem:$0xF0], $0xff;
	_ =	sdelay $0x4  }
0x175: {  	v10 =	vshll.u32 v9, $0x2  }
0x176: {  	v9 =	vand.u32 $0x7, v9;
	v10 =	vand.u32 $0xFFFFFFE0, v10  }
0x177: {  	v9 =	vor.u32 v9, v10  }
0x178: {  	v9 =	vperm.xlane v9, v1;
	_ =	sdelay $0x1  }
0x179: {  	v9 =	vadd.s32 v3, v9;
	_ =	sdelay $0x3  }
0x17a: {  	s8 =	simm.s32 $0x1E200  }
0x17b: {  	[tilespmem:s8], [sflag:$0x3] =	stream.indirect_vreg.gather [hbm4b:s2+s3], $0x80, v9, vm0, $0xb8;
	[tilespmem:$0x1F200] =	vst v63  }
0x17c: {  	s10 =	simm.s32 $0x1EA00  }
0x17d: {  	[tilespmem:s10], [sflag:$0x3] =	stream.indirect_vreg.gather [hbm4b:s6+s3], $0x80, v9, vm0, $0xb8;
	[tilespmem:$0x1F200] =	vst v63  }
0x17e: {  	_ =	swait.ge [sflag:s5], $0x10000  }
0x17f: {  	[sflag:s5] =	ssyncset.done $0x0  }
0x180: {  	s29 =	rddreg [dreg:$0x3];
	[sflag:s5] =	ssyncadd.s32 $0xFFFF0000  }
0x181: {  	[hbm4b:s29+s3] =	stream.linear.scatter [tilespmem:s9], [sflag:$0x4], $0x10000, $0x38;
	[tilespmem:$0x1F200] =	vst v63  }
0x182: {  	_ =	swait.ge [sflag:s20], $0x6000  }
0x183: {  	[sflag:s20] =	ssyncset.done $0x0  }
0x184: {  	s8 =	rddreg [dreg:$0x4];
	[sflag:s20] =	ssyncadd.s32 $0xFFFFA000  }
0x185: {  	[hbm4b:s8+s3] =	stream.linear.scatter [tilespmem:s21], [sflag:$0x4], $0x10000, $0x38;
	[tilespmem:$0x1F200] =	vst v63  }
0x186: {  	s29 =	rddreg [dreg:$0x5]  }
0x187: {  	[hbm4b:s29+s3] =	stream.linear.scatter [tilespmem:s19], [sflag:$0x4], $0x10000, $0x38;
	[tilespmem:$0x1F200] =	vst v63  }
0x188: {  	s10 =	rddreg [dreg:$0x6]  }
0x189: {  	[hbm4b:s10+s3] =	stream.linear.scatter [tilespmem:s17], [sflag:$0x4], $0x10000, $0x38;
	[tilespmem:$0x1F200] =	vst v63  }
0x18a: {  	s8 =	rddreg [dreg:$0x7]  }
0x18b: {  	[hbm4b:s8+s3] =	stream.linear.scatter [tilespmem:s15], [sflag:$0x4], $0x10000, $0x38;
	[tilespmem:$0x1F200] =	vst v63  }
0x18c: {  	s10 =	rddreg [dreg:$0x8]  }
0x18d: {  	[hbm4b:s10+s3] =	stream.linear.scatter [tilespmem:s13], [sflag:$0x4], $0x10000, $0x38;
	[tilespmem:$0x1F200] =	vst v63  }
0x18e: {  	s8 =	rddreg [dreg:$0x9]  }
0x18f: {  	[hbm4b:s8+s3] =	stream.linear.scatter [tilespmem:s11], [sflag:$0x4], $0x10000, $0x38;
	[tilespmem:$0x1F200] =	vst v63  }
0x190: {  	_ =	swait.ge [sflag:s22], $0x9000  }
0x191: {  	[sflag:s22] =	ssyncset.done $0x0  }
0x192: {  	s10 =	rddreg [dreg:$0xa];
	[sflag:s22] =	ssyncadd.s32 $0xFFFF7000  }
0x193: {  	[hbm4b:s10+s3] =	stream.linear.scatter [tilespmem:s16], [sflag:$0x4], $0x10000, $0x38;
	[tilespmem:$0x1F200] =	vst v63  }
0x194: {  	s8 =	rddreg [dreg:$0xb]  }
0x195: {  	[hbm4b:s8+s3] =	stream.linear.scatter [tilespmem:s12], [sflag:$0x4], $0x10000, $0x38;
	[tilespmem:$0x1F200] =	vst v63  }
0x196: {  	s10 =	rddreg [dreg:$0xc]  }
0x197: {  	[hbm4b:s10+s3] =	stream.linear.scatter [tilespmem:s14], [sflag:$0x4], $0x10000, $0x38;
	[tilespmem:$0x1F200] =	vst v63  }
0x198: {  	s8 =	rddreg [dreg:$0xd]  }
0x199: {  	[hbm4b:s8+s3] =	stream.linear.scatter [tilespmem:s0], [sflag:$0x4], $0x10000, $0x38;
	[tilespmem:$0x1F200] =	vst v63  }
0x19a: {  	s10 =	rddreg [dreg:$0xe]  }
0x19b: {  	[hbm4b:s10+s3] =	stream.linear.scatter [tilespmem:s1], [sflag:$0x4], $0x10000, $0x38;
	[tilespmem:$0x1F200] =	vst v63  }
0x19c: {  	s8 =	rddreg [dreg:$0xf]  }
0x19d: {  	[hbm4b:s8+s3] =	stream.linear.scatter [tilespmem:s30], [sflag:$0x4], $0x10000, $0x38;
	[tilespmem:$0x1F200] =	vst v63  }
0x19e: {  	s10 =	rddreg [dreg:$0x10]  }
0x19f: {  	[hbm4b:s10+s3] =	stream.linear.scatter [tilespmem:s28], [sflag:$0x4], $0x10000, $0x38;
	[tilespmem:$0x1F200] =	vst v63  }
0x1a0: {  	s8 =	rddreg [dreg:$0x11]  }
0x1a1: {  	[hbm4b:s8+s3] =	stream.linear.scatter [tilespmem:s25], [sflag:$0x4], $0x10000, $0x38;
	[tilespmem:$0x1F200] =	vst v63  }
0x1a2: {  	s10 =	rddreg [dreg:$0x12]  }
0x1a3: {  	[hbm4b:s10+s3] =	stream.linear.scatter [tilespmem:s23], [sflag:$0x4], $0x10000, $0x38;
	[tilespmem:$0x1F200] =	vst v63  }
0x1a4: {  	_ =	swait.ge [sflag:s24], $0x10000  }
0x1a5: {  	[sflag:s24] =	ssyncset.done $0x0  }
0x1a6: {  	[sflag:s24] =	ssyncadd.s32 $0xFFFF0000  }
0x1a7: {  	_ =	swait.ge [sflag:s24], $0x10000  }
0x1a8: {  	[sflag:s24] =	ssyncset.done $0x0  }
0x1a9: {  	[sflag:s24] =	ssyncadd.s32 $0xFFFF0000  }
0x1aa: {  	_ =	swait.ge [sflag:s24], $0x10000  }
0x1ab: {  	[sflag:s24] =	ssyncset.done $0x0  }
0x1ac: {  	[sflag:s24] =	ssyncadd.s32 $0xFFFF0000  }
0x1ad: {  	_ =	swait.ge [sflag:s24], $0x10000  }
0x1ae: {  	[sflag:s24] =	ssyncset.done $0x0  }
0x1af: {  	[sflag:s24] =	ssyncadd.s32 $0xFFFF0000  }
0x1b0: {  	_ =	swait.ge [sflag:s24], $0x10000  }
0x1b1: {  	[sflag:s24] =	ssyncset.done $0x0  }
0x1b2: {  	[sflag:s24] =	ssyncadd.s32 $0xFFFF0000  }
0x1b3: {  	_ =	swait.ge [sflag:s24], $0x10000  }
0x1b4: {  	[sflag:s24] =	ssyncset.done $0x0  }
0x1b5: {  	[sflag:s24] =	ssyncadd.s32 $0xFFFF0000  }
0x1b6: {  	_ =	swait.ge [sflag:s24], $0x10000  }
0x1b7: {  	[sflag:s24] =	ssyncset.done $0x0  }
0x1b8: {  	[sflag:s24] =	ssyncadd.s32 $0xFFFF0000  }
0x1b9: {  	_ =	swait.ge [sflag:s24], $0x10000  }
0x1ba: {  	[sflag:s24] =	ssyncset.done $0x0  }
0x1bb: {  	[sflag:s24] =	ssyncadd.s32 $0xFFFF0000  }
0x1bc: {  	_ =	swait.ge [sflag:s24], $0x10000  }
0x1bd: {  	[sflag:s24] =	ssyncset.done $0x0  }
0x1be: {  	[sflag:s24] =	ssyncadd.s32 $0xFFFF0000  }
0x1bf: {  	_ =	swait.ge [sflag:s24], $0x10000  }
0x1c0: {  	[sflag:s24] =	ssyncset.done $0x0  }
0x1c1: {  	[sflag:s24] =	ssyncadd.s32 $0xFFFF0000  }
0x1c2: {  	_ =	swait.ge [sflag:s24], $0x10000  }
0x1c3: {  	[sflag:s24] =	ssyncset.done $0x0  }
0x1c4: {  	[sflag:s24] =	ssyncadd.s32 $0xFFFF0000  }
0x1c5: {  	_ =	swait.ge [sflag:s24], $0x10000  }
0x1c6: {  	[sflag:s24] =	ssyncset.done $0x0  }
0x1c7: {  	[sflag:s24] =	ssyncadd.s32 $0xFFFF0000  }
0x1c8: {  	_ =	swait.ge [sflag:s24], $0x10000  }
0x1c9: {  	[sflag:s24] =	ssyncset.done $0x0  }
0x1ca: {  	[sflag:s24] =	ssyncadd.s32 $0xFFFF0000  }
0x1cb: {  	_ =	swait.ge [sflag:s24], $0x10000  }
0x1cc: {  	[sflag:s24] =	ssyncset.done $0x0  }
0x1cd: {  	[sflag:s24] =	ssyncadd.s32 $0xFFFF0000  }
0x1ce: {  	_ =	swait.ge [sflag:s24], $0x10000  }
0x1cf: {  	[sflag:s24] =	ssyncset.done $0x0  }
0x1d0: {  	[sflag:s24] =	ssyncadd.s32 $0xFFFF0000  }
0x1d1: {  	_ =	swait.ge [sflag:s24], $0x10000  }
0x1d2: {  	[sflag:s24] =	ssyncset.done $0x0  }
0x1d3: {  	[sflag:s24] =	ssyncadd.s32 $0xFFFF0000  }
0x1d4: {  	[tilespmem:$0x0] =	vst v16  }
0x1d5: {  	[tilespmem:$0x10] =	vst v17  }
0x1d6: {  	[tilespmem:$0x20] =	vst v18  }
0x1d7: {  	[tilespmem:$0x30] =	vst v19  }
0x1d8: {  	[tilespmem:$0x40] =	vst v20  }
0x1d9: {  	[tilespmem:$0x50] =	vst v21  }
0x1da: {  	[tilespmem:$0x60] =	vst v22  }
0x1db: {  	[tilespmem:$0x70] =	vst v23  }
0x1dc: {  	[tilespmem:$0x80] =	vst v24  }
0x1dd: {  	v9 =	vperm.xlane v4, v1;
	[tilespmem:$0x90] =	vst v25  }
0x1de: {  	[tilespmem:$0xA0] =	vst v26  }
0x1df: {  	v9 =	vadd.s32 v3, v9;
	[tilespmem:$0xB0] =	vst v27  }
0x1e0: {  	[tilespmem:$0xC0] =	vst v28  }
0x1e1: {  	v10 =	vperm.xlane v4, v2;
	[tilespmem:$0xD0] =	vst v29  }
0x1e2: {  	[tilespmem:$0xE0] =	vst v30  }
0x1e3: {  	v10 =	vadd.s32 v3, v10;
	[tilespmem:$0xF0] =	vst v31  }
0x1e4: {  	[tilespmem:s9], [sflag:$0x1] =	stream.indirect_vreg.gather [hbm4b:s2+s3], $0x80, v9, vm0, $0xb8;
	[tilespmem:$0x1F200] =	vst v63  }
0x1e5: {  	s7 =	simm.s32 $0xA00  }
0x1e6: {  	[tilespmem:s7], [sflag:$0x1] =	stream.indirect_vreg.gather [hbm4b:s6+s3], $0x80, v9, vm0, $0xb8;
	[tilespmem:$0x1F200] =	vst v63  }
0x1e7: {  	_ = 	snop  }
0x1e8: {  	[tilespmem:s11], [sflag:$0x1] =	stream.indirect_vreg.gather [hbm4b:s2+s3], $0x80, v10, vm0, $0xb8;
	[tilespmem:$0x1F200] =	vst v63  }
0x1e9: {  	s8 =	simm.s32 $0x1A00  }
0x1ea: {  	[tilespmem:s8], [sflag:$0x1] =	stream.indirect_vreg.gather [hbm4b:s6+s3], $0x80, v10, vm0, $0xb8;
	[tilespmem:$0x1F200] =	vst v63  }
0x1eb: {  	v9 =	vld [tilespmem:$0x10];
	_ =	sdelay $0x4  }
0x1ec: {  	v10 =	vshll.u32 v9, $0x2  }
0x1ed: {  	v9 =	vand.u32 $0x7, v9;
	v10 =	vand.u32 $0xFFFFFFE0, v10  }
0x1ee: {  	v9 =	vor.u32 v9, v10  }
0x1ef: {  	v10 =	vperm.xlane v9, v1;
	_ =	sdelay $0x1  }
0x1f0: {  	v10 =	vadd.s32 v3, v10;
	_ =	sdelay $0x1  }
0x1f1: {  	v9 =	vperm.xlane v9, v2;
	_ =	sdelay $0x1  }
0x1f2: {  	v9 =	vadd.s32 v3, v9  }
0x1f3: {  	[tilespmem:s13], [sflag:$0x1] =	stream.indirect_vreg.gather [hbm4b:s2+s3], $0x80, v10, vm0, $0xb8;
	[tilespmem:$0x1F200] =	vst v63  }
0x1f4: {  	s7 =	simm.s32 $0x2A00  }
0x1f5: {  	[tilespmem:s7], [sflag:$0x1] =	stream.indirect_vreg.gather [hbm4b:s6+s3], $0x80, v10, vm0, $0xb8;
	[tilespmem:$0x1F200] =	vst v63  }
0x1f6: {  	_ = 	snop  }
0x1f7: {  	[tilespmem:s15], [sflag:$0x1] =	stream.indirect_vreg.gather [hbm4b:s2+s3], $0x80, v9, vm0, $0xb8;
	[tilespmem:$0x1F200] =	vst v63  }
0x1f8: {  	s10 =	simm.s32 $0x3A00  }
0x1f9: {  	[tilespmem:s10], [sflag:$0x1] =	stream.indirect_vreg.gather [hbm4b:s6+s3], $0x80, v9, vm0, $0xb8;
	[tilespmem:$0x1F200] =	vst v63  }
0x1fa: {  	v9 =	vld [tilespmem:$0x20];
	_ =	sdelay $0x4  }
0x1fb: {  	v10 =	vshll.u32 v9, $0x2  }
0x1fc: {  	v9 =	vand.u32 $0x7, v9;
	v10 =	vand.u32 $0xFFFFFFE0, v10  }
0x1fd: {  	v9 =	vor.u32 v9, v10  }
0x1fe: {  	v10 =	vperm.xlane v9, v1;
	_ =	sdelay $0x1  }
0x1ff: {  	v10 =	vadd.s32 v3, v10;
	_ =	sdelay $0x1  }
0x200: {  	v9 =	vperm.xlane v9, v2;
	_ =	sdelay $0x1  }
0x201: {  	v9 =	vadd.s32 v3, v9  }
0x202: {  	[tilespmem:s17], [sflag:$0x1] =	stream.indirect_vreg.gather [hbm4b:s2+s3], $0x80, v10, vm0, $0xb8;
	[tilespmem:$0x1F200] =	vst v63  }
0x203: {  	s29 =	simm.s32 $0x4A00  }
0x204: {  	[tilespmem:s29], [sflag:$0x1] =	stream.indirect_vreg.gather [hbm4b:s6+s3], $0x80, v10, vm0, $0xb8;
	[tilespmem:$0x1F200] =	vst v63  }
0x205: {  	_ = 	snop  }
0x206: {  	[tilespmem:s19], [sflag:$0x1] =	stream.indirect_vreg.gather [hbm4b:s2+s3], $0x80, v9, vm0, $0xb8;
	[tilespmem:$0x1F200] =	vst v63  }
0x207: {  	s29 =	simm.s32 $0x5A00  }
0x208: {  	[tilespmem:s29], [sflag:$0x1] =	stream.indirect_vreg.gather [hbm4b:s6+s3], $0x80, v9, vm0, $0xb8;
	[tilespmem:$0x1F200] =	vst v63  }
0x209: {  	v9 =	vld [tilespmem:$0x30];
	_ =	sdelay $0x4  }
0x20a: {  	v10 =	vshll.u32 v9, $0x2  }
0x20b: {  	v9 =	vand.u32 $0x7, v9;
	v10 =	vand.u32 $0xFFFFFFE0, v10  }
0x20c: {  	v9 =	vor.u32 v9, v10  }
0x20d: {  	v10 =	vperm.xlane v9, v1;
	_ =	sdelay $0x1  }
0x20e: {  	v10 =	vadd.s32 v3, v10;
	_ =	sdelay $0x1  }
0x20f: {  	v9 =	vperm.xlane v9, v2;
	_ =	sdelay $0x1  }
0x210: {  	v9 =	vadd.s32 v3, v9  }
0x211: {  	[tilespmem:s21], [sflag:$0x1] =	stream.indirect_vreg.gather [hbm4b:s2+s3], $0x80, v10, vm0, $0xb8;
	[tilespmem:$0x1F200] =	vst v63  }
0x212: {  	s29 =	simm.s32 $0x6A00  }
0x213: {  	[tilespmem:s29], [sflag:$0x1] =	stream.indirect_vreg.gather [hbm4b:s6+s3], $0x80, v10, vm0, $0xb8;
	[tilespmem:$0x1F200] =	vst v63  }
0x214: {  	_ = 	snop  }
0x215: {  	[tilespmem:s23], [sflag:$0x1] =	stream.indirect_vreg.gather [hbm4b:s2+s3], $0x80, v9, vm0, $0xb8;
	[tilespmem:$0x1F200] =	vst v63  }
0x216: {  	s29 =	simm.s32 $0x7A00  }
0x217: {  	[tilespmem:s29], [sflag:$0x1] =	stream.indirect_vreg.gather [hbm4b:s6+s3], $0x80, v9, vm0, $0xb8;
	[tilespmem:$0x1F200] =	vst v63  }
0x218: {  	v9 =	vld [tilespmem:$0x40];
	_ =	sdelay $0x4  }
0x219: {  	v10 =	vshll.u32 v9, $0x2  }
0x21a: {  	v9 =	vand.u32 $0x7, v9;
	v10 =	vand.u32 $0xFFFFFFE0, v10  }
0x21b: {  	v9 =	vor.u32 v9, v10  }
0x21c: {  	v10 =	vperm.xlane v9, v1;
	_ =	sdelay $0x1  }
0x21d: {  	v10 =	vadd.s32 v3, v10;
	_ =	sdelay $0x1  }
0x21e: {  	v9 =	vperm.xlane v9, v2;
	_ =	sdelay $0x1  }
0x21f: {  	v9 =	vadd.s32 v3, v9  }
0x220: {  	[tilespmem:s25], [sflag:$0x1] =	stream.indirect_vreg.gather [hbm4b:s2+s3], $0x80, v10, vm0, $0xb8;
	[tilespmem:$0x1F200] =	vst v63  }
0x221: {  	s18 =	simm.s32 $0x8A00  }
0x222: {  	[tilespmem:s18], [sflag:$0x1] =	stream.indirect_vreg.gather [hbm4b:s6+s3], $0x80, v10, vm0, $0xb8;
	[tilespmem:$0x1F200] =	vst v63  }
0x223: {  	_ = 	snop  }
0x224: {  	[tilespmem:s28], [sflag:$0x1] =	stream.indirect_vreg.gather [hbm4b:s2+s3], $0x80, v9, vm0, $0xb8;
	[tilespmem:$0x1F200] =	vst v63  }
0x225: {  	s31 =	simm.s32 $0x9A00  }
0x226: {  	[tilespmem:s31], [sflag:$0x1] =	stream.indirect_vreg.gather [hbm4b:s6+s3], $0x80, v9, vm0, $0xb8;
	[tilespmem:$0x1F200] =	vst v63  }
0x227: {  	v9 =	vld [tilespmem:$0x50];
	_ =	sdelay $0x4  }
0x228: {  	v10 =	vshll.u32 v9, $0x2  }
0x229: {  	v9 =	vand.u32 $0x7, v9;
	v10 =	vand.u32 $0xFFFFFFE0, v10  }
0x22a: {  	v9 =	vor.u32 v9, v10  }
0x22b: {  	v10 =	vperm.xlane v9, v1;
	_ =	sdelay $0x1  }
0x22c: {  	v10 =	vadd.s32 v3, v10;
	_ =	sdelay $0x1  }
0x22d: {  	v9 =	vperm.xlane v9, v2;
	_ =	sdelay $0x1  }
0x22e: {  	v9 =	vadd.s32 v3, v9  }
0x22f: {  	[tilespmem:s30], [sflag:$0x1] =	stream.indirect_vreg.gather [hbm4b:s2+s3], $0x80, v10, vm0, $0xb8;
	[tilespmem:$0x1F200] =	vst v63  }
0x230: {  	s29 =	simm.s32 $0xAA00  }
0x231: {  	[tilespmem:s29], [sflag:$0x1] =	stream.indirect_vreg.gather [hbm4b:s6+s3], $0x80, v10, vm0, $0xb8;
	[tilespmem:$0x1F200] =	vst v63  }
0x232: {  	_ = 	snop  }
0x233: {  	[tilespmem:s1], [sflag:$0x1] =	stream.indirect_vreg.gather [hbm4b:s2+s3], $0x80, v9, vm0, $0xb8;
	[tilespmem:$0x1F200] =	vst v63  }
0x234: {  	s31 =	simm.s32 $0xBA00  }
0x235: {  	[tilespmem:s31], [sflag:$0x1] =	stream.indirect_vreg.gather [hbm4b:s6+s3], $0x80, v9, vm0, $0xb8;
	[tilespmem:$0x1F200] =	vst v63  }
0x236: {  	v9 =	vld [tilespmem:$0x60];
	_ =	sdelay $0x4  }
0x237: {  	v10 =	vshll.u32 v9, $0x2  }
0x238: {  	v9 =	vand.u32 $0x7, v9;
	v10 =	vand.u32 $0xFFFFFFE0, v10  }
0x239: {  	v9 =	vor.u32 v9, v10  }
0x23a: {  	v10 =	vperm.xlane v9, v1;
	_ =	sdelay $0x1  }
0x23b: {  	v10 =	vadd.s32 v3, v10;
	_ =	sdelay $0x1  }
0x23c: {  	v9 =	vperm.xlane v9, v2;
	_ =	sdelay $0x1  }
0x23d: {  	v9 =	vadd.s32 v3, v9  }
0x23e: {  	[tilespmem:s0], [sflag:$0x1] =	stream.indirect_vreg.gather [hbm4b:s2+s3], $0x80, v10, vm0, $0xb8;
	[tilespmem:$0x1F200] =	vst v63  }
0x23f: {  	s26 =	simm.s32 $0xCA00  }
0x240: {  	[tilespmem:s26], [sflag:$0x1] =	stream.indirect_vreg.gather [hbm4b:s6+s3], $0x80, v10, vm0, $0xb8;
	[tilespmem:$0x1F200] =	vst v63  }
0x241: {  	_ = 	snop  }
0x242: {  	[tilespmem:s14], [sflag:$0x1] =	stream.indirect_vreg.gather [hbm4b:s2+s3], $0x80, v9, vm0, $0xb8;
	[tilespmem:$0x1F200] =	vst v63  }
0x243: {  	s29 =	simm.s32 $0xDA00  }
0x244: {  	[tilespmem:s29], [sflag:$0x1] =	stream.indirect_vreg.gather [hbm4b:s6+s3], $0x80, v9, vm0, $0xb8;
	[tilespmem:$0x1F200] =	vst v63  }
0x245: {  	v9 =	vld [tilespmem:$0x70];
	_ =	sdelay $0x4  }
0x246: {  	v10 =	vshll.u32 v9, $0x2  }
0x247: {  	v9 =	vand.u32 $0x7, v9;
	v10 =	vand.u32 $0xFFFFFFE0, v10  }
0x248: {  	v9 =	vor.u32 v9, v10  }
0x249: {  	v10 =	vperm.xlane v9, v1;
	_ =	sdelay $0x1  }
0x24a: {  	v10 =	vadd.s32 v3, v10;
	_ =	sdelay $0x1  }
0x24b: {  	v9 =	vperm.xlane v9, v2;
	_ =	sdelay $0x1  }
0x24c: {  	v9 =	vadd.s32 v3, v9  }
0x24d: {  	[tilespmem:s12], [sflag:$0x1] =	stream.indirect_vreg.gather [hbm4b:s2+s3], $0x80, v10, vm0, $0xb8;
	[tilespmem:$0x1F200] =	vst v63  }
0x24e: {  	s31 =	simm.s32 $0xEA00  }
0x24f: {  	[tilespmem:s31], [sflag:$0x1] =	stream.indirect_vreg.gather [hbm4b:s6+s3], $0x80, v10, vm0, $0xb8;
	[tilespmem:$0x1F200] =	vst v63  }
0x250: {  	_ = 	snop  }
0x251: {  	[tilespmem:s16], [sflag:$0x1] =	stream.indirect_vreg.gather [hbm4b:s2+s3], $0x80, v9, vm0, $0xb8;
	[tilespmem:$0x1F200] =	vst v63  }
0x252: {  	s26 =	simm.s32 $0xFA00  }
0x253: {  	[tilespmem:s26], [sflag:$0x1] =	stream.indirect_vreg.gather [hbm4b:s6+s3], $0x80, v9, vm0, $0xb8;
	[tilespmem:$0x1F200] =	vst v63  }
0x254: {  	v9 =	vld [tilespmem:$0x80];
	_ =	sdelay $0x4  }
0x255: {  	v10 =	vshll.u32 v9, $0x2  }
0x256: {  	v9 =	vand.u32 $0x7, v9;
	v10 =	vand.u32 $0xFFFFFFE0, v10  }
0x257: {  	v9 =	vor.u32 v9, v10  }
0x258: {  	v10 =	vperm.xlane v9, v1;
	_ =	sdelay $0x1  }
0x259: {  	v10 =	vadd.s32 v3, v10;
	_ =	sdelay $0x1  }
0x25a: {  	v9 =	vperm.xlane v9, v2;
	_ =	sdelay $0x1  }
0x25b: {  	s29 =	simm.s32 $0x10200;
	v9 =	vadd.s32 v3, v9  }
0x25c: {  	[tilespmem:s29], [sflag:$0x2] =	stream.indirect_vreg.gather [hbm4b:s2+s3], $0x80, v10, vm0, $0xb8;
	[tilespmem:$0x1F200] =	vst v63  }
0x25d: {  	s31 =	simm.s32 $0x10A00  }
0x25e: {  	[tilespmem:s31], [sflag:$0x2] =	stream.indirect_vreg.gather [hbm4b:s6+s3], $0x80, v10, vm0, $0xb8;
	[tilespmem:$0x1F200] =	vst v63  }
0x25f: {  	s29 =	simm.s32 $0x11200  }
0x260: {  	[tilespmem:s29], [sflag:$0x2] =	stream.indirect_vreg.gather [hbm4b:s2+s3], $0x80, v9, vm0, $0xb8;
	[tilespmem:$0x1F200] =	vst v63  }
0x261: {  	s29 =	simm.s32 $0x11A00  }
0x262: {  	[tilespmem:s29], [sflag:$0x2] =	stream.indirect_vreg.gather [hbm4b:s6+s3], $0x80, v9, vm0, $0xb8;
	[tilespmem:$0x1F200] =	vst v63  }
0x263: {  	v9 =	vld [tilespmem:$0x90];
	_ =	sdelay $0x4  }
0x264: {  	v10 =	vshll.u32 v9, $0x2  }
0x265: {  	v9 =	vand.u32 $0x7, v9;
	v10 =	vand.u32 $0xFFFFFFE0, v10  }
0x266: {  	v9 =	vor.u32 v9, v10  }
0x267: {  	v10 =	vperm.xlane v9, v1;
	_ =	sdelay $0x1  }
0x268: {  	v10 =	vadd.s32 v3, v10;
	_ =	sdelay $0x1  }
0x269: {  	v9 =	vperm.xlane v9, v2;
	_ =	sdelay $0x1  }
0x26a: {  	s29 =	simm.s32 $0x12200;
	v9 =	vadd.s32 v3, v9  }
0x26b: {  	[tilespmem:s29], [sflag:$0x2] =	stream.indirect_vreg.gather [hbm4b:s2+s3], $0x80, v10, vm0, $0xb8;
	[tilespmem:$0x1F200] =	vst v63  }
0x26c: {  	s29 =	simm.s32 $0x12A00  }
0x26d: {  	[tilespmem:s29], [sflag:$0x2] =	stream.indirect_vreg.gather [hbm4b:s6+s3], $0x80, v10, vm0, $0xb8;
	[tilespmem:$0x1F200] =	vst v63  }
0x26e: {  	s29 =	simm.s32 $0x13200  }
0x26f: {  	[tilespmem:s29], [sflag:$0x2] =	stream.indirect_vreg.gather [hbm4b:s2+s3], $0x80, v9, vm0, $0xb8;
	[tilespmem:$0x1F200] =	vst v63  }
0x270: {  	s29 =	simm.s32 $0x13A00  }
0x271: {  	[tilespmem:s29], [sflag:$0x2] =	stream.indirect_vreg.gather [hbm4b:s6+s3], $0x80, v9, vm0, $0xb8;
	[tilespmem:$0x1F200] =	vst v63  }
0x272: {  	v9 =	vld [tilespmem:$0xA0];
	_ =	sdelay $0x4  }
0x273: {  	v10 =	vshll.u32 v9, $0x2  }
0x274: {  	v9 =	vand.u32 $0x7, v9;
	v10 =	vand.u32 $0xFFFFFFE0, v10  }
0x275: {  	v9 =	vor.u32 v9, v10  }
0x276: {  	v10 =	vperm.xlane v9, v1;
	_ =	sdelay $0x1  }
0x277: {  	v10 =	vadd.s32 v3, v10;
	_ =	sdelay $0x1  }
0x278: {  	v9 =	vperm.xlane v9, v2;
	_ =	sdelay $0x1  }
0x279: {  	s29 =	simm.s32 $0x14200;
	v9 =	vadd.s32 v3, v9  }
0x27a: {  	[tilespmem:s29], [sflag:$0x2] =	stream.indirect_vreg.gather [hbm4b:s2+s3], $0x80, v10, vm0, $0xb8;
	[tilespmem:$0x1F200] =	vst v63  }
0x27b: {  	s29 =	simm.s32 $0x14A00  }
0x27c: {  	[tilespmem:s29], [sflag:$0x2] =	stream.indirect_vreg.gather [hbm4b:s6+s3], $0x80, v10, vm0, $0xb8;
	[tilespmem:$0x1F200] =	vst v63  }
0x27d: {  	s29 =	simm.s32 $0x15200  }
0x27e: {  	[tilespmem:s29], [sflag:$0x2] =	stream.indirect_vreg.gather [hbm4b:s2+s3], $0x80, v9, vm0, $0xb8;
	[tilespmem:$0x1F200] =	vst v63  }
0x27f: {  	s29 =	simm.s32 $0x15A00  }
0x280: {  	[tilespmem:s29], [sflag:$0x2] =	stream.indirect_vreg.gather [hbm4b:s6+s3], $0x80, v9, vm0, $0xb8;
	[tilespmem:$0x1F200] =	vst v63  }
0x281: {  	v9 =	vld [tilespmem:$0xB0];
	_ =	sdelay $0x4  }
0x282: {  	v10 =	vshll.u32 v9, $0x2  }
0x283: {  	v9 =	vand.u32 $0x7, v9;
	v10 =	vand.u32 $0xFFFFFFE0, v10  }
0x284: {  	v9 =	vor.u32 v9, v10  }
0x285: {  	v10 =	vperm.xlane v9, v1;
	_ =	sdelay $0x1  }
0x286: {  	v10 =	vadd.s32 v3, v10;
	_ =	sdelay $0x1  }
0x287: {  	v9 =	vperm.xlane v9, v2;
	_ =	sdelay $0x1  }
0x288: {  	s29 =	simm.s32 $0x16200;
	v9 =	vadd.s32 v3, v9  }
0x289: {  	[tilespmem:s29], [sflag:$0x3] =	stream.indirect_vreg.gather [hbm4b:s2+s3], $0x80, v10, vm0, $0xb8;
	[tilespmem:$0x1F200] =	vst v63  }
0x28a: {  	s29 =	simm.s32 $0x16A00  }
0x28b: {  	[tilespmem:s29], [sflag:$0x3] =	stream.indirect_vreg.gather [hbm4b:s6+s3], $0x80, v10, vm0, $0xb8;
	[tilespmem:$0x1F200] =	vst v63  }
0x28c: {  	s29 =	simm.s32 $0x17200  }
0x28d: {  	[tilespmem:s29], [sflag:$0x3] =	stream.indirect_vreg.gather [hbm4b:s2+s3], $0x80, v9, vm0, $0xb8;
	[tilespmem:$0x1F200] =	vst v63  }
0x28e: {  	s29 =	simm.s32 $0x17A00  }
0x28f: {  	[tilespmem:s29], [sflag:$0x3] =	stream.indirect_vreg.gather [hbm4b:s6+s3], $0x80, v9, vm0, $0xb8;
	[tilespmem:$0x1F200] =	vst v63  }
0x290: {  	v9 =	vld [tilespmem:$0xC0];
	_ =	sdelay $0x4  }
0x291: {  	v10 =	vshll.u32 v9, $0x2  }
0x292: {  	v9 =	vand.u32 $0x7, v9;
	v10 =	vand.u32 $0xFFFFFFE0, v10  }
0x293: {  	v9 =	vor.u32 v9, v10  }
0x294: {  	v10 =	vperm.xlane v9, v1;
	_ =	sdelay $0x1  }
0x295: {  	v10 =	vadd.s32 v3, v10;
	_ =	sdelay $0x1  }
0x296: {  	v9 =	vperm.xlane v9, v2;
	_ =	sdelay $0x1  }
0x297: {  	s29 =	simm.s32 $0x18200;
	v9 =	vadd.s32 v3, v9  }
0x298: {  	[tilespmem:s29], [sflag:$0x3] =	stream.indirect_vreg.gather [hbm4b:s2+s3], $0x80, v10, vm0, $0xb8;
	[tilespmem:$0x1F200] =	vst v63  }
0x299: {  	s29 =	simm.s32 $0x18A00  }
0x29a: {  	[tilespmem:s29], [sflag:$0x3] =	stream.indirect_vreg.gather [hbm4b:s6+s3], $0x80, v10, vm0, $0xb8;
	[tilespmem:$0x1F200] =	vst v63  }
0x29b: {  	s29 =	simm.s32 $0x19200  }
0x29c: {  	[tilespmem:s29], [sflag:$0x3] =	stream.indirect_vreg.gather [hbm4b:s2+s3], $0x80, v9, vm0, $0xb8;
	[tilespmem:$0x1F200] =	vst v63  }
0x29d: {  	s29 =	simm.s32 $0x19A00  }
0x29e: {  	[tilespmem:s29], [sflag:$0x3] =	stream.indirect_vreg.gather [hbm4b:s6+s3], $0x80, v9, vm0, $0xb8;
	[tilespmem:$0x1F200] =	vst v63  }
0x29f: {  	v9 =	vld [tilespmem:$0xD0];
	_ =	sdelay $0x4  }
0x2a0: {  	v10 =	vshll.u32 v9, $0x2  }
0x2a1: {  	v9 =	vand.u32 $0x7, v9;
	v10 =	vand.u32 $0xFFFFFFE0, v10  }
0x2a2: {  	v9 =	vor.u32 v9, v10  }
0x2a3: {  	v10 =	vperm.xlane v9, v1;
	_ =	sdelay $0x1  }
0x2a4: {  	v10 =	vadd.s32 v3, v10;
	_ =	sdelay $0x1  }
0x2a5: {  	v9 =	vperm.xlane v9, v2;
	_ =	sdelay $0x1  }
0x2a6: {  	s29 =	simm.s32 $0x1A200;
	v9 =	vadd.s32 v3, v9  }
0x2a7: {  	[tilespmem:s29], [sflag:$0x3] =	stream.indirect_vreg.gather [hbm4b:s2+s3], $0x80, v10, vm0, $0xb8;
	[tilespmem:$0x1F200] =	vst v63  }
0x2a8: {  	s29 =	simm.s32 $0x1AA00  }
0x2a9: {  	[tilespmem:s29], [sflag:$0x3] =	stream.indirect_vreg.gather [hbm4b:s6+s3], $0x80, v10, vm0, $0xb8;
	[tilespmem:$0x1F200] =	vst v63  }
0x2aa: {  	s29 =	simm.s32 $0x1B200  }
0x2ab: {  	[tilespmem:s29], [sflag:$0x3] =	stream.indirect_vreg.gather [hbm4b:s2+s3], $0x80, v9, vm0, $0xb8;
	[tilespmem:$0x1F200] =	vst v63  }
0x2ac: {  	s29 =	simm.s32 $0x1BA00  }
0x2ad: {  	[tilespmem:s29], [sflag:$0x3] =	stream.indirect_vreg.gather [hbm4b:s6+s3], $0x80, v9, vm0, $0xb8;
	[tilespmem:$0x1F200] =	vst v63  }
0x2ae: {  	v9 =	vld [tilespmem:$0xE0];
	_ =	sdelay $0x4  }
0x2af: {  	v10 =	vshll.u32 v9, $0x2  }
0x2b0: {  	v9 =	vand.u32 $0x7, v9;
	v10 =	vand.u32 $0xFFFFFFE0, v10  }
0x2b1: {  	v9 =	vor.u32 v9, v10  }
0x2b2: {  	v10 =	vperm.xlane v9, v1;
	_ =	sdelay $0x1  }
0x2b3: {  	v10 =	vadd.s32 v3, v10;
	_ =	sdelay $0x1  }
0x2b4: {  	v9 =	vperm.xlane v9, v2;
	_ =	sdelay $0x1  }
0x2b5: {  	s29 =	simm.s32 $0x1C200;
	v9 =	vadd.s32 v3, v9  }
0x2b6: {  	[tilespmem:s29], [sflag:$0x3] =	stream.indirect_vreg.gather [hbm4b:s2+s3], $0x80, v10, vm0, $0xb8;
	[tilespmem:$0x1F200] =	vst v63  }
0x2b7: {  	s29 =	simm.s32 $0x1CA00  }
0x2b8: {  	[tilespmem:s29], [sflag:$0x3] =	stream.indirect_vreg.gather [hbm4b:s6+s3], $0x80, v10, vm0, $0xb8;
	[tilespmem:$0x1F200] =	vst v63  }
0x2b9: {  	s29 =	simm.s32 $0x1D200  }
0x2ba: {  	[tilespmem:s29], [sflag:$0x3] =	stream.indirect_vreg.gather [hbm4b:s2+s3], $0x80, v9, vm0, $0xb8;
	[tilespmem:$0x1F200] =	vst v63  }
0x2bb: {  	s29 =	simm.s32 $0x1DA00  }
0x2bc: {  	[tilespmem:s29], [sflag:$0x3] =	stream.indirect_vreg.gather [hbm4b:s6+s3], $0x80, v9, vm0, $0xb8;
	[tilespmem:$0x1F200] =	vst v63  }
0x2bd: {  	v9 =	vld.msk [tilespmem:$0xF0], $0xff;
	_ =	sdelay $0x4  }
0x2be: {  	v10 =	vshll.u32 v9, $0x2  }
0x2bf: {  	v9 =	vand.u32 $0x7, v9;
	v10 =	vand.u32 $0xFFFFFFE0, v10  }
0x2c0: {  	v9 =	vor.u32 v9, v10  }
0x2c1: {  	v9 =	vperm.xlane v9, v1;
	_ =	sdelay $0x1  }
0x2c2: {  	v9 =	vadd.s32 v3, v9;
	_ =	sdelay $0x3  }
0x2c3: {  	s29 =	simm.s32 $0x1E200  }
0x2c4: {  	[tilespmem:s29], [sflag:$0x3] =	stream.indirect_vreg.gather [hbm4b:s2+s3], $0x80, v9, vm0, $0xb8;
	[tilespmem:$0x1F200] =	vst v63  }
0x2c5: {  	s29 =	simm.s32 $0x1EA00  }
0x2c6: {  	[tilespmem:s29], [sflag:$0x3] =	stream.indirect_vreg.gather [hbm4b:s6+s3], $0x80, v9, vm0, $0xb8;
	[tilespmem:$0x1F200] =	vst v63  }
0x2c7: {  	_ =	swait.ge [sflag:s5], $0x10000  }
0x2c8: {  	[sflag:s5] =	ssyncset.done $0x0  }
0x2c9: {  	s29 =	rddreg [dreg:$0x13];
	[sflag:s5] =	ssyncadd.s32 $0xFFFF0000  }
0x2ca: {  	[hbm4b:s29+s3] =	stream.linear.scatter [tilespmem:s9], [sflag:$0x4], $0x10000, $0x38;
	[tilespmem:$0x1F200] =	vst v63  }
0x2cb: {  	_ =	swait.ge [sflag:s20], $0x6000  }
0x2cc: {  	[sflag:s20] =	ssyncset.done $0x0  }
0x2cd: {  	s26 =	rddreg [dreg:$0x14];
	[sflag:s20] =	ssyncadd.s32 $0xFFFFA000  }
0x2ce: {  	[hbm4b:s26+s3] =	stream.linear.scatter [tilespmem:s21], [sflag:$0x4], $0x10000, $0x38;
	[tilespmem:$0x1F200] =	vst v63  }
0x2cf: {  	s29 =	rddreg [dreg:$0x15]  }
0x2d0: {  	[hbm4b:s29+s3] =	stream.linear.scatter [tilespmem:s19], [sflag:$0x4], $0x10000, $0x38;
	[tilespmem:$0x1F200] =	vst v63  }
0x2d1: {  	s26 =	rddreg [dreg:$0x16]  }
0x2d2: {  	[hbm4b:s26+s3] =	stream.linear.scatter [tilespmem:s17], [sflag:$0x4], $0x10000, $0x38;
	[tilespmem:$0x1F200] =	vst v63  }
0x2d3: {  	s29 =	rddreg [dreg:$0x17]  }
0x2d4: {  	[hbm4b:s29+s3] =	stream.linear.scatter [tilespmem:s15], [sflag:$0x4], $0x10000, $0x38;
	[tilespmem:$0x1F200] =	vst v63  }
0x2d5: {  	s26 =	rddreg [dreg:$0x18]  }
0x2d6: {  	[hbm4b:s26+s3] =	stream.linear.scatter [tilespmem:s13], [sflag:$0x4], $0x10000, $0x38;
	[tilespmem:$0x1F200] =	vst v63  }
0x2d7: {  	s29 =	rddreg [dreg:$0x19]  }
0x2d8: {  	[hbm4b:s29+s3] =	stream.linear.scatter [tilespmem:s11], [sflag:$0x4], $0x10000, $0x38;
	[tilespmem:$0x1F200] =	vst v63  }
0x2d9: {  	_ =	swait.ge [sflag:s22], $0x9000  }
0x2da: {  	s26 =	rddreg [dreg:$0x1a];
	[sflag:s22] =	ssyncset.done $0x0  }
0x2db: {  	s29 =	rddreg [dreg:$0x1b];
	[sflag:s22] =	ssyncadd.s32 $0xFFFF7000  }
0x2dc: {  	[hbm4b:s26+s3] =	stream.linear.scatter [tilespmem:s16], [sflag:$0x4], $0x10000, $0x38;
	[tilespmem:$0x1F200] =	vst v63  }
0x2dd: {  	s26 =	rddreg [dreg:$0x1c]  }
0x2de: {  	[hbm4b:s29+s3] =	stream.linear.scatter [tilespmem:s12], [sflag:$0x4], $0x10000, $0x38;
	[tilespmem:$0x1F200] =	vst v63  }
0x2df: {  	s29 =	rddreg [dreg:$0x1d]  }
0x2e0: {  	[hbm4b:s26+s3] =	stream.linear.scatter [tilespmem:s14], [sflag:$0x4], $0x10000, $0x38;
	[tilespmem:$0x1F200] =	vst v63  }
0x2e1: {  	s26 =	rddreg [dreg:$0x1e]  }
0x2e2: {  	[hbm4b:s29+s3] =	stream.linear.scatter [tilespmem:s0], [sflag:$0x4], $0x10000, $0x38;
	[tilespmem:$0x1F200] =	vst v63  }
0x2e3: {  	s29 =	rddreg [dreg:$0x1f]  }
0x2e4: {  	[hbm4b:s26+s3] =	stream.linear.scatter [tilespmem:s1], [sflag:$0x4], $0x10000, $0x38;
	[tilespmem:$0x1F200] =	vst v63  }
0x2e5: {  	s26 =	sld [smem:$0x7C1]  }
0x2e6: {  	[hbm4b:s29+s3] =	stream.linear.scatter [tilespmem:s30], [sflag:$0x4], $0x10000, $0x38;
	[tilespmem:$0x1F200] =	vst v63  }
0x2e7: {  	s29 =	sld [smem:$0x7C2]  }
0x2e8: {  	[hbm4b:s26+s3] =	stream.linear.scatter [tilespmem:s28], [sflag:$0x4], $0x10000, $0x38;
	[tilespmem:$0x1F200] =	vst v63  }
0x2e9: {  	s26 =	sld [smem:$0x7C3]  }
0x2ea: {  	[hbm4b:s29+s3] =	stream.linear.scatter [tilespmem:s25], [sflag:$0x4], $0x10000, $0x38;
	[tilespmem:$0x1F200] =	vst v63  }
0x2eb: {  	_ = 	snop  }
0x2ec: {  	[hbm4b:s26+s3] =	stream.linear.scatter [tilespmem:s23], [sflag:$0x4], $0x10000, $0x38;
	[tilespmem:$0x1F200] =	vst v63  }
0x2ed: {  	_ =	swait.ge [sflag:s24], $0x10000  }
0x2ee: {  	[sflag:s24] =	ssyncset.done $0x0  }
0x2ef: {  	[sflag:s24] =	ssyncadd.s32 $0xFFFF0000  }
0x2f0: {  	_ =	swait.ge [sflag:s24], $0x10000  }
0x2f1: {  	[sflag:s24] =	ssyncset.done $0x0  }
0x2f2: {  	[sflag:s24] =	ssyncadd.s32 $0xFFFF0000  }
0x2f3: {  	_ =	swait.ge [sflag:s24], $0x10000  }
0x2f4: {  	[sflag:s24] =	ssyncset.done $0x0  }
0x2f5: {  	[sflag:s24] =	ssyncadd.s32 $0xFFFF0000  }
0x2f6: {  	_ =	swait.ge [sflag:s24], $0x10000  }
0x2f7: {  	[sflag:s24] =	ssyncset.done $0x0  }
0x2f8: {  	[sflag:s24] =	ssyncadd.s32 $0xFFFF0000  }
0x2f9: {  	_ =	swait.ge [sflag:s24], $0x10000  }
0x2fa: {  	[sflag:s24] =	ssyncset.done $0x0  }
0x2fb: {  	[sflag:s24] =	ssyncadd.s32 $0xFFFF0000  }
0x2fc: {  	_ =	swait.ge [sflag:s24], $0x10000  }
0x2fd: {  	[sflag:s24] =	ssyncset.done $0x0  }
0x2fe: {  	[sflag:s24] =	ssyncadd.s32 $0xFFFF0000  }
0x2ff: {  	_ =	swait.ge [sflag:s24], $0x10000  }
0x300: {  	[sflag:s24] =	ssyncset.done $0x0  }
0x301: {  	[sflag:s24] =	ssyncadd.s32 $0xFFFF0000  }
0x302: {  	_ =	swait.ge [sflag:s24], $0x10000  }
0x303: {  	[sflag:s24] =	ssyncset.done $0x0  }
0x304: {  	[sflag:s24] =	ssyncadd.s32 $0xFFFF0000  }
0x305: {  	_ =	swait.ge [sflag:s24], $0x10000  }
0x306: {  	[sflag:s24] =	ssyncset.done $0x0  }
0x307: {  	[sflag:s24] =	ssyncadd.s32 $0xFFFF0000  }
0x308: {  	_ =	swait.ge [sflag:s24], $0x10000  }
0x309: {  	[sflag:s24] =	ssyncset.done $0x0  }
0x30a: {  	[sflag:s24] =	ssyncadd.s32 $0xFFFF0000  }
0x30b: {  	_ =	swait.ge [sflag:s24], $0x10000  }
0x30c: {  	[sflag:s24] =	ssyncset.done $0x0  }
0x30d: {  	[sflag:s24] =	ssyncadd.s32 $0xFFFF0000  }
0x30e: {  	_ =	swait.ge [sflag:s24], $0x10000  }
0x30f: {  	[sflag:s24] =	ssyncset.done $0x0  }
0x310: {  	[sflag:s24] =	ssyncadd.s32 $0xFFFF0000  }
0x311: {  	_ =	swait.ge [sflag:s24], $0x10000  }
0x312: {  	[sflag:s24] =	ssyncset.done $0x0  }
0x313: {  	[sflag:s24] =	ssyncadd.s32 $0xFFFF0000  }
0x314: {  	_ =	swait.ge [sflag:s24], $0x10000  }
0x315: {  	[sflag:s24] =	ssyncset.done $0x0  }
0x316: {  	[sflag:s24] =	ssyncadd.s32 $0xFFFF0000  }
0x317: {  	_ =	swait.ge [sflag:s24], $0x10000  }
0x318: {  	[sflag:s24] =	ssyncset.done $0x0  }
0x319: {  	[sflag:s24] =	ssyncadd.s32 $0xFFFF0000  }
0x31a: {  	_ =	swait.ge [sflag:s24], $0x10000  }
0x31b: {  	[sflag:s24] =	ssyncset.done $0x0  }
0x31c: {  	[sflag:s24] =	ssyncadd.s32 $0xFFFF0000  }
0x31d: {  	[tilespmem:$0x0] =	vst v32  }
0x31e: {  	[tilespmem:$0x10] =	vst v33  }
0x31f: {  	[tilespmem:$0x20] =	vst v34  }
0x320: {  	[tilespmem:$0x30] =	vst v35  }
0x321: {  	[tilespmem:$0x40] =	vst v36  }
0x322: {  	[tilespmem:$0x50] =	vst v37  }
0x323: {  	[tilespmem:$0x60] =	vst v38  }
0x324: {  	[tilespmem:$0x70] =	vst v39  }
0x325: {  	[tilespmem:$0x80] =	vst v40  }
0x326: {  	v9 =	vperm.xlane v5, v1;
	[tilespmem:$0x90] =	vst v41  }
0x327: {  	[tilespmem:$0xA0] =	vst v42  }
0x328: {  	v9 =	vadd.s32 v3, v9;
	[tilespmem:$0xB0] =	vst v43  }
0x329: {  	[tilespmem:$0xC0] =	vst v44  }
0x32a: {  	v10 =	vperm.xlane v5, v2;
	[tilespmem:$0xD0] =	vst v45  }
0x32b: {  	[tilespmem:$0xE0] =	vst v46  }
0x32c: {  	v10 =	vadd.s32 v3, v10;
	[tilespmem:$0xF0] =	vst v47  }
0x32d: {  	[tilespmem:s9], [sflag:$0x1] =	stream.indirect_vreg.gather [hbm4b:s2+s3], $0x80, v9, vm0, $0xb8;
	[tilespmem:$0x1F200] =	vst v63  }
0x32e: {  	s29 =	simm.s32 $0xA00  }
0x32f: {  	[tilespmem:s29], [sflag:$0x1] =	stream.indirect_vreg.gather [hbm4b:s6+s3], $0x80, v9, vm0, $0xb8;
	[tilespmem:$0x1F200] =	vst v63  }
0x330: {  	_ = 	snop  }
0x331: {  	[tilespmem:s11], [sflag:$0x1] =	stream.indirect_vreg.gather [hbm4b:s2+s3], $0x80, v10, vm0, $0xb8;
	[tilespmem:$0x1F200] =	vst v63  }
0x332: {  	_ = 	snop  }
0x333: {  	[tilespmem:s8], [sflag:$0x1] =	stream.indirect_vreg.gather [hbm4b:s6+s3], $0x80, v10, vm0, $0xb8;
	[tilespmem:$0x1F200] =	vst v63  }
0x334: {  	v9 =	vld [tilespmem:$0x10];
	_ =	sdelay $0x4  }
0x335: {  	v10 =	vshll.u32 v9, $0x2  }
0x336: {  	v9 =	vand.u32 $0x7, v9;
	v10 =	vand.u32 $0xFFFFFFE0, v10  }
0x337: {  	v9 =	vor.u32 v9, v10  }
0x338: {  	v10 =	vperm.xlane v9, v1;
	_ =	sdelay $0x1  }
0x339: {  	v10 =	vadd.s32 v3, v10;
	_ =	sdelay $0x1  }
0x33a: {  	v9 =	vperm.xlane v9, v2;
	_ =	sdelay $0x1  }
0x33b: {  	v9 =	vadd.s32 v3, v9  }
0x33c: {  	[tilespmem:s13], [sflag:$0x1] =	stream.indirect_vreg.gather [hbm4b:s2+s3], $0x80, v10, vm0, $0xb8;
	[tilespmem:$0x1F200] =	vst v63  }
0x33d: {  	_ = 	snop  }
0x33e: {  	[tilespmem:s7], [sflag:$0x1] =	stream.indirect_vreg.gather [hbm4b:s6+s3], $0x80, v10, vm0, $0xb8;
	[tilespmem:$0x1F200] =	vst v63  }
0x33f: {  	_ = 	snop  }
0x340: {  	[tilespmem:s15], [sflag:$0x1] =	stream.indirect_vreg.gather [hbm4b:s2+s3], $0x80, v9, vm0, $0xb8;
	[tilespmem:$0x1F200] =	vst v63  }
0x341: {  	_ = 	snop  }
0x342: {  	[tilespmem:s10], [sflag:$0x1] =	stream.indirect_vreg.gather [hbm4b:s6+s3], $0x80, v9, vm0, $0xb8;
	[tilespmem:$0x1F200] =	vst v63  }
0x343: {  	v9 =	vld [tilespmem:$0x20];
	_ =	sdelay $0x4  }
0x344: {  	v10 =	vshll.u32 v9, $0x2  }
0x345: {  	v9 =	vand.u32 $0x7, v9;
	v10 =	vand.u32 $0xFFFFFFE0, v10  }
0x346: {  	v9 =	vor.u32 v9, v10  }
0x347: {  	v10 =	vperm.xlane v9, v1;
	_ =	sdelay $0x1  }
0x348: {  	v10 =	vadd.s32 v3, v10;
	_ =	sdelay $0x1  }
0x349: {  	v9 =	vperm.xlane v9, v2;
	_ =	sdelay $0x1  }
0x34a: {  	v9 =	vadd.s32 v3, v9  }
0x34b: {  	[tilespmem:s17], [sflag:$0x1] =	stream.indirect_vreg.gather [hbm4b:s2+s3], $0x80, v10, vm0, $0xb8;
	[tilespmem:$0x1F200] =	vst v63  }
0x34c: {  	s29 =	simm.s32 $0x4A00  }
0x34d: {  	[tilespmem:s29], [sflag:$0x1] =	stream.indirect_vreg.gather [hbm4b:s6+s3], $0x80, v10, vm0, $0xb8;
	[tilespmem:$0x1F200] =	vst v63  }
0x34e: {  	_ = 	snop  }
0x34f: {  	[tilespmem:s19], [sflag:$0x1] =	stream.indirect_vreg.gather [hbm4b:s2+s3], $0x80, v9, vm0, $0xb8;
	[tilespmem:$0x1F200] =	vst v63  }
0x350: {  	s29 =	simm.s32 $0x5A00  }
0x351: {  	[tilespmem:s29], [sflag:$0x1] =	stream.indirect_vreg.gather [hbm4b:s6+s3], $0x80, v9, vm0, $0xb8;
	[tilespmem:$0x1F200] =	vst v63  }
0x352: {  	v9 =	vld [tilespmem:$0x30];
	_ =	sdelay $0x4  }
0x353: {  	v10 =	vshll.u32 v9, $0x2  }
0x354: {  	v9 =	vand.u32 $0x7, v9;
	v10 =	vand.u32 $0xFFFFFFE0, v10  }
0x355: {  	v9 =	vor.u32 v9, v10  }
0x356: {  	v10 =	vperm.xlane v9, v1;
	_ =	sdelay $0x1  }
0x357: {  	v10 =	vadd.s32 v3, v10;
	_ =	sdelay $0x1  }
0x358: {  	v9 =	vperm.xlane v9, v2;
	_ =	sdelay $0x1  }
0x359: {  	v9 =	vadd.s32 v3, v9  }
0x35a: {  	[tilespmem:s21], [sflag:$0x1] =	stream.indirect_vreg.gather [hbm4b:s2+s3], $0x80, v10, vm0, $0xb8;
	[tilespmem:$0x1F200] =	vst v63  }
0x35b: {  	s29 =	simm.s32 $0x6A00  }
0x35c: {  	[tilespmem:s29], [sflag:$0x1] =	stream.indirect_vreg.gather [hbm4b:s6+s3], $0x80, v10, vm0, $0xb8;
	[tilespmem:$0x1F200] =	vst v63  }
0x35d: {  	_ = 	snop  }
0x35e: {  	[tilespmem:s23], [sflag:$0x1] =	stream.indirect_vreg.gather [hbm4b:s2+s3], $0x80, v9, vm0, $0xb8;
	[tilespmem:$0x1F200] =	vst v63  }
0x35f: {  	s29 =	simm.s32 $0x7A00  }
0x360: {  	[tilespmem:s29], [sflag:$0x1] =	stream.indirect_vreg.gather [hbm4b:s6+s3], $0x80, v9, vm0, $0xb8;
	[tilespmem:$0x1F200] =	vst v63  }
0x361: {  	v9 =	vld [tilespmem:$0x40];
	_ =	sdelay $0x4  }
0x362: {  	v10 =	vshll.u32 v9, $0x2  }
0x363: {  	v9 =	vand.u32 $0x7, v9;
	v10 =	vand.u32 $0xFFFFFFE0, v10  }
0x364: {  	v9 =	vor.u32 v9, v10  }
0x365: {  	v10 =	vperm.xlane v9, v1;
	_ =	sdelay $0x1  }
0x366: {  	v10 =	vadd.s32 v3, v10;
	_ =	sdelay $0x1  }
0x367: {  	v9 =	vperm.xlane v9, v2;
	_ =	sdelay $0x1  }
0x368: {  	v9 =	vadd.s32 v3, v9  }
0x369: {  	[tilespmem:s25], [sflag:$0x1] =	stream.indirect_vreg.gather [hbm4b:s2+s3], $0x80, v10, vm0, $0xb8;
	[tilespmem:$0x1F200] =	vst v63  }
0x36a: {  	s29 =	simm.s32 $0x8A00  }
0x36b: {  	[tilespmem:s29], [sflag:$0x1] =	stream.indirect_vreg.gather [hbm4b:s6+s3], $0x80, v10, vm0, $0xb8;
	[tilespmem:$0x1F200] =	vst v63  }
0x36c: {  	_ = 	snop  }
0x36d: {  	[tilespmem:s28], [sflag:$0x1] =	stream.indirect_vreg.gather [hbm4b:s2+s3], $0x80, v9, vm0, $0xb8;
	[tilespmem:$0x1F200] =	vst v63  }
0x36e: {  	s29 =	simm.s32 $0x9A00  }
0x36f: {  	[tilespmem:s29], [sflag:$0x1] =	stream.indirect_vreg.gather [hbm4b:s6+s3], $0x80, v9, vm0, $0xb8;
	[tilespmem:$0x1F200] =	vst v63  }
0x370: {  	v9 =	vld [tilespmem:$0x50];
	_ =	sdelay $0x4  }
0x371: {  	v10 =	vshll.u32 v9, $0x2  }
0x372: {  	v9 =	vand.u32 $0x7, v9;
	v10 =	vand.u32 $0xFFFFFFE0, v10  }
0x373: {  	v9 =	vor.u32 v9, v10  }
0x374: {  	v10 =	vperm.xlane v9, v1;
	_ =	sdelay $0x1  }
0x375: {  	v10 =	vadd.s32 v3, v10;
	_ =	sdelay $0x1  }
0x376: {  	v9 =	vperm.xlane v9, v2;
	_ =	sdelay $0x1  }
0x377: {  	v9 =	vadd.s32 v3, v9  }
0x378: {  	[tilespmem:s30], [sflag:$0x1] =	stream.indirect_vreg.gather [hbm4b:s2+s3], $0x80, v10, vm0, $0xb8;
	[tilespmem:$0x1F200] =	vst v63  }
0x379: {  	s29 =	simm.s32 $0xAA00  }
0x37a: {  	[tilespmem:s29], [sflag:$0x1] =	stream.indirect_vreg.gather [hbm4b:s6+s3], $0x80, v10, vm0, $0xb8;
	[tilespmem:$0x1F200] =	vst v63  }
0x37b: {  	_ = 	snop  }
0x37c: {  	[tilespmem:s1], [sflag:$0x1] =	stream.indirect_vreg.gather [hbm4b:s2+s3], $0x80, v9, vm0, $0xb8;
	[tilespmem:$0x1F200] =	vst v63  }
0x37d: {  	s29 =	simm.s32 $0xBA00  }
0x37e: {  	[tilespmem:s29], [sflag:$0x1] =	stream.indirect_vreg.gather [hbm4b:s6+s3], $0x80, v9, vm0, $0xb8;
	[tilespmem:$0x1F200] =	vst v63  }
0x37f: {  	v9 =	vld [tilespmem:$0x60];
	_ =	sdelay $0x4  }
0x380: {  	v10 =	vshll.u32 v9, $0x2  }
0x381: {  	v9 =	vand.u32 $0x7, v9;
	v10 =	vand.u32 $0xFFFFFFE0, v10  }
0x382: {  	v9 =	vor.u32 v9, v10  }
0x383: {  	v10 =	vperm.xlane v9, v1;
	_ =	sdelay $0x1  }
0x384: {  	v10 =	vadd.s32 v3, v10;
	_ =	sdelay $0x1  }
0x385: {  	v9 =	vperm.xlane v9, v2;
	_ =	sdelay $0x1  }
0x386: {  	v9 =	vadd.s32 v3, v9  }
0x387: {  	[tilespmem:s0], [sflag:$0x1] =	stream.indirect_vreg.gather [hbm4b:s2+s3], $0x80, v10, vm0, $0xb8;
	[tilespmem:$0x1F200] =	vst v63  }
0x388: {  	s29 =	simm.s32 $0xCA00  }
0x389: {  	[tilespmem:s29], [sflag:$0x1] =	stream.indirect_vreg.gather [hbm4b:s6+s3], $0x80, v10, vm0, $0xb8;
	[tilespmem:$0x1F200] =	vst v63  }
0x38a: {  	_ = 	snop  }
0x38b: {  	[tilespmem:s14], [sflag:$0x1] =	stream.indirect_vreg.gather [hbm4b:s2+s3], $0x80, v9, vm0, $0xb8;
	[tilespmem:$0x1F200] =	vst v63  }
0x38c: {  	s29 =	simm.s32 $0xDA00  }
0x38d: {  	[tilespmem:s29], [sflag:$0x1] =	stream.indirect_vreg.gather [hbm4b:s6+s3], $0x80, v9, vm0, $0xb8;
	[tilespmem:$0x1F200] =	vst v63  }
0x38e: {  	v9 =	vld [tilespmem:$0x70];
	_ =	sdelay $0x4  }
0x38f: {  	v10 =	vshll.u32 v9, $0x2  }
0x390: {  	v9 =	vand.u32 $0x7, v9;
	v10 =	vand.u32 $0xFFFFFFE0, v10  }
0x391: {  	v9 =	vor.u32 v9, v10  }
0x392: {  	v10 =	vperm.xlane v9, v1;
	_ =	sdelay $0x1  }
0x393: {  	v10 =	vadd.s32 v3, v10;
	_ =	sdelay $0x1  }
0x394: {  	v9 =	vperm.xlane v9, v2;
	_ =	sdelay $0x1  }
0x395: {  	v9 =	vadd.s32 v3, v9  }
0x396: {  	[tilespmem:s12], [sflag:$0x1] =	stream.indirect_vreg.gather [hbm4b:s2+s3], $0x80, v10, vm0, $0xb8;
	[tilespmem:$0x1F200] =	vst v63  }
0x397: {  	s29 =	simm.s32 $0xEA00  }
0x398: {  	[tilespmem:s29], [sflag:$0x1] =	stream.indirect_vreg.gather [hbm4b:s6+s3], $0x80, v10, vm0, $0xb8;
	[tilespmem:$0x1F200] =	vst v63  }
0x399: {  	_ = 	snop  }
0x39a: {  	[tilespmem:s16], [sflag:$0x1] =	stream.indirect_vreg.gather [hbm4b:s2+s3], $0x80, v9, vm0, $0xb8;
	[tilespmem:$0x1F200] =	vst v63  }
0x39b: {  	s29 =	simm.s32 $0xFA00  }
0x39c: {  	[tilespmem:s29], [sflag:$0x1] =	stream.indirect_vreg.gather [hbm4b:s6+s3], $0x80, v9, vm0, $0xb8;
	[tilespmem:$0x1F200] =	vst v63  }
0x39d: {  	v9 =	vld [tilespmem:$0x80];
	_ =	sdelay $0x4  }
0x39e: {  	v10 =	vshll.u32 v9, $0x2  }
0x39f: {  	v9 =	vand.u32 $0x7, v9;
	v10 =	vand.u32 $0xFFFFFFE0, v10  }
0x3a0: {  	v9 =	vor.u32 v9, v10  }
0x3a1: {  	v10 =	vperm.xlane v9, v1;
	_ =	sdelay $0x1  }
0x3a2: {  	v10 =	vadd.s32 v3, v10;
	_ =	sdelay $0x1  }
0x3a3: {  	v9 =	vperm.xlane v9, v2;
	_ =	sdelay $0x1  }
0x3a4: {  	s18 =	simm.s32 $0x10200;
	v9 =	vadd.s32 v3, v9  }
0x3a5: {  	[tilespmem:s18], [sflag:$0x2] =	stream.indirect_vreg.gather [hbm4b:s2+s3], $0x80, v10, vm0, $0xb8;
	[tilespmem:$0x1F200] =	vst v63  }
0x3a6: {  	s31 =	simm.s32 $0x10A00  }
0x3a7: {  	[tilespmem:s31], [sflag:$0x2] =	stream.indirect_vreg.gather [hbm4b:s6+s3], $0x80, v10, vm0, $0xb8;
	[tilespmem:$0x1F200] =	vst v63  }
0x3a8: {  	s29 =	simm.s32 $0x11200  }
0x3a9: {  	[tilespmem:s29], [sflag:$0x2] =	stream.indirect_vreg.gather [hbm4b:s2+s3], $0x80, v9, vm0, $0xb8;
	[tilespmem:$0x1F200] =	vst v63  }
0x3aa: {  	s29 =	simm.s32 $0x11A00  }
0x3ab: {  	[tilespmem:s29], [sflag:$0x2] =	stream.indirect_vreg.gather [hbm4b:s6+s3], $0x80, v9, vm0, $0xb8;
	[tilespmem:$0x1F200] =	vst v63  }
0x3ac: {  	v9 =	vld [tilespmem:$0x90];
	_ =	sdelay $0x4  }
0x3ad: {  	v10 =	vshll.u32 v9, $0x2  }
0x3ae: {  	v9 =	vand.u32 $0x7, v9;
	v10 =	vand.u32 $0xFFFFFFE0, v10  }
0x3af: {  	v9 =	vor.u32 v9, v10  }
0x3b0: {  	v10 =	vperm.xlane v9, v1;
	_ =	sdelay $0x1  }
0x3b1: {  	v10 =	vadd.s32 v3, v10;
	_ =	sdelay $0x1  }
0x3b2: {  	v9 =	vperm.xlane v9, v2;
	_ =	sdelay $0x1  }
0x3b3: {  	s29 =	simm.s32 $0x12200;
	v9 =	vadd.s32 v3, v9  }
0x3b4: {  	[tilespmem:s29], [sflag:$0x2] =	stream.indirect_vreg.gather [hbm4b:s2+s3], $0x80, v10, vm0, $0xb8;
	[tilespmem:$0x1F200] =	vst v63  }
0x3b5: {  	s29 =	simm.s32 $0x12A00  }
0x3b6: {  	[tilespmem:s29], [sflag:$0x2] =	stream.indirect_vreg.gather [hbm4b:s6+s3], $0x80, v10, vm0, $0xb8;
	[tilespmem:$0x1F200] =	vst v63  }
0x3b7: {  	s29 =	simm.s32 $0x13200  }
0x3b8: {  	[tilespmem:s29], [sflag:$0x2] =	stream.indirect_vreg.gather [hbm4b:s2+s3], $0x80, v9, vm0, $0xb8;
	[tilespmem:$0x1F200] =	vst v63  }
0x3b9: {  	s29 =	simm.s32 $0x13A00  }
0x3ba: {  	[tilespmem:s29], [sflag:$0x2] =	stream.indirect_vreg.gather [hbm4b:s6+s3], $0x80, v9, vm0, $0xb8;
	[tilespmem:$0x1F200] =	vst v63  }
0x3bb: {  	v9 =	vld [tilespmem:$0xA0];
	_ =	sdelay $0x4  }
0x3bc: {  	v10 =	vshll.u32 v9, $0x2  }
0x3bd: {  	v9 =	vand.u32 $0x7, v9;
	v10 =	vand.u32 $0xFFFFFFE0, v10  }
0x3be: {  	v9 =	vor.u32 v9, v10  }
0x3bf: {  	v10 =	vperm.xlane v9, v1;
	_ =	sdelay $0x1  }
0x3c0: {  	v10 =	vadd.s32 v3, v10;
	_ =	sdelay $0x1  }
0x3c1: {  	v9 =	vperm.xlane v9, v2;
	_ =	sdelay $0x1  }
0x3c2: {  	s29 =	simm.s32 $0x14200;
	v9 =	vadd.s32 v3, v9  }
0x3c3: {  	[tilespmem:s29], [sflag:$0x2] =	stream.indirect_vreg.gather [hbm4b:s2+s3], $0x80, v10, vm0, $0xb8;
	[tilespmem:$0x1F200] =	vst v63  }
0x3c4: {  	s29 =	simm.s32 $0x14A00  }
0x3c5: {  	[tilespmem:s29], [sflag:$0x2] =	stream.indirect_vreg.gather [hbm4b:s6+s3], $0x80, v10, vm0, $0xb8;
	[tilespmem:$0x1F200] =	vst v63  }
0x3c6: {  	s29 =	simm.s32 $0x15200  }
0x3c7: {  	[tilespmem:s29], [sflag:$0x2] =	stream.indirect_vreg.gather [hbm4b:s2+s3], $0x80, v9, vm0, $0xb8;
	[tilespmem:$0x1F200] =	vst v63  }
0x3c8: {  	s29 =	simm.s32 $0x15A00  }
0x3c9: {  	[tilespmem:s29], [sflag:$0x2] =	stream.indirect_vreg.gather [hbm4b:s6+s3], $0x80, v9, vm0, $0xb8;
	[tilespmem:$0x1F200] =	vst v63  }
0x3ca: {  	v9 =	vld [tilespmem:$0xB0];
	_ =	sdelay $0x4  }
0x3cb: {  	v10 =	vshll.u32 v9, $0x2  }
0x3cc: {  	v9 =	vand.u32 $0x7, v9;
	v10 =	vand.u32 $0xFFFFFFE0, v10  }
0x3cd: {  	v9 =	vor.u32 v9, v10  }
0x3ce: {  	v10 =	vperm.xlane v9, v1;
	_ =	sdelay $0x1  }
0x3cf: {  	v10 =	vadd.s32 v3, v10;
	_ =	sdelay $0x1  }
0x3d0: {  	v9 =	vperm.xlane v9, v2;
	_ =	sdelay $0x1  }
0x3d1: {  	s29 =	simm.s32 $0x16200;
	v9 =	vadd.s32 v3, v9  }
0x3d2: {  	[tilespmem:s29], [sflag:$0x3] =	stream.indirect_vreg.gather [hbm4b:s2+s3], $0x80, v10, vm0, $0xb8;
	[tilespmem:$0x1F200] =	vst v63  }
0x3d3: {  	s29 =	simm.s32 $0x16A00  }
0x3d4: {  	[tilespmem:s29], [sflag:$0x3] =	stream.indirect_vreg.gather [hbm4b:s6+s3], $0x80, v10, vm0, $0xb8;
	[tilespmem:$0x1F200] =	vst v63  }
0x3d5: {  	s29 =	simm.s32 $0x17200  }
0x3d6: {  	[tilespmem:s29], [sflag:$0x3] =	stream.indirect_vreg.gather [hbm4b:s2+s3], $0x80, v9, vm0, $0xb8;
	[tilespmem:$0x1F200] =	vst v63  }
0x3d7: {  	s29 =	simm.s32 $0x17A00  }
0x3d8: {  	[tilespmem:s29], [sflag:$0x3] =	stream.indirect_vreg.gather [hbm4b:s6+s3], $0x80, v9, vm0, $0xb8;
	[tilespmem:$0x1F200] =	vst v63  }
0x3d9: {  	v9 =	vld [tilespmem:$0xC0];
	_ =	sdelay $0x4  }
0x3da: {  	v10 =	vshll.u32 v9, $0x2  }
0x3db: {  	v9 =	vand.u32 $0x7, v9;
	v10 =	vand.u32 $0xFFFFFFE0, v10  }
0x3dc: {  	v9 =	vor.u32 v9, v10  }
0x3dd: {  	v10 =	vperm.xlane v9, v1;
	_ =	sdelay $0x1  }
0x3de: {  	v10 =	vadd.s32 v3, v10;
	_ =	sdelay $0x1  }
0x3df: {  	v9 =	vperm.xlane v9, v2;
	_ =	sdelay $0x1  }
0x3e0: {  	s29 =	simm.s32 $0x18200;
	v9 =	vadd.s32 v3, v9  }
0x3e1: {  	[tilespmem:s29], [sflag:$0x3] =	stream.indirect_vreg.gather [hbm4b:s2+s3], $0x80, v10, vm0, $0xb8;
	[tilespmem:$0x1F200] =	vst v63  }
0x3e2: {  	s29 =	simm.s32 $0x18A00  }
0x3e3: {  	[tilespmem:s29], [sflag:$0x3] =	stream.indirect_vreg.gather [hbm4b:s6+s3], $0x80, v10, vm0, $0xb8;
	[tilespmem:$0x1F200] =	vst v63  }
0x3e4: {  	s29 =	simm.s32 $0x19200  }
0x3e5: {  	[tilespmem:s29], [sflag:$0x3] =	stream.indirect_vreg.gather [hbm4b:s2+s3], $0x80, v9, vm0, $0xb8;
	[tilespmem:$0x1F200] =	vst v63  }
0x3e6: {  	s29 =	simm.s32 $0x19A00  }
0x3e7: {  	[tilespmem:s29], [sflag:$0x3] =	stream.indirect_vreg.gather [hbm4b:s6+s3], $0x80, v9, vm0, $0xb8;
	[tilespmem:$0x1F200] =	vst v63  }
0x3e8: {  	v9 =	vld [tilespmem:$0xD0];
	_ =	sdelay $0x4  }
0x3e9: {  	v10 =	vshll.u32 v9, $0x2  }
0x3ea: {  	v9 =	vand.u32 $0x7, v9;
	v10 =	vand.u32 $0xFFFFFFE0, v10  }
0x3eb: {  	v9 =	vor.u32 v9, v10  }
0x3ec: {  	v10 =	vperm.xlane v9, v1;
	_ =	sdelay $0x1  }
0x3ed: {  	v10 =	vadd.s32 v3, v10;
	_ =	sdelay $0x1  }
0x3ee: {  	v9 =	vperm.xlane v9, v2;
	_ =	sdelay $0x1  }
0x3ef: {  	s29 =	simm.s32 $0x1A200;
	v9 =	vadd.s32 v3, v9  }
0x3f0: {  	[tilespmem:s29], [sflag:$0x3] =	stream.indirect_vreg.gather [hbm4b:s2+s3], $0x80, v10, vm0, $0xb8;
	[tilespmem:$0x1F200] =	vst v63  }
0x3f1: {  	s29 =	simm.s32 $0x1AA00  }
0x3f2: {  	[tilespmem:s29], [sflag:$0x3] =	stream.indirect_vreg.gather [hbm4b:s6+s3], $0x80, v10, vm0, $0xb8;
	[tilespmem:$0x1F200] =	vst v63  }
0x3f3: {  	s29 =	simm.s32 $0x1B200  }
0x3f4: {  	[tilespmem:s29], [sflag:$0x3] =	stream.indirect_vreg.gather [hbm4b:s2+s3], $0x80, v9, vm0, $0xb8;
	[tilespmem:$0x1F200] =	vst v63  }
0x3f5: {  	s29 =	simm.s32 $0x1BA00  }
0x3f6: {  	[tilespmem:s29], [sflag:$0x3] =	stream.indirect_vreg.gather [hbm4b:s6+s3], $0x80, v9, vm0, $0xb8;
	[tilespmem:$0x1F200] =	vst v63  }
0x3f7: {  	v9 =	vld [tilespmem:$0xE0];
	_ =	sdelay $0x4  }
0x3f8: {  	v10 =	vshll.u32 v9, $0x2  }
0x3f9: {  	v9 =	vand.u32 $0x7, v9;
	v10 =	vand.u32 $0xFFFFFFE0, v10  }
0x3fa: {  	v9 =	vor.u32 v9, v10  }
0x3fb: {  	v10 =	vperm.xlane v9, v1;
	_ =	sdelay $0x1  }
0x3fc: {  	v10 =	vadd.s32 v3, v10;
	_ =	sdelay $0x1  }
0x3fd: {  	v9 =	vperm.xlane v9, v2;
	_ =	sdelay $0x1  }
0x3fe: {  	s29 =	simm.s32 $0x1C200;
	v9 =	vadd.s32 v3, v9  }
0x3ff: {  	[tilespmem:s29], [sflag:$0x3] =	stream.indirect_vreg.gather [hbm4b:s2+s3], $0x80, v10, vm0, $0xb8;
	[tilespmem:$0x1F200] =	vst v63  }
0x400: {  	s29 =	simm.s32 $0x1CA00  }
0x401: {  	[tilespmem:s29], [sflag:$0x3] =	stream.indirect_vreg.gather [hbm4b:s6+s3], $0x80, v10, vm0, $0xb8;
	[tilespmem:$0x1F200] =	vst v63  }
0x402: {  	s29 =	simm.s32 $0x1D200  }
0x403: {  	[tilespmem:s29], [sflag:$0x3] =	stream.indirect_vreg.gather [hbm4b:s2+s3], $0x80, v9, vm0, $0xb8;
	[tilespmem:$0x1F200] =	vst v63  }
0x404: {  	s29 =	simm.s32 $0x1DA00  }
0x405: {  	[tilespmem:s29], [sflag:$0x3] =	stream.indirect_vreg.gather [hbm4b:s6+s3], $0x80, v9, vm0, $0xb8;
	[tilespmem:$0x1F200] =	vst v63  }
0x406: {  	v9 =	vld.msk [tilespmem:$0xF0], $0xff;
	_ =	sdelay $0x4  }
0x407: {  	v10 =	vshll.u32 v9, $0x2  }
0x408: {  	v9 =	vand.u32 $0x7, v9;
	v10 =	vand.u32 $0xFFFFFFE0, v10  }
0x409: {  	v9 =	vor.u32 v9, v10  }
0x40a: {  	v9 =	vperm.xlane v9, v1;
	_ =	sdelay $0x1  }
0x40b: {  	v9 =	vadd.s32 v3, v9;
	_ =	sdelay $0x3  }
0x40c: {  	s29 =	simm.s32 $0x1E200  }
0x40d: {  	[tilespmem:s29], [sflag:$0x3] =	stream.indirect_vreg.gather [hbm4b:s2+s3], $0x80, v9, vm0, $0xb8;
	[tilespmem:$0x1F200] =	vst v63  }
0x40e: {  	s29 =	simm.s32 $0x1EA00  }
0x40f: {  	[tilespmem:s29], [sflag:$0x3] =	stream.indirect_vreg.gather [hbm4b:s6+s3], $0x80, v9, vm0, $0xb8;
	[tilespmem:$0x1F200] =	vst v63  }
0x410: {  	_ =	swait.ge [sflag:s5], $0x10000  }
0x411: {  	s29 =	sld [smem:$0x7C4]  }
0x412: {  	[sflag:s5] =	ssyncset.done $0x0  }
0x413: {  	[sflag:s5] =	ssyncadd.s32 $0xFFFF0000  }
0x414: {  	[hbm4b:s29+s3] =	stream.linear.scatter [tilespmem:s9], [sflag:$0x4], $0x10000, $0x38;
	[tilespmem:$0x1F200] =	vst v63  }
0x415: {  	_ =	swait.ge [sflag:s20], $0x6000  }
0x416: {  	s26 =	sld [smem:$0x7C5]  }
0x417: {  	[sflag:s20] =	ssyncset.done $0x0  }
0x418: {  	s29 =	sld [smem:$0x7C6];
	[sflag:s20] =	ssyncadd.s32 $0xFFFFA000  }
0x419: {  	[hbm4b:s26+s3] =	stream.linear.scatter [tilespmem:s21], [sflag:$0x4], $0x10000, $0x38;
	[tilespmem:$0x1F200] =	vst v63  }
0x41a: {  	s26 =	sld [smem:$0x7C7]  }
0x41b: {  	[hbm4b:s29+s3] =	stream.linear.scatter [tilespmem:s19], [sflag:$0x4], $0x10000, $0x38;
	[tilespmem:$0x1F200] =	vst v63  }
0x41c: {  	s29 =	sld [smem:$0x7C8]  }
0x41d: {  	[hbm4b:s26+s3] =	stream.linear.scatter [tilespmem:s17], [sflag:$0x4], $0x10000, $0x38;
	[tilespmem:$0x1F200] =	vst v63  }
0x41e: {  	s26 =	sld [smem:$0x7C9]  }
0x41f: {  	[hbm4b:s29+s3] =	stream.linear.scatter [tilespmem:s15], [sflag:$0x4], $0x10000, $0x38;
	[tilespmem:$0x1F200] =	vst v63  }
0x420: {  	s29 =	sld [smem:$0x7CA]  }
0x421: {  	[hbm4b:s26+s3] =	stream.linear.scatter [tilespmem:s13], [sflag:$0x4], $0x10000, $0x38;
	[tilespmem:$0x1F200] =	vst v63  }
0x422: {  	_ = 	snop  }
0x423: {  	[hbm4b:s29+s3] =	stream.linear.scatter [tilespmem:s11], [sflag:$0x4], $0x10000, $0x38;
	[tilespmem:$0x1F200] =	vst v63  }
0x424: {  	_ =	swait.ge [sflag:s22], $0x9000  }
0x425: {  	s26 =	sld [smem:$0x7CB]  }
0x426: {  	[sflag:s22] =	ssyncset.done $0x0  }
0x427: {  	s29 =	sld [smem:$0x7CC];
	[sflag:s22] =	ssyncadd.s32 $0xFFFF7000  }
0x428: {  	[hbm4b:s26+s3] =	stream.linear.scatter [tilespmem:s16], [sflag:$0x4], $0x10000, $0x38;
	[tilespmem:$0x1F200] =	vst v63  }
0x429: {  	s26 =	sld [smem:$0x7CD]  }
0x42a: {  	[hbm4b:s29+s3] =	stream.linear.scatter [tilespmem:s12], [sflag:$0x4], $0x10000, $0x38;
	[tilespmem:$0x1F200] =	vst v63  }
0x42b: {  	s29 =	sld [smem:$0x7CE]  }
0x42c: {  	[hbm4b:s26+s3] =	stream.linear.scatter [tilespmem:s14], [sflag:$0x4], $0x10000, $0x38;
	[tilespmem:$0x1F200] =	vst v63  }
0x42d: {  	s26 =	sld [smem:$0x7CF]  }
0x42e: {  	[hbm4b:s29+s3] =	stream.linear.scatter [tilespmem:s0], [sflag:$0x4], $0x10000, $0x38;
	[tilespmem:$0x1F200] =	vst v63  }
0x42f: {  	s29 =	sld [smem:$0x7D0]  }
0x430: {  	[hbm4b:s26+s3] =	stream.linear.scatter [tilespmem:s1], [sflag:$0x4], $0x10000, $0x38;
	[tilespmem:$0x1F200] =	vst v63  }
0x431: {  	s26 =	sld [smem:$0x7D1]  }
0x432: {  	[hbm4b:s29+s3] =	stream.linear.scatter [tilespmem:s30], [sflag:$0x4], $0x10000, $0x38;
	[tilespmem:$0x1F200] =	vst v63  }
0x433: {  	s29 =	sld [smem:$0x7D2]  }
0x434: {  	[hbm4b:s26+s3] =	stream.linear.scatter [tilespmem:s28], [sflag:$0x4], $0x10000, $0x38;
	[tilespmem:$0x1F200] =	vst v63  }
0x435: {  	s26 =	sld [smem:$0x7D3]  }
0x436: {  	[hbm4b:s29+s3] =	stream.linear.scatter [tilespmem:s25], [sflag:$0x4], $0x10000, $0x38;
	[tilespmem:$0x1F200] =	vst v63  }
0x437: {  	_ = 	snop  }
0x438: {  	[hbm4b:s26+s3] =	stream.linear.scatter [tilespmem:s23], [sflag:$0x4], $0x10000, $0x38;
	[tilespmem:$0x1F200] =	vst v63  }
0x439: {  	_ =	swait.ge [sflag:s24], $0x10000  }
0x43a: {  	[sflag:s24] =	ssyncset.done $0x0  }
0x43b: {  	[sflag:s24] =	ssyncadd.s32 $0xFFFF0000  }
0x43c: {  	_ =	swait.ge [sflag:s24], $0x10000  }
0x43d: {  	[sflag:s24] =	ssyncset.done $0x0  }
0x43e: {  	[sflag:s24] =	ssyncadd.s32 $0xFFFF0000  }
0x43f: {  	_ =	swait.ge [sflag:s24], $0x10000  }
0x440: {  	[sflag:s24] =	ssyncset.done $0x0  }
0x441: {  	[sflag:s24] =	ssyncadd.s32 $0xFFFF0000  }
0x442: {  	_ =	swait.ge [sflag:s24], $0x10000  }
0x443: {  	[sflag:s24] =	ssyncset.done $0x0  }
0x444: {  	[sflag:s24] =	ssyncadd.s32 $0xFFFF0000  }
0x445: {  	_ =	swait.ge [sflag:s24], $0x10000  }
0x446: {  	[sflag:s24] =	ssyncset.done $0x0  }
0x447: {  	[sflag:s24] =	ssyncadd.s32 $0xFFFF0000  }
0x448: {  	_ =	swait.ge [sflag:s24], $0x10000  }
0x449: {  	[sflag:s24] =	ssyncset.done $0x0  }
0x44a: {  	[sflag:s24] =	ssyncadd.s32 $0xFFFF0000  }
0x44b: {  	_ =	swait.ge [sflag:s24], $0x10000  }
0x44c: {  	[sflag:s24] =	ssyncset.done $0x0  }
0x44d: {  	[sflag:s24] =	ssyncadd.s32 $0xFFFF0000  }
0x44e: {  	_ =	swait.ge [sflag:s24], $0x10000  }
0x44f: {  	[sflag:s24] =	ssyncset.done $0x0  }
0x450: {  	[sflag:s24] =	ssyncadd.s32 $0xFFFF0000  }
0x451: {  	_ =	swait.ge [sflag:s24], $0x10000  }
0x452: {  	[sflag:s24] =	ssyncset.done $0x0  }
0x453: {  	[sflag:s24] =	ssyncadd.s32 $0xFFFF0000  }
0x454: {  	_ =	swait.ge [sflag:s24], $0x10000  }
0x455: {  	[sflag:s24] =	ssyncset.done $0x0  }
0x456: {  	[sflag:s24] =	ssyncadd.s32 $0xFFFF0000  }
0x457: {  	_ =	swait.ge [sflag:s24], $0x10000  }
0x458: {  	[sflag:s24] =	ssyncset.done $0x0  }
0x459: {  	[sflag:s24] =	ssyncadd.s32 $0xFFFF0000  }
0x45a: {  	_ =	swait.ge [sflag:s24], $0x10000  }
0x45b: {  	[sflag:s24] =	ssyncset.done $0x0  }
0x45c: {  	[sflag:s24] =	ssyncadd.s32 $0xFFFF0000  }
0x45d: {  	_ =	swait.ge [sflag:s24], $0x10000  }
0x45e: {  	[sflag:s24] =	ssyncset.done $0x0  }
0x45f: {  	[sflag:s24] =	ssyncadd.s32 $0xFFFF0000  }
0x460: {  	_ =	swait.ge [sflag:s24], $0x10000  }
0x461: {  	[sflag:s24] =	ssyncset.done $0x0  }
0x462: {  	[sflag:s24] =	ssyncadd.s32 $0xFFFF0000  }
0x463: {  	_ =	swait.ge [sflag:s24], $0x10000  }
0x464: {  	[sflag:s24] =	ssyncset.done $0x0  }
0x465: {  	[sflag:s24] =	ssyncadd.s32 $0xFFFF0000  }
0x466: {  	_ =	swait.ge [sflag:s24], $0x10000  }
0x467: {  	[sflag:s24] =	ssyncset.done $0x0  }
0x468: {  	[sflag:s24] =	ssyncadd.s32 $0xFFFF0000  }
0x469: {  	[tilespmem:$0x0] =	vst v48  }
0x46a: {  	[tilespmem:$0x10] =	vst v49  }
0x46b: {  	[tilespmem:$0x20] =	vst v50  }
0x46c: {  	[tilespmem:$0x30] =	vst v51  }
0x46d: {  	[tilespmem:$0x40] =	vst v52  }
0x46e: {  	[tilespmem:$0x50] =	vst v53  }
0x46f: {  	[tilespmem:$0x60] =	vst v54  }
0x470: {  	[tilespmem:$0x70] =	vst v55  }
0x471: {  	[tilespmem:$0x80] =	vst v56  }
0x472: {  	v9 =	vperm.xlane v6, v1;
	[tilespmem:$0x90] =	vst v57  }
0x473: {  	[tilespmem:$0xA0] =	vst v58  }
0x474: {  	v9 =	vadd.s32 v3, v9;
	[tilespmem:$0xB0] =	vst v59  }
0x475: {  	[tilespmem:$0xC0] =	vst v60  }
0x476: {  	v10 =	vperm.xlane v6, v2;
	[tilespmem:$0xD0] =	vst v61  }
0x477: {  	[tilespmem:$0xE0] =	vst v62  }
0x478: {  	v10 =	vadd.s32 v3, v10;
	[tilespmem:$0xF0] =	vst v63  }
0x479: {  	[tilespmem:s9], [sflag:$0x1] =	stream.indirect_vreg.gather [hbm4b:s2+s3], $0x80, v9, vm0, $0xb8;
	[tilespmem:$0x1F200] =	vst v63  }
0x47a: {  	s29 =	simm.s32 $0xA00  }
0x47b: {  	[tilespmem:s29], [sflag:$0x1] =	stream.indirect_vreg.gather [hbm4b:s6+s3], $0x80, v9, vm0, $0xb8;
	[tilespmem:$0x1F200] =	vst v63  }
0x47c: {  	_ = 	snop  }
0x47d: {  	[tilespmem:s11], [sflag:$0x1] =	stream.indirect_vreg.gather [hbm4b:s2+s3], $0x80, v10, vm0, $0xb8;
	[tilespmem:$0x1F200] =	vst v63  }
0x47e: {  	s8 =	simm.s32 $0x1A00  }
0x47f: {  	[tilespmem:s8], [sflag:$0x1] =	stream.indirect_vreg.gather [hbm4b:s6+s3], $0x80, v10, vm0, $0xb8;
	[tilespmem:$0x1F200] =	vst v63  }
0x480: {  	v9 =	vld [tilespmem:$0x10];
	_ =	sdelay $0x4  }
0x481: {  	v10 =	vshll.u32 v9, $0x2  }
0x482: {  	v9 =	vand.u32 $0x7, v9;
	v10 =	vand.u32 $0xFFFFFFE0, v10  }
0x483: {  	v9 =	vor.u32 v9, v10  }
0x484: {  	v10 =	vperm.xlane v9, v1;
	_ =	sdelay $0x1  }
0x485: {  	v10 =	vadd.s32 v3, v10;
	_ =	sdelay $0x1  }
0x486: {  	v9 =	vperm.xlane v9, v2;
	_ =	sdelay $0x1  }
0x487: {  	v9 =	vadd.s32 v3, v9  }
0x488: {  	[tilespmem:s13], [sflag:$0x1] =	stream.indirect_vreg.gather [hbm4b:s2+s3], $0x80, v10, vm0, $0xb8;
	[tilespmem:$0x1F200] =	vst v63  }
0x489: {  	s7 =	simm.s32 $0x2A00  }
0x48a: {  	[tilespmem:s7], [sflag:$0x1] =	stream.indirect_vreg.gather [hbm4b:s6+s3], $0x80, v10, vm0, $0xb8;
	[tilespmem:$0x1F200] =	vst v63  }
0x48b: {  	_ = 	snop  }
0x48c: {  	[tilespmem:s15], [sflag:$0x1] =	stream.indirect_vreg.gather [hbm4b:s2+s3], $0x80, v9, vm0, $0xb8;
	[tilespmem:$0x1F200] =	vst v63  }
0x48d: {  	s10 =	simm.s32 $0x3A00  }
0x48e: {  	[tilespmem:s10], [sflag:$0x1] =	stream.indirect_vreg.gather [hbm4b:s6+s3], $0x80, v9, vm0, $0xb8;
	[tilespmem:$0x1F200] =	vst v63  }
0x48f: {  	v9 =	vld [tilespmem:$0x20];
	_ =	sdelay $0x4  }
0x490: {  	v10 =	vshll.u32 v9, $0x2  }
0x491: {  	v9 =	vand.u32 $0x7, v9;
	v10 =	vand.u32 $0xFFFFFFE0, v10  }
0x492: {  	v9 =	vor.u32 v9, v10  }
0x493: {  	v10 =	vperm.xlane v9, v1;
	_ =	sdelay $0x1  }
0x494: {  	v10 =	vadd.s32 v3, v10;
	_ =	sdelay $0x1  }
0x495: {  	v9 =	vperm.xlane v9, v2;
	_ =	sdelay $0x1  }
0x496: {  	v9 =	vadd.s32 v3, v9  }
0x497: {  	[tilespmem:s17], [sflag:$0x1] =	stream.indirect_vreg.gather [hbm4b:s2+s3], $0x80, v10, vm0, $0xb8;
	[tilespmem:$0x1F200] =	vst v63  }
0x498: {  	s10 =	simm.s32 $0x4A00  }
0x499: {  	[tilespmem:s10], [sflag:$0x1] =	stream.indirect_vreg.gather [hbm4b:s6+s3], $0x80, v10, vm0, $0xb8;
	[tilespmem:$0x1F200] =	vst v63  }
0x49a: {  	_ = 	snop  }
0x49b: {  	[tilespmem:s19], [sflag:$0x1] =	stream.indirect_vreg.gather [hbm4b:s2+s3], $0x80, v9, vm0, $0xb8;
	[tilespmem:$0x1F200] =	vst v63  }
0x49c: {  	s26 =	simm.s32 $0x5A00  }
0x49d: {  	[tilespmem:s26], [sflag:$0x1] =	stream.indirect_vreg.gather [hbm4b:s6+s3], $0x80, v9, vm0, $0xb8;
	[tilespmem:$0x1F200] =	vst v63  }
0x49e: {  	v9 =	vld [tilespmem:$0x30];
	_ =	sdelay $0x4  }
0x49f: {  	v10 =	vshll.u32 v9, $0x2  }
0x4a0: {  	v9 =	vand.u32 $0x7, v9;
	v10 =	vand.u32 $0xFFFFFFE0, v10  }
0x4a1: {  	v9 =	vor.u32 v9, v10  }
0x4a2: {  	v10 =	vperm.xlane v9, v1;
	_ =	sdelay $0x1  }
0x4a3: {  	v10 =	vadd.s32 v3, v10;
	_ =	sdelay $0x1  }
0x4a4: {  	v9 =	vperm.xlane v9, v2;
	_ =	sdelay $0x1  }
0x4a5: {  	v9 =	vadd.s32 v3, v9  }
0x4a6: {  	[tilespmem:s21], [sflag:$0x1] =	stream.indirect_vreg.gather [hbm4b:s2+s3], $0x80, v10, vm0, $0xb8;
	[tilespmem:$0x1F200] =	vst v63  }
0x4a7: {  	s29 =	simm.s32 $0x6A00  }
0x4a8: {  	[tilespmem:s29], [sflag:$0x1] =	stream.indirect_vreg.gather [hbm4b:s6+s3], $0x80, v10, vm0, $0xb8;
	[tilespmem:$0x1F200] =	vst v63  }
0x4a9: {  	_ = 	snop  }
0x4aa: {  	[tilespmem:s23], [sflag:$0x1] =	stream.indirect_vreg.gather [hbm4b:s2+s3], $0x80, v9, vm0, $0xb8;
	[tilespmem:$0x1F200] =	vst v63  }
0x4ab: {  	s8 =	simm.s32 $0x7A00  }
0x4ac: {  	[tilespmem:s8], [sflag:$0x1] =	stream.indirect_vreg.gather [hbm4b:s6+s3], $0x80, v9, vm0, $0xb8;
	[tilespmem:$0x1F200] =	vst v63  }
0x4ad: {  	v9 =	vld [tilespmem:$0x40];
	_ =	sdelay $0x4  }
0x4ae: {  	v10 =	vshll.u32 v9, $0x2  }
0x4af: {  	v9 =	vand.u32 $0x7, v9;
	v10 =	vand.u32 $0xFFFFFFE0, v10  }
0x4b0: {  	v9 =	vor.u32 v9, v10  }
0x4b1: {  	v10 =	vperm.xlane v9, v1;
	_ =	sdelay $0x1  }
0x4b2: {  	v10 =	vadd.s32 v3, v10;
	_ =	sdelay $0x1  }
0x4b3: {  	v9 =	vperm.xlane v9, v2;
	_ =	sdelay $0x1  }
0x4b4: {  	v9 =	vadd.s32 v3, v9  }
0x4b5: {  	[tilespmem:s25], [sflag:$0x1] =	stream.indirect_vreg.gather [hbm4b:s2+s3], $0x80, v10, vm0, $0xb8;
	[tilespmem:$0x1F200] =	vst v63  }
0x4b6: {  	s10 =	simm.s32 $0x8A00  }
0x4b7: {  	[tilespmem:s10], [sflag:$0x1] =	stream.indirect_vreg.gather [hbm4b:s6+s3], $0x80, v10, vm0, $0xb8;
	[tilespmem:$0x1F200] =	vst v63  }
0x4b8: {  	_ = 	snop  }
0x4b9: {  	[tilespmem:s28], [sflag:$0x1] =	stream.indirect_vreg.gather [hbm4b:s2+s3], $0x80, v9, vm0, $0xb8;
	[tilespmem:$0x1F200] =	vst v63  }
0x4ba: {  	s26 =	simm.s32 $0x9A00  }
0x4bb: {  	[tilespmem:s26], [sflag:$0x1] =	stream.indirect_vreg.gather [hbm4b:s6+s3], $0x80, v9, vm0, $0xb8;
	[tilespmem:$0x1F200] =	vst v63  }
0x4bc: {  	v9 =	vld [tilespmem:$0x50];
	_ =	sdelay $0x4  }
0x4bd: {  	v10 =	vshll.u32 v9, $0x2  }
0x4be: {  	v9 =	vand.u32 $0x7, v9;
	v10 =	vand.u32 $0xFFFFFFE0, v10  }
0x4bf: {  	v9 =	vor.u32 v9, v10  }
0x4c0: {  	v10 =	vperm.xlane v9, v1;
	_ =	sdelay $0x1  }
0x4c1: {  	v10 =	vadd.s32 v3, v10;
	_ =	sdelay $0x1  }
0x4c2: {  	v9 =	vperm.xlane v9, v2;
	_ =	sdelay $0x1  }
0x4c3: {  	v9 =	vadd.s32 v3, v9  }
0x4c4: {  	[tilespmem:s30], [sflag:$0x1] =	stream.indirect_vreg.gather [hbm4b:s2+s3], $0x80, v10, vm0, $0xb8;
	[tilespmem:$0x1F200] =	vst v63  }
0x4c5: {  	s29 =	simm.s32 $0xAA00  }
0x4c6: {  	[tilespmem:s29], [sflag:$0x1] =	stream.indirect_vreg.gather [hbm4b:s6+s3], $0x80, v10, vm0, $0xb8;
	[tilespmem:$0x1F200] =	vst v63  }
0x4c7: {  	_ = 	snop  }
0x4c8: {  	[tilespmem:s1], [sflag:$0x1] =	stream.indirect_vreg.gather [hbm4b:s2+s3], $0x80, v9, vm0, $0xb8;
	[tilespmem:$0x1F200] =	vst v63  }
0x4c9: {  	s8 =	simm.s32 $0xBA00  }
0x4ca: {  	[tilespmem:s8], [sflag:$0x1] =	stream.indirect_vreg.gather [hbm4b:s6+s3], $0x80, v9, vm0, $0xb8;
	[tilespmem:$0x1F200] =	vst v63  }
0x4cb: {  	v9 =	vld [tilespmem:$0x60];
	_ =	sdelay $0x4  }
0x4cc: {  	v10 =	vshll.u32 v9, $0x2  }
0x4cd: {  	v9 =	vand.u32 $0x7, v9;
	v10 =	vand.u32 $0xFFFFFFE0, v10  }
0x4ce: {  	v9 =	vor.u32 v9, v10  }
0x4cf: {  	v10 =	vperm.xlane v9, v1;
	_ =	sdelay $0x1  }
0x4d0: {  	v10 =	vadd.s32 v3, v10;
	_ =	sdelay $0x1  }
0x4d1: {  	v9 =	vperm.xlane v9, v2;
	_ =	sdelay $0x1  }
0x4d2: {  	v9 =	vadd.s32 v3, v9  }
0x4d3: {  	[tilespmem:s0], [sflag:$0x1] =	stream.indirect_vreg.gather [hbm4b:s2+s3], $0x80, v10, vm0, $0xb8;
	[tilespmem:$0x1F200] =	vst v63  }
0x4d4: {  	s10 =	simm.s32 $0xCA00  }
0x4d5: {  	[tilespmem:s10], [sflag:$0x1] =	stream.indirect_vreg.gather [hbm4b:s6+s3], $0x80, v10, vm0, $0xb8;
	[tilespmem:$0x1F200] =	vst v63  }
0x4d6: {  	_ = 	snop  }
0x4d7: {  	[tilespmem:s14], [sflag:$0x1] =	stream.indirect_vreg.gather [hbm4b:s2+s3], $0x80, v9, vm0, $0xb8;
	[tilespmem:$0x1F200] =	vst v63  }
0x4d8: {  	s26 =	simm.s32 $0xDA00  }
0x4d9: {  	[tilespmem:s26], [sflag:$0x1] =	stream.indirect_vreg.gather [hbm4b:s6+s3], $0x80, v9, vm0, $0xb8;
	[tilespmem:$0x1F200] =	vst v63  }
0x4da: {  	v9 =	vld [tilespmem:$0x70];
	_ =	sdelay $0x4  }
0x4db: {  	v10 =	vshll.u32 v9, $0x2  }
0x4dc: {  	v9 =	vand.u32 $0x7, v9;
	v10 =	vand.u32 $0xFFFFFFE0, v10  }
0x4dd: {  	v9 =	vor.u32 v9, v10  }
0x4de: {  	v10 =	vperm.xlane v9, v1;
	_ =	sdelay $0x1  }
0x4df: {  	v10 =	vadd.s32 v3, v10;
	_ =	sdelay $0x1  }
0x4e0: {  	v9 =	vperm.xlane v9, v2;
	_ =	sdelay $0x1  }
0x4e1: {  	v9 =	vadd.s32 v3, v9  }
0x4e2: {  	[tilespmem:s12], [sflag:$0x1] =	stream.indirect_vreg.gather [hbm4b:s2+s3], $0x80, v10, vm0, $0xb8;
	[tilespmem:$0x1F200] =	vst v63  }
0x4e3: {  	s29 =	simm.s32 $0xEA00  }
0x4e4: {  	[tilespmem:s29], [sflag:$0x1] =	stream.indirect_vreg.gather [hbm4b:s6+s3], $0x80, v10, vm0, $0xb8;
	[tilespmem:$0x1F200] =	vst v63  }
0x4e5: {  	_ = 	snop  }
0x4e6: {  	[tilespmem:s16], [sflag:$0x1] =	stream.indirect_vreg.gather [hbm4b:s2+s3], $0x80, v9, vm0, $0xb8;
	[tilespmem:$0x1F200] =	vst v63  }
0x4e7: {  	s8 =	simm.s32 $0xFA00  }
0x4e8: {  	[tilespmem:s8], [sflag:$0x1] =	stream.indirect_vreg.gather [hbm4b:s6+s3], $0x80, v9, vm0, $0xb8;
	[tilespmem:$0x1F200] =	vst v63  }
0x4e9: {  	v9 =	vld [tilespmem:$0x80];
	_ =	sdelay $0x4  }
0x4ea: {  	v10 =	vshll.u32 v9, $0x2  }
0x4eb: {  	v9 =	vand.u32 $0x7, v9;
	v10 =	vand.u32 $0xFFFFFFE0, v10  }
0x4ec: {  	v9 =	vor.u32 v9, v10  }
0x4ed: {  	v10 =	vperm.xlane v9, v1;
	_ =	sdelay $0x1  }
0x4ee: {  	v10 =	vadd.s32 v3, v10;
	_ =	sdelay $0x1  }
0x4ef: {  	v9 =	vperm.xlane v9, v2;
	_ =	sdelay $0x1  }
0x4f0: {  	s18 =	simm.s32 $0x10200;
	v9 =	vadd.s32 v3, v9  }
0x4f1: {  	[tilespmem:s18], [sflag:$0x2] =	stream.indirect_vreg.gather [hbm4b:s2+s3], $0x80, v10, vm0, $0xb8;
	[tilespmem:$0x1F200] =	vst v63  }
0x4f2: {  	s31 =	simm.s32 $0x10A00  }
0x4f3: {  	[tilespmem:s31], [sflag:$0x2] =	stream.indirect_vreg.gather [hbm4b:s6+s3], $0x80, v10, vm0, $0xb8;
	[tilespmem:$0x1F200] =	vst v63  }
0x4f4: {  	s10 =	simm.s32 $0x11200  }
0x4f5: {  	[tilespmem:s10], [sflag:$0x2] =	stream.indirect_vreg.gather [hbm4b:s2+s3], $0x80, v9, vm0, $0xb8;
	[tilespmem:$0x1F200] =	vst v63  }
0x4f6: {  	s18 =	simm.s32 $0x11A00  }
0x4f7: {  	[tilespmem:s18], [sflag:$0x2] =	stream.indirect_vreg.gather [hbm4b:s6+s3], $0x80, v9, vm0, $0xb8;
	[tilespmem:$0x1F200] =	vst v63  }
0x4f8: {  	v9 =	vld [tilespmem:$0x90];
	_ =	sdelay $0x4  }
0x4f9: {  	v10 =	vshll.u32 v9, $0x2  }
0x4fa: {  	v9 =	vand.u32 $0x7, v9;
	v10 =	vand.u32 $0xFFFFFFE0, v10  }
0x4fb: {  	v9 =	vor.u32 v9, v10  }
0x4fc: {  	v10 =	vperm.xlane v9, v1;
	_ =	sdelay $0x1  }
0x4fd: {  	v10 =	vadd.s32 v3, v10;
	_ =	sdelay $0x1  }
0x4fe: {  	v9 =	vperm.xlane v9, v2;
	_ =	sdelay $0x1  }
0x4ff: {  	s26 =	simm.s32 $0x12200;
	v9 =	vadd.s32 v3, v9  }
0x500: {  	[tilespmem:s26], [sflag:$0x2] =	stream.indirect_vreg.gather [hbm4b:s2+s3], $0x80, v10, vm0, $0xb8;
	[tilespmem:$0x1F200] =	vst v63  }
0x501: {  	s29 =	simm.s32 $0x12A00  }
0x502: {  	[tilespmem:s29], [sflag:$0x2] =	stream.indirect_vreg.gather [hbm4b:s6+s3], $0x80, v10, vm0, $0xb8;
	[tilespmem:$0x1F200] =	vst v63  }
0x503: {  	s31 =	simm.s32 $0x13200  }
0x504: {  	[tilespmem:s31], [sflag:$0x2] =	stream.indirect_vreg.gather [hbm4b:s2+s3], $0x80, v9, vm0, $0xb8;
	[tilespmem:$0x1F200] =	vst v63  }
0x505: {  	s8 =	simm.s32 $0x13A00  }
0x506: {  	[tilespmem:s8], [sflag:$0x2] =	stream.indirect_vreg.gather [hbm4b:s6+s3], $0x80, v9, vm0, $0xb8;
	[tilespmem:$0x1F200] =	vst v63  }
0x507: {  	v9 =	vld [tilespmem:$0xA0];
	_ =	sdelay $0x4  }
0x508: {  	v10 =	vshll.u32 v9, $0x2  }
0x509: {  	v9 =	vand.u32 $0x7, v9;
	v10 =	vand.u32 $0xFFFFFFE0, v10  }
0x50a: {  	v9 =	vor.u32 v9, v10  }
0x50b: {  	v10 =	vperm.xlane v9, v1;
	_ =	sdelay $0x1  }
0x50c: {  	v10 =	vadd.s32 v3, v10;
	_ =	sdelay $0x1  }
0x50d: {  	v9 =	vperm.xlane v9, v2;
	_ =	sdelay $0x1  }
0x50e: {  	s10 =	simm.s32 $0x14200;
	v9 =	vadd.s32 v3, v9  }
0x50f: {  	[tilespmem:s10], [sflag:$0x2] =	stream.indirect_vreg.gather [hbm4b:s2+s3], $0x80, v10, vm0, $0xb8;
	[tilespmem:$0x1F200] =	vst v63  }
0x510: {  	s18 =	simm.s32 $0x14A00  }
0x511: {  	[tilespmem:s18], [sflag:$0x2] =	stream.indirect_vreg.gather [hbm4b:s6+s3], $0x80, v10, vm0, $0xb8;
	[tilespmem:$0x1F200] =	vst v63  }
0x512: {  	s26 =	simm.s32 $0x15200  }
0x513: {  	[tilespmem:s26], [sflag:$0x2] =	stream.indirect_vreg.gather [hbm4b:s2+s3], $0x80, v9, vm0, $0xb8;
	[tilespmem:$0x1F200] =	vst v63  }
0x514: {  	s29 =	simm.s32 $0x15A00  }
0x515: {  	[tilespmem:s29], [sflag:$0x2] =	stream.indirect_vreg.gather [hbm4b:s6+s3], $0x80, v9, vm0, $0xb8;
	[tilespmem:$0x1F200] =	vst v63  }
0x516: {  	v9 =	vld [tilespmem:$0xB0];
	_ =	sdelay $0x4  }
0x517: {  	v10 =	vshll.u32 v9, $0x2  }
0x518: {  	v9 =	vand.u32 $0x7, v9;
	v10 =	vand.u32 $0xFFFFFFE0, v10  }
0x519: {  	v9 =	vor.u32 v9, v10  }
0x51a: {  	v10 =	vperm.xlane v9, v1;
	_ =	sdelay $0x1  }
0x51b: {  	v10 =	vadd.s32 v3, v10;
	_ =	sdelay $0x1  }
0x51c: {  	v9 =	vperm.xlane v9, v2;
	_ =	sdelay $0x1  }
0x51d: {  	s31 =	simm.s32 $0x16200;
	v9 =	vadd.s32 v3, v9  }
0x51e: {  	[tilespmem:s31], [sflag:$0x3] =	stream.indirect_vreg.gather [hbm4b:s2+s3], $0x80, v10, vm0, $0xb8;
	[tilespmem:$0x1F200] =	vst v63  }
0x51f: {  	s8 =	simm.s32 $0x16A00  }
0x520: {  	[tilespmem:s8], [sflag:$0x3] =	stream.indirect_vreg.gather [hbm4b:s6+s3], $0x80, v10, vm0, $0xb8;
	[tilespmem:$0x1F200] =	vst v63  }
0x521: {  	s10 =	simm.s32 $0x17200  }
0x522: {  	[tilespmem:s10], [sflag:$0x3] =	stream.indirect_vreg.gather [hbm4b:s2+s3], $0x80, v9, vm0, $0xb8;
	[tilespmem:$0x1F200] =	vst v63  }
0x523: {  	s18 =	simm.s32 $0x17A00  }
0x524: {  	[tilespmem:s18], [sflag:$0x3] =	stream.indirect_vreg.gather [hbm4b:s6+s3], $0x80, v9, vm0, $0xb8;
	[tilespmem:$0x1F200] =	vst v63  }
0x525: {  	v9 =	vld [tilespmem:$0xC0];
	_ =	sdelay $0x4  }
0x526: {  	v10 =	vshll.u32 v9, $0x2  }
0x527: {  	v9 =	vand.u32 $0x7, v9;
	v10 =	vand.u32 $0xFFFFFFE0, v10  }
0x528: {  	v9 =	vor.u32 v9, v10  }
0x529: {  	v10 =	vperm.xlane v9, v1;
	_ =	sdelay $0x1  }
0x52a: {  	v10 =	vadd.s32 v3, v10;
	_ =	sdelay $0x1  }
0x52b: {  	v9 =	vperm.xlane v9, v2;
	_ =	sdelay $0x1  }
0x52c: {  	s26 =	simm.s32 $0x18200;
	v9 =	vadd.s32 v3, v9  }
0x52d: {  	[tilespmem:s26], [sflag:$0x3] =	stream.indirect_vreg.gather [hbm4b:s2+s3], $0x80, v10, vm0, $0xb8;
	[tilespmem:$0x1F200] =	vst v63  }
0x52e: {  	s29 =	simm.s32 $0x18A00  }
0x52f: {  	[tilespmem:s29], [sflag:$0x3] =	stream.indirect_vreg.gather [hbm4b:s6+s3], $0x80, v10, vm0, $0xb8;
	[tilespmem:$0x1F200] =	vst v63  }
0x530: {  	s31 =	simm.s32 $0x19200  }
0x531: {  	[tilespmem:s31], [sflag:$0x3] =	stream.indirect_vreg.gather [hbm4b:s2+s3], $0x80, v9, vm0, $0xb8;
	[tilespmem:$0x1F200] =	vst v63  }
0x532: {  	s8 =	simm.s32 $0x19A00  }
0x533: {  	[tilespmem:s8], [sflag:$0x3] =	stream.indirect_vreg.gather [hbm4b:s6+s3], $0x80, v9, vm0, $0xb8;
	[tilespmem:$0x1F200] =	vst v63  }
0x534: {  	v9 =	vld [tilespmem:$0xD0];
	_ =	sdelay $0x4  }
0x535: {  	v10 =	vshll.u32 v9, $0x2  }
0x536: {  	v9 =	vand.u32 $0x7, v9;
	v10 =	vand.u32 $0xFFFFFFE0, v10  }
0x537: {  	v9 =	vor.u32 v9, v10  }
0x538: {  	v10 =	vperm.xlane v9, v1;
	_ =	sdelay $0x1  }
0x539: {  	v10 =	vadd.s32 v3, v10;
	_ =	sdelay $0x1  }
0x53a: {  	v9 =	vperm.xlane v9, v2;
	_ =	sdelay $0x1  }
0x53b: {  	s10 =	simm.s32 $0x1A200;
	v9 =	vadd.s32 v3, v9  }
0x53c: {  	[tilespmem:s10], [sflag:$0x3] =	stream.indirect_vreg.gather [hbm4b:s2+s3], $0x80, v10, vm0, $0xb8;
	[tilespmem:$0x1F200] =	vst v63  }
0x53d: {  	s18 =	simm.s32 $0x1AA00  }
0x53e: {  	[tilespmem:s18], [sflag:$0x3] =	stream.indirect_vreg.gather [hbm4b:s6+s3], $0x80, v10, vm0, $0xb8;
	[tilespmem:$0x1F200] =	vst v63  }
0x53f: {  	s26 =	simm.s32 $0x1B200  }
0x540: {  	[tilespmem:s26], [sflag:$0x3] =	stream.indirect_vreg.gather [hbm4b:s2+s3], $0x80, v9, vm0, $0xb8;
	[tilespmem:$0x1F200] =	vst v63  }
0x541: {  	s29 =	simm.s32 $0x1BA00  }
0x542: {  	[tilespmem:s29], [sflag:$0x3] =	stream.indirect_vreg.gather [hbm4b:s6+s3], $0x80, v9, vm0, $0xb8;
	[tilespmem:$0x1F200] =	vst v63  }
0x543: {  	v9 =	vld [tilespmem:$0xE0];
	_ =	sdelay $0x4  }
0x544: {  	v10 =	vshll.u32 v9, $0x2  }
0x545: {  	v9 =	vand.u32 $0x7, v9;
	v10 =	vand.u32 $0xFFFFFFE0, v10  }
0x546: {  	v9 =	vor.u32 v9, v10  }
0x547: {  	v10 =	vperm.xlane v9, v1;
	_ =	sdelay $0x1  }
0x548: {  	v10 =	vadd.s32 v3, v10;
	_ =	sdelay $0x1  }
0x549: {  	v9 =	vperm.xlane v9, v2;
	_ =	sdelay $0x1  }
0x54a: {  	s31 =	simm.s32 $0x1C200;
	v9 =	vadd.s32 v3, v9  }
0x54b: {  	[tilespmem:s31], [sflag:$0x3] =	stream.indirect_vreg.gather [hbm4b:s2+s3], $0x80, v10, vm0, $0xb8;
	[tilespmem:$0x1F200] =	vst v63  }
0x54c: {  	s8 =	simm.s32 $0x1CA00  }
0x54d: {  	[tilespmem:s8], [sflag:$0x3] =	stream.indirect_vreg.gather [hbm4b:s6+s3], $0x80, v10, vm0, $0xb8;
	[tilespmem:$0x1F200] =	vst v63  }
0x54e: {  	s10 =	simm.s32 $0x1D200  }
0x54f: {  	[tilespmem:s10], [sflag:$0x3] =	stream.indirect_vreg.gather [hbm4b:s2+s3], $0x80, v9, vm0, $0xb8;
	[tilespmem:$0x1F200] =	vst v63  }
0x550: {  	s18 =	simm.s32 $0x1DA00  }
0x551: {  	[tilespmem:s18], [sflag:$0x3] =	stream.indirect_vreg.gather [hbm4b:s6+s3], $0x80, v9, vm0, $0xb8;
	[tilespmem:$0x1F200] =	vst v63  }
0x552: {  	v9 =	vld.msk [tilespmem:$0xF0], $0xff;
	_ =	sdelay $0x4  }
0x553: {  	v10 =	vshll.u32 v9, $0x2  }
0x554: {  	v9 =	vand.u32 $0x7, v9;
	v10 =	vand.u32 $0xFFFFFFE0, v10  }
0x555: {  	v9 =	vor.u32 v9, v10  }
0x556: {  	v9 =	vperm.xlane v9, v1;
	_ =	sdelay $0x1  }
0x557: {  	v9 =	vadd.s32 v3, v9;
	_ =	sdelay $0x3  }
0x558: {  	s26 =	simm.s32 $0x1E200  }
0x559: {  	[tilespmem:s26], [sflag:$0x3] =	stream.indirect_vreg.gather [hbm4b:s2+s3], $0x80, v9, vm0, $0xb8;
	[tilespmem:$0x1F200] =	vst v63  }
0x55a: {  	s29 =	simm.s32 $0x1EA00  }
0x55b: {  	[tilespmem:s29], [sflag:$0x3] =	stream.indirect_vreg.gather [hbm4b:s6+s3], $0x80, v9, vm0, $0xb8;
	[tilespmem:$0x1F200] =	vst v63  }
0x55c: {  	_ =	swait.ge [sflag:s5], $0x10000  }
0x55d: {  	s31 =	sld [smem:$0x7D4]  }
0x55e: {  	[sflag:s5] =	ssyncset.done $0x0  }
0x55f: {  	[sflag:s5] =	ssyncadd.s32 $0xFFFF0000  }
0x560: {  	[hbm4b:s31+s3] =	stream.linear.scatter [tilespmem:s9], [sflag:$0x4], $0x10000, $0x38;
	[tilespmem:$0x1F200] =	vst v63  }
0x561: {  	_ =	swait.ge [sflag:s20], $0x6000  }
0x562: {  	s7 =	sld [smem:$0x7D5]  }
0x563: {  	[sflag:s20] =	ssyncset.done $0x0  }
0x564: {  	s8 =	sld [smem:$0x7D7];
	[sflag:s20] =	ssyncadd.s32 $0xFFFFA000  }
0x565: {  	[hbm4b:s7+s3] =	stream.linear.scatter [tilespmem:s21], [sflag:$0x4], $0x10000, $0x38;
	[tilespmem:$0x1F200] =	vst v63  }
0x566: {  	s10 =	sld [smem:$0x7D8]  }
0x567: {  	[hbm4b:s8+s3] =	stream.linear.scatter [tilespmem:s19], [sflag:$0x4], $0x10000, $0x38;
	[tilespmem:$0x1F200] =	vst v63  }
0x568: {  	s18 =	sld [smem:$0x7D9]  }
0x569: {  	[hbm4b:s10+s3] =	stream.linear.scatter [tilespmem:s17], [sflag:$0x4], $0x10000, $0x38;
	[tilespmem:$0x1F200] =	vst v63  }
0x56a: {  	s31 =	sld [smem:$0x7DA]  }
0x56b: {  	[hbm4b:s18+s3] =	stream.linear.scatter [tilespmem:s15], [sflag:$0x4], $0x10000, $0x38;
	[tilespmem:$0x1F200] =	vst v63  }
0x56c: {  	s7 =	sld [smem:$0x7DB]  }
0x56d: {  	[hbm4b:s31+s3] =	stream.linear.scatter [tilespmem:s13], [sflag:$0x4], $0x10000, $0x38;
	[tilespmem:$0x1F200] =	vst v63  }
0x56e: {  	_ = 	snop  }
0x56f: {  	[hbm4b:s7+s3] =	stream.linear.scatter [tilespmem:s11], [sflag:$0x4], $0x10000, $0x38;
	[tilespmem:$0x1F200] =	vst v63  }
0x570: {  	_ =	swait.ge [sflag:s22], $0x9000  }
0x571: {  	s8 =	sld [smem:$0x7DC]  }
0x572: {  	[sflag:s22] =	ssyncset.done $0x0  }
0x573: {  	s10 =	sld [smem:$0x7DD];
	[sflag:s22] =	ssyncadd.s32 $0xFFFF7000  }
0x574: {  	[hbm4b:s8+s3] =	stream.linear.scatter [tilespmem:s16], [sflag:$0x4], $0x10000, $0x38;
	[tilespmem:$0x1F200] =	vst v63  }
0x575: {  	s18 =	sld [smem:$0x7DE]  }
0x576: {  	[hbm4b:s10+s3] =	stream.linear.scatter [tilespmem:s12], [sflag:$0x4], $0x10000, $0x38;
	[tilespmem:$0x1F200] =	vst v63  }
0x577: {  	s31 =	sld [smem:$0x7DF]  }
0x578: {  	[hbm4b:s18+s3] =	stream.linear.scatter [tilespmem:s14], [sflag:$0x4], $0x10000, $0x38;
	[tilespmem:$0x1F200] =	vst v63  }
0x579: {  	s7 =	sld [smem:$0x7E0]  }
0x57a: {  	[hbm4b:s31+s3] =	stream.linear.scatter [tilespmem:s0], [sflag:$0x4], $0x10000, $0x38;
	[tilespmem:$0x1F200] =	vst v63  }
0x57b: {  	s8 =	sld [smem:$0x7E1]  }
0x57c: {  	[hbm4b:s7+s3] =	stream.linear.scatter [tilespmem:s1], [sflag:$0x4], $0x10000, $0x38;
	[tilespmem:$0x1F200] =	vst v63  }
0x57d: {  	s10 =	sld [smem:$0x7E2]  }
0x57e: {  	[hbm4b:s8+s3] =	stream.linear.scatter [tilespmem:s30], [sflag:$0x4], $0x10000, $0x38;
	[tilespmem:$0x1F200] =	vst v63  }
0x57f: {  	s18 =	sld [smem:$0x7E3]  }
0x580: {  	[hbm4b:s10+s3] =	stream.linear.scatter [tilespmem:s28], [sflag:$0x4], $0x10000, $0x38;
	[tilespmem:$0x1F200] =	vst v63  }
0x581: {  	s31 =	sld [smem:$0x7E4]  }
0x582: {  	[hbm4b:s18+s3] =	stream.linear.scatter [tilespmem:s25], [sflag:$0x4], $0x10000, $0x38;
	[tilespmem:$0x1F200] =	vst v63  }
0x583: {  	_ = 	snop  }
0x584: {  	[hbm4b:s31+s3] =	stream.linear.scatter [tilespmem:s23], [sflag:$0x4], $0x10000, $0x38;
	[tilespmem:$0x1F200] =	vst v63  }
0x585: {  	_ =	swait.ge [sflag:s24], $0x10000  }
0x586: {  	[sflag:s24] =	ssyncset.done $0x0  }
0x587: {  	[sflag:s24] =	ssyncadd.s32 $0xFFFF0000  }
0x588: {  	_ =	swait.ge [sflag:s24], $0x10000  }
0x589: {  	[sflag:s24] =	ssyncset.done $0x0  }
0x58a: {  	[sflag:s24] =	ssyncadd.s32 $0xFFFF0000  }
0x58b: {  	_ =	swait.ge [sflag:s24], $0x10000  }
0x58c: {  	[sflag:s24] =	ssyncset.done $0x0  }
0x58d: {  	[sflag:s24] =	ssyncadd.s32 $0xFFFF0000  }
0x58e: {  	_ =	swait.ge [sflag:s24], $0x10000  }
0x58f: {  	[sflag:s24] =	ssyncset.done $0x0  }
0x590: {  	[sflag:s24] =	ssyncadd.s32 $0xFFFF0000  }
0x591: {  	_ =	swait.ge [sflag:s24], $0x10000  }
0x592: {  	[sflag:s24] =	ssyncset.done $0x0  }
0x593: {  	[sflag:s24] =	ssyncadd.s32 $0xFFFF0000  }
0x594: {  	_ =	swait.ge [sflag:s24], $0x10000  }
0x595: {  	[sflag:s24] =	ssyncset.done $0x0  }
0x596: {  	[sflag:s24] =	ssyncadd.s32 $0xFFFF0000  }
0x597: {  	_ =	swait.ge [sflag:s24], $0x10000  }
0x598: {  	[sflag:s24] =	ssyncset.done $0x0  }
0x599: {  	[sflag:s24] =	ssyncadd.s32 $0xFFFF0000  }
0x59a: {  	_ =	swait.ge [sflag:s24], $0x10000  }
0x59b: {  	[sflag:s24] =	ssyncset.done $0x0  }
0x59c: {  	[sflag:s24] =	ssyncadd.s32 $0xFFFF0000  }
0x59d: {  	_ =	swait.ge [sflag:s24], $0x10000  }
0x59e: {  	[sflag:s24] =	ssyncset.done $0x0  }
0x59f: {  	[sflag:s24] =	ssyncadd.s32 $0xFFFF0000  }
0x5a0: {  	_ =	swait.ge [sflag:s24], $0x10000  }
0x5a1: {  	[sflag:s24] =	ssyncset.done $0x0  }
0x5a2: {  	[sflag:s24] =	ssyncadd.s32 $0xFFFF0000  }
0x5a3: {  	_ =	swait.ge [sflag:s24], $0x10000  }
0x5a4: {  	[sflag:s24] =	ssyncset.done $0x0  }
0x5a5: {  	[sflag:s24] =	ssyncadd.s32 $0xFFFF0000  }
0x5a6: {  	_ =	swait.ge [sflag:s24], $0x10000  }
0x5a7: {  	[sflag:s24] =	ssyncset.done $0x0  }
0x5a8: {  	[sflag:s24] =	ssyncadd.s32 $0xFFFF0000  }
0x5a9: {  	_ =	swait.ge [sflag:s24], $0x10000  }
0x5aa: {  	[sflag:s24] =	ssyncset.done $0x0  }
0x5ab: {  	[sflag:s24] =	ssyncadd.s32 $0xFFFF0000  }
0x5ac: {  	_ =	swait.ge [sflag:s24], $0x10000  }
0x5ad: {  	[sflag:s24] =	ssyncset.done $0x0  }
0x5ae: {  	[sflag:s24] =	ssyncadd.s32 $0xFFFF0000  }
0x5af: {  	p0 =	sne.s32 s4, $0x1;
	_ =	swait.ge [sflag:s24], $0x10000  }
.Ltmp0:
0x5b0: {  	[sflag:s24] =	ssyncset.done $0x0;
	(pc) =	sbr.rel @p0 .LBB2_1-.Ltmp0, $4  }
0x5b1: {  	[sflag:s24] =	ssyncadd.s32 $0xFFFF0000  }
0x5b2: {  	_ =	swait.ge [sflag:s24], $0x10000  }
0x5b3: {  	[sflag:s24] =	ssyncset.done $0x0  }
0x5b4: {  	s4 =	sadd.s32 $0xFFFFFFFF, s4;
	[sflag:s24] =	ssyncadd.s32 $0xFFFF0000  }
0x5b5: {  	_ =	sfence.sel $0x180000  }
0x5b6: {  	[bflag:$0x0] =	sbarrier.arrive $0xFFFF  }
0x5b7: {  	_ =	strace $0x90000047  }
0x5b8: {  	s0 =	stileid.u32;
	[bflag:$0x2] =	sbarrier.arrive $0xFFFF  }
0x5b9: {  	p0 =	sne.s32 s0, $0x0;
	s0 =	rddreg [dreg:$0x2]  }
0x5ba: {  	s0 =	sadd.s32 @!p0 $0x100000, s0  }
0x5bb: {  	[sflag:s0] =	ssyncadd.tile.s32 @!p0 $0x1;
	_ =	shalt  }
.Lfunc_end2:
_tile_overlayer_lowered:
.L_overlay_start_2:
0x5bc: {  	(tag) =	ssettag $0x2  }
0x5bd: {  	s0 =	rddreg [dreg:$0x0];
	s2 =	stileid.u32  }
0x5be: {  	s1 =	rddreg [dreg:$0x1];
	p0 =	sne.s32 s2, $0x0  }
0x5bf: {  	s3 =	rddreg [dreg:$0x2];
	[bflag:$0x3] =	sbarrier.arrive $0xFFFF;
	s2 =	simm.s32 @!p0 $0x1C05  }
0x5c0: {  	[timem:s3], [sflag:s2] =	dma.local @!p0 [hbm:s0], s1  }
0x5c1: {  	s0 =	simm.s32 @!p0 $0x5  }
0x5c2: {  	_ =	swait.ge @!p0 [sflag:s0], s1  }
0x5c3: {  	s1 =	ssub.s32 @!p0 $0x0, s1;
	[sflag:s0] =	ssyncset.done @!p0 $0x0  }
0x5c4: {  	[sflag:s0] =	ssyncadd.s32 @!p0 s1  }
0x5c5: {  	[bflag:$0x3] =	sbarrier.arrive $0xFFFF  }
0x5c6: {  	_ =	shalt  }

</sc_bundles>
